<compile_context>
chip_gen: v7x
topology: tpu7x:2x2x1
jax: 0.10.2.dev20260603
libtpu: 0.0.44.dev20260713+nightly
codegen_flags: <defaults>
</compile_context>

<pallas_src>
import functools

import jax
import jax.numpy as jnp
from jax import lax
from jax.experimental import pallas as pl
from jax.experimental.pallas import tpu as pltpu
from jax.experimental.pallas import tpu_sc as plsc

ROWS = 64
VOCAB = 1_000_000
NUM_CORES = 2
NUM_SUBCORES = 16
NW = NUM_CORES * NUM_SUBCORES
SUBROWS = 8
GROUPS = 4
SPLIT = 466_944
TCOLS_PER_G = SPLIT // 128 // GROUPS
CHUNK_T = 48
CHUNK_W = CHUNK_T * 128
VECS = CHUNK_W // 16
CHUNK_STARTS = list(range(0, TCOLS_PER_G - CHUNK_T + 1, CHUNK_T))
if CHUNK_STARTS[-1] != TCOLS_PER_G - CHUNK_T:
    CHUNK_STARTS.append(TCOLS_PER_G - CHUNK_T)
BLK = 8192
OFF_BLK = SPLIT // BLK
TAIL_COL = 999_424
TC_STEPS = (TAIL_COL - SPLIT) // BLK
TAIL_W = VOCAB - TAIL_COL
INT_MAX = 2**31 - 1


def _lane_permute(x, perm):
    dnums = lax.GatherDimensionNumbers(
        offset_dims=(), collapsed_slice_dims=(0,), start_index_map=(0,))
    return lax.gather(x, perm[:, None], dnums, slice_sizes=(1,),
                      mode=lax.GatherScatterMode.PROMISE_IN_BOUNDS)


def _combine(v1, i1, v2, i2):
    p = (v2 > v1) | ((v2 == v1) & (i2 < i1))
    return jnp.where(p, v2, v1), jnp.where(p, i2, i1)


def _sc_body(logits_hbm, out_i_hbm, out_v_hbm, buf0, buf1, pbuf, acc_m,
             acc_i, res_i, res_v, tmp_v, tmp_i, spm_v, spm_i, sem0, sem1):
    cid = lax.axis_index("c")
    sid = lax.axis_index("s")
    wid = cid * NUM_SUBCORES + sid
    tile_row = wid // GROUPS
    g = wid % GROUPS
    row0 = tile_row * SUBROWS
    col_g = g * (TCOLS_PER_G * 128)
    bufs = (buf0, buf1)
    sems = (sem0, sem1)
    iota = lax.iota(jnp.int32, 16)

    neg_inf = jnp.full((16,), -jnp.inf, jnp.float32)
    for s in range(SUBROWS):
        acc_m[s, pl.ds(0, 16)] = neg_inf
        acc_i[s, pl.ds(0, 16)] = jnp.zeros((16,), jnp.int32)

    def start_dma(c):
        b = c % 2
        return pltpu.make_async_copy(
            logits_hbm.at[pl.ds(row0, SUBROWS),
                          pl.ds(col_g + CHUNK_STARTS[c] * 128, CHUNK_W)],
            bufs[b], sems[b])

    copies = [None, None]
    copies[0] = start_dma(0)
    copies[0].start()
    for c in range(len(CHUNK_STARTS)):
        if c + 1 < len(CHUNK_STARTS):
            copies[(c + 1) % 2] = start_dma(c + 1)
            copies[(c + 1) % 2].start()
        copies[c % 2].wait()
        buf = bufs[c % 2]
        col0 = col_g + CHUNK_STARTS[c] * 128

        def s_body(s, _, buf=buf, col0=col0):
            def body(j, carry):
                mv, mi, bi = carry
                v = buf[s, pl.ds(j * 16, 16)]
                p = v > mv
                return (jnp.where(p, v, mv), jnp.where(p, bi, mi), bi + 16)
            mv, mi, _ = lax.fori_loop(
                0, 1, body,
                (acc_m[s, pl.ds(0, 16)], acc_i[s, pl.ds(0, 16)],
                 col0 + iota),
                unroll=8)
            acc_m[s, pl.ds(0, 16)] = mv
            acc_i[s, pl.ds(0, 16)] = mi
            return 0

        lax.fori_loop(0, SUBROWS, s_body, 0)

    @pl.when(g == GROUPS - 1)
    def _():
        pltpu.sync_copy(
            logits_hbm.at[pl.ds(row0, SUBROWS), pl.ds(TAIL_COL, TAIL_W)],
            pbuf)

        def ps_body(s, _):
            def body(j, carry):
                mv, mi, bi = carry
                v = pbuf[s, pl.ds(j * 16, 16)]
                p = v > mv
                return (jnp.where(p, v, mv), jnp.where(p, bi, mi), bi + 16)
            mv, mi, _ = lax.fori_loop(
                0, TAIL_W // 16, body,
                (acc_m[s, pl.ds(0, 16)], acc_i[s, pl.ds(0, 16)],
                 TAIL_COL + iota))
            acc_m[s, pl.ds(0, 16)] = mv
            acc_i[s, pl.ds(0, 16)] = mi
            return 0

        lax.fori_loop(0, SUBROWS, ps_body, 0)

    for s in range(SUBROWS):
        mv, mi = acc_m[s, pl.ds(0, 16)], acc_i[s, pl.ds(0, 16)]
        for sh in (8, 4, 2, 1):
            perm = (iota + sh) & 15
            mv, mi = _combine(mv, mi, _lane_permute(mv, perm),
                              _lane_permute(mi, perm))
        acc_m[s, pl.ds(0, 16)] = mv
        acc_i[s, pl.ds(0, 16)] = mi

    pltpu.sync_copy(acc_m, spm_v.at[sid])
    pltpu.sync_copy(acc_i, spm_i.at[sid])
    plsc.subcore_barrier()

    for t in range(2):
        lrow = sid * 2 + t
        rloc = lax.div(lrow, SUBROWS)
        s = lax.rem(lrow, SUBROWS)
        mv, mi = None, None
        for q in range(GROUPS):
            pltpu.sync_copy(spm_v.at[rloc * GROUPS + q], tmp_v)
            pltpu.sync_copy(spm_i.at[rloc * GROUPS + q], tmp_i)
            v = tmp_v[s, pl.ds(0, 16)]
            i = tmp_i[s, pl.ds(0, 16)]
            if mv is None:
                mv, mi = v, i
            else:
                mv, mi = _combine(mv, mi, v, i)
        res_i[...] = mi
        res_v[...] = mv
        off = (cid * 32 + lrow) * 16
        pltpu.sync_copy(res_i, out_i_hbm.at[pl.ds(off, 16)])
        pltpu.sync_copy(res_v, out_v_hbm.at[pl.ds(off, 16)])


def _tc_body(in_ref, val_ref, idx_ref):
    pid = pl.program_id(0)

    @pl.when(pid == 0)
    def _():
        val_ref[...] = jnp.full((ROWS,), -jnp.inf, jnp.float32)
        idx_ref[...] = jnp.zeros((ROWS,), jnp.int32)

    x = in_ref[...]
    bm = jnp.max(x, axis=1)
    bi = (pid + OFF_BLK) * BLK + jnp.argmax(x, axis=1).astype(jnp.int32)
    cur_v = val_ref[...]
    cur_i = idx_ref[...]
    p = bm > cur_v
    val_ref[...] = jnp.where(p, bm, cur_v)
    idx_ref[...] = jnp.where(p, bi, cur_i)


@jax.jit
def _argmax_split(logits):
    mesh = plsc.VectorSubcoreMesh(core_axis_name="c", subcore_axis_name="s")
    sc_run = pl.kernel(
        _sc_body,
        mesh=mesh,
        out_type=(jax.ShapeDtypeStruct((ROWS * 16,), jnp.int32),
                  jax.ShapeDtypeStruct((ROWS * 16,), jnp.float32)),
        scratch_types=[
            pltpu.VMEM((SUBROWS, CHUNK_W), jnp.float32),
            pltpu.VMEM((SUBROWS, CHUNK_W), jnp.float32),
            pltpu.VMEM((SUBROWS, TAIL_W), jnp.float32),
            pltpu.VMEM((SUBROWS, 128), jnp.float32),
            pltpu.VMEM((SUBROWS, 128), jnp.int32),
            pltpu.VMEM((16,), jnp.int32),
            pltpu.VMEM((16,), jnp.float32),
            pltpu.VMEM((SUBROWS, 128), jnp.float32),
            pltpu.VMEM((SUBROWS, 128), jnp.int32),
            pltpu.VMEM_SHARED((NUM_SUBCORES, SUBROWS, 128), jnp.float32),
            pltpu.VMEM_SHARED((NUM_SUBCORES, SUBROWS, 128), jnp.int32),
            pltpu.SemaphoreType.DMA,
            pltpu.SemaphoreType.DMA,
        ],
    )
    sc_i, sc_v = sc_run(logits)
    sc_i = sc_i[::16]
    sc_v = sc_v[::16]

    tc_v, tc_i = pl.pallas_call(
        _tc_body,
        grid=(TC_STEPS,),
        in_specs=[pl.BlockSpec((ROWS, BLK), lambda i: (0, i + OFF_BLK))],
        out_specs=(pl.BlockSpec((ROWS,), lambda i: (0,)),
                   pl.BlockSpec((ROWS,), lambda i: (0,))),
        out_shape=(jax.ShapeDtypeStruct((ROWS,), jnp.float32),
                   jax.ShapeDtypeStruct((ROWS,), jnp.int32)),
    )(logits)

    p = (tc_v > sc_v) | ((tc_v == sc_v) & (tc_i < sc_i))
    return jnp.where(p, tc_i, sc_i)


def kernel(logits):
    return _argmax_split(logits)

# --- scband reference (transcript-rebuilt; emitter-appended) ---
"""Pipeline reference for scband-sampler-65120294142321 (READ-ONLY COPY).

The authoritative reference and input builder live on the scoring server;
editing this copy changes nothing except your own understanding.
"""

import jax, jax.numpy as jnp
import numpy as np


def setup_inputs(seed: int = 0) -> dict:
    key = jax.random.key(seed)
    logits = jax.random.normal(key, (64, 1000000), dtype=jnp.float32)
    return {"logits": logits}


def reference(logits):
    # Faithful to torch Sampler.__call__ with batch_meta_info=None:
    # returns logits.argmax(dim=-1) (torch converts to a python list; we return the array).
    return jnp.argmax(logits, axis=-1)

if __name__ == "__main__":
    import jax
    _d = setup_inputs()
    print(jax.jit(kernel)(*tuple(_d.values())))

</pallas_src>

<mosaic_0001>
#map = affine_map<(d0, d1) -> (0, 0)>
#map1 = affine_map<(d0, d1) -> (0)>
module attributes {stable_mosaic.version = 14 : i64} {
  func.func @_sc_body(%arg0: i32, %arg1: i32, %arg2: memref<64x1000000xf32, #tpu.memory_space<hbm>>, %arg3: memref<1024xi32, #tpu.memory_space<hbm>>, %arg4: memref<1024xf32, #tpu.memory_space<hbm>>, %arg5: memref<8x6144xf32, #tpu.memory_space<vmem>>, %arg6: memref<8x6144xf32, #tpu.memory_space<vmem>>, %arg7: memref<8x576xf32, #tpu.memory_space<vmem>>, %arg8: memref<8x128xf32, #tpu.memory_space<vmem>>, %arg9: memref<8x128xi32, #tpu.memory_space<vmem>>, %arg10: memref<16xi32, #tpu.memory_space<vmem>>, %arg11: memref<16xf32, #tpu.memory_space<vmem>>, %arg12: memref<8x128xf32, #tpu.memory_space<vmem>>, %arg13: memref<8x128xi32, #tpu.memory_space<vmem>>, %arg14: memref<16x8x128xf32, #tpu.memory_space<vmem_shared>>, %arg15: memref<16x8x128xi32, #tpu.memory_space<vmem_shared>>, %arg16: memref<!tpu.dma_semaphore, #tpu.memory_space<semaphore_mem>>, %arg17: memref<!tpu.dma_semaphore, #tpu.memory_space<semaphore_mem>>) attributes {dimension_semantics = [#tpu.dimension_semantics<core_parallel>, #tpu.dimension_semantics<subcore_parallel>], iteration_bounds = array<i64: 2, 16>, scalar_prefetch = 0 : i64, scratch_operands = 13 : i64, tpu.core_type = #tpu.core_type<sc_vector_subcore>, window_params = [{transform_indices = #map}, {transform_indices = #map1}, {transform_indices = #map1}]} {
    %mul3A = arith.constant 16 : i32
    %mul3A_0 = arith.muli %arg0, %mul3A : i32
    %add3A = arith.addi %mul3A_0, %arg1 : i32
    %jit3A = arith.constant 4 : i32
    %div3A = arith.divsi %add3A, %jit3A : i32
    %sign3A = arith.constant 0 : i32
    %sign3A_1 = arith.cmpi sgt, %add3A, %sign3A : i32
    %sign3A_2 = arith.extui %sign3A_1 : i1 to i32
    %sign3A_3 = arith.constant 0 : i32
    %sign3A_4 = arith.cmpi slt, %add3A, %sign3A_3 : i32
    %sign3A_5 = arith.extui %sign3A_4 : i1 to i32
    %sign3A_6 = arith.subi %sign3A_2, %sign3A_5 : i32
    %sign3A_7 = arith.constant 0 : i32
    %sign3A_8 = arith.cmpi sgt, %jit3A, %sign3A_7 : i32
    %sign3A_9 = arith.extui %sign3A_8 : i1 to i32
    %sign3A_10 = arith.constant 0 : i32
    %sign3A_11 = arith.cmpi slt, %jit3A, %sign3A_10 : i32
    %sign3A_12 = arith.extui %sign3A_11 : i1 to i32
    %sign3A_13 = arith.subi %sign3A_9, %sign3A_12 : i32
    %ne3A = arith.cmpi ne, %sign3A_6, %sign3A_13 : i32
    %rem3A = arith.remsi %add3A, %jit3A : i32
    %ne3A_14 = arith.constant 0 : i32
    %ne3A_15 = arith.cmpi ne, %rem3A, %ne3A_14 : i32
    %and3A = arith.andi %ne3A, %ne3A_15 : i1
    %sub3A = arith.constant 1 : i32
    %sub3A_16 = arith.subi %div3A, %sub3A : i32
    %select_n3A = arith.select %and3A, %sub3A_16, %div3A : i32
    %jit3A_17 = arith.constant 4 : i32
    %eq3A = arith.constant 0 : i32
    %eq3A_18 = arith.cmpi eq, %jit3A_17, %eq3A : i32
    %jit3A_19 = arith.constant 1 : i32
    %select_n3A_20 = arith.select %eq3A_18, %jit3A_19, %jit3A_17 : i32
    %rem3A_21 = arith.remsi %add3A, %select_n3A_20 : i32
    %ne3A_22 = arith.constant 0 : i32
    %ne3A_23 = arith.cmpi ne, %rem3A_21, %ne3A_22 : i32
    %lt3A = arith.constant 0 : i32
    %lt3A_24 = arith.cmpi slt, %rem3A_21, %lt3A : i32
    %lt3A_25 = arith.constant 0 : i32
    %lt3A_26 = arith.cmpi slt, %select_n3A_20, %lt3A_25 : i32
    %ne3A_27 = arith.xori %lt3A_24, %lt3A_26 : i1
    %and3A_28 = arith.andi %ne3A_27, %ne3A_23 : i1
    %add3A_29 = arith.addi %rem3A_21, %select_n3A_20 : i32
    %select_n3A_30 = arith.select %and3A_28, %add3A_29, %rem3A_21 : i32
    %mul3A_31 = arith.constant 8 : i32
    %mul3A_32 = arith.muli %select_n3A, %mul3A_31 : i32
    %mul3A_33 = arith.constant 116736 : i32
    %mul3A_34 = arith.muli %select_n3A_30, %mul3A_33 : i32
    %iota3A = tpu.iota {dimensions = array<i32: 0>} : vector<16xi32>
    %broadcast_in_dim3A = arith.constant 0xFF800000 : f32
    %broadcast_in_dim3A_35 = vector.broadcast %broadcast_in_dim3A : f32 to vector<16xf32>
    %swap3A = arith.constant 0 : i32
    %swap3A_36 = arith.index_cast %swap3A : i32 to index
    %swap3A_37 = arith.constant 0 : index
    %swap3A_38 = tpu.vector_load %arg8[%swap3A_36, %swap3A_37] {strides = array<i32>} : memref<8x128xf32, #tpu.memory_space<vmem>>, vector<1x16xf32>,
    %swap3A_39 = vector.shape_cast %swap3A_38 : vector<1x16xf32> to vector<16xf32>
    %swap3A_40 = vector.shape_cast %broadcast_in_dim3A_35 : vector<16xf32> to vector<1x16xf32>
    tpu.vector_store %arg8[%swap3A_36, %swap3A_37], %swap3A_40 {strides = array<i32>} : memref<8x128xf32, #tpu.memory_space<vmem>>, vector<1x16xf32>,
    %broadcast_in_dim3A_41 = arith.constant 0 : i32
    %broadcast_in_dim3A_42 = vector.broadcast %broadcast_in_dim3A_41 : i32 to vector<16xi32>
    %swap3A_43 = arith.constant 0 : i32
    %swap3A_44 = arith.index_cast %swap3A_43 : i32 to index
    %swap3A_45 = arith.constant 0 : index
    %swap3A_46 = tpu.vector_load %arg9[%swap3A_44, %swap3A_45] {strides = array<i32>} : memref<8x128xi32, #tpu.memory_space<vmem>>, vector<1x16xi32>,
    %swap3A_47 = vector.shape_cast %swap3A_46 : vector<1x16xi32> to vector<16xi32>
    %swap3A_48 = vector.shape_cast %broadcast_in_dim3A_42 : vector<16xi32> to vector<1x16xi32>
    tpu.vector_store %arg9[%swap3A_44, %swap3A_45], %swap3A_48 {strides = array<i32>} : memref<8x128xi32, #tpu.memory_space<vmem>>, vector<1x16xi32>,
    %swap3A_49 = arith.constant 1 : i32
    %swap3A_50 = arith.index_cast %swap3A_49 : i32 to index
    %swap3A_51 = arith.constant 0 : index
    %swap3A_52 = tpu.vector_load %arg8[%swap3A_50, %swap3A_51] {strides = array<i32>} : memref<8x128xf32, #tpu.memory_space<vmem>>, vector<1x16xf32>,
    %swap3A_53 = vector.shape_cast %swap3A_52 : vector<1x16xf32> to vector<16xf32>
    %swap3A_54 = vector.shape_cast %broadcast_in_dim3A_35 : vector<16xf32> to vector<1x16xf32>
    tpu.vector_store %arg8[%swap3A_50, %swap3A_51], %swap3A_54 {strides = array<i32>} : memref<8x128xf32, #tpu.memory_space<vmem>>, vector<1x16xf32>,
    %broadcast_in_dim3A_55 = arith.constant 0 : i32
    %broadcast_in_dim3A_56 = vector.broadcast %broadcast_in_dim3A_55 : i32 to vector<16xi32>
    %swap3A_57 = arith.constant 1 : i32
    %swap3A_58 = arith.index_cast %swap3A_57 : i32 to index
    %swap3A_59 = arith.constant 0 : index
    %swap3A_60 = tpu.vector_load %arg9[%swap3A_58, %swap3A_59] {strides = array<i32>} : memref<8x128xi32, #tpu.memory_space<vmem>>, vector<1x16xi32>,
    %swap3A_61 = vector.shape_cast %swap3A_60 : vector<1x16xi32> to vector<16xi32>
    %swap3A_62 = vector.shape_cast %broadcast_in_dim3A_56 : vector<16xi32> to vector<1x16xi32>
    tpu.vector_store %arg9[%swap3A_58, %swap3A_59], %swap3A_62 {strides = array<i32>} : memref<8x128xi32, #tpu.memory_space<vmem>>, vector<1x16xi32>,
    %swap3A_63 = arith.constant 2 : i32
    %swap3A_64 = arith.index_cast %swap3A_63 : i32 to index
    %swap3A_65 = arith.constant 0 : index
    %swap3A_66 = tpu.vector_load %arg8[%swap3A_64, %swap3A_65] {strides = array<i32>} : memref<8x128xf32, #tpu.memory_space<vmem>>, vector<1x16xf32>,
    %swap3A_67 = vector.shape_cast %swap3A_66 : vector<1x16xf32> to vector<16xf32>
    %swap3A_68 = vector.shape_cast %broadcast_in_dim3A_35 : vector<16xf32> to vector<1x16xf32>
    tpu.vector_store %arg8[%swap3A_64, %swap3A_65], %swap3A_68 {strides = array<i32>} : memref<8x128xf32, #tpu.memory_space<vmem>>, vector<1x16xf32>,
    %broadcast_in_dim3A_69 = arith.constant 0 : i32
    %broadcast_in_dim3A_70 = vector.broadcast %broadcast_in_dim3A_69 : i32 to vector<16xi32>
    %swap3A_71 = arith.constant 2 : i32
    %swap3A_72 = arith.index_cast %swap3A_71 : i32 to index
    %swap3A_73 = arith.constant 0 : index
    %swap3A_74 = tpu.vector_load %arg9[%swap3A_72, %swap3A_73] {strides = array<i32>} : memref<8x128xi32, #tpu.memory_space<vmem>>, vector<1x16xi32>,
    %swap3A_75 = vector.shape_cast %swap3A_74 : vector<1x16xi32> to vector<16xi32>
    %swap3A_76 = vector.shape_cast %broadcast_in_dim3A_70 : vector<16xi32> to vector<1x16xi32>
    tpu.vector_store %arg9[%swap3A_72, %swap3A_73], %swap3A_76 {strides = array<i32>} : memref<8x128xi32, #tpu.memory_space<vmem>>, vector<1x16xi32>,
    %swap3A_77 = arith.constant 3 : i32
    %swap3A_78 = arith.index_cast %swap3A_77 : i32 to index
    %swap3A_79 = arith.constant 0 : index
    %swap3A_80 = tpu.vector_load %arg8[%swap3A_78, %swap3A_79] {strides = array<i32>} : memref<8x128xf32, #tpu.memory_space<vmem>>, vector<1x16xf32>,
    %swap3A_81 = vector.shape_cast %swap3A_80 : vector<1x16xf32> to vector<16xf32>
    %swap3A_82 = vector.shape_cast %broadcast_in_dim3A_35 : vector<16xf32> to vector<1x16xf32>
    tpu.vector_store %arg8[%swap3A_78, %swap3A_79], %swap3A_82 {strides = array<i32>} : memref<8x128xf32, #tpu.memory_space<vmem>>, vector<1x16xf32>,
    %broadcast_in_dim3A_83 = arith.constant 0 : i32
    %broadcast_in_dim3A_84 = vector.broadcast %broadcast_in_dim3A_83 : i32 to vector<16xi32>
    %swap3A_85 = arith.constant 3 : i32
    %swap3A_86 = arith.index_cast %swap3A_85 : i32 to index
    %swap3A_87 = arith.constant 0 : index
    %swap3A_88 = tpu.vector_load %arg9[%swap3A_86, %swap3A_87] {strides = array<i32>} : memref<8x128xi32, #tpu.memory_space<vmem>>, vector<1x16xi32>,
    %swap3A_89 = vector.shape_cast %swap3A_88 : vector<1x16xi32> to vector<16xi32>
    %swap3A_90 = vector.shape_cast %broadcast_in_dim3A_84 : vector<16xi32> to vector<1x16xi32>
    tpu.vector_store %arg9[%swap3A_86, %swap3A_87], %swap3A_90 {strides = array<i32>} : memref<8x128xi32, #tpu.memory_space<vmem>>, vector<1x16xi32>,
    %swap3A_91 = arith.constant 4 : i32
    %swap3A_92 = arith.index_cast %swap3A_91 : i32 to index
    %swap3A_93 = arith.constant 0 : index
    %swap3A_94 = tpu.vector_load %arg8[%swap3A_92, %swap3A_93] {strides = array<i32>} : memref<8x128xf32, #tpu.memory_space<vmem>>, vector<1x16xf32>,
    %swap3A_95 = vector.shape_cast %swap3A_94 : vector<1x16xf32> to vector<16xf32>
    %swap3A_96 = vector.shape_cast %broadcast_in_dim3A_35 : vector<16xf32> to vector<1x16xf32>
    tpu.vector_store %arg8[%swap3A_92, %swap3A_93], %swap3A_96 {strides = array<i32>} : memref<8x128xf32, #tpu.memory_space<vmem>>, vector<1x16xf32>,
    %broadcast_in_dim3A_97 = arith.constant 0 : i32
    %broadcast_in_dim3A_98 = vector.broadcast %broadcast_in_dim3A_97 : i32 to vector<16xi32>
    %swap3A_99 = arith.constant 4 : i32
    %swap3A_100 = arith.index_cast %swap3A_99 : i32 to index
    %swap3A_101 = arith.constant 0 : index
    %swap3A_102 = tpu.vector_load %arg9[%swap3A_100, %swap3A_101] {strides = array<i32>} : memref<8x128xi32, #tpu.memory_space<vmem>>, vector<1x16xi32>,
    %swap3A_103 = vector.shape_cast %swap3A_102 : vector<1x16xi32> to vector<16xi32>
    %swap3A_104 = vector.shape_cast %broadcast_in_dim3A_98 : vector<16xi32> to vector<1x16xi32>
    tpu.vector_store %arg9[%swap3A_100, %swap3A_101], %swap3A_104 {strides = array<i32>} : memref<8x128xi32, #tpu.memory_space<vmem>>, vector<1x16xi32>,
    %swap3A_105 = arith.constant 5 : i32
    %swap3A_106 = arith.index_cast %swap3A_105 : i32 to index
    %swap3A_107 = arith.constant 0 : index
    %swap3A_108 = tpu.vector_load %arg8[%swap3A_106, %swap3A_107] {strides = array<i32>} : memref<8x128xf32, #tpu.memory_space<vmem>>, vector<1x16xf32>,
    %swap3A_109 = vector.shape_cast %swap3A_108 : vector<1x16xf32> to vector<16xf32>
    %swap3A_110 = vector.shape_cast %broadcast_in_dim3A_35 : vector<16xf32> to vector<1x16xf32>
    tpu.vector_store %arg8[%swap3A_106, %swap3A_107], %swap3A_110 {strides = array<i32>} : memref<8x128xf32, #tpu.memory_space<vmem>>, vector<1x16xf32>,
    %broadcast_in_dim3A_111 = arith.constant 0 : i32
    %broadcast_in_dim3A_112 = vector.broadcast %broadcast_in_dim3A_111 : i32 to vector<16xi32>
    %swap3A_113 = arith.constant 5 : i32
    %swap3A_114 = arith.index_cast %swap3A_113 : i32 to index
    %swap3A_115 = arith.constant 0 : index
    %swap3A_116 = tpu.vector_load %arg9[%swap3A_114, %swap3A_115] {strides = array<i32>} : memref<8x128xi32, #tpu.memory_space<vmem>>, vector<1x16xi32>,
    %swap3A_117 = vector.shape_cast %swap3A_116 : vector<1x16xi32> to vector<16xi32>
    %swap3A_118 = vector.shape_cast %broadcast_in_dim3A_112 : vector<16xi32> to vector<1x16xi32>
    tpu.vector_store %arg9[%swap3A_114, %swap3A_115], %swap3A_118 {strides = array<i32>} : memref<8x128xi32, #tpu.memory_space<vmem>>, vector<1x16xi32>,
    %swap3A_119 = arith.constant 6 : i32
    %swap3A_120 = arith.index_cast %swap3A_119 : i32 to index
    %swap3A_121 = arith.constant 0 : index
    %swap3A_122 = tpu.vector_load %arg8[%swap3A_120, %swap3A_121] {strides = array<i32>} : memref<8x128xf32, #tpu.memory_space<vmem>>, vector<1x16xf32>,
    %swap3A_123 = vector.shape_cast %swap3A_122 : vector<1x16xf32> to vector<16xf32>
    %swap3A_124 = vector.shape_cast %broadcast_in_dim3A_35 : vector<16xf32> to vector<1x16xf32>
    tpu.vector_store %arg8[%swap3A_120, %swap3A_121], %swap3A_124 {strides = array<i32>} : memref<8x128xf32, #tpu.memory_space<vmem>>, vector<1x16xf32>,
    %broadcast_in_dim3A_125 = arith.constant 0 : i32
    %broadcast_in_dim3A_126 = vector.broadcast %broadcast_in_dim3A_125 : i32 to vector<16xi32>
    %swap3A_127 = arith.constant 6 : i32
    %swap3A_128 = arith.index_cast %swap3A_127 : i32 to index
    %swap3A_129 = arith.constant 0 : index
    %swap3A_130 = tpu.vector_load %arg9[%swap3A_128, %swap3A_129] {strides = array<i32>} : memref<8x128xi32, #tpu.memory_space<vmem>>, vector<1x16xi32>,
    %swap3A_131 = vector.shape_cast %swap3A_130 : vector<1x16xi32> to vector<16xi32>
    %swap3A_132 = vector.shape_cast %broadcast_in_dim3A_126 : vector<16xi32> to vector<1x16xi32>
    tpu.vector_store %arg9[%swap3A_128, %swap3A_129], %swap3A_132 {strides = array<i32>} : memref<8x128xi32, #tpu.memory_space<vmem>>, vector<1x16xi32>,
    %swap3A_133 = arith.constant 7 : i32
    %swap3A_134 = arith.index_cast %swap3A_133 : i32 to index
    %swap3A_135 = arith.constant 0 : index
    %swap3A_136 = tpu.vector_load %arg8[%swap3A_134, %swap3A_135] {strides = array<i32>} : memref<8x128xf32, #tpu.memory_space<vmem>>, vector<1x16xf32>,
    %swap3A_137 = vector.shape_cast %swap3A_136 : vector<1x16xf32> to vector<16xf32>
    %swap3A_138 = vector.shape_cast %broadcast_in_dim3A_35 : vector<16xf32> to vector<1x16xf32>
    tpu.vector_store %arg8[%swap3A_134, %swap3A_135], %swap3A_138 {strides = array<i32>} : memref<8x128xf32, #tpu.memory_space<vmem>>, vector<1x16xf32>,
    %broadcast_in_dim3A_139 = arith.constant 0 : i32
    %broadcast_in_dim3A_140 = vector.broadcast %broadcast_in_dim3A_139 : i32 to vector<16xi32>
    %swap3A_141 = arith.constant 7 : i32
    %swap3A_142 = arith.index_cast %swap3A_141 : i32 to index
    %swap3A_143 = arith.constant 0 : index
    %swap3A_144 = tpu.vector_load %arg9[%swap3A_142, %swap3A_143] {strides = array<i32>} : memref<8x128xi32, #tpu.memory_space<vmem>>, vector<1x16xi32>,
    %swap3A_145 = vector.shape_cast %swap3A_144 : vector<1x16xi32> to vector<16xi32>
    %swap3A_146 = vector.shape_cast %broadcast_in_dim3A_140 : vector<16xi32> to vector<1x16xi32>
    tpu.vector_store %arg9[%swap3A_142, %swap3A_143], %swap3A_146 {strides = array<i32>} : memref<8x128xi32, #tpu.memory_space<vmem>>, vector<1x16xi32>,
    %add3A_147 = arith.constant 0 : i32
    %add3A_148 = arith.addi %mul3A_34, %add3A_147 : i32
    %dma_start3A = tpu.memref_slice %arg2[%mul3A_32, %add3A_148] : memref<64x1000000xf32, #tpu.memory_space<hbm>> -> memref<8x6144xf32, #tpu.memory_space<hbm>>
    %dma_start3A_149 = tpu.memref_slice %arg2[%mul3A_32, %add3A_148] : memref<64x1000000xf32, #tpu.memory_space<hbm>> -> memref<8x6144xf32, #tpu.memory_space<hbm>>
    tpu.enqueue_dma source(%dma_start3A_149 : memref<8x6144xf32, #tpu.memory_space<hbm>>) target(%arg5 : memref<8x6144xf32, #tpu.memory_space<vmem>>) target_semaphore(%arg16 : memref<!tpu.dma_semaphore, #tpu.memory_space<semaphore_mem>>)
    %add3A_150 = arith.constant 6144 : i32
    %add3A_151 = arith.addi %mul3A_34, %add3A_150 : i32
    %dma_start3A_152 = tpu.memref_slice %arg2[%mul3A_32, %add3A_151] : memref<64x1000000xf32, #tpu.memory_space<hbm>> -> memref<8x6144xf32, #tpu.memory_space<hbm>>
    %dma_start3A_153 = tpu.memref_slice %arg2[%mul3A_32, %add3A_151] : memref<64x1000000xf32, #tpu.memory_space<hbm>> -> memref<8x6144xf32, #tpu.memory_space<hbm>>
    tpu.enqueue_dma source(%dma_start3A_153 : memref<8x6144xf32, #tpu.memory_space<hbm>>) target(%arg6 : memref<8x6144xf32, #tpu.memory_space<vmem>>) target_semaphore(%arg17 : memref<!tpu.dma_semaphore, #tpu.memory_space<semaphore_mem>>)
    %dma_wait3A = tpu.memref_slice %arg2[%mul3A_32, %add3A_148] : memref<64x1000000xf32, #tpu.memory_space<hbm>> -> memref<8x6144xf32, #tpu.memory_space<hbm>>
    %dma_wait3A_154 = tpu.memref_slice %arg2[%mul3A_32, %add3A_148] : memref<64x1000000xf32, #tpu.memory_space<hbm>> -> memref<8x6144xf32, #tpu.memory_space<hbm>>
    tpu.wait_dma2 semaphore(%arg16 : memref<!tpu.dma_semaphore, #tpu.memory_space<semaphore_mem>>) src(%dma_wait3A_154 : memref<8x6144xf32, #tpu.memory_space<hbm>>) dst(%arg5 : memref<8x6144xf32, #tpu.memory_space<vmem>>)
    %add3A_155 = arith.constant 0 : i32
    %add3A_156 = arith.addi %mul3A_34, %add3A_155 : i32
    %scan3A = arith.constant 0 : i32
    %scan3A_157 = arith.constant 0 : i32
    %scan3A_158 = arith.constant 8 : i32
    %scan3A_159 = arith.addi %scan3A_157, %scan3A_158 : i32
    %scan3A_160 = arith.constant 1 : i32
    %scan3A_161 = scf.for %scan3A_1424 = %scan3A_157 to %scan3A_159 step %scan3A_160 iter_args(%scan3A_1425 = %scan3A) -> (i32)  : i32 {
      %get3A_1426 = arith.index_cast %scan3A_1424 : i32 to index
      %get3A_1427 = arith.constant 0 : index
      %get3A_1428 = tpu.vector_load %arg8[%get3A_1426, %get3A_1427] {strides = array<i32>} : memref<8x128xf32, #tpu.memory_space<vmem>>, vector<1x16xf32>,
      %get3A_1429 = vector.shape_cast %get3A_1428 : vector<1x16xf32> to vector<16xf32>
      %get3A_1430 = arith.index_cast %scan3A_1424 : i32 to index
      %get3A_1431 = arith.constant 0 : index
      %get3A_1432 = tpu.vector_load %arg9[%get3A_1430, %get3A_1431] {strides = array<i32>} : memref<8x128xi32, #tpu.memory_space<vmem>>, vector<1x16xi32>,
      %get3A_1433 = vector.shape_cast %get3A_1432 : vector<1x16xi32> to vector<16xi32>
      %add3A_1434 = vector.broadcast %add3A_156 : i32 to vector<16xi32>
      %add3A_1435 = arith.addi %add3A_1434, %iota3A : vector<16xi32>
      %scan3A_1436 = arith.constant 0 : i32
      %scan3A_1437 = arith.constant 0 : i32
      %scan3A_1438 = arith.addi %scan3A_1436, %scan3A_1437 : i32
      %scan3A_1439 = arith.constant 0 : i32
      %scan3A_1440 = arith.addi %scan3A_1436, %scan3A_1439 : i32
      %mul3A_1441 = arith.constant 16 : i32
      %mul3A_1442 = arith.muli %scan3A_1440, %mul3A_1441 : i32
      %get3A_1443 = arith.index_cast %scan3A_1424 : i32 to index
      %get3A_1444 = arith.index_cast %mul3A_1442 : i32 to index
      %get3A_1445 = tpu.vector_load %arg5[%get3A_1443, %get3A_1444] {strides = array<i32>} : memref<8x6144xf32, #tpu.memory_space<vmem>>, vector<1x16xf32>,
      %get3A_1446 = vector.shape_cast %get3A_1445 : vector<1x16xf32> to vector<16xf32>
      %gt3A_1447 = arith.cmpf ogt, %get3A_1446, %get3A_1429 : vector<16xf32>
      %select_n3A_1448 = arith.select %gt3A_1447, %get3A_1446, %get3A_1429 : vector<16xi1>, vector<16xf32>
      %select_n3A_1449 = arith.select %gt3A_1447, %add3A_1435, %get3A_1433 : vector<16xi1>, vector<16xi32>
      %add3A_1450 = arith.constant 16 : i32
      %add3A_1451 = vector.broadcast %add3A_1450 : i32 to vector<16xi32>
      %add3A_1452 = arith.addi %add3A_1435, %add3A_1451 : vector<16xi32>
      %scan3A_1453 = arith.constant 1 : i32
      %swap3A_1454 = arith.index_cast %scan3A_1424 : i32 to index
      %swap3A_1455 = arith.constant 0 : index
      %swap3A_1456 = tpu.vector_load %arg8[%swap3A_1454, %swap3A_1455] {strides = array<i32>} : memref<8x128xf32, #tpu.memory_space<vmem>>, vector<1x16xf32>,
      %swap3A_1457 = vector.shape_cast %swap3A_1456 : vector<1x16xf32> to vector<16xf32>
      %swap3A_1458 = vector.shape_cast %select_n3A_1448 : vector<16xf32> to vector<1x16xf32>
      tpu.vector_store %arg8[%swap3A_1454, %swap3A_1455], %swap3A_1458 {strides = array<i32>} : memref<8x128xf32, #tpu.memory_space<vmem>>, vector<1x16xf32>,
      %swap3A_1459 = arith.index_cast %scan3A_1424 : i32 to index
      %swap3A_1460 = arith.constant 0 : index
      %swap3A_1461 = tpu.vector_load %arg9[%swap3A_1459, %swap3A_1460] {strides = array<i32>} : memref<8x128xi32, #tpu.memory_space<vmem>>, vector<1x16xi32>,
      %swap3A_1462 = vector.shape_cast %swap3A_1461 : vector<1x16xi32> to vector<16xi32>
      %swap3A_1463 = vector.shape_cast %select_n3A_1449 : vector<16xi32> to vector<1x16xi32>
      tpu.vector_store %arg9[%swap3A_1459, %swap3A_1460], %swap3A_1463 {strides = array<i32>} : memref<8x128xi32, #tpu.memory_space<vmem>>, vector<1x16xi32>,
      %scan3A_1464 = arith.constant 0 : i32
      scf.yield %scan3A_1464 : i32
    }
    %scan3A_162 = arith.constant 8 : i32
    %add3A_163 = arith.constant 12288 : i32
    %add3A_164 = arith.addi %mul3A_34, %add3A_163 : i32
    %dma_start3A_165 = tpu.memref_slice %arg2[%mul3A_32, %add3A_164] : memref<64x1000000xf32, #tpu.memory_space<hbm>> -> memref<8x6144xf32, #tpu.memory_space<hbm>>
    %dma_start3A_166 = tpu.memref_slice %arg2[%mul3A_32, %add3A_164] : memref<64x1000000xf32, #tpu.memory_space<hbm>> -> memref<8x6144xf32, #tpu.memory_space<hbm>>
    tpu.enqueue_dma source(%dma_start3A_166 : memref<8x6144xf32, #tpu.memory_space<hbm>>) target(%arg5 : memref<8x6144xf32, #tpu.memory_space<vmem>>) target_semaphore(%arg16 : memref<!tpu.dma_semaphore, #tpu.memory_space<semaphore_mem>>)
    %dma_wait3A_167 = tpu.memref_slice %arg2[%mul3A_32, %add3A_151] : memref<64x1000000xf32, #tpu.memory_space<hbm>> -> memref<8x6144xf32, #tpu.memory_space<hbm>>
    %dma_wait3A_168 = tpu.memref_slice %arg2[%mul3A_32, %add3A_151] : memref<64x1000000xf32, #tpu.memory_space<hbm>> -> memref<8x6144xf32, #tpu.memory_space<hbm>>
    tpu.wait_dma2 semaphore(%arg17 : memref<!tpu.dma_semaphore, #tpu.memory_space<semaphore_mem>>) src(%dma_wait3A_168 : memref<8x6144xf32, #tpu.memory_space<hbm>>) dst(%arg6 : memref<8x6144xf32, #tpu.memory_space<vmem>>)
    %add3A_169 = arith.constant 6144 : i32
    %add3A_170 = arith.addi %mul3A_34, %add3A_169 : i32
    %scan3A_171 = arith.constant 0 : i32
    %scan3A_172 = arith.constant 0 : i32
    %scan3A_173 = arith.constant 8 : i32
    %scan3A_174 = arith.addi %scan3A_172, %scan3A_173 : i32
    %scan3A_175 = arith.constant 1 : i32
    %scan3A_176 = scf.for %scan3A_1424 = %scan3A_172 to %scan3A_174 step %scan3A_175 iter_args(%scan3A_1425 = %scan3A_171) -> (i32)  : i32 {
      %get3A_1426 = arith.index_cast %scan3A_1424 : i32 to index
      %get3A_1427 = arith.constant 0 : index
      %get3A_1428 = tpu.vector_load %arg8[%get3A_1426, %get3A_1427] {strides = array<i32>} : memref<8x128xf32, #tpu.memory_space<vmem>>, vector<1x16xf32>,
      %get3A_1429 = vector.shape_cast %get3A_1428 : vector<1x16xf32> to vector<16xf32>
      %get3A_1430 = arith.index_cast %scan3A_1424 : i32 to index
      %get3A_1431 = arith.constant 0 : index
      %get3A_1432 = tpu.vector_load %arg9[%get3A_1430, %get3A_1431] {strides = array<i32>} : memref<8x128xi32, #tpu.memory_space<vmem>>, vector<1x16xi32>,
      %get3A_1433 = vector.shape_cast %get3A_1432 : vector<1x16xi32> to vector<16xi32>
      %add3A_1434 = vector.broadcast %add3A_170 : i32 to vector<16xi32>
      %add3A_1435 = arith.addi %add3A_1434, %iota3A : vector<16xi32>
      %scan3A_1436 = arith.constant 0 : i32
      %scan3A_1437 = arith.constant 0 : i32
      %scan3A_1438 = arith.addi %scan3A_1436, %scan3A_1437 : i32
      %scan3A_1439 = arith.constant 0 : i32
      %scan3A_1440 = arith.addi %scan3A_1436, %scan3A_1439 : i32
      %mul3A_1441 = arith.constant 16 : i32
      %mul3A_1442 = arith.muli %scan3A_1440, %mul3A_1441 : i32
      %get3A_1443 = arith.index_cast %scan3A_1424 : i32 to index
      %get3A_1444 = arith.index_cast %mul3A_1442 : i32 to index
      %get3A_1445 = tpu.vector_load %arg6[%get3A_1443, %get3A_1444] {strides = array<i32>} : memref<8x6144xf32, #tpu.memory_space<vmem>>, vector<1x16xf32>,
      %get3A_1446 = vector.shape_cast %get3A_1445 : vector<1x16xf32> to vector<16xf32>
      %gt3A_1447 = arith.cmpf ogt, %get3A_1446, %get3A_1429 : vector<16xf32>
      %select_n3A_1448 = arith.select %gt3A_1447, %get3A_1446, %get3A_1429 : vector<16xi1>, vector<16xf32>
      %select_n3A_1449 = arith.select %gt3A_1447, %add3A_1435, %get3A_1433 : vector<16xi1>, vector<16xi32>
      %add3A_1450 = arith.constant 16 : i32
      %add3A_1451 = vector.broadcast %add3A_1450 : i32 to vector<16xi32>
      %add3A_1452 = arith.addi %add3A_1435, %add3A_1451 : vector<16xi32>
      %scan3A_1453 = arith.constant 1 : i32
      %swap3A_1454 = arith.index_cast %scan3A_1424 : i32 to index
      %swap3A_1455 = arith.constant 0 : index
      %swap3A_1456 = tpu.vector_load %arg8[%swap3A_1454, %swap3A_1455] {strides = array<i32>} : memref<8x128xf32, #tpu.memory_space<vmem>>, vector<1x16xf32>,
      %swap3A_1457 = vector.shape_cast %swap3A_1456 : vector<1x16xf32> to vector<16xf32>
      %swap3A_1458 = vector.shape_cast %select_n3A_1448 : vector<16xf32> to vector<1x16xf32>
      tpu.vector_store %arg8[%swap3A_1454, %swap3A_1455], %swap3A_1458 {strides = array<i32>} : memref<8x128xf32, #tpu.memory_space<vmem>>, vector<1x16xf32>,
      %swap3A_1459 = arith.index_cast %scan3A_1424 : i32 to index
      %swap3A_1460 = arith.constant 0 : index
      %swap3A_1461 = tpu.vector_load %arg9[%swap3A_1459, %swap3A_1460] {strides = array<i32>} : memref<8x128xi32, #tpu.memory_space<vmem>>, vector<1x16xi32>,
      %swap3A_1462 = vector.shape_cast %swap3A_1461 : vector<1x16xi32> to vector<16xi32>
      %swap3A_1463 = vector.shape_cast %select_n3A_1449 : vector<16xi32> to vector<1x16xi32>
      tpu.vector_store %arg9[%swap3A_1459, %swap3A_1460], %swap3A_1463 {strides = array<i32>} : memref<8x128xi32, #tpu.memory_space<vmem>>, vector<1x16xi32>,
      %scan3A_1464 = arith.constant 0 : i32
      scf.yield %scan3A_1464 : i32
    }
    %scan3A_177 = arith.constant 8 : i32
    %add3A_178 = arith.constant 18432 : i32
    %add3A_179 = arith.addi %mul3A_34, %add3A_178 : i32
    %dma_start3A_180 = tpu.memref_slice %arg2[%mul3A_32, %add3A_179] : memref<64x1000000xf32, #tpu.memory_space<hbm>> -> memref<8x6144xf32, #tpu.memory_space<hbm>>
    %dma_start3A_181 = tpu.memref_slice %arg2[%mul3A_32, %add3A_179] : memref<64x1000000xf32, #tpu.memory_space<hbm>> -> memref<8x6144xf32, #tpu.memory_space<hbm>>
    tpu.enqueue_dma source(%dma_start3A_181 : memref<8x6144xf32, #tpu.memory_space<hbm>>) target(%arg6 : memref<8x6144xf32, #tpu.memory_space<vmem>>) target_semaphore(%arg17 : memref<!tpu.dma_semaphore, #tpu.memory_space<semaphore_mem>>)
    %dma_wait3A_182 = tpu.memref_slice %arg2[%mul3A_32, %add3A_164] : memref<64x1000000xf32, #tpu.memory_space<hbm>> -> memref<8x6144xf32, #tpu.memory_space<hbm>>
    %dma_wait3A_183 = tpu.memref_slice %arg2[%mul3A_32, %add3A_164] : memref<64x1000000xf32, #tpu.memory_space<hbm>> -> memref<8x6144xf32, #tpu.memory_space<hbm>>
    tpu.wait_dma2 semaphore(%arg16 : memref<!tpu.dma_semaphore, #tpu.memory_space<semaphore_mem>>) src(%dma_wait3A_183 : memref<8x6144xf32, #tpu.memory_space<hbm>>) dst(%arg5 : memref<8x6144xf32, #tpu.memory_space<vmem>>)
    %add3A_184 = arith.constant 12288 : i32
    %add3A_185 = arith.addi %mul3A_34, %add3A_184 : i32
    %scan3A_186 = arith.constant 0 : i32
    %scan3A_187 = arith.constant 0 : i32
    %scan3A_188 = arith.constant 8 : i32
    %scan3A_189 = arith.addi %scan3A_187, %scan3A_188 : i32
    %scan3A_190 = arith.constant 1 : i32
    %scan3A_191 = scf.for %scan3A_1424 = %scan3A_187 to %scan3A_189 step %scan3A_190 iter_args(%scan3A_1425 = %scan3A_186) -> (i32)  : i32 {
      %get3A_1426 = arith.index_cast %scan3A_1424 : i32 to index
      %get3A_1427 = arith.constant 0 : index
      %get3A_1428 = tpu.vector_load %arg8[%get3A_1426, %get3A_1427] {strides = array<i32>} : memref<8x128xf32, #tpu.memory_space<vmem>>, vector<1x16xf32>,
      %get3A_1429 = vector.shape_cast %get3A_1428 : vector<1x16xf32> to vector<16xf32>
      %get3A_1430 = arith.index_cast %scan3A_1424 : i32 to index
      %get3A_1431 = arith.constant 0 : index
      %get3A_1432 = tpu.vector_load %arg9[%get3A_1430, %get3A_1431] {strides = array<i32>} : memref<8x128xi32, #tpu.memory_space<vmem>>, vector<1x16xi32>,
      %get3A_1433 = vector.shape_cast %get3A_1432 : vector<1x16xi32> to vector<16xi32>
      %add3A_1434 = vector.broadcast %add3A_185 : i32 to vector<16xi32>
      %add3A_1435 = arith.addi %add3A_1434, %iota3A : vector<16xi32>
      %scan3A_1436 = arith.constant 0 : i32
      %scan3A_1437 = arith.constant 0 : i32
      %scan3A_1438 = arith.addi %scan3A_1436, %scan3A_1437 : i32
      %scan3A_1439 = arith.constant 0 : i32
      %scan3A_1440 = arith.addi %scan3A_1436, %scan3A_1439 : i32
      %mul3A_1441 = arith.constant 16 : i32
      %mul3A_1442 = arith.muli %scan3A_1440, %mul3A_1441 : i32
      %get3A_1443 = arith.index_cast %scan3A_1424 : i32 to index
      %get3A_1444 = arith.index_cast %mul3A_1442 : i32 to index
      %get3A_1445 = tpu.vector_load %arg5[%get3A_1443, %get3A_1444] {strides = array<i32>} : memref<8x6144xf32, #tpu.memory_space<vmem>>, vector<1x16xf32>,
      %get3A_1446 = vector.shape_cast %get3A_1445 : vector<1x16xf32> to vector<16xf32>
      %gt3A_1447 = arith.cmpf ogt, %get3A_1446, %get3A_1429 : vector<16xf32>
      %select_n3A_1448 = arith.select %gt3A_1447, %get3A_1446, %get3A_1429 : vector<16xi1>, vector<16xf32>
      %select_n3A_1449 = arith.select %gt3A_1447, %add3A_1435, %get3A_1433 : vector<16xi1>, vector<16xi32>
      %add3A_1450 = arith.constant 16 : i32
      %add3A_1451 = vector.broadcast %add3A_1450 : i32 to vector<16xi32>
      %add3A_1452 = arith.addi %add3A_1435, %add3A_1451 : vector<16xi32>
      %scan3A_1453 = arith.constant 1 : i32
      %swap3A_1454 = arith.index_cast %scan3A_1424 : i32 to index
      %swap3A_1455 = arith.constant 0 : index
      %swap3A_1456 = tpu.vector_load %arg8[%swap3A_1454, %swap3A_1455] {strides = array<i32>} : memref<8x128xf32, #tpu.memory_space<vmem>>, vector<1x16xf32>,
      %swap3A_1457 = vector.shape_cast %swap3A_1456 : vector<1x16xf32> to vector<16xf32>
      %swap3A_1458 = vector.shape_cast %select_n3A_1448 : vector<16xf32> to vector<1x16xf32>
      tpu.vector_store %arg8[%swap3A_1454, %swap3A_1455], %swap3A_1458 {strides = array<i32>} : memref<8x128xf32, #tpu.memory_space<vmem>>, vector<1x16xf32>,
      %swap3A_1459 = arith.index_cast %scan3A_1424 : i32 to index
      %swap3A_1460 = arith.constant 0 : index
      %swap3A_1461 = tpu.vector_load %arg9[%swap3A_1459, %swap3A_1460] {strides = array<i32>} : memref<8x128xi32, #tpu.memory_space<vmem>>, vector<1x16xi32>,
      %swap3A_1462 = vector.shape_cast %swap3A_1461 : vector<1x16xi32> to vector<16xi32>
      %swap3A_1463 = vector.shape_cast %select_n3A_1449 : vector<16xi32> to vector<1x16xi32>
      tpu.vector_store %arg9[%swap3A_1459, %swap3A_1460], %swap3A_1463 {strides = array<i32>} : memref<8x128xi32, #tpu.memory_space<vmem>>, vector<1x16xi32>,
      %scan3A_1464 = arith.constant 0 : i32
      scf.yield %scan3A_1464 : i32
    }
    %scan3A_192 = arith.constant 8 : i32
    %add3A_193 = arith.constant 24576 : i32
    %add3A_194 = arith.addi %mul3A_34, %add3A_193 : i32
    %dma_start3A_195 = tpu.memref_slice %arg2[%mul3A_32, %add3A_194] : memref<64x1000000xf32, #tpu.memory_space<hbm>> -> memref<8x6144xf32, #tpu.memory_space<hbm>>
    %dma_start3A_196 = tpu.memref_slice %arg2[%mul3A_32, %add3A_194] : memref<64x1000000xf32, #tpu.memory_space<hbm>> -> memref<8x6144xf32, #tpu.memory_space<hbm>>
    tpu.enqueue_dma source(%dma_start3A_196 : memref<8x6144xf32, #tpu.memory_space<hbm>>) target(%arg5 : memref<8x6144xf32, #tpu.memory_space<vmem>>) target_semaphore(%arg16 : memref<!tpu.dma_semaphore, #tpu.memory_space<semaphore_mem>>)
    %dma_wait3A_197 = tpu.memref_slice %arg2[%mul3A_32, %add3A_179] : memref<64x1000000xf32, #tpu.memory_space<hbm>> -> memref<8x6144xf32, #tpu.memory_space<hbm>>
    %dma_wait3A_198 = tpu.memref_slice %arg2[%mul3A_32, %add3A_179] : memref<64x1000000xf32, #tpu.memory_space<hbm>> -> memref<8x6144xf32, #tpu.memory_space<hbm>>
    tpu.wait_dma2 semaphore(%arg17 : memref<!tpu.dma_semaphore, #tpu.memory_space<semaphore_mem>>) src(%dma_wait3A_198 : memref<8x6144xf32, #tpu.memory_space<hbm>>) dst(%arg6 : memref<8x6144xf32, #tpu.memory_space<vmem>>)
    %add3A_199 = arith.constant 18432 : i32
    %add3A_200 = arith.addi %mul3A_34, %add3A_199 : i32
    %scan3A_201 = arith.constant 0 : i32
    %scan3A_202 = arith.constant 0 : i32
    %scan3A_203 = arith.constant 8 : i32
    %scan3A_204 = arith.addi %scan3A_202, %scan3A_203 : i32
    %scan3A_205 = arith.constant 1 : i32
    %scan3A_206 = scf.for %scan3A_1424 = %scan3A_202 to %scan3A_204 step %scan3A_205 iter_args(%scan3A_1425 = %scan3A_201) -> (i32)  : i32 {
      %get3A_1426 = arith.index_cast %scan3A_1424 : i32 to index
      %get3A_1427 = arith.constant 0 : index
      %get3A_1428 = tpu.vector_load %arg8[%get3A_1426, %get3A_1427] {strides = array<i32>} : memref<8x128xf32, #tpu.memory_space<vmem>>, vector<1x16xf32>,
      %get3A_1429 = vector.shape_cast %get3A_1428 : vector<1x16xf32> to vector<16xf32>
      %get3A_1430 = arith.index_cast %scan3A_1424 : i32 to index
      %get3A_1431 = arith.constant 0 : index
      %get3A_1432 = tpu.vector_load %arg9[%get3A_1430, %get3A_1431] {strides = array<i32>} : memref<8x128xi32, #tpu.memory_space<vmem>>, vector<1x16xi32>,
      %get3A_1433 = vector.shape_cast %get3A_1432 : vector<1x16xi32> to vector<16xi32>
      %add3A_1434 = vector.broadcast %add3A_200 : i32 to vector<16xi32>
      %add3A_1435 = arith.addi %add3A_1434, %iota3A : vector<16xi32>
      %scan3A_1436 = arith.constant 0 : i32
      %scan3A_1437 = arith.constant 0 : i32
      %scan3A_1438 = arith.addi %scan3A_1436, %scan3A_1437 : i32
      %scan3A_1439 = arith.constant 0 : i32
      %scan3A_1440 = arith.addi %scan3A_1436, %scan3A_1439 : i32
      %mul3A_1441 = arith.constant 16 : i32
      %mul3A_1442 = arith.muli %scan3A_1440, %mul3A_1441 : i32
      %get3A_1443 = arith.index_cast %scan3A_1424 : i32 to index
      %get3A_1444 = arith.index_cast %mul3A_1442 : i32 to index
      %get3A_1445 = tpu.vector_load %arg6[%get3A_1443, %get3A_1444] {strides = array<i32>} : memref<8x6144xf32, #tpu.memory_space<vmem>>, vector<1x16xf32>,
      %get3A_1446 = vector.shape_cast %get3A_1445 : vector<1x16xf32> to vector<16xf32>
      %gt3A_1447 = arith.cmpf ogt, %get3A_1446, %get3A_1429 : vector<16xf32>
      %select_n3A_1448 = arith.select %gt3A_1447, %get3A_1446, %get3A_1429 : vector<16xi1>, vector<16xf32>
      %select_n3A_1449 = arith.select %gt3A_1447, %add3A_1435, %get3A_1433 : vector<16xi1>, vector<16xi32>
      %add3A_1450 = arith.constant 16 : i32
      %add3A_1451 = vector.broadcast %add3A_1450 : i32 to vector<16xi32>
      %add3A_1452 = arith.addi %add3A_1435, %add3A_1451 : vector<16xi32>
      %scan3A_1453 = arith.constant 1 : i32
      %swap3A_1454 = arith.index_cast %scan3A_1424 : i32 to index
      %swap3A_1455 = arith.constant 0 : index
      %swap3A_1456 = tpu.vector_load %arg8[%swap3A_1454, %swap3A_1455] {strides = array<i32>} : memref<8x128xf32, #tpu.memory_space<vmem>>, vector<1x16xf32>,
      %swap3A_1457 = vector.shape_cast %swap3A_1456 : vector<1x16xf32> to vector<16xf32>
      %swap3A_1458 = vector.shape_cast %select_n3A_1448 : vector<16xf32> to vector<1x16xf32>
      tpu.vector_store %arg8[%swap3A_1454, %swap3A_1455], %swap3A_1458 {strides = array<i32>} : memref<8x128xf32, #tpu.memory_space<vmem>>, vector<1x16xf32>,
      %swap3A_1459 = arith.index_cast %scan3A_1424 : i32 to index
      %swap3A_1460 = arith.constant 0 : index
      %swap3A_1461 = tpu.vector_load %arg9[%swap3A_1459, %swap3A_1460] {strides = array<i32>} : memref<8x128xi32, #tpu.memory_space<vmem>>, vector<1x16xi32>,
      %swap3A_1462 = vector.shape_cast %swap3A_1461 : vector<1x16xi32> to vector<16xi32>
      %swap3A_1463 = vector.shape_cast %select_n3A_1449 : vector<16xi32> to vector<1x16xi32>
      tpu.vector_store %arg9[%swap3A_1459, %swap3A_1460], %swap3A_1463 {strides = array<i32>} : memref<8x128xi32, #tpu.memory_space<vmem>>, vector<1x16xi32>,
      %scan3A_1464 = arith.constant 0 : i32
      scf.yield %scan3A_1464 : i32
    }
    %scan3A_207 = arith.constant 8 : i32
    %add3A_208 = arith.constant 30720 : i32
    %add3A_209 = arith.addi %mul3A_34, %add3A_208 : i32
    %dma_start3A_210 = tpu.memref_slice %arg2[%mul3A_32, %add3A_209] : memref<64x1000000xf32, #tpu.memory_space<hbm>> -> memref<8x6144xf32, #tpu.memory_space<hbm>>
    %dma_start3A_211 = tpu.memref_slice %arg2[%mul3A_32, %add3A_209] : memref<64x1000000xf32, #tpu.memory_space<hbm>> -> memref<8x6144xf32, #tpu.memory_space<hbm>>
    tpu.enqueue_dma source(%dma_start3A_211 : memref<8x6144xf32, #tpu.memory_space<hbm>>) target(%arg6 : memref<8x6144xf32, #tpu.memory_space<vmem>>) target_semaphore(%arg17 : memref<!tpu.dma_semaphore, #tpu.memory_space<semaphore_mem>>)
    %dma_wait3A_212 = tpu.memref_slice %arg2[%mul3A_32, %add3A_194] : memref<64x1000000xf32, #tpu.memory_space<hbm>> -> memref<8x6144xf32, #tpu.memory_space<hbm>>
    %dma_wait3A_213 = tpu.memref_slice %arg2[%mul3A_32, %add3A_194] : memref<64x1000000xf32, #tpu.memory_space<hbm>> -> memref<8x6144xf32, #tpu.memory_space<hbm>>
    tpu.wait_dma2 semaphore(%arg16 : memref<!tpu.dma_semaphore, #tpu.memory_space<semaphore_mem>>) src(%dma_wait3A_213 : memref<8x6144xf32, #tpu.memory_space<hbm>>) dst(%arg5 : memref<8x6144xf32, #tpu.memory_space<vmem>>)
    %add3A_214 = arith.constant 24576 : i32
    %add3A_215 = arith.addi %mul3A_34, %add3A_214 : i32
    %scan3A_216 = arith.constant 0 : i32
    %scan3A_217 = arith.constant 0 : i32
    %scan3A_218 = arith.constant 8 : i32
    %scan3A_219 = arith.addi %scan3A_217, %scan3A_218 : i32
    %scan3A_220 = arith.constant 1 : i32
    %scan3A_221 = scf.for %scan3A_1424 = %scan3A_217 to %scan3A_219 step %scan3A_220 iter_args(%scan3A_1425 = %scan3A_216) -> (i32)  : i32 {
      %get3A_1426 = arith.index_cast %scan3A_1424 : i32 to index
      %get3A_1427 = arith.constant 0 : index
      %get3A_1428 = tpu.vector_load %arg8[%get3A_1426, %get3A_1427] {strides = array<i32>} : memref<8x128xf32, #tpu.memory_space<vmem>>, vector<1x16xf32>,
      %get3A_1429 = vector.shape_cast %get3A_1428 : vector<1x16xf32> to vector<16xf32>
      %get3A_1430 = arith.index_cast %scan3A_1424 : i32 to index
      %get3A_1431 = arith.constant 0 : index
      %get3A_1432 = tpu.vector_load %arg9[%get3A_1430, %get3A_1431] {strides = array<i32>} : memref<8x128xi32, #tpu.memory_space<vmem>>, vector<1x16xi32>,
      %get3A_1433 = vector.shape_cast %get3A_1432 : vector<1x16xi32> to vector<16xi32>
      %add3A_1434 = vector.broadcast %add3A_215 : i32 to vector<16xi32>
      %add3A_1435 = arith.addi %add3A_1434, %iota3A : vector<16xi32>
      %scan3A_1436 = arith.constant 0 : i32
      %scan3A_1437 = arith.constant 0 : i32
      %scan3A_1438 = arith.addi %scan3A_1436, %scan3A_1437 : i32
      %scan3A_1439 = arith.constant 0 : i32
      %scan3A_1440 = arith.addi %scan3A_1436, %scan3A_1439 : i32
      %mul3A_1441 = arith.constant 16 : i32
      %mul3A_1442 = arith.muli %scan3A_1440, %mul3A_1441 : i32
      %get3A_1443 = arith.index_cast %scan3A_1424 : i32 to index
      %get3A_1444 = arith.index_cast %mul3A_1442 : i32 to index
      %get3A_1445 = tpu.vector_load %arg5[%get3A_1443, %get3A_1444] {strides = array<i32>} : memref<8x6144xf32, #tpu.memory_space<vmem>>, vector<1x16xf32>,
      %get3A_1446 = vector.shape_cast %get3A_1445 : vector<1x16xf32> to vector<16xf32>
      %gt3A_1447 = arith.cmpf ogt, %get3A_1446, %get3A_1429 : vector<16xf32>
      %select_n3A_1448 = arith.select %gt3A_1447, %get3A_1446, %get3A_1429 : vector<16xi1>, vector<16xf32>
      %select_n3A_1449 = arith.select %gt3A_1447, %add3A_1435, %get3A_1433 : vector<16xi1>, vector<16xi32>
      %add3A_1450 = arith.constant 16 : i32
      %add3A_1451 = vector.broadcast %add3A_1450 : i32 to vector<16xi32>
      %add3A_1452 = arith.addi %add3A_1435, %add3A_1451 : vector<16xi32>
      %scan3A_1453 = arith.constant 1 : i32
      %swap3A_1454 = arith.index_cast %scan3A_1424 : i32 to index
      %swap3A_1455 = arith.constant 0 : index
      %swap3A_1456 = tpu.vector_load %arg8[%swap3A_1454, %swap3A_1455] {strides = array<i32>} : memref<8x128xf32, #tpu.memory_space<vmem>>, vector<1x16xf32>,
      %swap3A_1457 = vector.shape_cast %swap3A_1456 : vector<1x16xf32> to vector<16xf32>
      %swap3A_1458 = vector.shape_cast %select_n3A_1448 : vector<16xf32> to vector<1x16xf32>
      tpu.vector_store %arg8[%swap3A_1454, %swap3A_1455], %swap3A_1458 {strides = array<i32>} : memref<8x128xf32, #tpu.memory_space<vmem>>, vector<1x16xf32>,
      %swap3A_1459 = arith.index_cast %scan3A_1424 : i32 to index
      %swap3A_1460 = arith.constant 0 : index
      %swap3A_1461 = tpu.vector_load %arg9[%swap3A_1459, %swap3A_1460] {strides = array<i32>} : memref<8x128xi32, #tpu.memory_space<vmem>>, vector<1x16xi32>,
      %swap3A_1462 = vector.shape_cast %swap3A_1461 : vector<1x16xi32> to vector<16xi32>
      %swap3A_1463 = vector.shape_cast %select_n3A_1449 : vector<16xi32> to vector<1x16xi32>
      tpu.vector_store %arg9[%swap3A_1459, %swap3A_1460], %swap3A_1463 {strides = array<i32>} : memref<8x128xi32, #tpu.memory_space<vmem>>, vector<1x16xi32>,
      %scan3A_1464 = arith.constant 0 : i32
      scf.yield %scan3A_1464 : i32
    }
    %scan3A_222 = arith.constant 8 : i32
    %add3A_223 = arith.constant 36864 : i32
    %add3A_224 = arith.addi %mul3A_34, %add3A_223 : i32
    %dma_start3A_225 = tpu.memref_slice %arg2[%mul3A_32, %add3A_224] : memref<64x1000000xf32, #tpu.memory_space<hbm>> -> memref<8x6144xf32, #tpu.memory_space<hbm>>
    %dma_start3A_226 = tpu.memref_slice %arg2[%mul3A_32, %add3A_224] : memref<64x1000000xf32, #tpu.memory_space<hbm>> -> memref<8x6144xf32, #tpu.memory_space<hbm>>
    tpu.enqueue_dma source(%dma_start3A_226 : memref<8x6144xf32, #tpu.memory_space<hbm>>) target(%arg5 : memref<8x6144xf32, #tpu.memory_space<vmem>>) target_semaphore(%arg16 : memref<!tpu.dma_semaphore, #tpu.memory_space<semaphore_mem>>)
    %dma_wait3A_227 = tpu.memref_slice %arg2[%mul3A_32, %add3A_209] : memref<64x1000000xf32, #tpu.memory_space<hbm>> -> memref<8x6144xf32, #tpu.memory_space<hbm>>
    %dma_wait3A_228 = tpu.memref_slice %arg2[%mul3A_32, %add3A_209] : memref<64x1000000xf32, #tpu.memory_space<hbm>> -> memref<8x6144xf32, #tpu.memory_space<hbm>>
    tpu.wait_dma2 semaphore(%arg17 : memref<!tpu.dma_semaphore, #tpu.memory_space<semaphore_mem>>) src(%dma_wait3A_228 : memref<8x6144xf32, #tpu.memory_space<hbm>>) dst(%arg6 : memref<8x6144xf32, #tpu.memory_space<vmem>>)
    %add3A_229 = arith.constant 30720 : i32
    %add3A_230 = arith.addi %mul3A_34, %add3A_229 : i32
    %scan3A_231 = arith.constant 0 : i32
    %scan3A_232 = arith.constant 0 : i32
    %scan3A_233 = arith.constant 8 : i32
    %scan3A_234 = arith.addi %scan3A_232, %scan3A_233 : i32
    %scan3A_235 = arith.constant 1 : i32
    %scan3A_236 = scf.for %scan3A_1424 = %scan3A_232 to %scan3A_234 step %scan3A_235 iter_args(%scan3A_1425 = %scan3A_231) -> (i32)  : i32 {
      %get3A_1426 = arith.index_cast %scan3A_1424 : i32 to index
      %get3A_1427 = arith.constant 0 : index
      %get3A_1428 = tpu.vector_load %arg8[%get3A_1426, %get3A_1427] {strides = array<i32>} : memref<8x128xf32, #tpu.memory_space<vmem>>, vector<1x16xf32>,
      %get3A_1429 = vector.shape_cast %get3A_1428 : vector<1x16xf32> to vector<16xf32>
      %get3A_1430 = arith.index_cast %scan3A_1424 : i32 to index
      %get3A_1431 = arith.constant 0 : index
      %get3A_1432 = tpu.vector_load %arg9[%get3A_1430, %get3A_1431] {strides = array<i32>} : memref<8x128xi32, #tpu.memory_space<vmem>>, vector<1x16xi32>,
      %get3A_1433 = vector.shape_cast %get3A_1432 : vector<1x16xi32> to vector<16xi32>
      %add3A_1434 = vector.broadcast %add3A_230 : i32 to vector<16xi32>
      %add3A_1435 = arith.addi %add3A_1434, %iota3A : vector<16xi32>
      %scan3A_1436 = arith.constant 0 : i32
      %scan3A_1437 = arith.constant 0 : i32
      %scan3A_1438 = arith.addi %scan3A_1436, %scan3A_1437 : i32
      %scan3A_1439 = arith.constant 0 : i32
      %scan3A_1440 = arith.addi %scan3A_1436, %scan3A_1439 : i32
      %mul3A_1441 = arith.constant 16 : i32
      %mul3A_1442 = arith.muli %scan3A_1440, %mul3A_1441 : i32
      %get3A_1443 = arith.index_cast %scan3A_1424 : i32 to index
      %get3A_1444 = arith.index_cast %mul3A_1442 : i32 to index
      %get3A_1445 = tpu.vector_load %arg6[%get3A_1443, %get3A_1444] {strides = array<i32>} : memref<8x6144xf32, #tpu.memory_space<vmem>>, vector<1x16xf32>,
      %get3A_1446 = vector.shape_cast %get3A_1445 : vector<1x16xf32> to vector<16xf32>
      %gt3A_1447 = arith.cmpf ogt, %get3A_1446, %get3A_1429 : vector<16xf32>
      %select_n3A_1448 = arith.select %gt3A_1447, %get3A_1446, %get3A_1429 : vector<16xi1>, vector<16xf32>
      %select_n3A_1449 = arith.select %gt3A_1447, %add3A_1435, %get3A_1433 : vector<16xi1>, vector<16xi32>
      %add3A_1450 = arith.constant 16 : i32
      %add3A_1451 = vector.broadcast %add3A_1450 : i32 to vector<16xi32>
      %add3A_1452 = arith.addi %add3A_1435, %add3A_1451 : vector<16xi32>
      %scan3A_1453 = arith.constant 1 : i32
      %swap3A_1454 = arith.index_cast %scan3A_1424 : i32 to index
      %swap3A_1455 = arith.constant 0 : index
      %swap3A_1456 = tpu.vector_load %arg8[%swap3A_1454, %swap3A_1455] {strides = array<i32>} : memref<8x128xf32, #tpu.memory_space<vmem>>, vector<1x16xf32>,
      %swap3A_1457 = vector.shape_cast %swap3A_1456 : vector<1x16xf32> to vector<16xf32>
      %swap3A_1458 = vector.shape_cast %select_n3A_1448 : vector<16xf32> to vector<1x16xf32>
      tpu.vector_store %arg8[%swap3A_1454, %swap3A_1455], %swap3A_1458 {strides = array<i32>} : memref<8x128xf32, #tpu.memory_space<vmem>>, vector<1x16xf32>,
      %swap3A_1459 = arith.index_cast %scan3A_1424 : i32 to index
      %swap3A_1460 = arith.constant 0 : index
      %swap3A_1461 = tpu.vector_load %arg9[%swap3A_1459, %swap3A_1460] {strides = array<i32>} : memref<8x128xi32, #tpu.memory_space<vmem>>, vector<1x16xi32>,
      %swap3A_1462 = vector.shape_cast %swap3A_1461 : vector<1x16xi32> to vector<16xi32>
      %swap3A_1463 = vector.shape_cast %select_n3A_1449 : vector<16xi32> to vector<1x16xi32>
      tpu.vector_store %arg9[%swap3A_1459, %swap3A_1460], %swap3A_1463 {strides = array<i32>} : memref<8x128xi32, #tpu.memory_space<vmem>>, vector<1x16xi32>,
      %scan3A_1464 = arith.constant 0 : i32
      scf.yield %scan3A_1464 : i32
    }
    %scan3A_237 = arith.constant 8 : i32
    %add3A_238 = arith.constant 43008 : i32
    %add3A_239 = arith.addi %mul3A_34, %add3A_238 : i32
    %dma_start3A_240 = tpu.memref_slice %arg2[%mul3A_32, %add3A_239] : memref<64x1000000xf32, #tpu.memory_space<hbm>> -> memref<8x6144xf32, #tpu.memory_space<hbm>>
    %dma_start3A_241 = tpu.memref_slice %arg2[%mul3A_32, %add3A_239] : memref<64x1000000xf32, #tpu.memory_space<hbm>> -> memref<8x6144xf32, #tpu.memory_space<hbm>>
    tpu.enqueue_dma source(%dma_start3A_241 : memref<8x6144xf32, #tpu.memory_space<hbm>>) target(%arg6 : memref<8x6144xf32, #tpu.memory_space<vmem>>) target_semaphore(%arg17 : memref<!tpu.dma_semaphore, #tpu.memory_space<semaphore_mem>>)
    %dma_wait3A_242 = tpu.memref_slice %arg2[%mul3A_32, %add3A_224] : memref<64x1000000xf32, #tpu.memory_space<hbm>> -> memref<8x6144xf32, #tpu.memory_space<hbm>>
    %dma_wait3A_243 = tpu.memref_slice %arg2[%mul3A_32, %add3A_224] : memref<64x1000000xf32, #tpu.memory_space<hbm>> -> memref<8x6144xf32, #tpu.memory_space<hbm>>
    tpu.wait_dma2 semaphore(%arg16 : memref<!tpu.dma_semaphore, #tpu.memory_space<semaphore_mem>>) src(%dma_wait3A_243 : memref<8x6144xf32, #tpu.memory_space<hbm>>) dst(%arg5 : memref<8x6144xf32, #tpu.memory_space<vmem>>)
    %add3A_244 = arith.constant 36864 : i32
    %add3A_245 = arith.addi %mul3A_34, %add3A_244 : i32
    %scan3A_246 = arith.constant 0 : i32
    %scan3A_247 = arith.constant 0 : i32
    %scan3A_248 = arith.constant 8 : i32
    %scan3A_249 = arith.addi %scan3A_247, %scan3A_248 : i32
    %scan3A_250 = arith.constant 1 : i32
    %scan3A_251 = scf.for %scan3A_1424 = %scan3A_247 to %scan3A_249 step %scan3A_250 iter_args(%scan3A_1425 = %scan3A_246) -> (i32)  : i32 {
      %get3A_1426 = arith.index_cast %scan3A_1424 : i32 to index
      %get3A_1427 = arith.constant 0 : index
      %get3A_1428 = tpu.vector_load %arg8[%get3A_1426, %get3A_1427] {strides = array<i32>} : memref<8x128xf32, #tpu.memory_space<vmem>>, vector<1x16xf32>,
      %get3A_1429 = vector.shape_cast %get3A_1428 : vector<1x16xf32> to vector<16xf32>
      %get3A_1430 = arith.index_cast %scan3A_1424 : i32 to index
      %get3A_1431 = arith.constant 0 : index
      %get3A_1432 = tpu.vector_load %arg9[%get3A_1430, %get3A_1431] {strides = array<i32>} : memref<8x128xi32, #tpu.memory_space<vmem>>, vector<1x16xi32>,
      %get3A_1433 = vector.shape_cast %get3A_1432 : vector<1x16xi32> to vector<16xi32>
      %add3A_1434 = vector.broadcast %add3A_245 : i32 to vector<16xi32>
      %add3A_1435 = arith.addi %add3A_1434, %iota3A : vector<16xi32>
      %scan3A_1436 = arith.constant 0 : i32
      %scan3A_1437 = arith.constant 0 : i32
      %scan3A_1438 = arith.addi %scan3A_1436, %scan3A_1437 : i32
      %scan3A_1439 = arith.constant 0 : i32
      %scan3A_1440 = arith.addi %scan3A_1436, %scan3A_1439 : i32
      %mul3A_1441 = arith.constant 16 : i32
      %mul3A_1442 = arith.muli %scan3A_1440, %mul3A_1441 : i32
      %get3A_1443 = arith.index_cast %scan3A_1424 : i32 to index
      %get3A_1444 = arith.index_cast %mul3A_1442 : i32 to index
      %get3A_1445 = tpu.vector_load %arg5[%get3A_1443, %get3A_1444] {strides = array<i32>} : memref<8x6144xf32, #tpu.memory_space<vmem>>, vector<1x16xf32>,
      %get3A_1446 = vector.shape_cast %get3A_1445 : vector<1x16xf32> to vector<16xf32>
      %gt3A_1447 = arith.cmpf ogt, %get3A_1446, %get3A_1429 : vector<16xf32>
      %select_n3A_1448 = arith.select %gt3A_1447, %get3A_1446, %get3A_1429 : vector<16xi1>, vector<16xf32>
      %select_n3A_1449 = arith.select %gt3A_1447, %add3A_1435, %get3A_1433 : vector<16xi1>, vector<16xi32>
      %add3A_1450 = arith.constant 16 : i32
      %add3A_1451 = vector.broadcast %add3A_1450 : i32 to vector<16xi32>
      %add3A_1452 = arith.addi %add3A_1435, %add3A_1451 : vector<16xi32>
      %scan3A_1453 = arith.constant 1 : i32
      %swap3A_1454 = arith.index_cast %scan3A_1424 : i32 to index
      %swap3A_1455 = arith.constant 0 : index
      %swap3A_1456 = tpu.vector_load %arg8[%swap3A_1454, %swap3A_1455] {strides = array<i32>} : memref<8x128xf32, #tpu.memory_space<vmem>>, vector<1x16xf32>,
      %swap3A_1457 = vector.shape_cast %swap3A_1456 : vector<1x16xf32> to vector<16xf32>
      %swap3A_1458 = vector.shape_cast %select_n3A_1448 : vector<16xf32> to vector<1x16xf32>
      tpu.vector_store %arg8[%swap3A_1454, %swap3A_1455], %swap3A_1458 {strides = array<i32>} : memref<8x128xf32, #tpu.memory_space<vmem>>, vector<1x16xf32>,
      %swap3A_1459 = arith.index_cast %scan3A_1424 : i32 to index
      %swap3A_1460 = arith.constant 0 : index
      %swap3A_1461 = tpu.vector_load %arg9[%swap3A_1459, %swap3A_1460] {strides = array<i32>} : memref<8x128xi32, #tpu.memory_space<vmem>>, vector<1x16xi32>,
      %swap3A_1462 = vector.shape_cast %swap3A_1461 : vector<1x16xi32> to vector<16xi32>
      %swap3A_1463 = vector.shape_cast %select_n3A_1449 : vector<16xi32> to vector<1x16xi32>
      tpu.vector_store %arg9[%swap3A_1459, %swap3A_1460], %swap3A_1463 {strides = array<i32>} : memref<8x128xi32, #tpu.memory_space<vmem>>, vector<1x16xi32>,
      %scan3A_1464 = arith.constant 0 : i32
      scf.yield %scan3A_1464 : i32
    }
    %scan3A_252 = arith.constant 8 : i32
    %add3A_253 = arith.constant 49152 : i32
    %add3A_254 = arith.addi %mul3A_34, %add3A_253 : i32
    %dma_start3A_255 = tpu.memref_slice %arg2[%mul3A_32, %add3A_254] : memref<64x1000000xf32, #tpu.memory_space<hbm>> -> memref<8x6144xf32, #tpu.memory_space<hbm>>
    %dma_start3A_256 = tpu.memref_slice %arg2[%mul3A_32, %add3A_254] : memref<64x1000000xf32, #tpu.memory_space<hbm>> -> memref<8x6144xf32, #tpu.memory_space<hbm>>
    tpu.enqueue_dma source(%dma_start3A_256 : memref<8x6144xf32, #tpu.memory_space<hbm>>) target(%arg5 : memref<8x6144xf32, #tpu.memory_space<vmem>>) target_semaphore(%arg16 : memref<!tpu.dma_semaphore, #tpu.memory_space<semaphore_mem>>)
    %dma_wait3A_257 = tpu.memref_slice %arg2[%mul3A_32, %add3A_239] : memref<64x1000000xf32, #tpu.memory_space<hbm>> -> memref<8x6144xf32, #tpu.memory_space<hbm>>
    %dma_wait3A_258 = tpu.memref_slice %arg2[%mul3A_32, %add3A_239] : memref<64x1000000xf32, #tpu.memory_space<hbm>> -> memref<8x6144xf32, #tpu.memory_space<hbm>>
    tpu.wait_dma2 semaphore(%arg17 : memref<!tpu.dma_semaphore, #tpu.memory_space<semaphore_mem>>) src(%dma_wait3A_258 : memref<8x6144xf32, #tpu.memory_space<hbm>>) dst(%arg6 : memref<8x6144xf32, #tpu.memory_space<vmem>>)
    %add3A_259 = arith.constant 43008 : i32
    %add3A_260 = arith.addi %mul3A_34, %add3A_259 : i32
    %scan3A_261 = arith.constant 0 : i32
    %scan3A_262 = arith.constant 0 : i32
    %scan3A_263 = arith.constant 8 : i32
    %scan3A_264 = arith.addi %scan3A_262, %scan3A_263 : i32
    %scan3A_265 = arith.constant 1 : i32
    %scan3A_266 = scf.for %scan3A_1424 = %scan3A_262 to %scan3A_264 step %scan3A_265 iter_args(%scan3A_1425 = %scan3A_261) -> (i32)  : i32 {
      %get3A_1426 = arith.index_cast %scan3A_1424 : i32 to index
      %get3A_1427 = arith.constant 0 : index
      %get3A_1428 = tpu.vector_load %arg8[%get3A_1426, %get3A_1427] {strides = array<i32>} : memref<8x128xf32, #tpu.memory_space<vmem>>, vector<1x16xf32>,
      %get3A_1429 = vector.shape_cast %get3A_1428 : vector<1x16xf32> to vector<16xf32>
      %get3A_1430 = arith.index_cast %scan3A_1424 : i32 to index
      %get3A_1431 = arith.constant 0 : index
      %get3A_1432 = tpu.vector_load %arg9[%get3A_1430, %get3A_1431] {strides = array<i32>} : memref<8x128xi32, #tpu.memory_space<vmem>>, vector<1x16xi32>,
      %get3A_1433 = vector.shape_cast %get3A_1432 : vector<1x16xi32> to vector<16xi32>
      %add3A_1434 = vector.broadcast %add3A_260 : i32 to vector<16xi32>
      %add3A_1435 = arith.addi %add3A_1434, %iota3A : vector<16xi32>
      %scan3A_1436 = arith.constant 0 : i32
      %scan3A_1437 = arith.constant 0 : i32
      %scan3A_1438 = arith.addi %scan3A_1436, %scan3A_1437 : i32
      %scan3A_1439 = arith.constant 0 : i32
      %scan3A_1440 = arith.addi %scan3A_1436, %scan3A_1439 : i32
      %mul3A_1441 = arith.constant 16 : i32
      %mul3A_1442 = arith.muli %scan3A_1440, %mul3A_1441 : i32
      %get3A_1443 = arith.index_cast %scan3A_1424 : i32 to index
      %get3A_1444 = arith.index_cast %mul3A_1442 : i32 to index
      %get3A_1445 = tpu.vector_load %arg6[%get3A_1443, %get3A_1444] {strides = array<i32>} : memref<8x6144xf32, #tpu.memory_space<vmem>>, vector<1x16xf32>,
      %get3A_1446 = vector.shape_cast %get3A_1445 : vector<1x16xf32> to vector<16xf32>
      %gt3A_1447 = arith.cmpf ogt, %get3A_1446, %get3A_1429 : vector<16xf32>
      %select_n3A_1448 = arith.select %gt3A_1447, %get3A_1446, %get3A_1429 : vector<16xi1>, vector<16xf32>
      %select_n3A_1449 = arith.select %gt3A_1447, %add3A_1435, %get3A_1433 : vector<16xi1>, vector<16xi32>
      %add3A_1450 = arith.constant 16 : i32
      %add3A_1451 = vector.broadcast %add3A_1450 : i32 to vector<16xi32>
      %add3A_1452 = arith.addi %add3A_1435, %add3A_1451 : vector<16xi32>
      %scan3A_1453 = arith.constant 1 : i32
      %swap3A_1454 = arith.index_cast %scan3A_1424 : i32 to index
      %swap3A_1455 = arith.constant 0 : index
      %swap3A_1456 = tpu.vector_load %arg8[%swap3A_1454, %swap3A_1455] {strides = array<i32>} : memref<8x128xf32, #tpu.memory_space<vmem>>, vector<1x16xf32>,
      %swap3A_1457 = vector.shape_cast %swap3A_1456 : vector<1x16xf32> to vector<16xf32>
      %swap3A_1458 = vector.shape_cast %select_n3A_1448 : vector<16xf32> to vector<1x16xf32>
      tpu.vector_store %arg8[%swap3A_1454, %swap3A_1455], %swap3A_1458 {strides = array<i32>} : memref<8x128xf32, #tpu.memory_space<vmem>>, vector<1x16xf32>,
      %swap3A_1459 = arith.index_cast %scan3A_1424 : i32 to index
      %swap3A_1460 = arith.constant 0 : index
      %swap3A_1461 = tpu.vector_load %arg9[%swap3A_1459, %swap3A_1460] {strides = array<i32>} : memref<8x128xi32, #tpu.memory_space<vmem>>, vector<1x16xi32>,
      %swap3A_1462 = vector.shape_cast %swap3A_1461 : vector<1x16xi32> to vector<16xi32>
      %swap3A_1463 = vector.shape_cast %select_n3A_1449 : vector<16xi32> to vector<1x16xi32>
      tpu.vector_store %arg9[%swap3A_1459, %swap3A_1460], %swap3A_1463 {strides = array<i32>} : memref<8x128xi32, #tpu.memory_space<vmem>>, vector<1x16xi32>,
      %scan3A_1464 = arith.constant 0 : i32
      scf.yield %scan3A_1464 : i32
    }
    %scan3A_267 = arith.constant 8 : i32
    %add3A_268 = arith.constant 55296 : i32
    %add3A_269 = arith.addi %mul3A_34, %add3A_268 : i32
    %dma_start3A_270 = tpu.memref_slice %arg2[%mul3A_32, %add3A_269] : memref<64x1000000xf32, #tpu.memory_space<hbm>> -> memref<8x6144xf32, #tpu.memory_space<hbm>>
    %dma_start3A_271 = tpu.memref_slice %arg2[%mul3A_32, %add3A_269] : memref<64x1000000xf32, #tpu.memory_space<hbm>> -> memref<8x6144xf32, #tpu.memory_space<hbm>>
    tpu.enqueue_dma source(%dma_start3A_271 : memref<8x6144xf32, #tpu.memory_space<hbm>>) target(%arg6 : memref<8x6144xf32, #tpu.memory_space<vmem>>) target_semaphore(%arg17 : memref<!tpu.dma_semaphore, #tpu.memory_space<semaphore_mem>>)
    %dma_wait3A_272 = tpu.memref_slice %arg2[%mul3A_32, %add3A_254] : memref<64x1000000xf32, #tpu.memory_space<hbm>> -> memref<8x6144xf32, #tpu.memory_space<hbm>>
    %dma_wait3A_273 = tpu.memref_slice %arg2[%mul3A_32, %add3A_254] : memref<64x1000000xf32, #tpu.memory_space<hbm>> -> memref<8x6144xf32, #tpu.memory_space<hbm>>
    tpu.wait_dma2 semaphore(%arg16 : memref<!tpu.dma_semaphore, #tpu.memory_space<semaphore_mem>>) src(%dma_wait3A_273 : memref<8x6144xf32, #tpu.memory_space<hbm>>) dst(%arg5 : memref<8x6144xf32, #tpu.memory_space<vmem>>)
    %add3A_274 = arith.constant 49152 : i32
    %add3A_275 = arith.addi %mul3A_34, %add3A_274 : i32
    %scan3A_276 = arith.constant 0 : i32
    %scan3A_277 = arith.constant 0 : i32
    %scan3A_278 = arith.constant 8 : i32
    %scan3A_279 = arith.addi %scan3A_277, %scan3A_278 : i32
    %scan3A_280 = arith.constant 1 : i32
    %scan3A_281 = scf.for %scan3A_1424 = %scan3A_277 to %scan3A_279 step %scan3A_280 iter_args(%scan3A_1425 = %scan3A_276) -> (i32)  : i32 {
      %get3A_1426 = arith.index_cast %scan3A_1424 : i32 to index
      %get3A_1427 = arith.constant 0 : index
      %get3A_1428 = tpu.vector_load %arg8[%get3A_1426, %get3A_1427] {strides = array<i32>} : memref<8x128xf32, #tpu.memory_space<vmem>>, vector<1x16xf32>,
      %get3A_1429 = vector.shape_cast %get3A_1428 : vector<1x16xf32> to vector<16xf32>
      %get3A_1430 = arith.index_cast %scan3A_1424 : i32 to index
      %get3A_1431 = arith.constant 0 : index
      %get3A_1432 = tpu.vector_load %arg9[%get3A_1430, %get3A_1431] {strides = array<i32>} : memref<8x128xi32, #tpu.memory_space<vmem>>, vector<1x16xi32>,
      %get3A_1433 = vector.shape_cast %get3A_1432 : vector<1x16xi32> to vector<16xi32>
      %add3A_1434 = vector.broadcast %add3A_275 : i32 to vector<16xi32>
      %add3A_1435 = arith.addi %add3A_1434, %iota3A : vector<16xi32>
      %scan3A_1436 = arith.constant 0 : i32
      %scan3A_1437 = arith.constant 0 : i32
      %scan3A_1438 = arith.addi %scan3A_1436, %scan3A_1437 : i32
      %scan3A_1439 = arith.constant 0 : i32
      %scan3A_1440 = arith.addi %scan3A_1436, %scan3A_1439 : i32
      %mul3A_1441 = arith.constant 16 : i32
      %mul3A_1442 = arith.muli %scan3A_1440, %mul3A_1441 : i32
      %get3A_1443 = arith.index_cast %scan3A_1424 : i32 to index
      %get3A_1444 = arith.index_cast %mul3A_1442 : i32 to index
      %get3A_1445 = tpu.vector_load %arg5[%get3A_1443, %get3A_1444] {strides = array<i32>} : memref<8x6144xf32, #tpu.memory_space<vmem>>, vector<1x16xf32>,
      %get3A_1446 = vector.shape_cast %get3A_1445 : vector<1x16xf32> to vector<16xf32>
      %gt3A_1447 = arith.cmpf ogt, %get3A_1446, %get3A_1429 : vector<16xf32>
      %select_n3A_1448 = arith.select %gt3A_1447, %get3A_1446, %get3A_1429 : vector<16xi1>, vector<16xf32>
      %select_n3A_1449 = arith.select %gt3A_1447, %add3A_1435, %get3A_1433 : vector<16xi1>, vector<16xi32>
      %add3A_1450 = arith.constant 16 : i32
      %add3A_1451 = vector.broadcast %add3A_1450 : i32 to vector<16xi32>
      %add3A_1452 = arith.addi %add3A_1435, %add3A_1451 : vector<16xi32>
      %scan3A_1453 = arith.constant 1 : i32
      %swap3A_1454 = arith.index_cast %scan3A_1424 : i32 to index
      %swap3A_1455 = arith.constant 0 : index
      %swap3A_1456 = tpu.vector_load %arg8[%swap3A_1454, %swap3A_1455] {strides = array<i32>} : memref<8x128xf32, #tpu.memory_space<vmem>>, vector<1x16xf32>,
      %swap3A_1457 = vector.shape_cast %swap3A_1456 : vector<1x16xf32> to vector<16xf32>
      %swap3A_1458 = vector.shape_cast %select_n3A_1448 : vector<16xf32> to vector<1x16xf32>
      tpu.vector_store %arg8[%swap3A_1454, %swap3A_1455], %swap3A_1458 {strides = array<i32>} : memref<8x128xf32, #tpu.memory_space<vmem>>, vector<1x16xf32>,
      %swap3A_1459 = arith.index_cast %scan3A_1424 : i32 to index
      %swap3A_1460 = arith.constant 0 : index
      %swap3A_1461 = tpu.vector_load %arg9[%swap3A_1459, %swap3A_1460] {strides = array<i32>} : memref<8x128xi32, #tpu.memory_space<vmem>>, vector<1x16xi32>,
      %swap3A_1462 = vector.shape_cast %swap3A_1461 : vector<1x16xi32> to vector<16xi32>
      %swap3A_1463 = vector.shape_cast %select_n3A_1449 : vector<16xi32> to vector<1x16xi32>
      tpu.vector_store %arg9[%swap3A_1459, %swap3A_1460], %swap3A_1463 {strides = array<i32>} : memref<8x128xi32, #tpu.memory_space<vmem>>, vector<1x16xi32>,
      %scan3A_1464 = arith.constant 0 : i32
      scf.yield %scan3A_1464 : i32
    }
    %scan3A_282 = arith.constant 8 : i32
    %add3A_283 = arith.constant 61440 : i32
    %add3A_284 = arith.addi %mul3A_34, %add3A_283 : i32
    %dma_start3A_285 = tpu.memref_slice %arg2[%mul3A_32, %add3A_284] : memref<64x1000000xf32, #tpu.memory_space<hbm>> -> memref<8x6144xf32, #tpu.memory_space<hbm>>
    %dma_start3A_286 = tpu.memref_slice %arg2[%mul3A_32, %add3A_284] : memref<64x1000000xf32, #tpu.memory_space<hbm>> -> memref<8x6144xf32, #tpu.memory_space<hbm>>
    tpu.enqueue_dma source(%dma_start3A_286 : memref<8x6144xf32, #tpu.memory_space<hbm>>) target(%arg5 : memref<8x6144xf32, #tpu.memory_space<vmem>>) target_semaphore(%arg16 : memref<!tpu.dma_semaphore, #tpu.memory_space<semaphore_mem>>)
    %dma_wait3A_287 = tpu.memref_slice %arg2[%mul3A_32, %add3A_269] : memref<64x1000000xf32, #tpu.memory_space<hbm>> -> memref<8x6144xf32, #tpu.memory_space<hbm>>
    %dma_wait3A_288 = tpu.memref_slice %arg2[%mul3A_32, %add3A_269] : memref<64x1000000xf32, #tpu.memory_space<hbm>> -> memref<8x6144xf32, #tpu.memory_space<hbm>>
    tpu.wait_dma2 semaphore(%arg17 : memref<!tpu.dma_semaphore, #tpu.memory_space<semaphore_mem>>) src(%dma_wait3A_288 : memref<8x6144xf32, #tpu.memory_space<hbm>>) dst(%arg6 : memref<8x6144xf32, #tpu.memory_space<vmem>>)
    %add3A_289 = arith.constant 55296 : i32
    %add3A_290 = arith.addi %mul3A_34, %add3A_289 : i32
    %scan3A_291 = arith.constant 0 : i32
    %scan3A_292 = arith.constant 0 : i32
    %scan3A_293 = arith.constant 8 : i32
    %scan3A_294 = arith.addi %scan3A_292, %scan3A_293 : i32
    %scan3A_295 = arith.constant 1 : i32
    %scan3A_296 = scf.for %scan3A_1424 = %scan3A_292 to %scan3A_294 step %scan3A_295 iter_args(%scan3A_1425 = %scan3A_291) -> (i32)  : i32 {
      %get3A_1426 = arith.index_cast %scan3A_1424 : i32 to index
      %get3A_1427 = arith.constant 0 : index
      %get3A_1428 = tpu.vector_load %arg8[%get3A_1426, %get3A_1427] {strides = array<i32>} : memref<8x128xf32, #tpu.memory_space<vmem>>, vector<1x16xf32>,
      %get3A_1429 = vector.shape_cast %get3A_1428 : vector<1x16xf32> to vector<16xf32>
      %get3A_1430 = arith.index_cast %scan3A_1424 : i32 to index
      %get3A_1431 = arith.constant 0 : index
      %get3A_1432 = tpu.vector_load %arg9[%get3A_1430, %get3A_1431] {strides = array<i32>} : memref<8x128xi32, #tpu.memory_space<vmem>>, vector<1x16xi32>,
      %get3A_1433 = vector.shape_cast %get3A_1432 : vector<1x16xi32> to vector<16xi32>
      %add3A_1434 = vector.broadcast %add3A_290 : i32 to vector<16xi32>
      %add3A_1435 = arith.addi %add3A_1434, %iota3A : vector<16xi32>
      %scan3A_1436 = arith.constant 0 : i32
      %scan3A_1437 = arith.constant 0 : i32
      %scan3A_1438 = arith.addi %scan3A_1436, %scan3A_1437 : i32
      %scan3A_1439 = arith.constant 0 : i32
      %scan3A_1440 = arith.addi %scan3A_1436, %scan3A_1439 : i32
      %mul3A_1441 = arith.constant 16 : i32
      %mul3A_1442 = arith.muli %scan3A_1440, %mul3A_1441 : i32
      %get3A_1443 = arith.index_cast %scan3A_1424 : i32 to index
      %get3A_1444 = arith.index_cast %mul3A_1442 : i32 to index
      %get3A_1445 = tpu.vector_load %arg6[%get3A_1443, %get3A_1444] {strides = array<i32>} : memref<8x6144xf32, #tpu.memory_space<vmem>>, vector<1x16xf32>,
      %get3A_1446 = vector.shape_cast %get3A_1445 : vector<1x16xf32> to vector<16xf32>
      %gt3A_1447 = arith.cmpf ogt, %get3A_1446, %get3A_1429 : vector<16xf32>
      %select_n3A_1448 = arith.select %gt3A_1447, %get3A_1446, %get3A_1429 : vector<16xi1>, vector<16xf32>
      %select_n3A_1449 = arith.select %gt3A_1447, %add3A_1435, %get3A_1433 : vector<16xi1>, vector<16xi32>
      %add3A_1450 = arith.constant 16 : i32
      %add3A_1451 = vector.broadcast %add3A_1450 : i32 to vector<16xi32>
      %add3A_1452 = arith.addi %add3A_1435, %add3A_1451 : vector<16xi32>
      %scan3A_1453 = arith.constant 1 : i32
      %swap3A_1454 = arith.index_cast %scan3A_1424 : i32 to index
      %swap3A_1455 = arith.constant 0 : index
      %swap3A_1456 = tpu.vector_load %arg8[%swap3A_1454, %swap3A_1455] {strides = array<i32>} : memref<8x128xf32, #tpu.memory_space<vmem>>, vector<1x16xf32>,
      %swap3A_1457 = vector.shape_cast %swap3A_1456 : vector<1x16xf32> to vector<16xf32>
      %swap3A_1458 = vector.shape_cast %select_n3A_1448 : vector<16xf32> to vector<1x16xf32>
      tpu.vector_store %arg8[%swap3A_1454, %swap3A_1455], %swap3A_1458 {strides = array<i32>} : memref<8x128xf32, #tpu.memory_space<vmem>>, vector<1x16xf32>,
      %swap3A_1459 = arith.index_cast %scan3A_1424 : i32 to index
      %swap3A_1460 = arith.constant 0 : index
      %swap3A_1461 = tpu.vector_load %arg9[%swap3A_1459, %swap3A_1460] {strides = array<i32>} : memref<8x128xi32, #tpu.memory_space<vmem>>, vector<1x16xi32>,
      %swap3A_1462 = vector.shape_cast %swap3A_1461 : vector<1x16xi32> to vector<16xi32>
      %swap3A_1463 = vector.shape_cast %select_n3A_1449 : vector<16xi32> to vector<1x16xi32>
      tpu.vector_store %arg9[%swap3A_1459, %swap3A_1460], %swap3A_1463 {strides = array<i32>} : memref<8x128xi32, #tpu.memory_space<vmem>>, vector<1x16xi32>,
      %scan3A_1464 = arith.constant 0 : i32
      scf.yield %scan3A_1464 : i32
    }
    %scan3A_297 = arith.constant 8 : i32
    %add3A_298 = arith.constant 67584 : i32
    %add3A_299 = arith.addi %mul3A_34, %add3A_298 : i32
    %dma_start3A_300 = tpu.memref_slice %arg2[%mul3A_32, %add3A_299] : memref<64x1000000xf32, #tpu.memory_space<hbm>> -> memref<8x6144xf32, #tpu.memory_space<hbm>>
    %dma_start3A_301 = tpu.memref_slice %arg2[%mul3A_32, %add3A_299] : memref<64x1000000xf32, #tpu.memory_space<hbm>> -> memref<8x6144xf32, #tpu.memory_space<hbm>>
    tpu.enqueue_dma source(%dma_start3A_301 : memref<8x6144xf32, #tpu.memory_space<hbm>>) target(%arg6 : memref<8x6144xf32, #tpu.memory_space<vmem>>) target_semaphore(%arg17 : memref<!tpu.dma_semaphore, #tpu.memory_space<semaphore_mem>>)
    %dma_wait3A_302 = tpu.memref_slice %arg2[%mul3A_32, %add3A_284] : memref<64x1000000xf32, #tpu.memory_space<hbm>> -> memref<8x6144xf32, #tpu.memory_space<hbm>>
    %dma_wait3A_303 = tpu.memref_slice %arg2[%mul3A_32, %add3A_284] : memref<64x1000000xf32, #tpu.memory_space<hbm>> -> memref<8x6144xf32, #tpu.memory_space<hbm>>
    tpu.wait_dma2 semaphore(%arg16 : memref<!tpu.dma_semaphore, #tpu.memory_space<semaphore_mem>>) src(%dma_wait3A_303 : memref<8x6144xf32, #tpu.memory_space<hbm>>) dst(%arg5 : memref<8x6144xf32, #tpu.memory_space<vmem>>)
    %add3A_304 = arith.constant 61440 : i32
    %add3A_305 = arith.addi %mul3A_34, %add3A_304 : i32
    %scan3A_306 = arith.constant 0 : i32
    %scan3A_307 = arith.constant 0 : i32
    %scan3A_308 = arith.constant 8 : i32
    %scan3A_309 = arith.addi %scan3A_307, %scan3A_308 : i32
    %scan3A_310 = arith.constant 1 : i32
    %scan3A_311 = scf.for %scan3A_1424 = %scan3A_307 to %scan3A_309 step %scan3A_310 iter_args(%scan3A_1425 = %scan3A_306) -> (i32)  : i32 {
      %get3A_1426 = arith.index_cast %scan3A_1424 : i32 to index
      %get3A_1427 = arith.constant 0 : index
      %get3A_1428 = tpu.vector_load %arg8[%get3A_1426, %get3A_1427] {strides = array<i32>} : memref<8x128xf32, #tpu.memory_space<vmem>>, vector<1x16xf32>,
      %get3A_1429 = vector.shape_cast %get3A_1428 : vector<1x16xf32> to vector<16xf32>
      %get3A_1430 = arith.index_cast %scan3A_1424 : i32 to index
      %get3A_1431 = arith.constant 0 : index
      %get3A_1432 = tpu.vector_load %arg9[%get3A_1430, %get3A_1431] {strides = array<i32>} : memref<8x128xi32, #tpu.memory_space<vmem>>, vector<1x16xi32>,
      %get3A_1433 = vector.shape_cast %get3A_1432 : vector<1x16xi32> to vector<16xi32>
      %add3A_1434 = vector.broadcast %add3A_305 : i32 to vector<16xi32>
      %add3A_1435 = arith.addi %add3A_1434, %iota3A : vector<16xi32>
      %scan3A_1436 = arith.constant 0 : i32
      %scan3A_1437 = arith.constant 0 : i32
      %scan3A_1438 = arith.addi %scan3A_1436, %scan3A_1437 : i32
      %scan3A_1439 = arith.constant 0 : i32
      %scan3A_1440 = arith.addi %scan3A_1436, %scan3A_1439 : i32
      %mul3A_1441 = arith.constant 16 : i32
      %mul3A_1442 = arith.muli %scan3A_1440, %mul3A_1441 : i32
      %get3A_1443 = arith.index_cast %scan3A_1424 : i32 to index
      %get3A_1444 = arith.index_cast %mul3A_1442 : i32 to index
      %get3A_1445 = tpu.vector_load %arg5[%get3A_1443, %get3A_1444] {strides = array<i32>} : memref<8x6144xf32, #tpu.memory_space<vmem>>, vector<1x16xf32>,
      %get3A_1446 = vector.shape_cast %get3A_1445 : vector<1x16xf32> to vector<16xf32>
      %gt3A_1447 = arith.cmpf ogt, %get3A_1446, %get3A_1429 : vector<16xf32>
      %select_n3A_1448 = arith.select %gt3A_1447, %get3A_1446, %get3A_1429 : vector<16xi1>, vector<16xf32>
      %select_n3A_1449 = arith.select %gt3A_1447, %add3A_1435, %get3A_1433 : vector<16xi1>, vector<16xi32>
      %add3A_1450 = arith.constant 16 : i32
      %add3A_1451 = vector.broadcast %add3A_1450 : i32 to vector<16xi32>
      %add3A_1452 = arith.addi %add3A_1435, %add3A_1451 : vector<16xi32>
      %scan3A_1453 = arith.constant 1 : i32
      %swap3A_1454 = arith.index_cast %scan3A_1424 : i32 to index
      %swap3A_1455 = arith.constant 0 : index
      %swap3A_1456 = tpu.vector_load %arg8[%swap3A_1454, %swap3A_1455] {strides = array<i32>} : memref<8x128xf32, #tpu.memory_space<vmem>>, vector<1x16xf32>,
      %swap3A_1457 = vector.shape_cast %swap3A_1456 : vector<1x16xf32> to vector<16xf32>
      %swap3A_1458 = vector.shape_cast %select_n3A_1448 : vector<16xf32> to vector<1x16xf32>
      tpu.vector_store %arg8[%swap3A_1454, %swap3A_1455], %swap3A_1458 {strides = array<i32>} : memref<8x128xf32, #tpu.memory_space<vmem>>, vector<1x16xf32>,
      %swap3A_1459 = arith.index_cast %scan3A_1424 : i32 to index
      %swap3A_1460 = arith.constant 0 : index
      %swap3A_1461 = tpu.vector_load %arg9[%swap3A_1459, %swap3A_1460] {strides = array<i32>} : memref<8x128xi32, #tpu.memory_space<vmem>>, vector<1x16xi32>,
      %swap3A_1462 = vector.shape_cast %swap3A_1461 : vector<1x16xi32> to vector<16xi32>
      %swap3A_1463 = vector.shape_cast %select_n3A_1449 : vector<16xi32> to vector<1x16xi32>
      tpu.vector_store %arg9[%swap3A_1459, %swap3A_1460], %swap3A_1463 {strides = array<i32>} : memref<8x128xi32, #tpu.memory_space<vmem>>, vector<1x16xi32>,
      %scan3A_1464 = arith.constant 0 : i32
      scf.yield %scan3A_1464 : i32
    }
    %scan3A_312 = arith.constant 8 : i32
    %add3A_313 = arith.constant 73728 : i32
    %add3A_314 = arith.addi %mul3A_34, %add3A_313 : i32
    %dma_start3A_315 = tpu.memref_slice %arg2[%mul3A_32, %add3A_314] : memref<64x1000000xf32, #tpu.memory_space<hbm>> -> memref<8x6144xf32, #tpu.memory_space<hbm>>
    %dma_start3A_316 = tpu.memref_slice %arg2[%mul3A_32, %add3A_314] : memref<64x1000000xf32, #tpu.memory_space<hbm>> -> memref<8x6144xf32, #tpu.memory_space<hbm>>
    tpu.enqueue_dma source(%dma_start3A_316 : memref<8x6144xf32, #tpu.memory_space<hbm>>) target(%arg5 : memref<8x6144xf32, #tpu.memory_space<vmem>>) target_semaphore(%arg16 : memref<!tpu.dma_semaphore, #tpu.memory_space<semaphore_mem>>)
    %dma_wait3A_317 = tpu.memref_slice %arg2[%mul3A_32, %add3A_299] : memref<64x1000000xf32, #tpu.memory_space<hbm>> -> memref<8x6144xf32, #tpu.memory_space<hbm>>
    %dma_wait3A_318 = tpu.memref_slice %arg2[%mul3A_32, %add3A_299] : memref<64x1000000xf32, #tpu.memory_space<hbm>> -> memref<8x6144xf32, #tpu.memory_space<hbm>>
    tpu.wait_dma2 semaphore(%arg17 : memref<!tpu.dma_semaphore, #tpu.memory_space<semaphore_mem>>) src(%dma_wait3A_318 : memref<8x6144xf32, #tpu.memory_space<hbm>>) dst(%arg6 : memref<8x6144xf32, #tpu.memory_space<vmem>>)
    %add3A_319 = arith.constant 67584 : i32
    %add3A_320 = arith.addi %mul3A_34, %add3A_319 : i32
    %scan3A_321 = arith.constant 0 : i32
    %scan3A_322 = arith.constant 0 : i32
    %scan3A_323 = arith.constant 8 : i32
    %scan3A_324 = arith.addi %scan3A_322, %scan3A_323 : i32
    %scan3A_325 = arith.constant 1 : i32
    %scan3A_326 = scf.for %scan3A_1424 = %scan3A_322 to %scan3A_324 step %scan3A_325 iter_args(%scan3A_1425 = %scan3A_321) -> (i32)  : i32 {
      %get3A_1426 = arith.index_cast %scan3A_1424 : i32 to index
      %get3A_1427 = arith.constant 0 : index
      %get3A_1428 = tpu.vector_load %arg8[%get3A_1426, %get3A_1427] {strides = array<i32>} : memref<8x128xf32, #tpu.memory_space<vmem>>, vector<1x16xf32>,
      %get3A_1429 = vector.shape_cast %get3A_1428 : vector<1x16xf32> to vector<16xf32>
      %get3A_1430 = arith.index_cast %scan3A_1424 : i32 to index
      %get3A_1431 = arith.constant 0 : index
      %get3A_1432 = tpu.vector_load %arg9[%get3A_1430, %get3A_1431] {strides = array<i32>} : memref<8x128xi32, #tpu.memory_space<vmem>>, vector<1x16xi32>,
      %get3A_1433 = vector.shape_cast %get3A_1432 : vector<1x16xi32> to vector<16xi32>
      %add3A_1434 = vector.broadcast %add3A_320 : i32 to vector<16xi32>
      %add3A_1435 = arith.addi %add3A_1434, %iota3A : vector<16xi32>
      %scan3A_1436 = arith.constant 0 : i32
      %scan3A_1437 = arith.constant 0 : i32
      %scan3A_1438 = arith.addi %scan3A_1436, %scan3A_1437 : i32
      %scan3A_1439 = arith.constant 0 : i32
      %scan3A_1440 = arith.addi %scan3A_1436, %scan3A_1439 : i32
      %mul3A_1441 = arith.constant 16 : i32
      %mul3A_1442 = arith.muli %scan3A_1440, %mul3A_1441 : i32
      %get3A_1443 = arith.index_cast %scan3A_1424 : i32 to index
      %get3A_1444 = arith.index_cast %mul3A_1442 : i32 to index
      %get3A_1445 = tpu.vector_load %arg6[%get3A_1443, %get3A_1444] {strides = array<i32>} : memref<8x6144xf32, #tpu.memory_space<vmem>>, vector<1x16xf32>,
      %get3A_1446 = vector.shape_cast %get3A_1445 : vector<1x16xf32> to vector<16xf32>
      %gt3A_1447 = arith.cmpf ogt, %get3A_1446, %get3A_1429 : vector<16xf32>
      %select_n3A_1448 = arith.select %gt3A_1447, %get3A_1446, %get3A_1429 : vector<16xi1>, vector<16xf32>
      %select_n3A_1449 = arith.select %gt3A_1447, %add3A_1435, %get3A_1433 : vector<16xi1>, vector<16xi32>
      %add3A_1450 = arith.constant 16 : i32
      %add3A_1451 = vector.broadcast %add3A_1450 : i32 to vector<16xi32>
      %add3A_1452 = arith.addi %add3A_1435, %add3A_1451 : vector<16xi32>
      %scan3A_1453 = arith.constant 1 : i32
      %swap3A_1454 = arith.index_cast %scan3A_1424 : i32 to index
      %swap3A_1455 = arith.constant 0 : index
      %swap3A_1456 = tpu.vector_load %arg8[%swap3A_1454, %swap3A_1455] {strides = array<i32>} : memref<8x128xf32, #tpu.memory_space<vmem>>, vector<1x16xf32>,
      %swap3A_1457 = vector.shape_cast %swap3A_1456 : vector<1x16xf32> to vector<16xf32>
      %swap3A_1458 = vector.shape_cast %select_n3A_1448 : vector<16xf32> to vector<1x16xf32>
      tpu.vector_store %arg8[%swap3A_1454, %swap3A_1455], %swap3A_1458 {strides = array<i32>} : memref<8x128xf32, #tpu.memory_space<vmem>>, vector<1x16xf32>,
      %swap3A_1459 = arith.index_cast %scan3A_1424 : i32 to index
      %swap3A_1460 = arith.constant 0 : index
      %swap3A_1461 = tpu.vector_load %arg9[%swap3A_1459, %swap3A_1460] {strides = array<i32>} : memref<8x128xi32, #tpu.memory_space<vmem>>, vector<1x16xi32>,
      %swap3A_1462 = vector.shape_cast %swap3A_1461 : vector<1x16xi32> to vector<16xi32>
      %swap3A_1463 = vector.shape_cast %select_n3A_1449 : vector<16xi32> to vector<1x16xi32>
      tpu.vector_store %arg9[%swap3A_1459, %swap3A_1460], %swap3A_1463 {strides = array<i32>} : memref<8x128xi32, #tpu.memory_space<vmem>>, vector<1x16xi32>,
      %scan3A_1464 = arith.constant 0 : i32
      scf.yield %scan3A_1464 : i32
    }
    %scan3A_327 = arith.constant 8 : i32
    %add3A_328 = arith.constant 79872 : i32
    %add3A_329 = arith.addi %mul3A_34, %add3A_328 : i32
    %dma_start3A_330 = tpu.memref_slice %arg2[%mul3A_32, %add3A_329] : memref<64x1000000xf32, #tpu.memory_space<hbm>> -> memref<8x6144xf32, #tpu.memory_space<hbm>>
    %dma_start3A_331 = tpu.memref_slice %arg2[%mul3A_32, %add3A_329] : memref<64x1000000xf32, #tpu.memory_space<hbm>> -> memref<8x6144xf32, #tpu.memory_space<hbm>>
    tpu.enqueue_dma source(%dma_start3A_331 : memref<8x6144xf32, #tpu.memory_space<hbm>>) target(%arg6 : memref<8x6144xf32, #tpu.memory_space<vmem>>) target_semaphore(%arg17 : memref<!tpu.dma_semaphore, #tpu.memory_space<semaphore_mem>>)
    %dma_wait3A_332 = tpu.memref_slice %arg2[%mul3A_32, %add3A_314] : memref<64x1000000xf32, #tpu.memory_space<hbm>> -> memref<8x6144xf32, #tpu.memory_space<hbm>>
    %dma_wait3A_333 = tpu.memref_slice %arg2[%mul3A_32, %add3A_314] : memref<64x1000000xf32, #tpu.memory_space<hbm>> -> memref<8x6144xf32, #tpu.memory_space<hbm>>
    tpu.wait_dma2 semaphore(%arg16 : memref<!tpu.dma_semaphore, #tpu.memory_space<semaphore_mem>>) src(%dma_wait3A_333 : memref<8x6144xf32, #tpu.memory_space<hbm>>) dst(%arg5 : memref<8x6144xf32, #tpu.memory_space<vmem>>)
    %add3A_334 = arith.constant 73728 : i32
    %add3A_335 = arith.addi %mul3A_34, %add3A_334 : i32
    %scan3A_336 = arith.constant 0 : i32
    %scan3A_337 = arith.constant 0 : i32
    %scan3A_338 = arith.constant 8 : i32
    %scan3A_339 = arith.addi %scan3A_337, %scan3A_338 : i32
    %scan3A_340 = arith.constant 1 : i32
    %scan3A_341 = scf.for %scan3A_1424 = %scan3A_337 to %scan3A_339 step %scan3A_340 iter_args(%scan3A_1425 = %scan3A_336) -> (i32)  : i32 {
      %get3A_1426 = arith.index_cast %scan3A_1424 : i32 to index
      %get3A_1427 = arith.constant 0 : index
      %get3A_1428 = tpu.vector_load %arg8[%get3A_1426, %get3A_1427] {strides = array<i32>} : memref<8x128xf32, #tpu.memory_space<vmem>>, vector<1x16xf32>,
      %get3A_1429 = vector.shape_cast %get3A_1428 : vector<1x16xf32> to vector<16xf32>
      %get3A_1430 = arith.index_cast %scan3A_1424 : i32 to index
      %get3A_1431 = arith.constant 0 : index
      %get3A_1432 = tpu.vector_load %arg9[%get3A_1430, %get3A_1431] {strides = array<i32>} : memref<8x128xi32, #tpu.memory_space<vmem>>, vector<1x16xi32>,
      %get3A_1433 = vector.shape_cast %get3A_1432 : vector<1x16xi32> to vector<16xi32>
      %add3A_1434 = vector.broadcast %add3A_335 : i32 to vector<16xi32>
      %add3A_1435 = arith.addi %add3A_1434, %iota3A : vector<16xi32>
      %scan3A_1436 = arith.constant 0 : i32
      %scan3A_1437 = arith.constant 0 : i32
      %scan3A_1438 = arith.addi %scan3A_1436, %scan3A_1437 : i32
      %scan3A_1439 = arith.constant 0 : i32
      %scan3A_1440 = arith.addi %scan3A_1436, %scan3A_1439 : i32
      %mul3A_1441 = arith.constant 16 : i32
      %mul3A_1442 = arith.muli %scan3A_1440, %mul3A_1441 : i32
      %get3A_1443 = arith.index_cast %scan3A_1424 : i32 to index
      %get3A_1444 = arith.index_cast %mul3A_1442 : i32 to index
      %get3A_1445 = tpu.vector_load %arg5[%get3A_1443, %get3A_1444] {strides = array<i32>} : memref<8x6144xf32, #tpu.memory_space<vmem>>, vector<1x16xf32>,
      %get3A_1446 = vector.shape_cast %get3A_1445 : vector<1x16xf32> to vector<16xf32>
      %gt3A_1447 = arith.cmpf ogt, %get3A_1446, %get3A_1429 : vector<16xf32>
      %select_n3A_1448 = arith.select %gt3A_1447, %get3A_1446, %get3A_1429 : vector<16xi1>, vector<16xf32>
      %select_n3A_1449 = arith.select %gt3A_1447, %add3A_1435, %get3A_1433 : vector<16xi1>, vector<16xi32>
      %add3A_1450 = arith.constant 16 : i32
      %add3A_1451 = vector.broadcast %add3A_1450 : i32 to vector<16xi32>
      %add3A_1452 = arith.addi %add3A_1435, %add3A_1451 : vector<16xi32>
      %scan3A_1453 = arith.constant 1 : i32
      %swap3A_1454 = arith.index_cast %scan3A_1424 : i32 to index
      %swap3A_1455 = arith.constant 0 : index
      %swap3A_1456 = tpu.vector_load %arg8[%swap3A_1454, %swap3A_1455] {strides = array<i32>} : memref<8x128xf32, #tpu.memory_space<vmem>>, vector<1x16xf32>,
      %swap3A_1457 = vector.shape_cast %swap3A_1456 : vector<1x16xf32> to vector<16xf32>
      %swap3A_1458 = vector.shape_cast %select_n3A_1448 : vector<16xf32> to vector<1x16xf32>
      tpu.vector_store %arg8[%swap3A_1454, %swap3A_1455], %swap3A_1458 {strides = array<i32>} : memref<8x128xf32, #tpu.memory_space<vmem>>, vector<1x16xf32>,
      %swap3A_1459 = arith.index_cast %scan3A_1424 : i32 to index
      %swap3A_1460 = arith.constant 0 : index
      %swap3A_1461 = tpu.vector_load %arg9[%swap3A_1459, %swap3A_1460] {strides = array<i32>} : memref<8x128xi32, #tpu.memory_space<vmem>>, vector<1x16xi32>,
      %swap3A_1462 = vector.shape_cast %swap3A_1461 : vector<1x16xi32> to vector<16xi32>
      %swap3A_1463 = vector.shape_cast %select_n3A_1449 : vector<16xi32> to vector<1x16xi32>
      tpu.vector_store %arg9[%swap3A_1459, %swap3A_1460], %swap3A_1463 {strides = array<i32>} : memref<8x128xi32, #tpu.memory_space<vmem>>, vector<1x16xi32>,
      %scan3A_1464 = arith.constant 0 : i32
      scf.yield %scan3A_1464 : i32
    }
    %scan3A_342 = arith.constant 8 : i32
    %add3A_343 = arith.constant 86016 : i32
    %add3A_344 = arith.addi %mul3A_34, %add3A_343 : i32
    %dma_start3A_345 = tpu.memref_slice %arg2[%mul3A_32, %add3A_344] : memref<64x1000000xf32, #tpu.memory_space<hbm>> -> memref<8x6144xf32, #tpu.memory_space<hbm>>
    %dma_start3A_346 = tpu.memref_slice %arg2[%mul3A_32, %add3A_344] : memref<64x1000000xf32, #tpu.memory_space<hbm>> -> memref<8x6144xf32, #tpu.memory_space<hbm>>
    tpu.enqueue_dma source(%dma_start3A_346 : memref<8x6144xf32, #tpu.memory_space<hbm>>) target(%arg5 : memref<8x6144xf32, #tpu.memory_space<vmem>>) target_semaphore(%arg16 : memref<!tpu.dma_semaphore, #tpu.memory_space<semaphore_mem>>)
    %dma_wait3A_347 = tpu.memref_slice %arg2[%mul3A_32, %add3A_329] : memref<64x1000000xf32, #tpu.memory_space<hbm>> -> memref<8x6144xf32, #tpu.memory_space<hbm>>
    %dma_wait3A_348 = tpu.memref_slice %arg2[%mul3A_32, %add3A_329] : memref<64x1000000xf32, #tpu.memory_space<hbm>> -> memref<8x6144xf32, #tpu.memory_space<hbm>>
    tpu.wait_dma2 semaphore(%arg17 : memref<!tpu.dma_semaphore, #tpu.memory_space<semaphore_mem>>) src(%dma_wait3A_348 : memref<8x6144xf32, #tpu.memory_space<hbm>>) dst(%arg6 : memref<8x6144xf32, #tpu.memory_space<vmem>>)
    %add3A_349 = arith.constant 79872 : i32
    %add3A_350 = arith.addi %mul3A_34, %add3A_349 : i32
    %scan3A_351 = arith.constant 0 : i32
    %scan3A_352 = arith.constant 0 : i32
    %scan3A_353 = arith.constant 8 : i32
    %scan3A_354 = arith.addi %scan3A_352, %scan3A_353 : i32
    %scan3A_355 = arith.constant 1 : i32
    %scan3A_356 = scf.for %scan3A_1424 = %scan3A_352 to %scan3A_354 step %scan3A_355 iter_args(%scan3A_1425 = %scan3A_351) -> (i32)  : i32 {
      %get3A_1426 = arith.index_cast %scan3A_1424 : i32 to index
      %get3A_1427 = arith.constant 0 : index
      %get3A_1428 = tpu.vector_load %arg8[%get3A_1426, %get3A_1427] {strides = array<i32>} : memref<8x128xf32, #tpu.memory_space<vmem>>, vector<1x16xf32>,
      %get3A_1429 = vector.shape_cast %get3A_1428 : vector<1x16xf32> to vector<16xf32>
      %get3A_1430 = arith.index_cast %scan3A_1424 : i32 to index
      %get3A_1431 = arith.constant 0 : index
      %get3A_1432 = tpu.vector_load %arg9[%get3A_1430, %get3A_1431] {strides = array<i32>} : memref<8x128xi32, #tpu.memory_space<vmem>>, vector<1x16xi32>,
      %get3A_1433 = vector.shape_cast %get3A_1432 : vector<1x16xi32> to vector<16xi32>
      %add3A_1434 = vector.broadcast %add3A_350 : i32 to vector<16xi32>
      %add3A_1435 = arith.addi %add3A_1434, %iota3A : vector<16xi32>
      %scan3A_1436 = arith.constant 0 : i32
      %scan3A_1437 = arith.constant 0 : i32
      %scan3A_1438 = arith.addi %scan3A_1436, %scan3A_1437 : i32
      %scan3A_1439 = arith.constant 0 : i32
      %scan3A_1440 = arith.addi %scan3A_1436, %scan3A_1439 : i32
      %mul3A_1441 = arith.constant 16 : i32
      %mul3A_1442 = arith.muli %scan3A_1440, %mul3A_1441 : i32
      %get3A_1443 = arith.index_cast %scan3A_1424 : i32 to index
      %get3A_1444 = arith.index_cast %mul3A_1442 : i32 to index
      %get3A_1445 = tpu.vector_load %arg6[%get3A_1443, %get3A_1444] {strides = array<i32>} : memref<8x6144xf32, #tpu.memory_space<vmem>>, vector<1x16xf32>,
      %get3A_1446 = vector.shape_cast %get3A_1445 : vector<1x16xf32> to vector<16xf32>
      %gt3A_1447 = arith.cmpf ogt, %get3A_1446, %get3A_1429 : vector<16xf32>
      %select_n3A_1448 = arith.select %gt3A_1447, %get3A_1446, %get3A_1429 : vector<16xi1>, vector<16xf32>
      %select_n3A_1449 = arith.select %gt3A_1447, %add3A_1435, %get3A_1433 : vector<16xi1>, vector<16xi32>
      %add3A_1450 = arith.constant 16 : i32
      %add3A_1451 = vector.broadcast %add3A_1450 : i32 to vector<16xi32>
      %add3A_1452 = arith.addi %add3A_1435, %add3A_1451 : vector<16xi32>
      %scan3A_1453 = arith.constant 1 : i32
      %swap3A_1454 = arith.index_cast %scan3A_1424 : i32 to index
      %swap3A_1455 = arith.constant 0 : index
      %swap3A_1456 = tpu.vector_load %arg8[%swap3A_1454, %swap3A_1455] {strides = array<i32>} : memref<8x128xf32, #tpu.memory_space<vmem>>, vector<1x16xf32>,
      %swap3A_1457 = vector.shape_cast %swap3A_1456 : vector<1x16xf32> to vector<16xf32>
      %swap3A_1458 = vector.shape_cast %select_n3A_1448 : vector<16xf32> to vector<1x16xf32>
      tpu.vector_store %arg8[%swap3A_1454, %swap3A_1455], %swap3A_1458 {strides = array<i32>} : memref<8x128xf32, #tpu.memory_space<vmem>>, vector<1x16xf32>,
      %swap3A_1459 = arith.index_cast %scan3A_1424 : i32 to index
      %swap3A_1460 = arith.constant 0 : index
      %swap3A_1461 = tpu.vector_load %arg9[%swap3A_1459, %swap3A_1460] {strides = array<i32>} : memref<8x128xi32, #tpu.memory_space<vmem>>, vector<1x16xi32>,
      %swap3A_1462 = vector.shape_cast %swap3A_1461 : vector<1x16xi32> to vector<16xi32>
      %swap3A_1463 = vector.shape_cast %select_n3A_1449 : vector<16xi32> to vector<1x16xi32>
      tpu.vector_store %arg9[%swap3A_1459, %swap3A_1460], %swap3A_1463 {strides = array<i32>} : memref<8x128xi32, #tpu.memory_space<vmem>>, vector<1x16xi32>,
      %scan3A_1464 = arith.constant 0 : i32
      scf.yield %scan3A_1464 : i32
    }
    %scan3A_357 = arith.constant 8 : i32
    %add3A_358 = arith.constant 92160 : i32
    %add3A_359 = arith.addi %mul3A_34, %add3A_358 : i32
    %dma_start3A_360 = tpu.memref_slice %arg2[%mul3A_32, %add3A_359] : memref<64x1000000xf32, #tpu.memory_space<hbm>> -> memref<8x6144xf32, #tpu.memory_space<hbm>>
    %dma_start3A_361 = tpu.memref_slice %arg2[%mul3A_32, %add3A_359] : memref<64x1000000xf32, #tpu.memory_space<hbm>> -> memref<8x6144xf32, #tpu.memory_space<hbm>>
    tpu.enqueue_dma source(%dma_start3A_361 : memref<8x6144xf32, #tpu.memory_space<hbm>>) target(%arg6 : memref<8x6144xf32, #tpu.memory_space<vmem>>) target_semaphore(%arg17 : memref<!tpu.dma_semaphore, #tpu.memory_space<semaphore_mem>>)
    %dma_wait3A_362 = tpu.memref_slice %arg2[%mul3A_32, %add3A_344] : memref<64x1000000xf32, #tpu.memory_space<hbm>> -> memref<8x6144xf32, #tpu.memory_space<hbm>>
    %dma_wait3A_363 = tpu.memref_slice %arg2[%mul3A_32, %add3A_344] : memref<64x1000000xf32, #tpu.memory_space<hbm>> -> memref<8x6144xf32, #tpu.memory_space<hbm>>
    tpu.wait_dma2 semaphore(%arg16 : memref<!tpu.dma_semaphore, #tpu.memory_space<semaphore_mem>>) src(%dma_wait3A_363 : memref<8x6144xf32, #tpu.memory_space<hbm>>) dst(%arg5 : memref<8x6144xf32, #tpu.memory_space<vmem>>)
    %add3A_364 = arith.constant 86016 : i32
    %add3A_365 = arith.addi %mul3A_34, %add3A_364 : i32
    %scan3A_366 = arith.constant 0 : i32
    %scan3A_367 = arith.constant 0 : i32
    %scan3A_368 = arith.constant 8 : i32
    %scan3A_369 = arith.addi %scan3A_367, %scan3A_368 : i32
    %scan3A_370 = arith.constant 1 : i32
    %scan3A_371 = scf.for %scan3A_1424 = %scan3A_367 to %scan3A_369 step %scan3A_370 iter_args(%scan3A_1425 = %scan3A_366) -> (i32)  : i32 {
      %get3A_1426 = arith.index_cast %scan3A_1424 : i32 to index
      %get3A_1427 = arith.constant 0 : index
      %get3A_1428 = tpu.vector_load %arg8[%get3A_1426, %get3A_1427] {strides = array<i32>} : memref<8x128xf32, #tpu.memory_space<vmem>>, vector<1x16xf32>,
      %get3A_1429 = vector.shape_cast %get3A_1428 : vector<1x16xf32> to vector<16xf32>
      %get3A_1430 = arith.index_cast %scan3A_1424 : i32 to index
      %get3A_1431 = arith.constant 0 : index
      %get3A_1432 = tpu.vector_load %arg9[%get3A_1430, %get3A_1431] {strides = array<i32>} : memref<8x128xi32, #tpu.memory_space<vmem>>, vector<1x16xi32>,
      %get3A_1433 = vector.shape_cast %get3A_1432 : vector<1x16xi32> to vector<16xi32>
      %add3A_1434 = vector.broadcast %add3A_365 : i32 to vector<16xi32>
      %add3A_1435 = arith.addi %add3A_1434, %iota3A : vector<16xi32>
      %scan3A_1436 = arith.constant 0 : i32
      %scan3A_1437 = arith.constant 0 : i32
      %scan3A_1438 = arith.addi %scan3A_1436, %scan3A_1437 : i32
      %scan3A_1439 = arith.constant 0 : i32
      %scan3A_1440 = arith.addi %scan3A_1436, %scan3A_1439 : i32
      %mul3A_1441 = arith.constant 16 : i32
      %mul3A_1442 = arith.muli %scan3A_1440, %mul3A_1441 : i32
      %get3A_1443 = arith.index_cast %scan3A_1424 : i32 to index
      %get3A_1444 = arith.index_cast %mul3A_1442 : i32 to index
      %get3A_1445 = tpu.vector_load %arg5[%get3A_1443, %get3A_1444] {strides = array<i32>} : memref<8x6144xf32, #tpu.memory_space<vmem>>, vector<1x16xf32>,
      %get3A_1446 = vector.shape_cast %get3A_1445 : vector<1x16xf32> to vector<16xf32>
      %gt3A_1447 = arith.cmpf ogt, %get3A_1446, %get3A_1429 : vector<16xf32>
      %select_n3A_1448 = arith.select %gt3A_1447, %get3A_1446, %get3A_1429 : vector<16xi1>, vector<16xf32>
      %select_n3A_1449 = arith.select %gt3A_1447, %add3A_1435, %get3A_1433 : vector<16xi1>, vector<16xi32>
      %add3A_1450 = arith.constant 16 : i32
      %add3A_1451 = vector.broadcast %add3A_1450 : i32 to vector<16xi32>
      %add3A_1452 = arith.addi %add3A_1435, %add3A_1451 : vector<16xi32>
      %scan3A_1453 = arith.constant 1 : i32
      %swap3A_1454 = arith.index_cast %scan3A_1424 : i32 to index
      %swap3A_1455 = arith.constant 0 : index
      %swap3A_1456 = tpu.vector_load %arg8[%swap3A_1454, %swap3A_1455] {strides = array<i32>} : memref<8x128xf32, #tpu.memory_space<vmem>>, vector<1x16xf32>,
      %swap3A_1457 = vector.shape_cast %swap3A_1456 : vector<1x16xf32> to vector<16xf32>
      %swap3A_1458 = vector.shape_cast %select_n3A_1448 : vector<16xf32> to vector<1x16xf32>
      tpu.vector_store %arg8[%swap3A_1454, %swap3A_1455], %swap3A_1458 {strides = array<i32>} : memref<8x128xf32, #tpu.memory_space<vmem>>, vector<1x16xf32>,
      %swap3A_1459 = arith.index_cast %scan3A_1424 : i32 to index
      %swap3A_1460 = arith.constant 0 : index
      %swap3A_1461 = tpu.vector_load %arg9[%swap3A_1459, %swap3A_1460] {strides = array<i32>} : memref<8x128xi32, #tpu.memory_space<vmem>>, vector<1x16xi32>,
      %swap3A_1462 = vector.shape_cast %swap3A_1461 : vector<1x16xi32> to vector<16xi32>
      %swap3A_1463 = vector.shape_cast %select_n3A_1449 : vector<16xi32> to vector<1x16xi32>
      tpu.vector_store %arg9[%swap3A_1459, %swap3A_1460], %swap3A_1463 {strides = array<i32>} : memref<8x128xi32, #tpu.memory_space<vmem>>, vector<1x16xi32>,
      %scan3A_1464 = arith.constant 0 : i32
      scf.yield %scan3A_1464 : i32
    }
    %scan3A_372 = arith.constant 8 : i32
    %add3A_373 = arith.constant 98304 : i32
    %add3A_374 = arith.addi %mul3A_34, %add3A_373 : i32
    %dma_start3A_375 = tpu.memref_slice %arg2[%mul3A_32, %add3A_374] : memref<64x1000000xf32, #tpu.memory_space<hbm>> -> memref<8x6144xf32, #tpu.memory_space<hbm>>
    %dma_start3A_376 = tpu.memref_slice %arg2[%mul3A_32, %add3A_374] : memref<64x1000000xf32, #tpu.memory_space<hbm>> -> memref<8x6144xf32, #tpu.memory_space<hbm>>
    tpu.enqueue_dma source(%dma_start3A_376 : memref<8x6144xf32, #tpu.memory_space<hbm>>) target(%arg5 : memref<8x6144xf32, #tpu.memory_space<vmem>>) target_semaphore(%arg16 : memref<!tpu.dma_semaphore, #tpu.memory_space<semaphore_mem>>)
    %dma_wait3A_377 = tpu.memref_slice %arg2[%mul3A_32, %add3A_359] : memref<64x1000000xf32, #tpu.memory_space<hbm>> -> memref<8x6144xf32, #tpu.memory_space<hbm>>
    %dma_wait3A_378 = tpu.memref_slice %arg2[%mul3A_32, %add3A_359] : memref<64x1000000xf32, #tpu.memory_space<hbm>> -> memref<8x6144xf32, #tpu.memory_space<hbm>>
    tpu.wait_dma2 semaphore(%arg17 : memref<!tpu.dma_semaphore, #tpu.memory_space<semaphore_mem>>) src(%dma_wait3A_378 : memref<8x6144xf32, #tpu.memory_space<hbm>>) dst(%arg6 : memref<8x6144xf32, #tpu.memory_space<vmem>>)
    %add3A_379 = arith.constant 92160 : i32
    %add3A_380 = arith.addi %mul3A_34, %add3A_379 : i32
    %scan3A_381 = arith.constant 0 : i32
    %scan3A_382 = arith.constant 0 : i32
    %scan3A_383 = arith.constant 8 : i32
    %scan3A_384 = arith.addi %scan3A_382, %scan3A_383 : i32
    %scan3A_385 = arith.constant 1 : i32
    %scan3A_386 = scf.for %scan3A_1424 = %scan3A_382 to %scan3A_384 step %scan3A_385 iter_args(%scan3A_1425 = %scan3A_381) -> (i32)  : i32 {
      %get3A_1426 = arith.index_cast %scan3A_1424 : i32 to index
      %get3A_1427 = arith.constant 0 : index
      %get3A_1428 = tpu.vector_load %arg8[%get3A_1426, %get3A_1427] {strides = array<i32>} : memref<8x128xf32, #tpu.memory_space<vmem>>, vector<1x16xf32>,
      %get3A_1429 = vector.shape_cast %get3A_1428 : vector<1x16xf32> to vector<16xf32>
      %get3A_1430 = arith.index_cast %scan3A_1424 : i32 to index
      %get3A_1431 = arith.constant 0 : index
      %get3A_1432 = tpu.vector_load %arg9[%get3A_1430, %get3A_1431] {strides = array<i32>} : memref<8x128xi32, #tpu.memory_space<vmem>>, vector<1x16xi32>,
      %get3A_1433 = vector.shape_cast %get3A_1432 : vector<1x16xi32> to vector<16xi32>
      %add3A_1434 = vector.broadcast %add3A_380 : i32 to vector<16xi32>
      %add3A_1435 = arith.addi %add3A_1434, %iota3A : vector<16xi32>
      %scan3A_1436 = arith.constant 0 : i32
      %scan3A_1437 = arith.constant 0 : i32
      %scan3A_1438 = arith.addi %scan3A_1436, %scan3A_1437 : i32
      %scan3A_1439 = arith.constant 0 : i32
      %scan3A_1440 = arith.addi %scan3A_1436, %scan3A_1439 : i32
      %mul3A_1441 = arith.constant 16 : i32
      %mul3A_1442 = arith.muli %scan3A_1440, %mul3A_1441 : i32
      %get3A_1443 = arith.index_cast %scan3A_1424 : i32 to index
      %get3A_1444 = arith.index_cast %mul3A_1442 : i32 to index
      %get3A_1445 = tpu.vector_load %arg6[%get3A_1443, %get3A_1444] {strides = array<i32>} : memref<8x6144xf32, #tpu.memory_space<vmem>>, vector<1x16xf32>,
      %get3A_1446 = vector.shape_cast %get3A_1445 : vector<1x16xf32> to vector<16xf32>
      %gt3A_1447 = arith.cmpf ogt, %get3A_1446, %get3A_1429 : vector<16xf32>
      %select_n3A_1448 = arith.select %gt3A_1447, %get3A_1446, %get3A_1429 : vector<16xi1>, vector<16xf32>
      %select_n3A_1449 = arith.select %gt3A_1447, %add3A_1435, %get3A_1433 : vector<16xi1>, vector<16xi32>
      %add3A_1450 = arith.constant 16 : i32
      %add3A_1451 = vector.broadcast %add3A_1450 : i32 to vector<16xi32>
      %add3A_1452 = arith.addi %add3A_1435, %add3A_1451 : vector<16xi32>
      %scan3A_1453 = arith.constant 1 : i32
      %swap3A_1454 = arith.index_cast %scan3A_1424 : i32 to index
      %swap3A_1455 = arith.constant 0 : index
      %swap3A_1456 = tpu.vector_load %arg8[%swap3A_1454, %swap3A_1455] {strides = array<i32>} : memref<8x128xf32, #tpu.memory_space<vmem>>, vector<1x16xf32>,
      %swap3A_1457 = vector.shape_cast %swap3A_1456 : vector<1x16xf32> to vector<16xf32>
      %swap3A_1458 = vector.shape_cast %select_n3A_1448 : vector<16xf32> to vector<1x16xf32>
      tpu.vector_store %arg8[%swap3A_1454, %swap3A_1455], %swap3A_1458 {strides = array<i32>} : memref<8x128xf32, #tpu.memory_space<vmem>>, vector<1x16xf32>,
      %swap3A_1459 = arith.index_cast %scan3A_1424 : i32 to index
      %swap3A_1460 = arith.constant 0 : index
      %swap3A_1461 = tpu.vector_load %arg9[%swap3A_1459, %swap3A_1460] {strides = array<i32>} : memref<8x128xi32, #tpu.memory_space<vmem>>, vector<1x16xi32>,
      %swap3A_1462 = vector.shape_cast %swap3A_1461 : vector<1x16xi32> to vector<16xi32>
      %swap3A_1463 = vector.shape_cast %select_n3A_1449 : vector<16xi32> to vector<1x16xi32>
      tpu.vector_store %arg9[%swap3A_1459, %swap3A_1460], %swap3A_1463 {strides = array<i32>} : memref<8x128xi32, #tpu.memory_space<vmem>>, vector<1x16xi32>,
      %scan3A_1464 = arith.constant 0 : i32
      scf.yield %scan3A_1464 : i32
    }
    %scan3A_387 = arith.constant 8 : i32
    %add3A_388 = arith.constant 104448 : i32
    %add3A_389 = arith.addi %mul3A_34, %add3A_388 : i32
    %dma_start3A_390 = tpu.memref_slice %arg2[%mul3A_32, %add3A_389] : memref<64x1000000xf32, #tpu.memory_space<hbm>> -> memref<8x6144xf32, #tpu.memory_space<hbm>>
    %dma_start3A_391 = tpu.memref_slice %arg2[%mul3A_32, %add3A_389] : memref<64x1000000xf32, #tpu.memory_space<hbm>> -> memref<8x6144xf32, #tpu.memory_space<hbm>>
    tpu.enqueue_dma source(%dma_start3A_391 : memref<8x6144xf32, #tpu.memory_space<hbm>>) target(%arg6 : memref<8x6144xf32, #tpu.memory_space<vmem>>) target_semaphore(%arg17 : memref<!tpu.dma_semaphore, #tpu.memory_space<semaphore_mem>>)
    %dma_wait3A_392 = tpu.memref_slice %arg2[%mul3A_32, %add3A_374] : memref<64x1000000xf32, #tpu.memory_space<hbm>> -> memref<8x6144xf32, #tpu.memory_space<hbm>>
    %dma_wait3A_393 = tpu.memref_slice %arg2[%mul3A_32, %add3A_374] : memref<64x1000000xf32, #tpu.memory_space<hbm>> -> memref<8x6144xf32, #tpu.memory_space<hbm>>
    tpu.wait_dma2 semaphore(%arg16 : memref<!tpu.dma_semaphore, #tpu.memory_space<semaphore_mem>>) src(%dma_wait3A_393 : memref<8x6144xf32, #tpu.memory_space<hbm>>) dst(%arg5 : memref<8x6144xf32, #tpu.memory_space<vmem>>)
    %add3A_394 = arith.constant 98304 : i32
    %add3A_395 = arith.addi %mul3A_34, %add3A_394 : i32
    %scan3A_396 = arith.constant 0 : i32
    %scan3A_397 = arith.constant 0 : i32
    %scan3A_398 = arith.constant 8 : i32
    %scan3A_399 = arith.addi %scan3A_397, %scan3A_398 : i32
    %scan3A_400 = arith.constant 1 : i32
    %scan3A_401 = scf.for %scan3A_1424 = %scan3A_397 to %scan3A_399 step %scan3A_400 iter_args(%scan3A_1425 = %scan3A_396) -> (i32)  : i32 {
      %get3A_1426 = arith.index_cast %scan3A_1424 : i32 to index
      %get3A_1427 = arith.constant 0 : index
      %get3A_1428 = tpu.vector_load %arg8[%get3A_1426, %get3A_1427] {strides = array<i32>} : memref<8x128xf32, #tpu.memory_space<vmem>>, vector<1x16xf32>,
      %get3A_1429 = vector.shape_cast %get3A_1428 : vector<1x16xf32> to vector<16xf32>
      %get3A_1430 = arith.index_cast %scan3A_1424 : i32 to index
      %get3A_1431 = arith.constant 0 : index
      %get3A_1432 = tpu.vector_load %arg9[%get3A_1430, %get3A_1431] {strides = array<i32>} : memref<8x128xi32, #tpu.memory_space<vmem>>, vector<1x16xi32>,
      %get3A_1433 = vector.shape_cast %get3A_1432 : vector<1x16xi32> to vector<16xi32>
      %add3A_1434 = vector.broadcast %add3A_395 : i32 to vector<16xi32>
      %add3A_1435 = arith.addi %add3A_1434, %iota3A : vector<16xi32>
      %scan3A_1436 = arith.constant 0 : i32
      %scan3A_1437 = arith.constant 0 : i32
      %scan3A_1438 = arith.addi %scan3A_1436, %scan3A_1437 : i32
      %scan3A_1439 = arith.constant 0 : i32
      %scan3A_1440 = arith.addi %scan3A_1436, %scan3A_1439 : i32
      %mul3A_1441 = arith.constant 16 : i32
      %mul3A_1442 = arith.muli %scan3A_1440, %mul3A_1441 : i32
      %get3A_1443 = arith.index_cast %scan3A_1424 : i32 to index
      %get3A_1444 = arith.index_cast %mul3A_1442 : i32 to index
      %get3A_1445 = tpu.vector_load %arg5[%get3A_1443, %get3A_1444] {strides = array<i32>} : memref<8x6144xf32, #tpu.memory_space<vmem>>, vector<1x16xf32>,
      %get3A_1446 = vector.shape_cast %get3A_1445 : vector<1x16xf32> to vector<16xf32>
      %gt3A_1447 = arith.cmpf ogt, %get3A_1446, %get3A_1429 : vector<16xf32>
      %select_n3A_1448 = arith.select %gt3A_1447, %get3A_1446, %get3A_1429 : vector<16xi1>, vector<16xf32>
      %select_n3A_1449 = arith.select %gt3A_1447, %add3A_1435, %get3A_1433 : vector<16xi1>, vector<16xi32>
      %add3A_1450 = arith.constant 16 : i32
      %add3A_1451 = vector.broadcast %add3A_1450 : i32 to vector<16xi32>
      %add3A_1452 = arith.addi %add3A_1435, %add3A_1451 : vector<16xi32>
      %scan3A_1453 = arith.constant 1 : i32
      %swap3A_1454 = arith.index_cast %scan3A_1424 : i32 to index
      %swap3A_1455 = arith.constant 0 : index
      %swap3A_1456 = tpu.vector_load %arg8[%swap3A_1454, %swap3A_1455] {strides = array<i32>} : memref<8x128xf32, #tpu.memory_space<vmem>>, vector<1x16xf32>,
      %swap3A_1457 = vector.shape_cast %swap3A_1456 : vector<1x16xf32> to vector<16xf32>
      %swap3A_1458 = vector.shape_cast %select_n3A_1448 : vector<16xf32> to vector<1x16xf32>
      tpu.vector_store %arg8[%swap3A_1454, %swap3A_1455], %swap3A_1458 {strides = array<i32>} : memref<8x128xf32, #tpu.memory_space<vmem>>, vector<1x16xf32>,
      %swap3A_1459 = arith.index_cast %scan3A_1424 : i32 to index
      %swap3A_1460 = arith.constant 0 : index
      %swap3A_1461 = tpu.vector_load %arg9[%swap3A_1459, %swap3A_1460] {strides = array<i32>} : memref<8x128xi32, #tpu.memory_space<vmem>>, vector<1x16xi32>,
      %swap3A_1462 = vector.shape_cast %swap3A_1461 : vector<1x16xi32> to vector<16xi32>
      %swap3A_1463 = vector.shape_cast %select_n3A_1449 : vector<16xi32> to vector<1x16xi32>
      tpu.vector_store %arg9[%swap3A_1459, %swap3A_1460], %swap3A_1463 {strides = array<i32>} : memref<8x128xi32, #tpu.memory_space<vmem>>, vector<1x16xi32>,
      %scan3A_1464 = arith.constant 0 : i32
      scf.yield %scan3A_1464 : i32
    }
    %scan3A_402 = arith.constant 8 : i32
    %add3A_403 = arith.constant 110592 : i32
    %add3A_404 = arith.addi %mul3A_34, %add3A_403 : i32
    %dma_start3A_405 = tpu.memref_slice %arg2[%mul3A_32, %add3A_404] : memref<64x1000000xf32, #tpu.memory_space<hbm>> -> memref<8x6144xf32, #tpu.memory_space<hbm>>
    %dma_start3A_406 = tpu.memref_slice %arg2[%mul3A_32, %add3A_404] : memref<64x1000000xf32, #tpu.memory_space<hbm>> -> memref<8x6144xf32, #tpu.memory_space<hbm>>
    tpu.enqueue_dma source(%dma_start3A_406 : memref<8x6144xf32, #tpu.memory_space<hbm>>) target(%arg5 : memref<8x6144xf32, #tpu.memory_space<vmem>>) target_semaphore(%arg16 : memref<!tpu.dma_semaphore, #tpu.memory_space<semaphore_mem>>)
    %dma_wait3A_407 = tpu.memref_slice %arg2[%mul3A_32, %add3A_389] : memref<64x1000000xf32, #tpu.memory_space<hbm>> -> memref<8x6144xf32, #tpu.memory_space<hbm>>
    %dma_wait3A_408 = tpu.memref_slice %arg2[%mul3A_32, %add3A_389] : memref<64x1000000xf32, #tpu.memory_space<hbm>> -> memref<8x6144xf32, #tpu.memory_space<hbm>>
    tpu.wait_dma2 semaphore(%arg17 : memref<!tpu.dma_semaphore, #tpu.memory_space<semaphore_mem>>) src(%dma_wait3A_408 : memref<8x6144xf32, #tpu.memory_space<hbm>>) dst(%arg6 : memref<8x6144xf32, #tpu.memory_space<vmem>>)
    %add3A_409 = arith.constant 104448 : i32
    %add3A_410 = arith.addi %mul3A_34, %add3A_409 : i32
    %scan3A_411 = arith.constant 0 : i32
    %scan3A_412 = arith.constant 0 : i32
    %scan3A_413 = arith.constant 8 : i32
    %scan3A_414 = arith.addi %scan3A_412, %scan3A_413 : i32
    %scan3A_415 = arith.constant 1 : i32
    %scan3A_416 = scf.for %scan3A_1424 = %scan3A_412 to %scan3A_414 step %scan3A_415 iter_args(%scan3A_1425 = %scan3A_411) -> (i32)  : i32 {
      %get3A_1426 = arith.index_cast %scan3A_1424 : i32 to index
      %get3A_1427 = arith.constant 0 : index
      %get3A_1428 = tpu.vector_load %arg8[%get3A_1426, %get3A_1427] {strides = array<i32>} : memref<8x128xf32, #tpu.memory_space<vmem>>, vector<1x16xf32>,
      %get3A_1429 = vector.shape_cast %get3A_1428 : vector<1x16xf32> to vector<16xf32>
      %get3A_1430 = arith.index_cast %scan3A_1424 : i32 to index
      %get3A_1431 = arith.constant 0 : index
      %get3A_1432 = tpu.vector_load %arg9[%get3A_1430, %get3A_1431] {strides = array<i32>} : memref<8x128xi32, #tpu.memory_space<vmem>>, vector<1x16xi32>,
      %get3A_1433 = vector.shape_cast %get3A_1432 : vector<1x16xi32> to vector<16xi32>
      %add3A_1434 = vector.broadcast %add3A_410 : i32 to vector<16xi32>
      %add3A_1435 = arith.addi %add3A_1434, %iota3A : vector<16xi32>
      %scan3A_1436 = arith.constant 0 : i32
      %scan3A_1437 = arith.constant 0 : i32
      %scan3A_1438 = arith.addi %scan3A_1436, %scan3A_1437 : i32
      %scan3A_1439 = arith.constant 0 : i32
      %scan3A_1440 = arith.addi %scan3A_1436, %scan3A_1439 : i32
      %mul3A_1441 = arith.constant 16 : i32
      %mul3A_1442 = arith.muli %scan3A_1440, %mul3A_1441 : i32
      %get3A_1443 = arith.index_cast %scan3A_1424 : i32 to index
      %get3A_1444 = arith.index_cast %mul3A_1442 : i32 to index
      %get3A_1445 = tpu.vector_load %arg6[%get3A_1443, %get3A_1444] {strides = array<i32>} : memref<8x6144xf32, #tpu.memory_space<vmem>>, vector<1x16xf32>,
      %get3A_1446 = vector.shape_cast %get3A_1445 : vector<1x16xf32> to vector<16xf32>
      %gt3A_1447 = arith.cmpf ogt, %get3A_1446, %get3A_1429 : vector<16xf32>
      %select_n3A_1448 = arith.select %gt3A_1447, %get3A_1446, %get3A_1429 : vector<16xi1>, vector<16xf32>
      %select_n3A_1449 = arith.select %gt3A_1447, %add3A_1435, %get3A_1433 : vector<16xi1>, vector<16xi32>
      %add3A_1450 = arith.constant 16 : i32
      %add3A_1451 = vector.broadcast %add3A_1450 : i32 to vector<16xi32>
      %add3A_1452 = arith.addi %add3A_1435, %add3A_1451 : vector<16xi32>
      %scan3A_1453 = arith.constant 1 : i32
      %swap3A_1454 = arith.index_cast %scan3A_1424 : i32 to index
      %swap3A_1455 = arith.constant 0 : index
      %swap3A_1456 = tpu.vector_load %arg8[%swap3A_1454, %swap3A_1455] {strides = array<i32>} : memref<8x128xf32, #tpu.memory_space<vmem>>, vector<1x16xf32>,
      %swap3A_1457 = vector.shape_cast %swap3A_1456 : vector<1x16xf32> to vector<16xf32>
      %swap3A_1458 = vector.shape_cast %select_n3A_1448 : vector<16xf32> to vector<1x16xf32>
      tpu.vector_store %arg8[%swap3A_1454, %swap3A_1455], %swap3A_1458 {strides = array<i32>} : memref<8x128xf32, #tpu.memory_space<vmem>>, vector<1x16xf32>,
      %swap3A_1459 = arith.index_cast %scan3A_1424 : i32 to index
      %swap3A_1460 = arith.constant 0 : index
      %swap3A_1461 = tpu.vector_load %arg9[%swap3A_1459, %swap3A_1460] {strides = array<i32>} : memref<8x128xi32, #tpu.memory_space<vmem>>, vector<1x16xi32>,
      %swap3A_1462 = vector.shape_cast %swap3A_1461 : vector<1x16xi32> to vector<16xi32>
      %swap3A_1463 = vector.shape_cast %select_n3A_1449 : vector<16xi32> to vector<1x16xi32>
      tpu.vector_store %arg9[%swap3A_1459, %swap3A_1460], %swap3A_1463 {strides = array<i32>} : memref<8x128xi32, #tpu.memory_space<vmem>>, vector<1x16xi32>,
      %scan3A_1464 = arith.constant 0 : i32
      scf.yield %scan3A_1464 : i32
    }
    %scan3A_417 = arith.constant 8 : i32
    %dma_wait3A_418 = tpu.memref_slice %arg2[%mul3A_32, %add3A_404] : memref<64x1000000xf32, #tpu.memory_space<hbm>> -> memref<8x6144xf32, #tpu.memory_space<hbm>>
    %dma_wait3A_419 = tpu.memref_slice %arg2[%mul3A_32, %add3A_404] : memref<64x1000000xf32, #tpu.memory_space<hbm>> -> memref<8x6144xf32, #tpu.memory_space<hbm>>
    tpu.wait_dma2 semaphore(%arg16 : memref<!tpu.dma_semaphore, #tpu.memory_space<semaphore_mem>>) src(%dma_wait3A_419 : memref<8x6144xf32, #tpu.memory_space<hbm>>) dst(%arg5 : memref<8x6144xf32, #tpu.memory_space<vmem>>)
    %add3A_420 = arith.constant 110592 : i32
    %add3A_421 = arith.addi %mul3A_34, %add3A_420 : i32
    %scan3A_422 = arith.constant 0 : i32
    %scan3A_423 = arith.constant 0 : i32
    %scan3A_424 = arith.constant 8 : i32
    %scan3A_425 = arith.addi %scan3A_423, %scan3A_424 : i32
    %scan3A_426 = arith.constant 1 : i32
    %scan3A_427 = scf.for %scan3A_1424 = %scan3A_423 to %scan3A_425 step %scan3A_426 iter_args(%scan3A_1425 = %scan3A_422) -> (i32)  : i32 {
      %get3A_1426 = arith.index_cast %scan3A_1424 : i32 to index
      %get3A_1427 = arith.constant 0 : index
      %get3A_1428 = tpu.vector_load %arg8[%get3A_1426, %get3A_1427] {strides = array<i32>} : memref<8x128xf32, #tpu.memory_space<vmem>>, vector<1x16xf32>,
      %get3A_1429 = vector.shape_cast %get3A_1428 : vector<1x16xf32> to vector<16xf32>
      %get3A_1430 = arith.index_cast %scan3A_1424 : i32 to index
      %get3A_1431 = arith.constant 0 : index
      %get3A_1432 = tpu.vector_load %arg9[%get3A_1430, %get3A_1431] {strides = array<i32>} : memref<8x128xi32, #tpu.memory_space<vmem>>, vector<1x16xi32>,
      %get3A_1433 = vector.shape_cast %get3A_1432 : vector<1x16xi32> to vector<16xi32>
      %add3A_1434 = vector.broadcast %add3A_421 : i32 to vector<16xi32>
      %add3A_1435 = arith.addi %add3A_1434, %iota3A : vector<16xi32>
      %scan3A_1436 = arith.constant 0 : i32
      %scan3A_1437 = arith.constant 0 : i32
      %scan3A_1438 = arith.addi %scan3A_1436, %scan3A_1437 : i32
      %scan3A_1439 = arith.constant 0 : i32
      %scan3A_1440 = arith.addi %scan3A_1436, %scan3A_1439 : i32
      %mul3A_1441 = arith.constant 16 : i32
      %mul3A_1442 = arith.muli %scan3A_1440, %mul3A_1441 : i32
      %get3A_1443 = arith.index_cast %scan3A_1424 : i32 to index
      %get3A_1444 = arith.index_cast %mul3A_1442 : i32 to index
      %get3A_1445 = tpu.vector_load %arg5[%get3A_1443, %get3A_1444] {strides = array<i32>} : memref<8x6144xf32, #tpu.memory_space<vmem>>, vector<1x16xf32>,
      %get3A_1446 = vector.shape_cast %get3A_1445 : vector<1x16xf32> to vector<16xf32>
      %gt3A_1447 = arith.cmpf ogt, %get3A_1446, %get3A_1429 : vector<16xf32>
      %select_n3A_1448 = arith.select %gt3A_1447, %get3A_1446, %get3A_1429 : vector<16xi1>, vector<16xf32>
      %select_n3A_1449 = arith.select %gt3A_1447, %add3A_1435, %get3A_1433 : vector<16xi1>, vector<16xi32>
      %add3A_1450 = arith.constant 16 : i32
      %add3A_1451 = vector.broadcast %add3A_1450 : i32 to vector<16xi32>
      %add3A_1452 = arith.addi %add3A_1435, %add3A_1451 : vector<16xi32>
      %scan3A_1453 = arith.constant 1 : i32
      %swap3A_1454 = arith.index_cast %scan3A_1424 : i32 to index
      %swap3A_1455 = arith.constant 0 : index
      %swap3A_1456 = tpu.vector_load %arg8[%swap3A_1454, %swap3A_1455] {strides = array<i32>} : memref<8x128xf32, #tpu.memory_space<vmem>>, vector<1x16xf32>,
      %swap3A_1457 = vector.shape_cast %swap3A_1456 : vector<1x16xf32> to vector<16xf32>
      %swap3A_1458 = vector.shape_cast %select_n3A_1448 : vector<16xf32> to vector<1x16xf32>
      tpu.vector_store %arg8[%swap3A_1454, %swap3A_1455], %swap3A_1458 {strides = array<i32>} : memref<8x128xf32, #tpu.memory_space<vmem>>, vector<1x16xf32>,
      %swap3A_1459 = arith.index_cast %scan3A_1424 : i32 to index
      %swap3A_1460 = arith.constant 0 : index
      %swap3A_1461 = tpu.vector_load %arg9[%swap3A_1459, %swap3A_1460] {strides = array<i32>} : memref<8x128xi32, #tpu.memory_space<vmem>>, vector<1x16xi32>,
      %swap3A_1462 = vector.shape_cast %swap3A_1461 : vector<1x16xi32> to vector<16xi32>
      %swap3A_1463 = vector.shape_cast %select_n3A_1449 : vector<16xi32> to vector<1x16xi32>
      tpu.vector_store %arg9[%swap3A_1459, %swap3A_1460], %swap3A_1463 {strides = array<i32>} : memref<8x128xi32, #tpu.memory_space<vmem>>, vector<1x16xi32>,
      %scan3A_1464 = arith.constant 0 : i32
      scf.yield %scan3A_1464 : i32
    }
    %scan3A_428 = arith.constant 8 : i32
    %eq3A_429 = arith.constant 3 : i32
    %eq3A_430 = arith.cmpi eq, %select_n3A_30, %eq3A_429 : i32
    %convert_element_type3A = arith.extui %eq3A_430 : i1 to i32
    %cond3A = arith.constant 0 : i32
    %cond3A_431 = arith.cmpi ne, %convert_element_type3A, %cond3A : i32
    scf.if %cond3A_431 {
      "tpu.region"() ({
        %run_scoped3A = tpu.sem_alloc : memref<!tpu.dma_semaphore, #tpu.memory_space<semaphore_mem>>
        %dma_start3A_1431 = arith.constant 999424 : i32
        %dma_start3A_1432 = tpu.memref_slice %arg2[%mul3A_32, %dma_start3A_1431] : memref<64x1000000xf32, #tpu.memory_space<hbm>> -> memref<8x576xf32, #tpu.memory_space<hbm>>
        %dma_start3A_1433 = arith.constant 999424 : i32
        %dma_start3A_1434 = tpu.memref_slice %arg2[%mul3A_32, %dma_start3A_1433] : memref<64x1000000xf32, #tpu.memory_space<hbm>> -> memref<8x576xf32, #tpu.memory_space<hbm>>
        tpu.enqueue_dma source(%dma_start3A_1434 : memref<8x576xf32, #tpu.memory_space<hbm>>) target(%arg7 : memref<8x576xf32, #tpu.memory_space<vmem>>) target_semaphore(%run_scoped3A : memref<!tpu.dma_semaphore, #tpu.memory_space<semaphore_mem>>)
        %dma_wait3A_1435 = arith.constant 999424 : i32
        %dma_wait3A_1436 = tpu.memref_slice %arg2[%mul3A_32, %dma_wait3A_1435] : memref<64x1000000xf32, #tpu.memory_space<hbm>> -> memref<8x576xf32, #tpu.memory_space<hbm>>
        %dma_wait3A_1437 = arith.constant 999424 : i32
        %dma_wait3A_1438 = tpu.memref_slice %arg2[%mul3A_32, %dma_wait3A_1437] : memref<64x1000000xf32, #tpu.memory_space<hbm>> -> memref<8x576xf32, #tpu.memory_space<hbm>>
        tpu.wait_dma2 semaphore(%run_scoped3A : memref<!tpu.dma_semaphore, #tpu.memory_space<semaphore_mem>>) src(%dma_wait3A_1438 : memref<8x576xf32, #tpu.memory_space<hbm>>) dst(%arg7 : memref<8x576xf32, #tpu.memory_space<vmem>>)
        tpu.yield
      }) : () -> ()
      %scan3A_1424 = arith.constant 0 : i32
      %scan3A_1425 = arith.constant 0 : i32
      %scan3A_1426 = arith.constant 8 : i32
      %scan3A_1427 = arith.addi %scan3A_1425, %scan3A_1426 : i32
      %scan3A_1428 = arith.constant 1 : i32
      %scan3A_1429 = scf.for %scan3A_1431 = %scan3A_1425 to %scan3A_1427 step %scan3A_1428 iter_args(%scan3A_1432 = %scan3A_1424) -> (i32)  : i32 {
        %get3A_1433 = arith.index_cast %scan3A_1431 : i32 to index
        %get3A_1434 = arith.constant 0 : index
        %get3A_1435 = tpu.vector_load %arg8[%get3A_1433, %get3A_1434] {strides = array<i32>} : memref<8x128xf32, #tpu.memory_space<vmem>>, vector<1x16xf32>,
        %get3A_1436 = vector.shape_cast %get3A_1435 : vector<1x16xf32> to vector<16xf32>
        %get3A_1437 = arith.index_cast %scan3A_1431 : i32 to index
        %get3A_1438 = arith.constant 0 : index
        %get3A_1439 = tpu.vector_load %arg9[%get3A_1437, %get3A_1438] {strides = array<i32>} : memref<8x128xi32, #tpu.memory_space<vmem>>, vector<1x16xi32>,
        %get3A_1440 = vector.shape_cast %get3A_1439 : vector<1x16xi32> to vector<16xi32>
        %add3A_1441 = arith.constant 999424 : i32
        %add3A_1442 = vector.broadcast %add3A_1441 : i32 to vector<16xi32>
        %add3A_1443 = arith.addi %add3A_1442, %iota3A : vector<16xi32>
        %scan3A_1444 = arith.constant 0 : i32
        %scan3A_1445 = arith.constant 36 : i32
        %scan3A_1446 = arith.addi %scan3A_1444, %scan3A_1445 : i32
        %scan3A_1447 = arith.constant 1 : i32
        %scan3A_1448:3 = scf.for %scan3A_1461 = %scan3A_1444 to %scan3A_1446 step %scan3A_1447 iter_args(%scan3A_1462 = %get3A_1436, %scan3A_1463 = %get3A_1440, %scan3A_1464 = %add3A_1443) -> (vector<16xf32>, vector<16xi32>, vector<16xi32>)  : i32 {
          %mul3A_1465 = arith.constant 16 : i32
          %mul3A_1466 = arith.muli %scan3A_1461, %mul3A_1465 : i32
          %get3A_1467 = arith.index_cast %scan3A_1431 : i32 to index
          %get3A_1468 = arith.index_cast %mul3A_1466 : i32 to index
          %get3A_1469 = tpu.vector_load %arg7[%get3A_1467, %get3A_1468] {strides = array<i32>} : memref<8x576xf32, #tpu.memory_space<vmem>>, vector<1x16xf32>,
          %get3A_1470 = vector.shape_cast %get3A_1469 : vector<1x16xf32> to vector<16xf32>
          %gt3A_1471 = arith.cmpf ogt, %get3A_1470, %scan3A_1462 : vector<16xf32>
          %select_n3A_1472 = arith.select %gt3A_1471, %get3A_1470, %scan3A_1462 : vector<16xi1>, vector<16xf32>
          %select_n3A_1473 = arith.select %gt3A_1471, %scan3A_1464, %scan3A_1463 : vector<16xi1>, vector<16xi32>
          %add3A_1474 = arith.constant 16 : i32
          %add3A_1475 = vector.broadcast %add3A_1474 : i32 to vector<16xi32>
          %add3A_1476 = arith.addi %scan3A_1464, %add3A_1475 : vector<16xi32>
          scf.yield %select_n3A_1472, %select_n3A_1473, %add3A_1476 : vector<16xf32>, vector<16xi32>, vector<16xi32>
        }
        %scan3A_1449 = arith.constant 36 : i32
        %swap3A_1450 = arith.index_cast %scan3A_1431 : i32 to index
        %swap3A_1451 = arith.constant 0 : index
        %swap3A_1452 = tpu.vector_load %arg8[%swap3A_1450, %swap3A_1451] {strides = array<i32>} : memref<8x128xf32, #tpu.memory_space<vmem>>, vector<1x16xf32>,
        %swap3A_1453 = vector.shape_cast %swap3A_1452 : vector<1x16xf32> to vector<16xf32>
        %swap3A_1454 = vector.shape_cast %scan3A_1448#0 : vector<16xf32> to vector<1x16xf32>
        tpu.vector_store %arg8[%swap3A_1450, %swap3A_1451], %swap3A_1454 {strides = array<i32>} : memref<8x128xf32, #tpu.memory_space<vmem>>, vector<1x16xf32>,
        %swap3A_1455 = arith.index_cast %scan3A_1431 : i32 to index
        %swap3A_1456 = arith.constant 0 : index
        %swap3A_1457 = tpu.vector_load %arg9[%swap3A_1455, %swap3A_1456] {strides = array<i32>} : memref<8x128xi32, #tpu.memory_space<vmem>>, vector<1x16xi32>,
        %swap3A_1458 = vector.shape_cast %swap3A_1457 : vector<1x16xi32> to vector<16xi32>
        %swap3A_1459 = vector.shape_cast %scan3A_1448#1 : vector<16xi32> to vector<1x16xi32>
        tpu.vector_store %arg9[%swap3A_1455, %swap3A_1456], %swap3A_1459 {strides = array<i32>} : memref<8x128xi32, #tpu.memory_space<vmem>>, vector<1x16xi32>,
        %scan3A_1460 = arith.constant 0 : i32
        scf.yield %scan3A_1460 : i32
      }
      %scan3A_1430 = arith.constant 8 : i32
    } else {
    }
    %get3A = arith.constant 0 : i32
    %get3A_432 = arith.index_cast %get3A : i32 to index
    %get3A_433 = arith.constant 0 : index
    %get3A_434 = tpu.vector_load %arg8[%get3A_432, %get3A_433] {strides = array<i32>} : memref<8x128xf32, #tpu.memory_space<vmem>>, vector<1x16xf32>,
    %get3A_435 = vector.shape_cast %get3A_434 : vector<1x16xf32> to vector<16xf32>
    %get3A_436 = arith.constant 0 : i32
    %get3A_437 = arith.index_cast %get3A_436 : i32 to index
    %get3A_438 = arith.constant 0 : index
    %get3A_439 = tpu.vector_load %arg9[%get3A_437, %get3A_438] {strides = array<i32>} : memref<8x128xi32, #tpu.memory_space<vmem>>, vector<1x16xi32>,
    %get3A_440 = vector.shape_cast %get3A_439 : vector<1x16xi32> to vector<16xi32>
    %add3A_441 = arith.constant 8 : i32
    %add3A_442 = vector.broadcast %add3A_441 : i32 to vector<16xi32>
    %add3A_443 = arith.addi %iota3A, %add3A_442 : vector<16xi32>
    %and3A_444 = arith.constant 15 : i32
    %and3A_445 = vector.broadcast %and3A_444 : i32 to vector<16xi32>
    %and3A_446 = arith.andi %add3A_443, %and3A_445 : vector<16xi32>
    %broadcast_in_dim3A_447 = vector.shape_cast %and3A_446 : vector<16xi32> to vector<16x1xi32>
    %gather3A = vector.shape_cast %broadcast_in_dim3A_447 : vector<16x1xi32> to vector<16xi32>
    %gather3A_448 = tpu.dynamic_gather %get3A_435[%gather3A] in [0] : vector<16xf32>, vector<16xi32> -> vector<16xf32>
    %broadcast_in_dim3A_449 = vector.shape_cast %and3A_446 : vector<16xi32> to vector<16x1xi32>
    %gather3A_450 = vector.shape_cast %broadcast_in_dim3A_449 : vector<16x1xi32> to vector<16xi32>
    %gather3A_451 = tpu.dynamic_gather %get3A_440[%gather3A_450] in [0] : vector<16xi32>, vector<16xi32> -> vector<16xi32>
    %gt3A = arith.cmpf ogt, %gather3A_448, %get3A_435 : vector<16xf32>
    %eq3A_452 = arith.cmpf oeq, %gather3A_448, %get3A_435 : vector<16xf32>
    %lt3A_453 = arith.cmpi slt, %gather3A_451, %get3A_440 : vector<16xi32>
    %and3A_454 = arith.andi %eq3A_452, %lt3A_453 : vector<16xi1>
    %or3A = arith.ori %gt3A, %and3A_454 : vector<16xi1>
    %select_n3A_455 = arith.select %or3A, %gather3A_448, %get3A_435 : vector<16xi1>, vector<16xf32>
    %select_n3A_456 = arith.select %or3A, %gather3A_451, %get3A_440 : vector<16xi1>, vector<16xi32>
    %add3A_457 = arith.constant 4 : i32
    %add3A_458 = vector.broadcast %add3A_457 : i32 to vector<16xi32>
    %add3A_459 = arith.addi %iota3A, %add3A_458 : vector<16xi32>
    %and3A_460 = arith.constant 15 : i32
    %and3A_461 = vector.broadcast %and3A_460 : i32 to vector<16xi32>
    %and3A_462 = arith.andi %add3A_459, %and3A_461 : vector<16xi32>
    %broadcast_in_dim3A_463 = vector.shape_cast %and3A_462 : vector<16xi32> to vector<16x1xi32>
    %gather3A_464 = vector.shape_cast %broadcast_in_dim3A_463 : vector<16x1xi32> to vector<16xi32>
    %gather3A_465 = tpu.dynamic_gather %select_n3A_455[%gather3A_464] in [0] : vector<16xf32>, vector<16xi32> -> vector<16xf32>
    %broadcast_in_dim3A_466 = vector.shape_cast %and3A_462 : vector<16xi32> to vector<16x1xi32>
    %gather3A_467 = vector.shape_cast %broadcast_in_dim3A_466 : vector<16x1xi32> to vector<16xi32>
    %gather3A_468 = tpu.dynamic_gather %select_n3A_456[%gather3A_467] in [0] : vector<16xi32>, vector<16xi32> -> vector<16xi32>
    %gt3A_469 = arith.cmpf ogt, %gather3A_465, %select_n3A_455 : vector<16xf32>
    %eq3A_470 = arith.cmpf oeq, %gather3A_465, %select_n3A_455 : vector<16xf32>
    %lt3A_471 = arith.cmpi slt, %gather3A_468, %select_n3A_456 : vector<16xi32>
    %and3A_472 = arith.andi %eq3A_470, %lt3A_471 : vector<16xi1>
    %or3A_473 = arith.ori %gt3A_469, %and3A_472 : vector<16xi1>
    %select_n3A_474 = arith.select %or3A_473, %gather3A_465, %select_n3A_455 : vector<16xi1>, vector<16xf32>
    %select_n3A_475 = arith.select %or3A_473, %gather3A_468, %select_n3A_456 : vector<16xi1>, vector<16xi32>
    %add3A_476 = arith.constant 2 : i32
    %add3A_477 = vector.broadcast %add3A_476 : i32 to vector<16xi32>
    %add3A_478 = arith.addi %iota3A, %add3A_477 : vector<16xi32>
    %and3A_479 = arith.constant 15 : i32
    %and3A_480 = vector.broadcast %and3A_479 : i32 to vector<16xi32>
    %and3A_481 = arith.andi %add3A_478, %and3A_480 : vector<16xi32>
    %broadcast_in_dim3A_482 = vector.shape_cast %and3A_481 : vector<16xi32> to vector<16x1xi32>
    %gather3A_483 = vector.shape_cast %broadcast_in_dim3A_482 : vector<16x1xi32> to vector<16xi32>
    %gather3A_484 = tpu.dynamic_gather %select_n3A_474[%gather3A_483] in [0] : vector<16xf32>, vector<16xi32> -> vector<16xf32>
    %broadcast_in_dim3A_485 = vector.shape_cast %and3A_481 : vector<16xi32> to vector<16x1xi32>
    %gather3A_486 = vector.shape_cast %broadcast_in_dim3A_485 : vector<16x1xi32> to vector<16xi32>
    %gather3A_487 = tpu.dynamic_gather %select_n3A_475[%gather3A_486] in [0] : vector<16xi32>, vector<16xi32> -> vector<16xi32>
    %gt3A_488 = arith.cmpf ogt, %gather3A_484, %select_n3A_474 : vector<16xf32>
    %eq3A_489 = arith.cmpf oeq, %gather3A_484, %select_n3A_474 : vector<16xf32>
    %lt3A_490 = arith.cmpi slt, %gather3A_487, %select_n3A_475 : vector<16xi32>
    %and3A_491 = arith.andi %eq3A_489, %lt3A_490 : vector<16xi1>
    %or3A_492 = arith.ori %gt3A_488, %and3A_491 : vector<16xi1>
    %select_n3A_493 = arith.select %or3A_492, %gather3A_484, %select_n3A_474 : vector<16xi1>, vector<16xf32>
    %select_n3A_494 = arith.select %or3A_492, %gather3A_487, %select_n3A_475 : vector<16xi1>, vector<16xi32>
    %add3A_495 = arith.constant 1 : i32
    %add3A_496 = vector.broadcast %add3A_495 : i32 to vector<16xi32>
    %add3A_497 = arith.addi %iota3A, %add3A_496 : vector<16xi32>
    %and3A_498 = arith.constant 15 : i32
    %and3A_499 = vector.broadcast %and3A_498 : i32 to vector<16xi32>
    %and3A_500 = arith.andi %add3A_497, %and3A_499 : vector<16xi32>
    %broadcast_in_dim3A_501 = vector.shape_cast %and3A_500 : vector<16xi32> to vector<16x1xi32>
    %gather3A_502 = vector.shape_cast %broadcast_in_dim3A_501 : vector<16x1xi32> to vector<16xi32>
    %gather3A_503 = tpu.dynamic_gather %select_n3A_493[%gather3A_502] in [0] : vector<16xf32>, vector<16xi32> -> vector<16xf32>
    %broadcast_in_dim3A_504 = vector.shape_cast %and3A_500 : vector<16xi32> to vector<16x1xi32>
    %gather3A_505 = vector.shape_cast %broadcast_in_dim3A_504 : vector<16x1xi32> to vector<16xi32>
    %gather3A_506 = tpu.dynamic_gather %select_n3A_494[%gather3A_505] in [0] : vector<16xi32>, vector<16xi32> -> vector<16xi32>
    %gt3A_507 = arith.cmpf ogt, %gather3A_503, %select_n3A_493 : vector<16xf32>
    %eq3A_508 = arith.cmpf oeq, %gather3A_503, %select_n3A_493 : vector<16xf32>
    %lt3A_509 = arith.cmpi slt, %gather3A_506, %select_n3A_494 : vector<16xi32>
    %and3A_510 = arith.andi %eq3A_508, %lt3A_509 : vector<16xi1>
    %or3A_511 = arith.ori %gt3A_507, %and3A_510 : vector<16xi1>
    %select_n3A_512 = arith.select %or3A_511, %gather3A_503, %select_n3A_493 : vector<16xi1>, vector<16xf32>
    %select_n3A_513 = arith.select %or3A_511, %gather3A_506, %select_n3A_494 : vector<16xi1>, vector<16xi32>
    %swap3A_514 = arith.constant 0 : i32
    %swap3A_515 = arith.index_cast %swap3A_514 : i32 to index
    %swap3A_516 = arith.constant 0 : index
    %swap3A_517 = tpu.vector_load %arg8[%swap3A_515, %swap3A_516] {strides = array<i32>} : memref<8x128xf32, #tpu.memory_space<vmem>>, vector<1x16xf32>,
    %swap3A_518 = vector.shape_cast %swap3A_517 : vector<1x16xf32> to vector<16xf32>
    %swap3A_519 = vector.shape_cast %select_n3A_512 : vector<16xf32> to vector<1x16xf32>
    tpu.vector_store %arg8[%swap3A_515, %swap3A_516], %swap3A_519 {strides = array<i32>} : memref<8x128xf32, #tpu.memory_space<vmem>>, vector<1x16xf32>,
    %swap3A_520 = arith.constant 0 : i32
    %swap3A_521 = arith.index_cast %swap3A_520 : i32 to index
    %swap3A_522 = arith.constant 0 : index
    %swap3A_523 = tpu.vector_load %arg9[%swap3A_521, %swap3A_522] {strides = array<i32>} : memref<8x128xi32, #tpu.memory_space<vmem>>, vector<1x16xi32>,
    %swap3A_524 = vector.shape_cast %swap3A_523 : vector<1x16xi32> to vector<16xi32>
    %swap3A_525 = vector.shape_cast %select_n3A_513 : vector<16xi32> to vector<1x16xi32>
    tpu.vector_store %arg9[%swap3A_521, %swap3A_522], %swap3A_525 {strides = array<i32>} : memref<8x128xi32, #tpu.memory_space<vmem>>, vector<1x16xi32>,
    %get3A_526 = arith.constant 1 : i32
    %get3A_527 = arith.index_cast %get3A_526 : i32 to index
    %get3A_528 = arith.constant 0 : index
    %get3A_529 = tpu.vector_load %arg8[%get3A_527, %get3A_528] {strides = array<i32>} : memref<8x128xf32, #tpu.memory_space<vmem>>, vector<1x16xf32>,
    %get3A_530 = vector.shape_cast %get3A_529 : vector<1x16xf32> to vector<16xf32>
    %get3A_531 = arith.constant 1 : i32
    %get3A_532 = arith.index_cast %get3A_531 : i32 to index
    %get3A_533 = arith.constant 0 : index
    %get3A_534 = tpu.vector_load %arg9[%get3A_532, %get3A_533] {strides = array<i32>} : memref<8x128xi32, #tpu.memory_space<vmem>>, vector<1x16xi32>,
    %get3A_535 = vector.shape_cast %get3A_534 : vector<1x16xi32> to vector<16xi32>
    %add3A_536 = arith.constant 8 : i32
    %add3A_537 = vector.broadcast %add3A_536 : i32 to vector<16xi32>
    %add3A_538 = arith.addi %iota3A, %add3A_537 : vector<16xi32>
    %and3A_539 = arith.constant 15 : i32
    %and3A_540 = vector.broadcast %and3A_539 : i32 to vector<16xi32>
    %and3A_541 = arith.andi %add3A_538, %and3A_540 : vector<16xi32>
    %broadcast_in_dim3A_542 = vector.shape_cast %and3A_541 : vector<16xi32> to vector<16x1xi32>
    %gather3A_543 = vector.shape_cast %broadcast_in_dim3A_542 : vector<16x1xi32> to vector<16xi32>
    %gather3A_544 = tpu.dynamic_gather %get3A_530[%gather3A_543] in [0] : vector<16xf32>, vector<16xi32> -> vector<16xf32>
    %broadcast_in_dim3A_545 = vector.shape_cast %and3A_541 : vector<16xi32> to vector<16x1xi32>
    %gather3A_546 = vector.shape_cast %broadcast_in_dim3A_545 : vector<16x1xi32> to vector<16xi32>
    %gather3A_547 = tpu.dynamic_gather %get3A_535[%gather3A_546] in [0] : vector<16xi32>, vector<16xi32> -> vector<16xi32>
    %gt3A_548 = arith.cmpf ogt, %gather3A_544, %get3A_530 : vector<16xf32>
    %eq3A_549 = arith.cmpf oeq, %gather3A_544, %get3A_530 : vector<16xf32>
    %lt3A_550 = arith.cmpi slt, %gather3A_547, %get3A_535 : vector<16xi32>
    %and3A_551 = arith.andi %eq3A_549, %lt3A_550 : vector<16xi1>
    %or3A_552 = arith.ori %gt3A_548, %and3A_551 : vector<16xi1>
    %select_n3A_553 = arith.select %or3A_552, %gather3A_544, %get3A_530 : vector<16xi1>, vector<16xf32>
    %select_n3A_554 = arith.select %or3A_552, %gather3A_547, %get3A_535 : vector<16xi1>, vector<16xi32>
    %add3A_555 = arith.constant 4 : i32
    %add3A_556 = vector.broadcast %add3A_555 : i32 to vector<16xi32>
    %add3A_557 = arith.addi %iota3A, %add3A_556 : vector<16xi32>
    %and3A_558 = arith.constant 15 : i32
    %and3A_559 = vector.broadcast %and3A_558 : i32 to vector<16xi32>
    %and3A_560 = arith.andi %add3A_557, %and3A_559 : vector<16xi32>
    %broadcast_in_dim3A_561 = vector.shape_cast %and3A_560 : vector<16xi32> to vector<16x1xi32>
    %gather3A_562 = vector.shape_cast %broadcast_in_dim3A_561 : vector<16x1xi32> to vector<16xi32>
    %gather3A_563 = tpu.dynamic_gather %select_n3A_553[%gather3A_562] in [0] : vector<16xf32>, vector<16xi32> -> vector<16xf32>
    %broadcast_in_dim3A_564 = vector.shape_cast %and3A_560 : vector<16xi32> to vector<16x1xi32>
    %gather3A_565 = vector.shape_cast %broadcast_in_dim3A_564 : vector<16x1xi32> to vector<16xi32>
    %gather3A_566 = tpu.dynamic_gather %select_n3A_554[%gather3A_565] in [0] : vector<16xi32>, vector<16xi32> -> vector<16xi32>
    %gt3A_567 = arith.cmpf ogt, %gather3A_563, %select_n3A_553 : vector<16xf32>
    %eq3A_568 = arith.cmpf oeq, %gather3A_563, %select_n3A_553 : vector<16xf32>
    %lt3A_569 = arith.cmpi slt, %gather3A_566, %select_n3A_554 : vector<16xi32>
    %and3A_570 = arith.andi %eq3A_568, %lt3A_569 : vector<16xi1>
    %or3A_571 = arith.ori %gt3A_567, %and3A_570 : vector<16xi1>
    %select_n3A_572 = arith.select %or3A_571, %gather3A_563, %select_n3A_553 : vector<16xi1>, vector<16xf32>
    %select_n3A_573 = arith.select %or3A_571, %gather3A_566, %select_n3A_554 : vector<16xi1>, vector<16xi32>
    %add3A_574 = arith.constant 2 : i32
    %add3A_575 = vector.broadcast %add3A_574 : i32 to vector<16xi32>
    %add3A_576 = arith.addi %iota3A, %add3A_575 : vector<16xi32>
    %and3A_577 = arith.constant 15 : i32
    %and3A_578 = vector.broadcast %and3A_577 : i32 to vector<16xi32>
    %and3A_579 = arith.andi %add3A_576, %and3A_578 : vector<16xi32>
    %broadcast_in_dim3A_580 = vector.shape_cast %and3A_579 : vector<16xi32> to vector<16x1xi32>
    %gather3A_581 = vector.shape_cast %broadcast_in_dim3A_580 : vector<16x1xi32> to vector<16xi32>
    %gather3A_582 = tpu.dynamic_gather %select_n3A_572[%gather3A_581] in [0] : vector<16xf32>, vector<16xi32> -> vector<16xf32>
    %broadcast_in_dim3A_583 = vector.shape_cast %and3A_579 : vector<16xi32> to vector<16x1xi32>
    %gather3A_584 = vector.shape_cast %broadcast_in_dim3A_583 : vector<16x1xi32> to vector<16xi32>
    %gather3A_585 = tpu.dynamic_gather %select_n3A_573[%gather3A_584] in [0] : vector<16xi32>, vector<16xi32> -> vector<16xi32>
    %gt3A_586 = arith.cmpf ogt, %gather3A_582, %select_n3A_572 : vector<16xf32>
    %eq3A_587 = arith.cmpf oeq, %gather3A_582, %select_n3A_572 : vector<16xf32>
    %lt3A_588 = arith.cmpi slt, %gather3A_585, %select_n3A_573 : vector<16xi32>
    %and3A_589 = arith.andi %eq3A_587, %lt3A_588 : vector<16xi1>
    %or3A_590 = arith.ori %gt3A_586, %and3A_589 : vector<16xi1>
    %select_n3A_591 = arith.select %or3A_590, %gather3A_582, %select_n3A_572 : vector<16xi1>, vector<16xf32>
    %select_n3A_592 = arith.select %or3A_590, %gather3A_585, %select_n3A_573 : vector<16xi1>, vector<16xi32>
    %add3A_593 = arith.constant 1 : i32
    %add3A_594 = vector.broadcast %add3A_593 : i32 to vector<16xi32>
    %add3A_595 = arith.addi %iota3A, %add3A_594 : vector<16xi32>
    %and3A_596 = arith.constant 15 : i32
    %and3A_597 = vector.broadcast %and3A_596 : i32 to vector<16xi32>
    %and3A_598 = arith.andi %add3A_595, %and3A_597 : vector<16xi32>
    %broadcast_in_dim3A_599 = vector.shape_cast %and3A_598 : vector<16xi32> to vector<16x1xi32>
    %gather3A_600 = vector.shape_cast %broadcast_in_dim3A_599 : vector<16x1xi32> to vector<16xi32>
    %gather3A_601 = tpu.dynamic_gather %select_n3A_591[%gather3A_600] in [0] : vector<16xf32>, vector<16xi32> -> vector<16xf32>
    %broadcast_in_dim3A_602 = vector.shape_cast %and3A_598 : vector<16xi32> to vector<16x1xi32>
    %gather3A_603 = vector.shape_cast %broadcast_in_dim3A_602 : vector<16x1xi32> to vector<16xi32>
    %gather3A_604 = tpu.dynamic_gather %select_n3A_592[%gather3A_603] in [0] : vector<16xi32>, vector<16xi32> -> vector<16xi32>
    %gt3A_605 = arith.cmpf ogt, %gather3A_601, %select_n3A_591 : vector<16xf32>
    %eq3A_606 = arith.cmpf oeq, %gather3A_601, %select_n3A_591 : vector<16xf32>
    %lt3A_607 = arith.cmpi slt, %gather3A_604, %select_n3A_592 : vector<16xi32>
    %and3A_608 = arith.andi %eq3A_606, %lt3A_607 : vector<16xi1>
    %or3A_609 = arith.ori %gt3A_605, %and3A_608 : vector<16xi1>
    %select_n3A_610 = arith.select %or3A_609, %gather3A_601, %select_n3A_591 : vector<16xi1>, vector<16xf32>
    %select_n3A_611 = arith.select %or3A_609, %gather3A_604, %select_n3A_592 : vector<16xi1>, vector<16xi32>
    %swap3A_612 = arith.constant 1 : i32
    %swap3A_613 = arith.index_cast %swap3A_612 : i32 to index
    %swap3A_614 = arith.constant 0 : index
    %swap3A_615 = tpu.vector_load %arg8[%swap3A_613, %swap3A_614] {strides = array<i32>} : memref<8x128xf32, #tpu.memory_space<vmem>>, vector<1x16xf32>,
    %swap3A_616 = vector.shape_cast %swap3A_615 : vector<1x16xf32> to vector<16xf32>
    %swap3A_617 = vector.shape_cast %select_n3A_610 : vector<16xf32> to vector<1x16xf32>
    tpu.vector_store %arg8[%swap3A_613, %swap3A_614], %swap3A_617 {strides = array<i32>} : memref<8x128xf32, #tpu.memory_space<vmem>>, vector<1x16xf32>,
    %swap3A_618 = arith.constant 1 : i32
    %swap3A_619 = arith.index_cast %swap3A_618 : i32 to index
    %swap3A_620 = arith.constant 0 : index
    %swap3A_621 = tpu.vector_load %arg9[%swap3A_619, %swap3A_620] {strides = array<i32>} : memref<8x128xi32, #tpu.memory_space<vmem>>, vector<1x16xi32>,
    %swap3A_622 = vector.shape_cast %swap3A_621 : vector<1x16xi32> to vector<16xi32>
    %swap3A_623 = vector.shape_cast %select_n3A_611 : vector<16xi32> to vector<1x16xi32>
    tpu.vector_store %arg9[%swap3A_619, %swap3A_620], %swap3A_623 {strides = array<i32>} : memref<8x128xi32, #tpu.memory_space<vmem>>, vector<1x16xi32>,
    %get3A_624 = arith.constant 2 : i32
    %get3A_625 = arith.index_cast %get3A_624 : i32 to index
    %get3A_626 = arith.constant 0 : index
    %get3A_627 = tpu.vector_load %arg8[%get3A_625, %get3A_626] {strides = array<i32>} : memref<8x128xf32, #tpu.memory_space<vmem>>, vector<1x16xf32>,
    %get3A_628 = vector.shape_cast %get3A_627 : vector<1x16xf32> to vector<16xf32>
    %get3A_629 = arith.constant 2 : i32
    %get3A_630 = arith.index_cast %get3A_629 : i32 to index
    %get3A_631 = arith.constant 0 : index
    %get3A_632 = tpu.vector_load %arg9[%get3A_630, %get3A_631] {strides = array<i32>} : memref<8x128xi32, #tpu.memory_space<vmem>>, vector<1x16xi32>,
    %get3A_633 = vector.shape_cast %get3A_632 : vector<1x16xi32> to vector<16xi32>
    %add3A_634 = arith.constant 8 : i32
    %add3A_635 = vector.broadcast %add3A_634 : i32 to vector<16xi32>
    %add3A_636 = arith.addi %iota3A, %add3A_635 : vector<16xi32>
    %and3A_637 = arith.constant 15 : i32
    %and3A_638 = vector.broadcast %and3A_637 : i32 to vector<16xi32>
    %and3A_639 = arith.andi %add3A_636, %and3A_638 : vector<16xi32>
    %broadcast_in_dim3A_640 = vector.shape_cast %and3A_639 : vector<16xi32> to vector<16x1xi32>
    %gather3A_641 = vector.shape_cast %broadcast_in_dim3A_640 : vector<16x1xi32> to vector<16xi32>
    %gather3A_642 = tpu.dynamic_gather %get3A_628[%gather3A_641] in [0] : vector<16xf32>, vector<16xi32> -> vector<16xf32>
    %broadcast_in_dim3A_643 = vector.shape_cast %and3A_639 : vector<16xi32> to vector<16x1xi32>
    %gather3A_644 = vector.shape_cast %broadcast_in_dim3A_643 : vector<16x1xi32> to vector<16xi32>
    %gather3A_645 = tpu.dynamic_gather %get3A_633[%gather3A_644] in [0] : vector<16xi32>, vector<16xi32> -> vector<16xi32>
    %gt3A_646 = arith.cmpf ogt, %gather3A_642, %get3A_628 : vector<16xf32>
    %eq3A_647 = arith.cmpf oeq, %gather3A_642, %get3A_628 : vector<16xf32>
    %lt3A_648 = arith.cmpi slt, %gather3A_645, %get3A_633 : vector<16xi32>
    %and3A_649 = arith.andi %eq3A_647, %lt3A_648 : vector<16xi1>
    %or3A_650 = arith.ori %gt3A_646, %and3A_649 : vector<16xi1>
    %select_n3A_651 = arith.select %or3A_650, %gather3A_642, %get3A_628 : vector<16xi1>, vector<16xf32>
    %select_n3A_652 = arith.select %or3A_650, %gather3A_645, %get3A_633 : vector<16xi1>, vector<16xi32>
    %add3A_653 = arith.constant 4 : i32
    %add3A_654 = vector.broadcast %add3A_653 : i32 to vector<16xi32>
    %add3A_655 = arith.addi %iota3A, %add3A_654 : vector<16xi32>
    %and3A_656 = arith.constant 15 : i32
    %and3A_657 = vector.broadcast %and3A_656 : i32 to vector<16xi32>
    %and3A_658 = arith.andi %add3A_655, %and3A_657 : vector<16xi32>
    %broadcast_in_dim3A_659 = vector.shape_cast %and3A_658 : vector<16xi32> to vector<16x1xi32>
    %gather3A_660 = vector.shape_cast %broadcast_in_dim3A_659 : vector<16x1xi32> to vector<16xi32>
    %gather3A_661 = tpu.dynamic_gather %select_n3A_651[%gather3A_660] in [0] : vector<16xf32>, vector<16xi32> -> vector<16xf32>
    %broadcast_in_dim3A_662 = vector.shape_cast %and3A_658 : vector<16xi32> to vector<16x1xi32>
    %gather3A_663 = vector.shape_cast %broadcast_in_dim3A_662 : vector<16x1xi32> to vector<16xi32>
    %gather3A_664 = tpu.dynamic_gather %select_n3A_652[%gather3A_663] in [0] : vector<16xi32>, vector<16xi32> -> vector<16xi32>
    %gt3A_665 = arith.cmpf ogt, %gather3A_661, %select_n3A_651 : vector<16xf32>
    %eq3A_666 = arith.cmpf oeq, %gather3A_661, %select_n3A_651 : vector<16xf32>
    %lt3A_667 = arith.cmpi slt, %gather3A_664, %select_n3A_652 : vector<16xi32>
    %and3A_668 = arith.andi %eq3A_666, %lt3A_667 : vector<16xi1>
    %or3A_669 = arith.ori %gt3A_665, %and3A_668 : vector<16xi1>
    %select_n3A_670 = arith.select %or3A_669, %gather3A_661, %select_n3A_651 : vector<16xi1>, vector<16xf32>
    %select_n3A_671 = arith.select %or3A_669, %gather3A_664, %select_n3A_652 : vector<16xi1>, vector<16xi32>
    %add3A_672 = arith.constant 2 : i32
    %add3A_673 = vector.broadcast %add3A_672 : i32 to vector<16xi32>
    %add3A_674 = arith.addi %iota3A, %add3A_673 : vector<16xi32>
    %and3A_675 = arith.constant 15 : i32
    %and3A_676 = vector.broadcast %and3A_675 : i32 to vector<16xi32>
    %and3A_677 = arith.andi %add3A_674, %and3A_676 : vector<16xi32>
    %broadcast_in_dim3A_678 = vector.shape_cast %and3A_677 : vector<16xi32> to vector<16x1xi32>
    %gather3A_679 = vector.shape_cast %broadcast_in_dim3A_678 : vector<16x1xi32> to vector<16xi32>
    %gather3A_680 = tpu.dynamic_gather %select_n3A_670[%gather3A_679] in [0] : vector<16xf32>, vector<16xi32> -> vector<16xf32>
    %broadcast_in_dim3A_681 = vector.shape_cast %and3A_677 : vector<16xi32> to vector<16x1xi32>
    %gather3A_682 = vector.shape_cast %broadcast_in_dim3A_681 : vector<16x1xi32> to vector<16xi32>
    %gather3A_683 = tpu.dynamic_gather %select_n3A_671[%gather3A_682] in [0] : vector<16xi32>, vector<16xi32> -> vector<16xi32>
    %gt3A_684 = arith.cmpf ogt, %gather3A_680, %select_n3A_670 : vector<16xf32>
    %eq3A_685 = arith.cmpf oeq, %gather3A_680, %select_n3A_670 : vector<16xf32>
    %lt3A_686 = arith.cmpi slt, %gather3A_683, %select_n3A_671 : vector<16xi32>
    %and3A_687 = arith.andi %eq3A_685, %lt3A_686 : vector<16xi1>
    %or3A_688 = arith.ori %gt3A_684, %and3A_687 : vector<16xi1>
    %select_n3A_689 = arith.select %or3A_688, %gather3A_680, %select_n3A_670 : vector<16xi1>, vector<16xf32>
    %select_n3A_690 = arith.select %or3A_688, %gather3A_683, %select_n3A_671 : vector<16xi1>, vector<16xi32>
    %add3A_691 = arith.constant 1 : i32
    %add3A_692 = vector.broadcast %add3A_691 : i32 to vector<16xi32>
    %add3A_693 = arith.addi %iota3A, %add3A_692 : vector<16xi32>
    %and3A_694 = arith.constant 15 : i32
    %and3A_695 = vector.broadcast %and3A_694 : i32 to vector<16xi32>
    %and3A_696 = arith.andi %add3A_693, %and3A_695 : vector<16xi32>
    %broadcast_in_dim3A_697 = vector.shape_cast %and3A_696 : vector<16xi32> to vector<16x1xi32>
    %gather3A_698 = vector.shape_cast %broadcast_in_dim3A_697 : vector<16x1xi32> to vector<16xi32>
    %gather3A_699 = tpu.dynamic_gather %select_n3A_689[%gather3A_698] in [0] : vector<16xf32>, vector<16xi32> -> vector<16xf32>
    %broadcast_in_dim3A_700 = vector.shape_cast %and3A_696 : vector<16xi32> to vector<16x1xi32>
    %gather3A_701 = vector.shape_cast %broadcast_in_dim3A_700 : vector<16x1xi32> to vector<16xi32>
    %gather3A_702 = tpu.dynamic_gather %select_n3A_690[%gather3A_701] in [0] : vector<16xi32>, vector<16xi32> -> vector<16xi32>
    %gt3A_703 = arith.cmpf ogt, %gather3A_699, %select_n3A_689 : vector<16xf32>
    %eq3A_704 = arith.cmpf oeq, %gather3A_699, %select_n3A_689 : vector<16xf32>
    %lt3A_705 = arith.cmpi slt, %gather3A_702, %select_n3A_690 : vector<16xi32>
    %and3A_706 = arith.andi %eq3A_704, %lt3A_705 : vector<16xi1>
    %or3A_707 = arith.ori %gt3A_703, %and3A_706 : vector<16xi1>
    %select_n3A_708 = arith.select %or3A_707, %gather3A_699, %select_n3A_689 : vector<16xi1>, vector<16xf32>
    %select_n3A_709 = arith.select %or3A_707, %gather3A_702, %select_n3A_690 : vector<16xi1>, vector<16xi32>
    %swap3A_710 = arith.constant 2 : i32
    %swap3A_711 = arith.index_cast %swap3A_710 : i32 to index
    %swap3A_712 = arith.constant 0 : index
    %swap3A_713 = tpu.vector_load %arg8[%swap3A_711, %swap3A_712] {strides = array<i32>} : memref<8x128xf32, #tpu.memory_space<vmem>>, vector<1x16xf32>,
    %swap3A_714 = vector.shape_cast %swap3A_713 : vector<1x16xf32> to vector<16xf32>
    %swap3A_715 = vector.shape_cast %select_n3A_708 : vector<16xf32> to vector<1x16xf32>
    tpu.vector_store %arg8[%swap3A_711, %swap3A_712], %swap3A_715 {strides = array<i32>} : memref<8x128xf32, #tpu.memory_space<vmem>>, vector<1x16xf32>,
    %swap3A_716 = arith.constant 2 : i32
    %swap3A_717 = arith.index_cast %swap3A_716 : i32 to index
    %swap3A_718 = arith.constant 0 : index
    %swap3A_719 = tpu.vector_load %arg9[%swap3A_717, %swap3A_718] {strides = array<i32>} : memref<8x128xi32, #tpu.memory_space<vmem>>, vector<1x16xi32>,
    %swap3A_720 = vector.shape_cast %swap3A_719 : vector<1x16xi32> to vector<16xi32>
    %swap3A_721 = vector.shape_cast %select_n3A_709 : vector<16xi32> to vector<1x16xi32>
    tpu.vector_store %arg9[%swap3A_717, %swap3A_718], %swap3A_721 {strides = array<i32>} : memref<8x128xi32, #tpu.memory_space<vmem>>, vector<1x16xi32>,
    %get3A_722 = arith.constant 3 : i32
    %get3A_723 = arith.index_cast %get3A_722 : i32 to index
    %get3A_724 = arith.constant 0 : index
    %get3A_725 = tpu.vector_load %arg8[%get3A_723, %get3A_724] {strides = array<i32>} : memref<8x128xf32, #tpu.memory_space<vmem>>, vector<1x16xf32>,
    %get3A_726 = vector.shape_cast %get3A_725 : vector<1x16xf32> to vector<16xf32>
    %get3A_727 = arith.constant 3 : i32
    %get3A_728 = arith.index_cast %get3A_727 : i32 to index
    %get3A_729 = arith.constant 0 : index
    %get3A_730 = tpu.vector_load %arg9[%get3A_728, %get3A_729] {strides = array<i32>} : memref<8x128xi32, #tpu.memory_space<vmem>>, vector<1x16xi32>,
    %get3A_731 = vector.shape_cast %get3A_730 : vector<1x16xi32> to vector<16xi32>
    %add3A_732 = arith.constant 8 : i32
    %add3A_733 = vector.broadcast %add3A_732 : i32 to vector<16xi32>
    %add3A_734 = arith.addi %iota3A, %add3A_733 : vector<16xi32>
    %and3A_735 = arith.constant 15 : i32
    %and3A_736 = vector.broadcast %and3A_735 : i32 to vector<16xi32>
    %and3A_737 = arith.andi %add3A_734, %and3A_736 : vector<16xi32>
    %broadcast_in_dim3A_738 = vector.shape_cast %and3A_737 : vector<16xi32> to vector<16x1xi32>
    %gather3A_739 = vector.shape_cast %broadcast_in_dim3A_738 : vector<16x1xi32> to vector<16xi32>
    %gather3A_740 = tpu.dynamic_gather %get3A_726[%gather3A_739] in [0] : vector<16xf32>, vector<16xi32> -> vector<16xf32>
    %broadcast_in_dim3A_741 = vector.shape_cast %and3A_737 : vector<16xi32> to vector<16x1xi32>
    %gather3A_742 = vector.shape_cast %broadcast_in_dim3A_741 : vector<16x1xi32> to vector<16xi32>
    %gather3A_743 = tpu.dynamic_gather %get3A_731[%gather3A_742] in [0] : vector<16xi32>, vector<16xi32> -> vector<16xi32>
    %gt3A_744 = arith.cmpf ogt, %gather3A_740, %get3A_726 : vector<16xf32>
    %eq3A_745 = arith.cmpf oeq, %gather3A_740, %get3A_726 : vector<16xf32>
    %lt3A_746 = arith.cmpi slt, %gather3A_743, %get3A_731 : vector<16xi32>
    %and3A_747 = arith.andi %eq3A_745, %lt3A_746 : vector<16xi1>
    %or3A_748 = arith.ori %gt3A_744, %and3A_747 : vector<16xi1>
    %select_n3A_749 = arith.select %or3A_748, %gather3A_740, %get3A_726 : vector<16xi1>, vector<16xf32>
    %select_n3A_750 = arith.select %or3A_748, %gather3A_743, %get3A_731 : vector<16xi1>, vector<16xi32>
    %add3A_751 = arith.constant 4 : i32
    %add3A_752 = vector.broadcast %add3A_751 : i32 to vector<16xi32>
    %add3A_753 = arith.addi %iota3A, %add3A_752 : vector<16xi32>
    %and3A_754 = arith.constant 15 : i32
    %and3A_755 = vector.broadcast %and3A_754 : i32 to vector<16xi32>
    %and3A_756 = arith.andi %add3A_753, %and3A_755 : vector<16xi32>
    %broadcast_in_dim3A_757 = vector.shape_cast %and3A_756 : vector<16xi32> to vector<16x1xi32>
    %gather3A_758 = vector.shape_cast %broadcast_in_dim3A_757 : vector<16x1xi32> to vector<16xi32>
    %gather3A_759 = tpu.dynamic_gather %select_n3A_749[%gather3A_758] in [0] : vector<16xf32>, vector<16xi32> -> vector<16xf32>
    %broadcast_in_dim3A_760 = vector.shape_cast %and3A_756 : vector<16xi32> to vector<16x1xi32>
    %gather3A_761 = vector.shape_cast %broadcast_in_dim3A_760 : vector<16x1xi32> to vector<16xi32>
    %gather3A_762 = tpu.dynamic_gather %select_n3A_750[%gather3A_761] in [0] : vector<16xi32>, vector<16xi32> -> vector<16xi32>
    %gt3A_763 = arith.cmpf ogt, %gather3A_759, %select_n3A_749 : vector<16xf32>
    %eq3A_764 = arith.cmpf oeq, %gather3A_759, %select_n3A_749 : vector<16xf32>
    %lt3A_765 = arith.cmpi slt, %gather3A_762, %select_n3A_750 : vector<16xi32>
    %and3A_766 = arith.andi %eq3A_764, %lt3A_765 : vector<16xi1>
    %or3A_767 = arith.ori %gt3A_763, %and3A_766 : vector<16xi1>
    %select_n3A_768 = arith.select %or3A_767, %gather3A_759, %select_n3A_749 : vector<16xi1>, vector<16xf32>
    %select_n3A_769 = arith.select %or3A_767, %gather3A_762, %select_n3A_750 : vector<16xi1>, vector<16xi32>
    %add3A_770 = arith.constant 2 : i32
    %add3A_771 = vector.broadcast %add3A_770 : i32 to vector<16xi32>
    %add3A_772 = arith.addi %iota3A, %add3A_771 : vector<16xi32>
    %and3A_773 = arith.constant 15 : i32
    %and3A_774 = vector.broadcast %and3A_773 : i32 to vector<16xi32>
    %and3A_775 = arith.andi %add3A_772, %and3A_774 : vector<16xi32>
    %broadcast_in_dim3A_776 = vector.shape_cast %and3A_775 : vector<16xi32> to vector<16x1xi32>
    %gather3A_777 = vector.shape_cast %broadcast_in_dim3A_776 : vector<16x1xi32> to vector<16xi32>
    %gather3A_778 = tpu.dynamic_gather %select_n3A_768[%gather3A_777] in [0] : vector<16xf32>, vector<16xi32> -> vector<16xf32>
    %broadcast_in_dim3A_779 = vector.shape_cast %and3A_775 : vector<16xi32> to vector<16x1xi32>
    %gather3A_780 = vector.shape_cast %broadcast_in_dim3A_779 : vector<16x1xi32> to vector<16xi32>
    %gather3A_781 = tpu.dynamic_gather %select_n3A_769[%gather3A_780] in [0] : vector<16xi32>, vector<16xi32> -> vector<16xi32>
    %gt3A_782 = arith.cmpf ogt, %gather3A_778, %select_n3A_768 : vector<16xf32>
    %eq3A_783 = arith.cmpf oeq, %gather3A_778, %select_n3A_768 : vector<16xf32>
    %lt3A_784 = arith.cmpi slt, %gather3A_781, %select_n3A_769 : vector<16xi32>
    %and3A_785 = arith.andi %eq3A_783, %lt3A_784 : vector<16xi1>
    %or3A_786 = arith.ori %gt3A_782, %and3A_785 : vector<16xi1>
    %select_n3A_787 = arith.select %or3A_786, %gather3A_778, %select_n3A_768 : vector<16xi1>, vector<16xf32>
    %select_n3A_788 = arith.select %or3A_786, %gather3A_781, %select_n3A_769 : vector<16xi1>, vector<16xi32>
    %add3A_789 = arith.constant 1 : i32
    %add3A_790 = vector.broadcast %add3A_789 : i32 to vector<16xi32>
    %add3A_791 = arith.addi %iota3A, %add3A_790 : vector<16xi32>
    %and3A_792 = arith.constant 15 : i32
    %and3A_793 = vector.broadcast %and3A_792 : i32 to vector<16xi32>
    %and3A_794 = arith.andi %add3A_791, %and3A_793 : vector<16xi32>
    %broadcast_in_dim3A_795 = vector.shape_cast %and3A_794 : vector<16xi32> to vector<16x1xi32>
    %gather3A_796 = vector.shape_cast %broadcast_in_dim3A_795 : vector<16x1xi32> to vector<16xi32>
    %gather3A_797 = tpu.dynamic_gather %select_n3A_787[%gather3A_796] in [0] : vector<16xf32>, vector<16xi32> -> vector<16xf32>
    %broadcast_in_dim3A_798 = vector.shape_cast %and3A_794 : vector<16xi32> to vector<16x1xi32>
    %gather3A_799 = vector.shape_cast %broadcast_in_dim3A_798 : vector<16x1xi32> to vector<16xi32>
    %gather3A_800 = tpu.dynamic_gather %select_n3A_788[%gather3A_799] in [0] : vector<16xi32>, vector<16xi32> -> vector<16xi32>
    %gt3A_801 = arith.cmpf ogt, %gather3A_797, %select_n3A_787 : vector<16xf32>
    %eq3A_802 = arith.cmpf oeq, %gather3A_797, %select_n3A_787 : vector<16xf32>
    %lt3A_803 = arith.cmpi slt, %gather3A_800, %select_n3A_788 : vector<16xi32>
    %and3A_804 = arith.andi %eq3A_802, %lt3A_803 : vector<16xi1>
    %or3A_805 = arith.ori %gt3A_801, %and3A_804 : vector<16xi1>
    %select_n3A_806 = arith.select %or3A_805, %gather3A_797, %select_n3A_787 : vector<16xi1>, vector<16xf32>
    %select_n3A_807 = arith.select %or3A_805, %gather3A_800, %select_n3A_788 : vector<16xi1>, vector<16xi32>
    %swap3A_808 = arith.constant 3 : i32
    %swap3A_809 = arith.index_cast %swap3A_808 : i32 to index
    %swap3A_810 = arith.constant 0 : index
    %swap3A_811 = tpu.vector_load %arg8[%swap3A_809, %swap3A_810] {strides = array<i32>} : memref<8x128xf32, #tpu.memory_space<vmem>>, vector<1x16xf32>,
    %swap3A_812 = vector.shape_cast %swap3A_811 : vector<1x16xf32> to vector<16xf32>
    %swap3A_813 = vector.shape_cast %select_n3A_806 : vector<16xf32> to vector<1x16xf32>
    tpu.vector_store %arg8[%swap3A_809, %swap3A_810], %swap3A_813 {strides = array<i32>} : memref<8x128xf32, #tpu.memory_space<vmem>>, vector<1x16xf32>,
    %swap3A_814 = arith.constant 3 : i32
    %swap3A_815 = arith.index_cast %swap3A_814 : i32 to index
    %swap3A_816 = arith.constant 0 : index
    %swap3A_817 = tpu.vector_load %arg9[%swap3A_815, %swap3A_816] {strides = array<i32>} : memref<8x128xi32, #tpu.memory_space<vmem>>, vector<1x16xi32>,
    %swap3A_818 = vector.shape_cast %swap3A_817 : vector<1x16xi32> to vector<16xi32>
    %swap3A_819 = vector.shape_cast %select_n3A_807 : vector<16xi32> to vector<1x16xi32>
    tpu.vector_store %arg9[%swap3A_815, %swap3A_816], %swap3A_819 {strides = array<i32>} : memref<8x128xi32, #tpu.memory_space<vmem>>, vector<1x16xi32>,
    %get3A_820 = arith.constant 4 : i32
    %get3A_821 = arith.index_cast %get3A_820 : i32 to index
    %get3A_822 = arith.constant 0 : index
    %get3A_823 = tpu.vector_load %arg8[%get3A_821, %get3A_822] {strides = array<i32>} : memref<8x128xf32, #tpu.memory_space<vmem>>, vector<1x16xf32>,
    %get3A_824 = vector.shape_cast %get3A_823 : vector<1x16xf32> to vector<16xf32>
    %get3A_825 = arith.constant 4 : i32
    %get3A_826 = arith.index_cast %get3A_825 : i32 to index
    %get3A_827 = arith.constant 0 : index
    %get3A_828 = tpu.vector_load %arg9[%get3A_826, %get3A_827] {strides = array<i32>} : memref<8x128xi32, #tpu.memory_space<vmem>>, vector<1x16xi32>,
    %get3A_829 = vector.shape_cast %get3A_828 : vector<1x16xi32> to vector<16xi32>
    %add3A_830 = arith.constant 8 : i32
    %add3A_831 = vector.broadcast %add3A_830 : i32 to vector<16xi32>
    %add3A_832 = arith.addi %iota3A, %add3A_831 : vector<16xi32>
    %and3A_833 = arith.constant 15 : i32
    %and3A_834 = vector.broadcast %and3A_833 : i32 to vector<16xi32>
    %and3A_835 = arith.andi %add3A_832, %and3A_834 : vector<16xi32>
    %broadcast_in_dim3A_836 = vector.shape_cast %and3A_835 : vector<16xi32> to vector<16x1xi32>
    %gather3A_837 = vector.shape_cast %broadcast_in_dim3A_836 : vector<16x1xi32> to vector<16xi32>
    %gather3A_838 = tpu.dynamic_gather %get3A_824[%gather3A_837] in [0] : vector<16xf32>, vector<16xi32> -> vector<16xf32>
    %broadcast_in_dim3A_839 = vector.shape_cast %and3A_835 : vector<16xi32> to vector<16x1xi32>
    %gather3A_840 = vector.shape_cast %broadcast_in_dim3A_839 : vector<16x1xi32> to vector<16xi32>
    %gather3A_841 = tpu.dynamic_gather %get3A_829[%gather3A_840] in [0] : vector<16xi32>, vector<16xi32> -> vector<16xi32>
    %gt3A_842 = arith.cmpf ogt, %gather3A_838, %get3A_824 : vector<16xf32>
    %eq3A_843 = arith.cmpf oeq, %gather3A_838, %get3A_824 : vector<16xf32>
    %lt3A_844 = arith.cmpi slt, %gather3A_841, %get3A_829 : vector<16xi32>
    %and3A_845 = arith.andi %eq3A_843, %lt3A_844 : vector<16xi1>
    %or3A_846 = arith.ori %gt3A_842, %and3A_845 : vector<16xi1>
    %select_n3A_847 = arith.select %or3A_846, %gather3A_838, %get3A_824 : vector<16xi1>, vector<16xf32>
    %select_n3A_848 = arith.select %or3A_846, %gather3A_841, %get3A_829 : vector<16xi1>, vector<16xi32>
    %add3A_849 = arith.constant 4 : i32
    %add3A_850 = vector.broadcast %add3A_849 : i32 to vector<16xi32>
    %add3A_851 = arith.addi %iota3A, %add3A_850 : vector<16xi32>
    %and3A_852 = arith.constant 15 : i32
    %and3A_853 = vector.broadcast %and3A_852 : i32 to vector<16xi32>
    %and3A_854 = arith.andi %add3A_851, %and3A_853 : vector<16xi32>
    %broadcast_in_dim3A_855 = vector.shape_cast %and3A_854 : vector<16xi32> to vector<16x1xi32>
    %gather3A_856 = vector.shape_cast %broadcast_in_dim3A_855 : vector<16x1xi32> to vector<16xi32>
    %gather3A_857 = tpu.dynamic_gather %select_n3A_847[%gather3A_856] in [0] : vector<16xf32>, vector<16xi32> -> vector<16xf32>
    %broadcast_in_dim3A_858 = vector.shape_cast %and3A_854 : vector<16xi32> to vector<16x1xi32>
    %gather3A_859 = vector.shape_cast %broadcast_in_dim3A_858 : vector<16x1xi32> to vector<16xi32>
    %gather3A_860 = tpu.dynamic_gather %select_n3A_848[%gather3A_859] in [0] : vector<16xi32>, vector<16xi32> -> vector<16xi32>
    %gt3A_861 = arith.cmpf ogt, %gather3A_857, %select_n3A_847 : vector<16xf32>
    %eq3A_862 = arith.cmpf oeq, %gather3A_857, %select_n3A_847 : vector<16xf32>
    %lt3A_863 = arith.cmpi slt, %gather3A_860, %select_n3A_848 : vector<16xi32>
    %and3A_864 = arith.andi %eq3A_862, %lt3A_863 : vector<16xi1>
    %or3A_865 = arith.ori %gt3A_861, %and3A_864 : vector<16xi1>
    %select_n3A_866 = arith.select %or3A_865, %gather3A_857, %select_n3A_847 : vector<16xi1>, vector<16xf32>
    %select_n3A_867 = arith.select %or3A_865, %gather3A_860, %select_n3A_848 : vector<16xi1>, vector<16xi32>
    %add3A_868 = arith.constant 2 : i32
    %add3A_869 = vector.broadcast %add3A_868 : i32 to vector<16xi32>
    %add3A_870 = arith.addi %iota3A, %add3A_869 : vector<16xi32>
    %and3A_871 = arith.constant 15 : i32
    %and3A_872 = vector.broadcast %and3A_871 : i32 to vector<16xi32>
    %and3A_873 = arith.andi %add3A_870, %and3A_872 : vector<16xi32>
    %broadcast_in_dim3A_874 = vector.shape_cast %and3A_873 : vector<16xi32> to vector<16x1xi32>
    %gather3A_875 = vector.shape_cast %broadcast_in_dim3A_874 : vector<16x1xi32> to vector<16xi32>
    %gather3A_876 = tpu.dynamic_gather %select_n3A_866[%gather3A_875] in [0] : vector<16xf32>, vector<16xi32> -> vector<16xf32>
    %broadcast_in_dim3A_877 = vector.shape_cast %and3A_873 : vector<16xi32> to vector<16x1xi32>
    %gather3A_878 = vector.shape_cast %broadcast_in_dim3A_877 : vector<16x1xi32> to vector<16xi32>
    %gather3A_879 = tpu.dynamic_gather %select_n3A_867[%gather3A_878] in [0] : vector<16xi32>, vector<16xi32> -> vector<16xi32>
    %gt3A_880 = arith.cmpf ogt, %gather3A_876, %select_n3A_866 : vector<16xf32>
    %eq3A_881 = arith.cmpf oeq, %gather3A_876, %select_n3A_866 : vector<16xf32>
    %lt3A_882 = arith.cmpi slt, %gather3A_879, %select_n3A_867 : vector<16xi32>
    %and3A_883 = arith.andi %eq3A_881, %lt3A_882 : vector<16xi1>
    %or3A_884 = arith.ori %gt3A_880, %and3A_883 : vector<16xi1>
    %select_n3A_885 = arith.select %or3A_884, %gather3A_876, %select_n3A_866 : vector<16xi1>, vector<16xf32>
    %select_n3A_886 = arith.select %or3A_884, %gather3A_879, %select_n3A_867 : vector<16xi1>, vector<16xi32>
    %add3A_887 = arith.constant 1 : i32
    %add3A_888 = vector.broadcast %add3A_887 : i32 to vector<16xi32>
    %add3A_889 = arith.addi %iota3A, %add3A_888 : vector<16xi32>
    %and3A_890 = arith.constant 15 : i32
    %and3A_891 = vector.broadcast %and3A_890 : i32 to vector<16xi32>
    %and3A_892 = arith.andi %add3A_889, %and3A_891 : vector<16xi32>
    %broadcast_in_dim3A_893 = vector.shape_cast %and3A_892 : vector<16xi32> to vector<16x1xi32>
    %gather3A_894 = vector.shape_cast %broadcast_in_dim3A_893 : vector<16x1xi32> to vector<16xi32>
    %gather3A_895 = tpu.dynamic_gather %select_n3A_885[%gather3A_894] in [0] : vector<16xf32>, vector<16xi32> -> vector<16xf32>
    %broadcast_in_dim3A_896 = vector.shape_cast %and3A_892 : vector<16xi32> to vector<16x1xi32>
    %gather3A_897 = vector.shape_cast %broadcast_in_dim3A_896 : vector<16x1xi32> to vector<16xi32>
    %gather3A_898 = tpu.dynamic_gather %select_n3A_886[%gather3A_897] in [0] : vector<16xi32>, vector<16xi32> -> vector<16xi32>
    %gt3A_899 = arith.cmpf ogt, %gather3A_895, %select_n3A_885 : vector<16xf32>
    %eq3A_900 = arith.cmpf oeq, %gather3A_895, %select_n3A_885 : vector<16xf32>
    %lt3A_901 = arith.cmpi slt, %gather3A_898, %select_n3A_886 : vector<16xi32>
    %and3A_902 = arith.andi %eq3A_900, %lt3A_901 : vector<16xi1>
    %or3A_903 = arith.ori %gt3A_899, %and3A_902 : vector<16xi1>
    %select_n3A_904 = arith.select %or3A_903, %gather3A_895, %select_n3A_885 : vector<16xi1>, vector<16xf32>
    %select_n3A_905 = arith.select %or3A_903, %gather3A_898, %select_n3A_886 : vector<16xi1>, vector<16xi32>
    %swap3A_906 = arith.constant 4 : i32
    %swap3A_907 = arith.index_cast %swap3A_906 : i32 to index
    %swap3A_908 = arith.constant 0 : index
    %swap3A_909 = tpu.vector_load %arg8[%swap3A_907, %swap3A_908] {strides = array<i32>} : memref<8x128xf32, #tpu.memory_space<vmem>>, vector<1x16xf32>,
    %swap3A_910 = vector.shape_cast %swap3A_909 : vector<1x16xf32> to vector<16xf32>
    %swap3A_911 = vector.shape_cast %select_n3A_904 : vector<16xf32> to vector<1x16xf32>
    tpu.vector_store %arg8[%swap3A_907, %swap3A_908], %swap3A_911 {strides = array<i32>} : memref<8x128xf32, #tpu.memory_space<vmem>>, vector<1x16xf32>,
    %swap3A_912 = arith.constant 4 : i32
    %swap3A_913 = arith.index_cast %swap3A_912 : i32 to index
    %swap3A_914 = arith.constant 0 : index
    %swap3A_915 = tpu.vector_load %arg9[%swap3A_913, %swap3A_914] {strides = array<i32>} : memref<8x128xi32, #tpu.memory_space<vmem>>, vector<1x16xi32>,
    %swap3A_916 = vector.shape_cast %swap3A_915 : vector<1x16xi32> to vector<16xi32>
    %swap3A_917 = vector.shape_cast %select_n3A_905 : vector<16xi32> to vector<1x16xi32>
    tpu.vector_store %arg9[%swap3A_913, %swap3A_914], %swap3A_917 {strides = array<i32>} : memref<8x128xi32, #tpu.memory_space<vmem>>, vector<1x16xi32>,
    %get3A_918 = arith.constant 5 : i32
    %get3A_919 = arith.index_cast %get3A_918 : i32 to index
    %get3A_920 = arith.constant 0 : index
    %get3A_921 = tpu.vector_load %arg8[%get3A_919, %get3A_920] {strides = array<i32>} : memref<8x128xf32, #tpu.memory_space<vmem>>, vector<1x16xf32>,
    %get3A_922 = vector.shape_cast %get3A_921 : vector<1x16xf32> to vector<16xf32>
    %get3A_923 = arith.constant 5 : i32
    %get3A_924 = arith.index_cast %get3A_923 : i32 to index
    %get3A_925 = arith.constant 0 : index
    %get3A_926 = tpu.vector_load %arg9[%get3A_924, %get3A_925] {strides = array<i32>} : memref<8x128xi32, #tpu.memory_space<vmem>>, vector<1x16xi32>,
    %get3A_927 = vector.shape_cast %get3A_926 : vector<1x16xi32> to vector<16xi32>
    %add3A_928 = arith.constant 8 : i32
    %add3A_929 = vector.broadcast %add3A_928 : i32 to vector<16xi32>
    %add3A_930 = arith.addi %iota3A, %add3A_929 : vector<16xi32>
    %and3A_931 = arith.constant 15 : i32
    %and3A_932 = vector.broadcast %and3A_931 : i32 to vector<16xi32>
    %and3A_933 = arith.andi %add3A_930, %and3A_932 : vector<16xi32>
    %broadcast_in_dim3A_934 = vector.shape_cast %and3A_933 : vector<16xi32> to vector<16x1xi32>
    %gather3A_935 = vector.shape_cast %broadcast_in_dim3A_934 : vector<16x1xi32> to vector<16xi32>
    %gather3A_936 = tpu.dynamic_gather %get3A_922[%gather3A_935] in [0] : vector<16xf32>, vector<16xi32> -> vector<16xf32>
    %broadcast_in_dim3A_937 = vector.shape_cast %and3A_933 : vector<16xi32> to vector<16x1xi32>
    %gather3A_938 = vector.shape_cast %broadcast_in_dim3A_937 : vector<16x1xi32> to vector<16xi32>
    %gather3A_939 = tpu.dynamic_gather %get3A_927[%gather3A_938] in [0] : vector<16xi32>, vector<16xi32> -> vector<16xi32>
    %gt3A_940 = arith.cmpf ogt, %gather3A_936, %get3A_922 : vector<16xf32>
    %eq3A_941 = arith.cmpf oeq, %gather3A_936, %get3A_922 : vector<16xf32>
    %lt3A_942 = arith.cmpi slt, %gather3A_939, %get3A_927 : vector<16xi32>
    %and3A_943 = arith.andi %eq3A_941, %lt3A_942 : vector<16xi1>
    %or3A_944 = arith.ori %gt3A_940, %and3A_943 : vector<16xi1>
    %select_n3A_945 = arith.select %or3A_944, %gather3A_936, %get3A_922 : vector<16xi1>, vector<16xf32>
    %select_n3A_946 = arith.select %or3A_944, %gather3A_939, %get3A_927 : vector<16xi1>, vector<16xi32>
    %add3A_947 = arith.constant 4 : i32
    %add3A_948 = vector.broadcast %add3A_947 : i32 to vector<16xi32>
    %add3A_949 = arith.addi %iota3A, %add3A_948 : vector<16xi32>
    %and3A_950 = arith.constant 15 : i32
    %and3A_951 = vector.broadcast %and3A_950 : i32 to vector<16xi32>
    %and3A_952 = arith.andi %add3A_949, %and3A_951 : vector<16xi32>
    %broadcast_in_dim3A_953 = vector.shape_cast %and3A_952 : vector<16xi32> to vector<16x1xi32>
    %gather3A_954 = vector.shape_cast %broadcast_in_dim3A_953 : vector<16x1xi32> to vector<16xi32>
    %gather3A_955 = tpu.dynamic_gather %select_n3A_945[%gather3A_954] in [0] : vector<16xf32>, vector<16xi32> -> vector<16xf32>
    %broadcast_in_dim3A_956 = vector.shape_cast %and3A_952 : vector<16xi32> to vector<16x1xi32>
    %gather3A_957 = vector.shape_cast %broadcast_in_dim3A_956 : vector<16x1xi32> to vector<16xi32>
    %gather3A_958 = tpu.dynamic_gather %select_n3A_946[%gather3A_957] in [0] : vector<16xi32>, vector<16xi32> -> vector<16xi32>
    %gt3A_959 = arith.cmpf ogt, %gather3A_955, %select_n3A_945 : vector<16xf32>
    %eq3A_960 = arith.cmpf oeq, %gather3A_955, %select_n3A_945 : vector<16xf32>
    %lt3A_961 = arith.cmpi slt, %gather3A_958, %select_n3A_946 : vector<16xi32>
    %and3A_962 = arith.andi %eq3A_960, %lt3A_961 : vector<16xi1>
    %or3A_963 = arith.ori %gt3A_959, %and3A_962 : vector<16xi1>
    %select_n3A_964 = arith.select %or3A_963, %gather3A_955, %select_n3A_945 : vector<16xi1>, vector<16xf32>
    %select_n3A_965 = arith.select %or3A_963, %gather3A_958, %select_n3A_946 : vector<16xi1>, vector<16xi32>
    %add3A_966 = arith.constant 2 : i32
    %add3A_967 = vector.broadcast %add3A_966 : i32 to vector<16xi32>
    %add3A_968 = arith.addi %iota3A, %add3A_967 : vector<16xi32>
    %and3A_969 = arith.constant 15 : i32
    %and3A_970 = vector.broadcast %and3A_969 : i32 to vector<16xi32>
    %and3A_971 = arith.andi %add3A_968, %and3A_970 : vector<16xi32>
    %broadcast_in_dim3A_972 = vector.shape_cast %and3A_971 : vector<16xi32> to vector<16x1xi32>
    %gather3A_973 = vector.shape_cast %broadcast_in_dim3A_972 : vector<16x1xi32> to vector<16xi32>
    %gather3A_974 = tpu.dynamic_gather %select_n3A_964[%gather3A_973] in [0] : vector<16xf32>, vector<16xi32> -> vector<16xf32>
    %broadcast_in_dim3A_975 = vector.shape_cast %and3A_971 : vector<16xi32> to vector<16x1xi32>
    %gather3A_976 = vector.shape_cast %broadcast_in_dim3A_975 : vector<16x1xi32> to vector<16xi32>
    %gather3A_977 = tpu.dynamic_gather %select_n3A_965[%gather3A_976] in [0] : vector<16xi32>, vector<16xi32> -> vector<16xi32>
    %gt3A_978 = arith.cmpf ogt, %gather3A_974, %select_n3A_964 : vector<16xf32>
    %eq3A_979 = arith.cmpf oeq, %gather3A_974, %select_n3A_964 : vector<16xf32>
    %lt3A_980 = arith.cmpi slt, %gather3A_977, %select_n3A_965 : vector<16xi32>
    %and3A_981 = arith.andi %eq3A_979, %lt3A_980 : vector<16xi1>
    %or3A_982 = arith.ori %gt3A_978, %and3A_981 : vector<16xi1>
    %select_n3A_983 = arith.select %or3A_982, %gather3A_974, %select_n3A_964 : vector<16xi1>, vector<16xf32>
    %select_n3A_984 = arith.select %or3A_982, %gather3A_977, %select_n3A_965 : vector<16xi1>, vector<16xi32>
    %add3A_985 = arith.constant 1 : i32
    %add3A_986 = vector.broadcast %add3A_985 : i32 to vector<16xi32>
    %add3A_987 = arith.addi %iota3A, %add3A_986 : vector<16xi32>
    %and3A_988 = arith.constant 15 : i32
    %and3A_989 = vector.broadcast %and3A_988 : i32 to vector<16xi32>
    %and3A_990 = arith.andi %add3A_987, %and3A_989 : vector<16xi32>
    %broadcast_in_dim3A_991 = vector.shape_cast %and3A_990 : vector<16xi32> to vector<16x1xi32>
    %gather3A_992 = vector.shape_cast %broadcast_in_dim3A_991 : vector<16x1xi32> to vector<16xi32>
    %gather3A_993 = tpu.dynamic_gather %select_n3A_983[%gather3A_992] in [0] : vector<16xf32>, vector<16xi32> -> vector<16xf32>
    %broadcast_in_dim3A_994 = vector.shape_cast %and3A_990 : vector<16xi32> to vector<16x1xi32>
    %gather3A_995 = vector.shape_cast %broadcast_in_dim3A_994 : vector<16x1xi32> to vector<16xi32>
    %gather3A_996 = tpu.dynamic_gather %select_n3A_984[%gather3A_995] in [0] : vector<16xi32>, vector<16xi32> -> vector<16xi32>
    %gt3A_997 = arith.cmpf ogt, %gather3A_993, %select_n3A_983 : vector<16xf32>
    %eq3A_998 = arith.cmpf oeq, %gather3A_993, %select_n3A_983 : vector<16xf32>
    %lt3A_999 = arith.cmpi slt, %gather3A_996, %select_n3A_984 : vector<16xi32>
    %and3A_1000 = arith.andi %eq3A_998, %lt3A_999 : vector<16xi1>
    %or3A_1001 = arith.ori %gt3A_997, %and3A_1000 : vector<16xi1>
    %select_n3A_1002 = arith.select %or3A_1001, %gather3A_993, %select_n3A_983 : vector<16xi1>, vector<16xf32>
    %select_n3A_1003 = arith.select %or3A_1001, %gather3A_996, %select_n3A_984 : vector<16xi1>, vector<16xi32>
    %swap3A_1004 = arith.constant 5 : i32
    %swap3A_1005 = arith.index_cast %swap3A_1004 : i32 to index
    %swap3A_1006 = arith.constant 0 : index
    %swap3A_1007 = tpu.vector_load %arg8[%swap3A_1005, %swap3A_1006] {strides = array<i32>} : memref<8x128xf32, #tpu.memory_space<vmem>>, vector<1x16xf32>,
    %swap3A_1008 = vector.shape_cast %swap3A_1007 : vector<1x16xf32> to vector<16xf32>
    %swap3A_1009 = vector.shape_cast %select_n3A_1002 : vector<16xf32> to vector<1x16xf32>
    tpu.vector_store %arg8[%swap3A_1005, %swap3A_1006], %swap3A_1009 {strides = array<i32>} : memref<8x128xf32, #tpu.memory_space<vmem>>, vector<1x16xf32>,
    %swap3A_1010 = arith.constant 5 : i32
    %swap3A_1011 = arith.index_cast %swap3A_1010 : i32 to index
    %swap3A_1012 = arith.constant 0 : index
    %swap3A_1013 = tpu.vector_load %arg9[%swap3A_1011, %swap3A_1012] {strides = array<i32>} : memref<8x128xi32, #tpu.memory_space<vmem>>, vector<1x16xi32>,
    %swap3A_1014 = vector.shape_cast %swap3A_1013 : vector<1x16xi32> to vector<16xi32>
    %swap3A_1015 = vector.shape_cast %select_n3A_1003 : vector<16xi32> to vector<1x16xi32>
    tpu.vector_store %arg9[%swap3A_1011, %swap3A_1012], %swap3A_1015 {strides = array<i32>} : memref<8x128xi32, #tpu.memory_space<vmem>>, vector<1x16xi32>,
    %get3A_1016 = arith.constant 6 : i32
    %get3A_1017 = arith.index_cast %get3A_1016 : i32 to index
    %get3A_1018 = arith.constant 0 : index
    %get3A_1019 = tpu.vector_load %arg8[%get3A_1017, %get3A_1018] {strides = array<i32>} : memref<8x128xf32, #tpu.memory_space<vmem>>, vector<1x16xf32>,
    %get3A_1020 = vector.shape_cast %get3A_1019 : vector<1x16xf32> to vector<16xf32>
    %get3A_1021 = arith.constant 6 : i32
    %get3A_1022 = arith.index_cast %get3A_1021 : i32 to index
    %get3A_1023 = arith.constant 0 : index
    %get3A_1024 = tpu.vector_load %arg9[%get3A_1022, %get3A_1023] {strides = array<i32>} : memref<8x128xi32, #tpu.memory_space<vmem>>, vector<1x16xi32>,
    %get3A_1025 = vector.shape_cast %get3A_1024 : vector<1x16xi32> to vector<16xi32>
    %add3A_1026 = arith.constant 8 : i32
    %add3A_1027 = vector.broadcast %add3A_1026 : i32 to vector<16xi32>
    %add3A_1028 = arith.addi %iota3A, %add3A_1027 : vector<16xi32>
    %and3A_1029 = arith.constant 15 : i32
    %and3A_1030 = vector.broadcast %and3A_1029 : i32 to vector<16xi32>
    %and3A_1031 = arith.andi %add3A_1028, %and3A_1030 : vector<16xi32>
    %broadcast_in_dim3A_1032 = vector.shape_cast %and3A_1031 : vector<16xi32> to vector<16x1xi32>
    %gather3A_1033 = vector.shape_cast %broadcast_in_dim3A_1032 : vector<16x1xi32> to vector<16xi32>
    %gather3A_1034 = tpu.dynamic_gather %get3A_1020[%gather3A_1033] in [0] : vector<16xf32>, vector<16xi32> -> vector<16xf32>
    %broadcast_in_dim3A_1035 = vector.shape_cast %and3A_1031 : vector<16xi32> to vector<16x1xi32>
    %gather3A_1036 = vector.shape_cast %broadcast_in_dim3A_1035 : vector<16x1xi32> to vector<16xi32>
    %gather3A_1037 = tpu.dynamic_gather %get3A_1025[%gather3A_1036] in [0] : vector<16xi32>, vector<16xi32> -> vector<16xi32>
    %gt3A_1038 = arith.cmpf ogt, %gather3A_1034, %get3A_1020 : vector<16xf32>
    %eq3A_1039 = arith.cmpf oeq, %gather3A_1034, %get3A_1020 : vector<16xf32>
    %lt3A_1040 = arith.cmpi slt, %gather3A_1037, %get3A_1025 : vector<16xi32>
    %and3A_1041 = arith.andi %eq3A_1039, %lt3A_1040 : vector<16xi1>
    %or3A_1042 = arith.ori %gt3A_1038, %and3A_1041 : vector<16xi1>
    %select_n3A_1043 = arith.select %or3A_1042, %gather3A_1034, %get3A_1020 : vector<16xi1>, vector<16xf32>
    %select_n3A_1044 = arith.select %or3A_1042, %gather3A_1037, %get3A_1025 : vector<16xi1>, vector<16xi32>
    %add3A_1045 = arith.constant 4 : i32
    %add3A_1046 = vector.broadcast %add3A_1045 : i32 to vector<16xi32>
    %add3A_1047 = arith.addi %iota3A, %add3A_1046 : vector<16xi32>
    %and3A_1048 = arith.constant 15 : i32
    %and3A_1049 = vector.broadcast %and3A_1048 : i32 to vector<16xi32>
    %and3A_1050 = arith.andi %add3A_1047, %and3A_1049 : vector<16xi32>
    %broadcast_in_dim3A_1051 = vector.shape_cast %and3A_1050 : vector<16xi32> to vector<16x1xi32>
    %gather3A_1052 = vector.shape_cast %broadcast_in_dim3A_1051 : vector<16x1xi32> to vector<16xi32>
    %gather3A_1053 = tpu.dynamic_gather %select_n3A_1043[%gather3A_1052] in [0] : vector<16xf32>, vector<16xi32> -> vector<16xf32>
    %broadcast_in_dim3A_1054 = vector.shape_cast %and3A_1050 : vector<16xi32> to vector<16x1xi32>
    %gather3A_1055 = vector.shape_cast %broadcast_in_dim3A_1054 : vector<16x1xi32> to vector<16xi32>
    %gather3A_1056 = tpu.dynamic_gather %select_n3A_1044[%gather3A_1055] in [0] : vector<16xi32>, vector<16xi32> -> vector<16xi32>
    %gt3A_1057 = arith.cmpf ogt, %gather3A_1053, %select_n3A_1043 : vector<16xf32>
    %eq3A_1058 = arith.cmpf oeq, %gather3A_1053, %select_n3A_1043 : vector<16xf32>
    %lt3A_1059 = arith.cmpi slt, %gather3A_1056, %select_n3A_1044 : vector<16xi32>
    %and3A_1060 = arith.andi %eq3A_1058, %lt3A_1059 : vector<16xi1>
    %or3A_1061 = arith.ori %gt3A_1057, %and3A_1060 : vector<16xi1>
    %select_n3A_1062 = arith.select %or3A_1061, %gather3A_1053, %select_n3A_1043 : vector<16xi1>, vector<16xf32>
    %select_n3A_1063 = arith.select %or3A_1061, %gather3A_1056, %select_n3A_1044 : vector<16xi1>, vector<16xi32>
    %add3A_1064 = arith.constant 2 : i32
    %add3A_1065 = vector.broadcast %add3A_1064 : i32 to vector<16xi32>
    %add3A_1066 = arith.addi %iota3A, %add3A_1065 : vector<16xi32>
    %and3A_1067 = arith.constant 15 : i32
    %and3A_1068 = vector.broadcast %and3A_1067 : i32 to vector<16xi32>
    %and3A_1069 = arith.andi %add3A_1066, %and3A_1068 : vector<16xi32>
    %broadcast_in_dim3A_1070 = vector.shape_cast %and3A_1069 : vector<16xi32> to vector<16x1xi32>
    %gather3A_1071 = vector.shape_cast %broadcast_in_dim3A_1070 : vector<16x1xi32> to vector<16xi32>
    %gather3A_1072 = tpu.dynamic_gather %select_n3A_1062[%gather3A_1071] in [0] : vector<16xf32>, vector<16xi32> -> vector<16xf32>
    %broadcast_in_dim3A_1073 = vector.shape_cast %and3A_1069 : vector<16xi32> to vector<16x1xi32>
    %gather3A_1074 = vector.shape_cast %broadcast_in_dim3A_1073 : vector<16x1xi32> to vector<16xi32>
    %gather3A_1075 = tpu.dynamic_gather %select_n3A_1063[%gather3A_1074] in [0] : vector<16xi32>, vector<16xi32> -> vector<16xi32>
    %gt3A_1076 = arith.cmpf ogt, %gather3A_1072, %select_n3A_1062 : vector<16xf32>
    %eq3A_1077 = arith.cmpf oeq, %gather3A_1072, %select_n3A_1062 : vector<16xf32>
    %lt3A_1078 = arith.cmpi slt, %gather3A_1075, %select_n3A_1063 : vector<16xi32>
    %and3A_1079 = arith.andi %eq3A_1077, %lt3A_1078 : vector<16xi1>
    %or3A_1080 = arith.ori %gt3A_1076, %and3A_1079 : vector<16xi1>
    %select_n3A_1081 = arith.select %or3A_1080, %gather3A_1072, %select_n3A_1062 : vector<16xi1>, vector<16xf32>
    %select_n3A_1082 = arith.select %or3A_1080, %gather3A_1075, %select_n3A_1063 : vector<16xi1>, vector<16xi32>
    %add3A_1083 = arith.constant 1 : i32
    %add3A_1084 = vector.broadcast %add3A_1083 : i32 to vector<16xi32>
    %add3A_1085 = arith.addi %iota3A, %add3A_1084 : vector<16xi32>
    %and3A_1086 = arith.constant 15 : i32
    %and3A_1087 = vector.broadcast %and3A_1086 : i32 to vector<16xi32>
    %and3A_1088 = arith.andi %add3A_1085, %and3A_1087 : vector<16xi32>
    %broadcast_in_dim3A_1089 = vector.shape_cast %and3A_1088 : vector<16xi32> to vector<16x1xi32>
    %gather3A_1090 = vector.shape_cast %broadcast_in_dim3A_1089 : vector<16x1xi32> to vector<16xi32>
    %gather3A_1091 = tpu.dynamic_gather %select_n3A_1081[%gather3A_1090] in [0] : vector<16xf32>, vector<16xi32> -> vector<16xf32>
    %broadcast_in_dim3A_1092 = vector.shape_cast %and3A_1088 : vector<16xi32> to vector<16x1xi32>
    %gather3A_1093 = vector.shape_cast %broadcast_in_dim3A_1092 : vector<16x1xi32> to vector<16xi32>
    %gather3A_1094 = tpu.dynamic_gather %select_n3A_1082[%gather3A_1093] in [0] : vector<16xi32>, vector<16xi32> -> vector<16xi32>
    %gt3A_1095 = arith.cmpf ogt, %gather3A_1091, %select_n3A_1081 : vector<16xf32>
    %eq3A_1096 = arith.cmpf oeq, %gather3A_1091, %select_n3A_1081 : vector<16xf32>
    %lt3A_1097 = arith.cmpi slt, %gather3A_1094, %select_n3A_1082 : vector<16xi32>
    %and3A_1098 = arith.andi %eq3A_1096, %lt3A_1097 : vector<16xi1>
    %or3A_1099 = arith.ori %gt3A_1095, %and3A_1098 : vector<16xi1>
    %select_n3A_1100 = arith.select %or3A_1099, %gather3A_1091, %select_n3A_1081 : vector<16xi1>, vector<16xf32>
    %select_n3A_1101 = arith.select %or3A_1099, %gather3A_1094, %select_n3A_1082 : vector<16xi1>, vector<16xi32>
    %swap3A_1102 = arith.constant 6 : i32
    %swap3A_1103 = arith.index_cast %swap3A_1102 : i32 to index
    %swap3A_1104 = arith.constant 0 : index
    %swap3A_1105 = tpu.vector_load %arg8[%swap3A_1103, %swap3A_1104] {strides = array<i32>} : memref<8x128xf32, #tpu.memory_space<vmem>>, vector<1x16xf32>,
    %swap3A_1106 = vector.shape_cast %swap3A_1105 : vector<1x16xf32> to vector<16xf32>
    %swap3A_1107 = vector.shape_cast %select_n3A_1100 : vector<16xf32> to vector<1x16xf32>
    tpu.vector_store %arg8[%swap3A_1103, %swap3A_1104], %swap3A_1107 {strides = array<i32>} : memref<8x128xf32, #tpu.memory_space<vmem>>, vector<1x16xf32>,
    %swap3A_1108 = arith.constant 6 : i32
    %swap3A_1109 = arith.index_cast %swap3A_1108 : i32 to index
    %swap3A_1110 = arith.constant 0 : index
    %swap3A_1111 = tpu.vector_load %arg9[%swap3A_1109, %swap3A_1110] {strides = array<i32>} : memref<8x128xi32, #tpu.memory_space<vmem>>, vector<1x16xi32>,
    %swap3A_1112 = vector.shape_cast %swap3A_1111 : vector<1x16xi32> to vector<16xi32>
    %swap3A_1113 = vector.shape_cast %select_n3A_1101 : vector<16xi32> to vector<1x16xi32>
    tpu.vector_store %arg9[%swap3A_1109, %swap3A_1110], %swap3A_1113 {strides = array<i32>} : memref<8x128xi32, #tpu.memory_space<vmem>>, vector<1x16xi32>,
    %get3A_1114 = arith.constant 7 : i32
    %get3A_1115 = arith.index_cast %get3A_1114 : i32 to index
    %get3A_1116 = arith.constant 0 : index
    %get3A_1117 = tpu.vector_load %arg8[%get3A_1115, %get3A_1116] {strides = array<i32>} : memref<8x128xf32, #tpu.memory_space<vmem>>, vector<1x16xf32>,
    %get3A_1118 = vector.shape_cast %get3A_1117 : vector<1x16xf32> to vector<16xf32>
    %get3A_1119 = arith.constant 7 : i32
    %get3A_1120 = arith.index_cast %get3A_1119 : i32 to index
    %get3A_1121 = arith.constant 0 : index
    %get3A_1122 = tpu.vector_load %arg9[%get3A_1120, %get3A_1121] {strides = array<i32>} : memref<8x128xi32, #tpu.memory_space<vmem>>, vector<1x16xi32>,
    %get3A_1123 = vector.shape_cast %get3A_1122 : vector<1x16xi32> to vector<16xi32>
    %add3A_1124 = arith.constant 8 : i32
    %add3A_1125 = vector.broadcast %add3A_1124 : i32 to vector<16xi32>
    %add3A_1126 = arith.addi %iota3A, %add3A_1125 : vector<16xi32>
    %and3A_1127 = arith.constant 15 : i32
    %and3A_1128 = vector.broadcast %and3A_1127 : i32 to vector<16xi32>
    %and3A_1129 = arith.andi %add3A_1126, %and3A_1128 : vector<16xi32>
    %broadcast_in_dim3A_1130 = vector.shape_cast %and3A_1129 : vector<16xi32> to vector<16x1xi32>
    %gather3A_1131 = vector.shape_cast %broadcast_in_dim3A_1130 : vector<16x1xi32> to vector<16xi32>
    %gather3A_1132 = tpu.dynamic_gather %get3A_1118[%gather3A_1131] in [0] : vector<16xf32>, vector<16xi32> -> vector<16xf32>
    %broadcast_in_dim3A_1133 = vector.shape_cast %and3A_1129 : vector<16xi32> to vector<16x1xi32>
    %gather3A_1134 = vector.shape_cast %broadcast_in_dim3A_1133 : vector<16x1xi32> to vector<16xi32>
    %gather3A_1135 = tpu.dynamic_gather %get3A_1123[%gather3A_1134] in [0] : vector<16xi32>, vector<16xi32> -> vector<16xi32>
    %gt3A_1136 = arith.cmpf ogt, %gather3A_1132, %get3A_1118 : vector<16xf32>
    %eq3A_1137 = arith.cmpf oeq, %gather3A_1132, %get3A_1118 : vector<16xf32>
    %lt3A_1138 = arith.cmpi slt, %gather3A_1135, %get3A_1123 : vector<16xi32>
    %and3A_1139 = arith.andi %eq3A_1137, %lt3A_1138 : vector<16xi1>
    %or3A_1140 = arith.ori %gt3A_1136, %and3A_1139 : vector<16xi1>
    %select_n3A_1141 = arith.select %or3A_1140, %gather3A_1132, %get3A_1118 : vector<16xi1>, vector<16xf32>
    %select_n3A_1142 = arith.select %or3A_1140, %gather3A_1135, %get3A_1123 : vector<16xi1>, vector<16xi32>
    %add3A_1143 = arith.constant 4 : i32
    %add3A_1144 = vector.broadcast %add3A_1143 : i32 to vector<16xi32>
    %add3A_1145 = arith.addi %iota3A, %add3A_1144 : vector<16xi32>
    %and3A_1146 = arith.constant 15 : i32
    %and3A_1147 = vector.broadcast %and3A_1146 : i32 to vector<16xi32>
    %and3A_1148 = arith.andi %add3A_1145, %and3A_1147 : vector<16xi32>
    %broadcast_in_dim3A_1149 = vector.shape_cast %and3A_1148 : vector<16xi32> to vector<16x1xi32>
    %gather3A_1150 = vector.shape_cast %broadcast_in_dim3A_1149 : vector<16x1xi32> to vector<16xi32>
    %gather3A_1151 = tpu.dynamic_gather %select_n3A_1141[%gather3A_1150] in [0] : vector<16xf32>, vector<16xi32> -> vector<16xf32>
    %broadcast_in_dim3A_1152 = vector.shape_cast %and3A_1148 : vector<16xi32> to vector<16x1xi32>
    %gather3A_1153 = vector.shape_cast %broadcast_in_dim3A_1152 : vector<16x1xi32> to vector<16xi32>
    %gather3A_1154 = tpu.dynamic_gather %select_n3A_1142[%gather3A_1153] in [0] : vector<16xi32>, vector<16xi32> -> vector<16xi32>
    %gt3A_1155 = arith.cmpf ogt, %gather3A_1151, %select_n3A_1141 : vector<16xf32>
    %eq3A_1156 = arith.cmpf oeq, %gather3A_1151, %select_n3A_1141 : vector<16xf32>
    %lt3A_1157 = arith.cmpi slt, %gather3A_1154, %select_n3A_1142 : vector<16xi32>
    %and3A_1158 = arith.andi %eq3A_1156, %lt3A_1157 : vector<16xi1>
    %or3A_1159 = arith.ori %gt3A_1155, %and3A_1158 : vector<16xi1>
    %select_n3A_1160 = arith.select %or3A_1159, %gather3A_1151, %select_n3A_1141 : vector<16xi1>, vector<16xf32>
    %select_n3A_1161 = arith.select %or3A_1159, %gather3A_1154, %select_n3A_1142 : vector<16xi1>, vector<16xi32>
    %add3A_1162 = arith.constant 2 : i32
    %add3A_1163 = vector.broadcast %add3A_1162 : i32 to vector<16xi32>
    %add3A_1164 = arith.addi %iota3A, %add3A_1163 : vector<16xi32>
    %and3A_1165 = arith.constant 15 : i32
    %and3A_1166 = vector.broadcast %and3A_1165 : i32 to vector<16xi32>
    %and3A_1167 = arith.andi %add3A_1164, %and3A_1166 : vector<16xi32>
    %broadcast_in_dim3A_1168 = vector.shape_cast %and3A_1167 : vector<16xi32> to vector<16x1xi32>
    %gather3A_1169 = vector.shape_cast %broadcast_in_dim3A_1168 : vector<16x1xi32> to vector<16xi32>
    %gather3A_1170 = tpu.dynamic_gather %select_n3A_1160[%gather3A_1169] in [0] : vector<16xf32>, vector<16xi32> -> vector<16xf32>
    %broadcast_in_dim3A_1171 = vector.shape_cast %and3A_1167 : vector<16xi32> to vector<16x1xi32>
    %gather3A_1172 = vector.shape_cast %broadcast_in_dim3A_1171 : vector<16x1xi32> to vector<16xi32>
    %gather3A_1173 = tpu.dynamic_gather %select_n3A_1161[%gather3A_1172] in [0] : vector<16xi32>, vector<16xi32> -> vector<16xi32>
    %gt3A_1174 = arith.cmpf ogt, %gather3A_1170, %select_n3A_1160 : vector<16xf32>
    %eq3A_1175 = arith.cmpf oeq, %gather3A_1170, %select_n3A_1160 : vector<16xf32>
    %lt3A_1176 = arith.cmpi slt, %gather3A_1173, %select_n3A_1161 : vector<16xi32>
    %and3A_1177 = arith.andi %eq3A_1175, %lt3A_1176 : vector<16xi1>
    %or3A_1178 = arith.ori %gt3A_1174, %and3A_1177 : vector<16xi1>
    %select_n3A_1179 = arith.select %or3A_1178, %gather3A_1170, %select_n3A_1160 : vector<16xi1>, vector<16xf32>
    %select_n3A_1180 = arith.select %or3A_1178, %gather3A_1173, %select_n3A_1161 : vector<16xi1>, vector<16xi32>
    %add3A_1181 = arith.constant 1 : i32
    %add3A_1182 = vector.broadcast %add3A_1181 : i32 to vector<16xi32>
    %add3A_1183 = arith.addi %iota3A, %add3A_1182 : vector<16xi32>
    %and3A_1184 = arith.constant 15 : i32
    %and3A_1185 = vector.broadcast %and3A_1184 : i32 to vector<16xi32>
    %and3A_1186 = arith.andi %add3A_1183, %and3A_1185 : vector<16xi32>
    %broadcast_in_dim3A_1187 = vector.shape_cast %and3A_1186 : vector<16xi32> to vector<16x1xi32>
    %gather3A_1188 = vector.shape_cast %broadcast_in_dim3A_1187 : vector<16x1xi32> to vector<16xi32>
    %gather3A_1189 = tpu.dynamic_gather %select_n3A_1179[%gather3A_1188] in [0] : vector<16xf32>, vector<16xi32> -> vector<16xf32>
    %broadcast_in_dim3A_1190 = vector.shape_cast %and3A_1186 : vector<16xi32> to vector<16x1xi32>
    %gather3A_1191 = vector.shape_cast %broadcast_in_dim3A_1190 : vector<16x1xi32> to vector<16xi32>
    %gather3A_1192 = tpu.dynamic_gather %select_n3A_1180[%gather3A_1191] in [0] : vector<16xi32>, vector<16xi32> -> vector<16xi32>
    %gt3A_1193 = arith.cmpf ogt, %gather3A_1189, %select_n3A_1179 : vector<16xf32>
    %eq3A_1194 = arith.cmpf oeq, %gather3A_1189, %select_n3A_1179 : vector<16xf32>
    %lt3A_1195 = arith.cmpi slt, %gather3A_1192, %select_n3A_1180 : vector<16xi32>
    %and3A_1196 = arith.andi %eq3A_1194, %lt3A_1195 : vector<16xi1>
    %or3A_1197 = arith.ori %gt3A_1193, %and3A_1196 : vector<16xi1>
    %select_n3A_1198 = arith.select %or3A_1197, %gather3A_1189, %select_n3A_1179 : vector<16xi1>, vector<16xf32>
    %select_n3A_1199 = arith.select %or3A_1197, %gather3A_1192, %select_n3A_1180 : vector<16xi1>, vector<16xi32>
    %swap3A_1200 = arith.constant 7 : i32
    %swap3A_1201 = arith.index_cast %swap3A_1200 : i32 to index
    %swap3A_1202 = arith.constant 0 : index
    %swap3A_1203 = tpu.vector_load %arg8[%swap3A_1201, %swap3A_1202] {strides = array<i32>} : memref<8x128xf32, #tpu.memory_space<vmem>>, vector<1x16xf32>,
    %swap3A_1204 = vector.shape_cast %swap3A_1203 : vector<1x16xf32> to vector<16xf32>
    %swap3A_1205 = vector.shape_cast %select_n3A_1198 : vector<16xf32> to vector<1x16xf32>
    tpu.vector_store %arg8[%swap3A_1201, %swap3A_1202], %swap3A_1205 {strides = array<i32>} : memref<8x128xf32, #tpu.memory_space<vmem>>, vector<1x16xf32>,
    %swap3A_1206 = arith.constant 7 : i32
    %swap3A_1207 = arith.index_cast %swap3A_1206 : i32 to index
    %swap3A_1208 = arith.constant 0 : index
    %swap3A_1209 = tpu.vector_load %arg9[%swap3A_1207, %swap3A_1208] {strides = array<i32>} : memref<8x128xi32, #tpu.memory_space<vmem>>, vector<1x16xi32>,
    %swap3A_1210 = vector.shape_cast %swap3A_1209 : vector<1x16xi32> to vector<16xi32>
    %swap3A_1211 = vector.shape_cast %select_n3A_1199 : vector<16xi32> to vector<1x16xi32>
    tpu.vector_store %arg9[%swap3A_1207, %swap3A_1208], %swap3A_1211 {strides = array<i32>} : memref<8x128xi32, #tpu.memory_space<vmem>>, vector<1x16xi32>,
    "tpu.region"() ({
      %run_scoped3A = tpu.sem_alloc : memref<!tpu.dma_semaphore, #tpu.memory_space<semaphore_mem>>
      %dma_start3A_1424 = arith.constant 0 : i32
      %dma_start3A_1425 = arith.constant 0 : i32
      %dma_start3A_1426 = tpu.memref_slice %arg14[%arg1, %dma_start3A_1424, %dma_start3A_1425] : memref<16x8x128xf32, #tpu.memory_space<vmem_shared>> -> memref<1x8x128xf32, #tpu.memory_space<vmem_shared>>
      %dma_start3A_1427 = tpu.memref_squeeze %dma_start3A_1426 : memref<1x8x128xf32, #tpu.memory_space<vmem_shared>> -> memref<8x128xf32, #tpu.memory_space<vmem_shared>>
      %dma_start3A_1428 = arith.constant 0 : i32
      %dma_start3A_1429 = arith.constant 0 : i32
      %dma_start3A_1430 = tpu.memref_slice %arg14[%arg1, %dma_start3A_1428, %dma_start3A_1429] : memref<16x8x128xf32, #tpu.memory_space<vmem_shared>> -> memref<1x8x128xf32, #tpu.memory_space<vmem_shared>>
      %dma_start3A_1431 = tpu.memref_squeeze %dma_start3A_1430 : memref<1x8x128xf32, #tpu.memory_space<vmem_shared>> -> memref<8x128xf32, #tpu.memory_space<vmem_shared>>
      tpu.enqueue_dma source(%arg8 : memref<8x128xf32, #tpu.memory_space<vmem>>) target(%dma_start3A_1431 : memref<8x128xf32, #tpu.memory_space<vmem_shared>>) target_semaphore(%run_scoped3A : memref<!tpu.dma_semaphore, #tpu.memory_space<semaphore_mem>>)
      %dma_wait3A_1432 = arith.constant 0 : i32
      %dma_wait3A_1433 = arith.constant 0 : i32
      %dma_wait3A_1434 = tpu.memref_slice %arg14[%arg1, %dma_wait3A_1432, %dma_wait3A_1433] : memref<16x8x128xf32, #tpu.memory_space<vmem_shared>> -> memref<1x8x128xf32, #tpu.memory_space<vmem_shared>>
      %dma_wait3A_1435 = tpu.memref_squeeze %dma_wait3A_1434 : memref<1x8x128xf32, #tpu.memory_space<vmem_shared>> -> memref<8x128xf32, #tpu.memory_space<vmem_shared>>
      %dma_wait3A_1436 = arith.constant 0 : i32
      %dma_wait3A_1437 = arith.constant 0 : i32
      %dma_wait3A_1438 = tpu.memref_slice %arg14[%arg1, %dma_wait3A_1436, %dma_wait3A_1437] : memref<16x8x128xf32, #tpu.memory_space<vmem_shared>> -> memref<1x8x128xf32, #tpu.memory_space<vmem_shared>>
      %dma_wait3A_1439 = tpu.memref_squeeze %dma_wait3A_1438 : memref<1x8x128xf32, #tpu.memory_space<vmem_shared>> -> memref<8x128xf32, #tpu.memory_space<vmem_shared>>
      tpu.wait_dma2 semaphore(%run_scoped3A : memref<!tpu.dma_semaphore, #tpu.memory_space<semaphore_mem>>) src(%arg8 : memref<8x128xf32, #tpu.memory_space<vmem>>) dst(%dma_wait3A_1439 : memref<8x128xf32, #tpu.memory_space<vmem_shared>>)
      tpu.yield
    }) : () -> ()
    "tpu.region"() ({
      %run_scoped3A = tpu.sem_alloc : memref<!tpu.dma_semaphore, #tpu.memory_space<semaphore_mem>>
      %dma_start3A_1424 = arith.constant 0 : i32
      %dma_start3A_1425 = arith.constant 0 : i32
      %dma_start3A_1426 = tpu.memref_slice %arg15[%arg1, %dma_start3A_1424, %dma_start3A_1425] : memref<16x8x128xi32, #tpu.memory_space<vmem_shared>> -> memref<1x8x128xi32, #tpu.memory_space<vmem_shared>>
      %dma_start3A_1427 = tpu.memref_squeeze %dma_start3A_1426 : memref<1x8x128xi32, #tpu.memory_space<vmem_shared>> -> memref<8x128xi32, #tpu.memory_space<vmem_shared>>
      %dma_start3A_1428 = arith.constant 0 : i32
      %dma_start3A_1429 = arith.constant 0 : i32
      %dma_start3A_1430 = tpu.memref_slice %arg15[%arg1, %dma_start3A_1428, %dma_start3A_1429] : memref<16x8x128xi32, #tpu.memory_space<vmem_shared>> -> memref<1x8x128xi32, #tpu.memory_space<vmem_shared>>
      %dma_start3A_1431 = tpu.memref_squeeze %dma_start3A_1430 : memref<1x8x128xi32, #tpu.memory_space<vmem_shared>> -> memref<8x128xi32, #tpu.memory_space<vmem_shared>>
      tpu.enqueue_dma source(%arg9 : memref<8x128xi32, #tpu.memory_space<vmem>>) target(%dma_start3A_1431 : memref<8x128xi32, #tpu.memory_space<vmem_shared>>) target_semaphore(%run_scoped3A : memref<!tpu.dma_semaphore, #tpu.memory_space<semaphore_mem>>)
      %dma_wait3A_1432 = arith.constant 0 : i32
      %dma_wait3A_1433 = arith.constant 0 : i32
      %dma_wait3A_1434 = tpu.memref_slice %arg15[%arg1, %dma_wait3A_1432, %dma_wait3A_1433] : memref<16x8x128xi32, #tpu.memory_space<vmem_shared>> -> memref<1x8x128xi32, #tpu.memory_space<vmem_shared>>
      %dma_wait3A_1435 = tpu.memref_squeeze %dma_wait3A_1434 : memref<1x8x128xi32, #tpu.memory_space<vmem_shared>> -> memref<8x128xi32, #tpu.memory_space<vmem_shared>>
      %dma_wait3A_1436 = arith.constant 0 : i32
      %dma_wait3A_1437 = arith.constant 0 : i32
      %dma_wait3A_1438 = tpu.memref_slice %arg15[%arg1, %dma_wait3A_1436, %dma_wait3A_1437] : memref<16x8x128xi32, #tpu.memory_space<vmem_shared>> -> memref<1x8x128xi32, #tpu.memory_space<vmem_shared>>
      %dma_wait3A_1439 = tpu.memref_squeeze %dma_wait3A_1438 : memref<1x8x128xi32, #tpu.memory_space<vmem_shared>> -> memref<8x128xi32, #tpu.memory_space<vmem_shared>>
      tpu.wait_dma2 semaphore(%run_scoped3A : memref<!tpu.dma_semaphore, #tpu.memory_space<semaphore_mem>>) src(%arg9 : memref<8x128xi32, #tpu.memory_space<vmem>>) dst(%dma_wait3A_1439 : memref<8x128xi32, #tpu.memory_space<vmem_shared>>)
      tpu.yield
    }) : () -> ()
    %barrier3A = arith.constant 0 : index
    tpu.barrier barrier_id(%barrier3A)
    %mul3A_1212 = arith.constant 2 : i32
    %mul3A_1213 = arith.muli %arg1, %mul3A_1212 : i32
    %add3A_1214 = arith.constant 0 : i32
    %add3A_1215 = arith.addi %mul3A_1213, %add3A_1214 : i32
    %div3A_1216 = arith.constant 8 : i32
    %div3A_1217 = arith.divsi %add3A_1215, %div3A_1216 : i32
    %rem3A_1218 = arith.constant 8 : i32
    %rem3A_1219 = arith.remsi %add3A_1215, %rem3A_1218 : i32
    %mul3A_1220 = arith.constant 4 : i32
    %mul3A_1221 = arith.muli %div3A_1217, %mul3A_1220 : i32
    %add3A_1222 = arith.constant 0 : i32
    %add3A_1223 = arith.addi %mul3A_1221, %add3A_1222 : i32
    "tpu.region"() ({
      %run_scoped3A = tpu.sem_alloc : memref<!tpu.dma_semaphore, #tpu.memory_space<semaphore_mem>>
      %dma_start3A_1424 = arith.constant 0 : i32
      %dma_start3A_1425 = arith.constant 0 : i32
      %dma_start3A_1426 = tpu.memref_slice %arg14[%add3A_1223, %dma_start3A_1424, %dma_start3A_1425] : memref<16x8x128xf32, #tpu.memory_space<vmem_shared>> -> memref<1x8x128xf32, #tpu.memory_space<vmem_shared>>
      %dma_start3A_1427 = tpu.memref_squeeze %dma_start3A_1426 : memref<1x8x128xf32, #tpu.memory_space<vmem_shared>> -> memref<8x128xf32, #tpu.memory_space<vmem_shared>>
      %dma_start3A_1428 = arith.constant 0 : i32
      %dma_start3A_1429 = arith.constant 0 : i32
      %dma_start3A_1430 = tpu.memref_slice %arg14[%add3A_1223, %dma_start3A_1428, %dma_start3A_1429] : memref<16x8x128xf32, #tpu.memory_space<vmem_shared>> -> memref<1x8x128xf32, #tpu.memory_space<vmem_shared>>
      %dma_start3A_1431 = tpu.memref_squeeze %dma_start3A_1430 : memref<1x8x128xf32, #tpu.memory_space<vmem_shared>> -> memref<8x128xf32, #tpu.memory_space<vmem_shared>>
      tpu.enqueue_dma source(%dma_start3A_1431 : memref<8x128xf32, #tpu.memory_space<vmem_shared>>) target(%arg12 : memref<8x128xf32, #tpu.memory_space<vmem>>) target_semaphore(%run_scoped3A : memref<!tpu.dma_semaphore, #tpu.memory_space<semaphore_mem>>)
      %dma_wait3A_1432 = arith.constant 0 : i32
      %dma_wait3A_1433 = arith.constant 0 : i32
      %dma_wait3A_1434 = tpu.memref_slice %arg14[%add3A_1223, %dma_wait3A_1432, %dma_wait3A_1433] : memref<16x8x128xf32, #tpu.memory_space<vmem_shared>> -> memref<1x8x128xf32, #tpu.memory_space<vmem_shared>>
      %dma_wait3A_1435 = tpu.memref_squeeze %dma_wait3A_1434 : memref<1x8x128xf32, #tpu.memory_space<vmem_shared>> -> memref<8x128xf32, #tpu.memory_space<vmem_shared>>
      %dma_wait3A_1436 = arith.constant 0 : i32
      %dma_wait3A_1437 = arith.constant 0 : i32
      %dma_wait3A_1438 = tpu.memref_slice %arg14[%add3A_1223, %dma_wait3A_1436, %dma_wait3A_1437] : memref<16x8x128xf32, #tpu.memory_space<vmem_shared>> -> memref<1x8x128xf32, #tpu.memory_space<vmem_shared>>
      %dma_wait3A_1439 = tpu.memref_squeeze %dma_wait3A_1438 : memref<1x8x128xf32, #tpu.memory_space<vmem_shared>> -> memref<8x128xf32, #tpu.memory_space<vmem_shared>>
      tpu.wait_dma2 semaphore(%run_scoped3A : memref<!tpu.dma_semaphore, #tpu.memory_space<semaphore_mem>>) src(%dma_wait3A_1439 : memref<8x128xf32, #tpu.memory_space<vmem_shared>>) dst(%arg12 : memref<8x128xf32, #tpu.memory_space<vmem>>)
      tpu.yield
    }) : () -> ()
    %mul3A_1224 = arith.constant 4 : i32
    %mul3A_1225 = arith.muli %div3A_1217, %mul3A_1224 : i32
    %add3A_1226 = arith.constant 0 : i32
    %add3A_1227 = arith.addi %mul3A_1225, %add3A_1226 : i32
    "tpu.region"() ({
      %run_scoped3A = tpu.sem_alloc : memref<!tpu.dma_semaphore, #tpu.memory_space<semaphore_mem>>
      %dma_start3A_1424 = arith.constant 0 : i32
      %dma_start3A_1425 = arith.constant 0 : i32
      %dma_start3A_1426 = tpu.memref_slice %arg15[%add3A_1227, %dma_start3A_1424, %dma_start3A_1425] : memref<16x8x128xi32, #tpu.memory_space<vmem_shared>> -> memref<1x8x128xi32, #tpu.memory_space<vmem_shared>>
      %dma_start3A_1427 = tpu.memref_squeeze %dma_start3A_1426 : memref<1x8x128xi32, #tpu.memory_space<vmem_shared>> -> memref<8x128xi32, #tpu.memory_space<vmem_shared>>
      %dma_start3A_1428 = arith.constant 0 : i32
      %dma_start3A_1429 = arith.constant 0 : i32
      %dma_start3A_1430 = tpu.memref_slice %arg15[%add3A_1227, %dma_start3A_1428, %dma_start3A_1429] : memref<16x8x128xi32, #tpu.memory_space<vmem_shared>> -> memref<1x8x128xi32, #tpu.memory_space<vmem_shared>>
      %dma_start3A_1431 = tpu.memref_squeeze %dma_start3A_1430 : memref<1x8x128xi32, #tpu.memory_space<vmem_shared>> -> memref<8x128xi32, #tpu.memory_space<vmem_shared>>
      tpu.enqueue_dma source(%dma_start3A_1431 : memref<8x128xi32, #tpu.memory_space<vmem_shared>>) target(%arg13 : memref<8x128xi32, #tpu.memory_space<vmem>>) target_semaphore(%run_scoped3A : memref<!tpu.dma_semaphore, #tpu.memory_space<semaphore_mem>>)
      %dma_wait3A_1432 = arith.constant 0 : i32
      %dma_wait3A_1433 = arith.constant 0 : i32
      %dma_wait3A_1434 = tpu.memref_slice %arg15[%add3A_1227, %dma_wait3A_1432, %dma_wait3A_1433] : memref<16x8x128xi32, #tpu.memory_space<vmem_shared>> -> memref<1x8x128xi32, #tpu.memory_space<vmem_shared>>
      %dma_wait3A_1435 = tpu.memref_squeeze %dma_wait3A_1434 : memref<1x8x128xi32, #tpu.memory_space<vmem_shared>> -> memref<8x128xi32, #tpu.memory_space<vmem_shared>>
      %dma_wait3A_1436 = arith.constant 0 : i32
      %dma_wait3A_1437 = arith.constant 0 : i32
      %dma_wait3A_1438 = tpu.memref_slice %arg15[%add3A_1227, %dma_wait3A_1436, %dma_wait3A_1437] : memref<16x8x128xi32, #tpu.memory_space<vmem_shared>> -> memref<1x8x128xi32, #tpu.memory_space<vmem_shared>>
      %dma_wait3A_1439 = tpu.memref_squeeze %dma_wait3A_1438 : memref<1x8x128xi32, #tpu.memory_space<vmem_shared>> -> memref<8x128xi32, #tpu.memory_space<vmem_shared>>
      tpu.wait_dma2 semaphore(%run_scoped3A : memref<!tpu.dma_semaphore, #tpu.memory_space<semaphore_mem>>) src(%dma_wait3A_1439 : memref<8x128xi32, #tpu.memory_space<vmem_shared>>) dst(%arg13 : memref<8x128xi32, #tpu.memory_space<vmem>>)
      tpu.yield
    }) : () -> ()
    %get3A_1228 = arith.index_cast %rem3A_1219 : i32 to index
    %get3A_1229 = arith.constant 0 : index
    %get3A_1230 = tpu.vector_load %arg12[%get3A_1228, %get3A_1229] {strides = array<i32>} : memref<8x128xf32, #tpu.memory_space<vmem>>, vector<1x16xf32>,
    %get3A_1231 = vector.shape_cast %get3A_1230 : vector<1x16xf32> to vector<16xf32>
    %get3A_1232 = arith.index_cast %rem3A_1219 : i32 to index
    %get3A_1233 = arith.constant 0 : index
    %get3A_1234 = tpu.vector_load %arg13[%get3A_1232, %get3A_1233] {strides = array<i32>} : memref<8x128xi32, #tpu.memory_space<vmem>>, vector<1x16xi32>,
    %get3A_1235 = vector.shape_cast %get3A_1234 : vector<1x16xi32> to vector<16xi32>
    %mul3A_1236 = arith.constant 4 : i32
    %mul3A_1237 = arith.muli %div3A_1217, %mul3A_1236 : i32
    %add3A_1238 = arith.constant 1 : i32
    %add3A_1239 = arith.addi %mul3A_1237, %add3A_1238 : i32
    "tpu.region"() ({
      %run_scoped3A = tpu.sem_alloc : memref<!tpu.dma_semaphore, #tpu.memory_space<semaphore_mem>>
      %dma_start3A_1424 = arith.constant 0 : i32
      %dma_start3A_1425 = arith.constant 0 : i32
      %dma_start3A_1426 = tpu.memref_slice %arg14[%add3A_1239, %dma_start3A_1424, %dma_start3A_1425] : memref<16x8x128xf32, #tpu.memory_space<vmem_shared>> -> memref<1x8x128xf32, #tpu.memory_space<vmem_shared>>
      %dma_start3A_1427 = tpu.memref_squeeze %dma_start3A_1426 : memref<1x8x128xf32, #tpu.memory_space<vmem_shared>> -> memref<8x128xf32, #tpu.memory_space<vmem_shared>>
      %dma_start3A_1428 = arith.constant 0 : i32
      %dma_start3A_1429 = arith.constant 0 : i32
      %dma_start3A_1430 = tpu.memref_slice %arg14[%add3A_1239, %dma_start3A_1428, %dma_start3A_1429] : memref<16x8x128xf32, #tpu.memory_space<vmem_shared>> -> memref<1x8x128xf32, #tpu.memory_space<vmem_shared>>
      %dma_start3A_1431 = tpu.memref_squeeze %dma_start3A_1430 : memref<1x8x128xf32, #tpu.memory_space<vmem_shared>> -> memref<8x128xf32, #tpu.memory_space<vmem_shared>>
      tpu.enqueue_dma source(%dma_start3A_1431 : memref<8x128xf32, #tpu.memory_space<vmem_shared>>) target(%arg12 : memref<8x128xf32, #tpu.memory_space<vmem>>) target_semaphore(%run_scoped3A : memref<!tpu.dma_semaphore, #tpu.memory_space<semaphore_mem>>)
      %dma_wait3A_1432 = arith.constant 0 : i32
      %dma_wait3A_1433 = arith.constant 0 : i32
      %dma_wait3A_1434 = tpu.memref_slice %arg14[%add3A_1239, %dma_wait3A_1432, %dma_wait3A_1433] : memref<16x8x128xf32, #tpu.memory_space<vmem_shared>> -> memref<1x8x128xf32, #tpu.memory_space<vmem_shared>>
      %dma_wait3A_1435 = tpu.memref_squeeze %dma_wait3A_1434 : memref<1x8x128xf32, #tpu.memory_space<vmem_shared>> -> memref<8x128xf32, #tpu.memory_space<vmem_shared>>
      %dma_wait3A_1436 = arith.constant 0 : i32
      %dma_wait3A_1437 = arith.constant 0 : i32
      %dma_wait3A_1438 = tpu.memref_slice %arg14[%add3A_1239, %dma_wait3A_1436, %dma_wait3A_1437] : memref<16x8x128xf32, #tpu.memory_space<vmem_shared>> -> memref<1x8x128xf32, #tpu.memory_space<vmem_shared>>
      %dma_wait3A_1439 = tpu.memref_squeeze %dma_wait3A_1438 : memref<1x8x128xf32, #tpu.memory_space<vmem_shared>> -> memref<8x128xf32, #tpu.memory_space<vmem_shared>>
      tpu.wait_dma2 semaphore(%run_scoped3A : memref<!tpu.dma_semaphore, #tpu.memory_space<semaphore_mem>>) src(%dma_wait3A_1439 : memref<8x128xf32, #tpu.memory_space<vmem_shared>>) dst(%arg12 : memref<8x128xf32, #tpu.memory_space<vmem>>)
      tpu.yield
    }) : () -> ()
    %mul3A_1240 = arith.constant 4 : i32
    %mul3A_1241 = arith.muli %div3A_1217, %mul3A_1240 : i32
    %add3A_1242 = arith.constant 1 : i32
    %add3A_1243 = arith.addi %mul3A_1241, %add3A_1242 : i32
    "tpu.region"() ({
      %run_scoped3A = tpu.sem_alloc : memref<!tpu.dma_semaphore, #tpu.memory_space<semaphore_mem>>
      %dma_start3A_1424 = arith.constant 0 : i32
      %dma_start3A_1425 = arith.constant 0 : i32
      %dma_start3A_1426 = tpu.memref_slice %arg15[%add3A_1243, %dma_start3A_1424, %dma_start3A_1425] : memref<16x8x128xi32, #tpu.memory_space<vmem_shared>> -> memref<1x8x128xi32, #tpu.memory_space<vmem_shared>>
      %dma_start3A_1427 = tpu.memref_squeeze %dma_start3A_1426 : memref<1x8x128xi32, #tpu.memory_space<vmem_shared>> -> memref<8x128xi32, #tpu.memory_space<vmem_shared>>
      %dma_start3A_1428 = arith.constant 0 : i32
      %dma_start3A_1429 = arith.constant 0 : i32
      %dma_start3A_1430 = tpu.memref_slice %arg15[%add3A_1243, %dma_start3A_1428, %dma_start3A_1429] : memref<16x8x128xi32, #tpu.memory_space<vmem_shared>> -> memref<1x8x128xi32, #tpu.memory_space<vmem_shared>>
      %dma_start3A_1431 = tpu.memref_squeeze %dma_start3A_1430 : memref<1x8x128xi32, #tpu.memory_space<vmem_shared>> -> memref<8x128xi32, #tpu.memory_space<vmem_shared>>
      tpu.enqueue_dma source(%dma_start3A_1431 : memref<8x128xi32, #tpu.memory_space<vmem_shared>>) target(%arg13 : memref<8x128xi32, #tpu.memory_space<vmem>>) target_semaphore(%run_scoped3A : memref<!tpu.dma_semaphore, #tpu.memory_space<semaphore_mem>>)
      %dma_wait3A_1432 = arith.constant 0 : i32
      %dma_wait3A_1433 = arith.constant 0 : i32
      %dma_wait3A_1434 = tpu.memref_slice %arg15[%add3A_1243, %dma_wait3A_1432, %dma_wait3A_1433] : memref<16x8x128xi32, #tpu.memory_space<vmem_shared>> -> memref<1x8x128xi32, #tpu.memory_space<vmem_shared>>
      %dma_wait3A_1435 = tpu.memref_squeeze %dma_wait3A_1434 : memref<1x8x128xi32, #tpu.memory_space<vmem_shared>> -> memref<8x128xi32, #tpu.memory_space<vmem_shared>>
      %dma_wait3A_1436 = arith.constant 0 : i32
      %dma_wait3A_1437 = arith.constant 0 : i32
      %dma_wait3A_1438 = tpu.memref_slice %arg15[%add3A_1243, %dma_wait3A_1436, %dma_wait3A_1437] : memref<16x8x128xi32, #tpu.memory_space<vmem_shared>> -> memref<1x8x128xi32, #tpu.memory_space<vmem_shared>>
      %dma_wait3A_1439 = tpu.memref_squeeze %dma_wait3A_1438 : memref<1x8x128xi32, #tpu.memory_space<vmem_shared>> -> memref<8x128xi32, #tpu.memory_space<vmem_shared>>
      tpu.wait_dma2 semaphore(%run_scoped3A : memref<!tpu.dma_semaphore, #tpu.memory_space<semaphore_mem>>) src(%dma_wait3A_1439 : memref<8x128xi32, #tpu.memory_space<vmem_shared>>) dst(%arg13 : memref<8x128xi32, #tpu.memory_space<vmem>>)
      tpu.yield
    }) : () -> ()
    %get3A_1244 = arith.index_cast %rem3A_1219 : i32 to index
    %get3A_1245 = arith.constant 0 : index
    %get3A_1246 = tpu.vector_load %arg12[%get3A_1244, %get3A_1245] {strides = array<i32>} : memref<8x128xf32, #tpu.memory_space<vmem>>, vector<1x16xf32>,
    %get3A_1247 = vector.shape_cast %get3A_1246 : vector<1x16xf32> to vector<16xf32>
    %get3A_1248 = arith.index_cast %rem3A_1219 : i32 to index
    %get3A_1249 = arith.constant 0 : index
    %get3A_1250 = tpu.vector_load %arg13[%get3A_1248, %get3A_1249] {strides = array<i32>} : memref<8x128xi32, #tpu.memory_space<vmem>>, vector<1x16xi32>,
    %get3A_1251 = vector.shape_cast %get3A_1250 : vector<1x16xi32> to vector<16xi32>
    %gt3A_1252 = arith.cmpf ogt, %get3A_1247, %get3A_1231 : vector<16xf32>
    %eq3A_1253 = arith.cmpf oeq, %get3A_1247, %get3A_1231 : vector<16xf32>
    %lt3A_1254 = arith.cmpi slt, %get3A_1251, %get3A_1235 : vector<16xi32>
    %and3A_1255 = arith.andi %eq3A_1253, %lt3A_1254 : vector<16xi1>
    %or3A_1256 = arith.ori %gt3A_1252, %and3A_1255 : vector<16xi1>
    %select_n3A_1257 = arith.select %or3A_1256, %get3A_1247, %get3A_1231 : vector<16xi1>, vector<16xf32>
    %select_n3A_1258 = arith.select %or3A_1256, %get3A_1251, %get3A_1235 : vector<16xi1>, vector<16xi32>
    %mul3A_1259 = arith.constant 4 : i32
    %mul3A_1260 = arith.muli %div3A_1217, %mul3A_1259 : i32
    %add3A_1261 = arith.constant 2 : i32
    %add3A_1262 = arith.addi %mul3A_1260, %add3A_1261 : i32
    "tpu.region"() ({
      %run_scoped3A = tpu.sem_alloc : memref<!tpu.dma_semaphore, #tpu.memory_space<semaphore_mem>>
      %dma_start3A_1424 = arith.constant 0 : i32
      %dma_start3A_1425 = arith.constant 0 : i32
      %dma_start3A_1426 = tpu.memref_slice %arg14[%add3A_1262, %dma_start3A_1424, %dma_start3A_1425] : memref<16x8x128xf32, #tpu.memory_space<vmem_shared>> -> memref<1x8x128xf32, #tpu.memory_space<vmem_shared>>
      %dma_start3A_1427 = tpu.memref_squeeze %dma_start3A_1426 : memref<1x8x128xf32, #tpu.memory_space<vmem_shared>> -> memref<8x128xf32, #tpu.memory_space<vmem_shared>>
      %dma_start3A_1428 = arith.constant 0 : i32
      %dma_start3A_1429 = arith.constant 0 : i32
      %dma_start3A_1430 = tpu.memref_slice %arg14[%add3A_1262, %dma_start3A_1428, %dma_start3A_1429] : memref<16x8x128xf32, #tpu.memory_space<vmem_shared>> -> memref<1x8x128xf32, #tpu.memory_space<vmem_shared>>
      %dma_start3A_1431 = tpu.memref_squeeze %dma_start3A_1430 : memref<1x8x128xf32, #tpu.memory_space<vmem_shared>> -> memref<8x128xf32, #tpu.memory_space<vmem_shared>>
      tpu.enqueue_dma source(%dma_start3A_1431 : memref<8x128xf32, #tpu.memory_space<vmem_shared>>) target(%arg12 : memref<8x128xf32, #tpu.memory_space<vmem>>) target_semaphore(%run_scoped3A : memref<!tpu.dma_semaphore, #tpu.memory_space<semaphore_mem>>)
      %dma_wait3A_1432 = arith.constant 0 : i32
      %dma_wait3A_1433 = arith.constant 0 : i32
      %dma_wait3A_1434 = tpu.memref_slice %arg14[%add3A_1262, %dma_wait3A_1432, %dma_wait3A_1433] : memref<16x8x128xf32, #tpu.memory_space<vmem_shared>> -> memref<1x8x128xf32, #tpu.memory_space<vmem_shared>>
      %dma_wait3A_1435 = tpu.memref_squeeze %dma_wait3A_1434 : memref<1x8x128xf32, #tpu.memory_space<vmem_shared>> -> memref<8x128xf32, #tpu.memory_space<vmem_shared>>
      %dma_wait3A_1436 = arith.constant 0 : i32
      %dma_wait3A_1437 = arith.constant 0 : i32
      %dma_wait3A_1438 = tpu.memref_slice %arg14[%add3A_1262, %dma_wait3A_1436, %dma_wait3A_1437] : memref<16x8x128xf32, #tpu.memory_space<vmem_shared>> -> memref<1x8x128xf32, #tpu.memory_space<vmem_shared>>
      %dma_wait3A_1439 = tpu.memref_squeeze %dma_wait3A_1438 : memref<1x8x128xf32, #tpu.memory_space<vmem_shared>> -> memref<8x128xf32, #tpu.memory_space<vmem_shared>>
      tpu.wait_dma2 semaphore(%run_scoped3A : memref<!tpu.dma_semaphore, #tpu.memory_space<semaphore_mem>>) src(%dma_wait3A_1439 : memref<8x128xf32, #tpu.memory_space<vmem_shared>>) dst(%arg12 : memref<8x128xf32, #tpu.memory_space<vmem>>)
      tpu.yield
    }) : () -> ()
    %mul3A_1263 = arith.constant 4 : i32
    %mul3A_1264 = arith.muli %div3A_1217, %mul3A_1263 : i32
    %add3A_1265 = arith.constant 2 : i32
    %add3A_1266 = arith.addi %mul3A_1264, %add3A_1265 : i32
    "tpu.region"() ({
      %run_scoped3A = tpu.sem_alloc : memref<!tpu.dma_semaphore, #tpu.memory_space<semaphore_mem>>
      %dma_start3A_1424 = arith.constant 0 : i32
      %dma_start3A_1425 = arith.constant 0 : i32
      %dma_start3A_1426 = tpu.memref_slice %arg15[%add3A_1266, %dma_start3A_1424, %dma_start3A_1425] : memref<16x8x128xi32, #tpu.memory_space<vmem_shared>> -> memref<1x8x128xi32, #tpu.memory_space<vmem_shared>>
      %dma_start3A_1427 = tpu.memref_squeeze %dma_start3A_1426 : memref<1x8x128xi32, #tpu.memory_space<vmem_shared>> -> memref<8x128xi32, #tpu.memory_space<vmem_shared>>
      %dma_start3A_1428 = arith.constant 0 : i32
      %dma_start3A_1429 = arith.constant 0 : i32
      %dma_start3A_1430 = tpu.memref_slice %arg15[%add3A_1266, %dma_start3A_1428, %dma_start3A_1429] : memref<16x8x128xi32, #tpu.memory_space<vmem_shared>> -> memref<1x8x128xi32, #tpu.memory_space<vmem_shared>>
      %dma_start3A_1431 = tpu.memref_squeeze %dma_start3A_1430 : memref<1x8x128xi32, #tpu.memory_space<vmem_shared>> -> memref<8x128xi32, #tpu.memory_space<vmem_shared>>
      tpu.enqueue_dma source(%dma_start3A_1431 : memref<8x128xi32, #tpu.memory_space<vmem_shared>>) target(%arg13 : memref<8x128xi32, #tpu.memory_space<vmem>>) target_semaphore(%run_scoped3A : memref<!tpu.dma_semaphore, #tpu.memory_space<semaphore_mem>>)
      %dma_wait3A_1432 = arith.constant 0 : i32
      %dma_wait3A_1433 = arith.constant 0 : i32
      %dma_wait3A_1434 = tpu.memref_slice %arg15[%add3A_1266, %dma_wait3A_1432, %dma_wait3A_1433] : memref<16x8x128xi32, #tpu.memory_space<vmem_shared>> -> memref<1x8x128xi32, #tpu.memory_space<vmem_shared>>
      %dma_wait3A_1435 = tpu.memref_squeeze %dma_wait3A_1434 : memref<1x8x128xi32, #tpu.memory_space<vmem_shared>> -> memref<8x128xi32, #tpu.memory_space<vmem_shared>>
      %dma_wait3A_1436 = arith.constant 0 : i32
      %dma_wait3A_1437 = arith.constant 0 : i32
      %dma_wait3A_1438 = tpu.memref_slice %arg15[%add3A_1266, %dma_wait3A_1436, %dma_wait3A_1437] : memref<16x8x128xi32, #tpu.memory_space<vmem_shared>> -> memref<1x8x128xi32, #tpu.memory_space<vmem_shared>>
      %dma_wait3A_1439 = tpu.memref_squeeze %dma_wait3A_1438 : memref<1x8x128xi32, #tpu.memory_space<vmem_shared>> -> memref<8x128xi32, #tpu.memory_space<vmem_shared>>
      tpu.wait_dma2 semaphore(%run_scoped3A : memref<!tpu.dma_semaphore, #tpu.memory_space<semaphore_mem>>) src(%dma_wait3A_1439 : memref<8x128xi32, #tpu.memory_space<vmem_shared>>) dst(%arg13 : memref<8x128xi32, #tpu.memory_space<vmem>>)
      tpu.yield
    }) : () -> ()
    %get3A_1267 = arith.index_cast %rem3A_1219 : i32 to index
    %get3A_1268 = arith.constant 0 : index
    %get3A_1269 = tpu.vector_load %arg12[%get3A_1267, %get3A_1268] {strides = array<i32>} : memref<8x128xf32, #tpu.memory_space<vmem>>, vector<1x16xf32>,
    %get3A_1270 = vector.shape_cast %get3A_1269 : vector<1x16xf32> to vector<16xf32>
    %get3A_1271 = arith.index_cast %rem3A_1219 : i32 to index
    %get3A_1272 = arith.constant 0 : index
    %get3A_1273 = tpu.vector_load %arg13[%get3A_1271, %get3A_1272] {strides = array<i32>} : memref<8x128xi32, #tpu.memory_space<vmem>>, vector<1x16xi32>,
    %get3A_1274 = vector.shape_cast %get3A_1273 : vector<1x16xi32> to vector<16xi32>
    %gt3A_1275 = arith.cmpf ogt, %get3A_1270, %select_n3A_1257 : vector<16xf32>
    %eq3A_1276 = arith.cmpf oeq, %get3A_1270, %select_n3A_1257 : vector<16xf32>
    %lt3A_1277 = arith.cmpi slt, %get3A_1274, %select_n3A_1258 : vector<16xi32>
    %and3A_1278 = arith.andi %eq3A_1276, %lt3A_1277 : vector<16xi1>
    %or3A_1279 = arith.ori %gt3A_1275, %and3A_1278 : vector<16xi1>
    %select_n3A_1280 = arith.select %or3A_1279, %get3A_1270, %select_n3A_1257 : vector<16xi1>, vector<16xf32>
    %select_n3A_1281 = arith.select %or3A_1279, %get3A_1274, %select_n3A_1258 : vector<16xi1>, vector<16xi32>
    %mul3A_1282 = arith.constant 4 : i32
    %mul3A_1283 = arith.muli %div3A_1217, %mul3A_1282 : i32
    %add3A_1284 = arith.constant 3 : i32
    %add3A_1285 = arith.addi %mul3A_1283, %add3A_1284 : i32
    "tpu.region"() ({
      %run_scoped3A = tpu.sem_alloc : memref<!tpu.dma_semaphore, #tpu.memory_space<semaphore_mem>>
      %dma_start3A_1424 = arith.constant 0 : i32
      %dma_start3A_1425 = arith.constant 0 : i32
      %dma_start3A_1426 = tpu.memref_slice %arg14[%add3A_1285, %dma_start3A_1424, %dma_start3A_1425] : memref<16x8x128xf32, #tpu.memory_space<vmem_shared>> -> memref<1x8x128xf32, #tpu.memory_space<vmem_shared>>
      %dma_start3A_1427 = tpu.memref_squeeze %dma_start3A_1426 : memref<1x8x128xf32, #tpu.memory_space<vmem_shared>> -> memref<8x128xf32, #tpu.memory_space<vmem_shared>>
      %dma_start3A_1428 = arith.constant 0 : i32
      %dma_start3A_1429 = arith.constant 0 : i32
      %dma_start3A_1430 = tpu.memref_slice %arg14[%add3A_1285, %dma_start3A_1428, %dma_start3A_1429] : memref<16x8x128xf32, #tpu.memory_space<vmem_shared>> -> memref<1x8x128xf32, #tpu.memory_space<vmem_shared>>
      %dma_start3A_1431 = tpu.memref_squeeze %dma_start3A_1430 : memref<1x8x128xf32, #tpu.memory_space<vmem_shared>> -> memref<8x128xf32, #tpu.memory_space<vmem_shared>>
      tpu.enqueue_dma source(%dma_start3A_1431 : memref<8x128xf32, #tpu.memory_space<vmem_shared>>) target(%arg12 : memref<8x128xf32, #tpu.memory_space<vmem>>) target_semaphore(%run_scoped3A : memref<!tpu.dma_semaphore, #tpu.memory_space<semaphore_mem>>)
      %dma_wait3A_1432 = arith.constant 0 : i32
      %dma_wait3A_1433 = arith.constant 0 : i32
      %dma_wait3A_1434 = tpu.memref_slice %arg14[%add3A_1285, %dma_wait3A_1432, %dma_wait3A_1433] : memref<16x8x128xf32, #tpu.memory_space<vmem_shared>> -> memref<1x8x128xf32, #tpu.memory_space<vmem_shared>>
      %dma_wait3A_1435 = tpu.memref_squeeze %dma_wait3A_1434 : memref<1x8x128xf32, #tpu.memory_space<vmem_shared>> -> memref<8x128xf32, #tpu.memory_space<vmem_shared>>
      %dma_wait3A_1436 = arith.constant 0 : i32
      %dma_wait3A_1437 = arith.constant 0 : i32
      %dma_wait3A_1438 = tpu.memref_slice %arg14[%add3A_1285, %dma_wait3A_1436, %dma_wait3A_1437] : memref<16x8x128xf32, #tpu.memory_space<vmem_shared>> -> memref<1x8x128xf32, #tpu.memory_space<vmem_shared>>
      %dma_wait3A_1439 = tpu.memref_squeeze %dma_wait3A_1438 : memref<1x8x128xf32, #tpu.memory_space<vmem_shared>> -> memref<8x128xf32, #tpu.memory_space<vmem_shared>>
      tpu.wait_dma2 semaphore(%run_scoped3A : memref<!tpu.dma_semaphore, #tpu.memory_space<semaphore_mem>>) src(%dma_wait3A_1439 : memref<8x128xf32, #tpu.memory_space<vmem_shared>>) dst(%arg12 : memref<8x128xf32, #tpu.memory_space<vmem>>)
      tpu.yield
    }) : () -> ()
    %mul3A_1286 = arith.constant 4 : i32
    %mul3A_1287 = arith.muli %div3A_1217, %mul3A_1286 : i32
    %add3A_1288 = arith.constant 3 : i32
    %add3A_1289 = arith.addi %mul3A_1287, %add3A_1288 : i32
    "tpu.region"() ({
      %run_scoped3A = tpu.sem_alloc : memref<!tpu.dma_semaphore, #tpu.memory_space<semaphore_mem>>
      %dma_start3A_1424 = arith.constant 0 : i32
      %dma_start3A_1425 = arith.constant 0 : i32
      %dma_start3A_1426 = tpu.memref_slice %arg15[%add3A_1289, %dma_start3A_1424, %dma_start3A_1425] : memref<16x8x128xi32, #tpu.memory_space<vmem_shared>> -> memref<1x8x128xi32, #tpu.memory_space<vmem_shared>>
      %dma_start3A_1427 = tpu.memref_squeeze %dma_start3A_1426 : memref<1x8x128xi32, #tpu.memory_space<vmem_shared>> -> memref<8x128xi32, #tpu.memory_space<vmem_shared>>
      %dma_start3A_1428 = arith.constant 0 : i32
      %dma_start3A_1429 = arith.constant 0 : i32
      %dma_start3A_1430 = tpu.memref_slice %arg15[%add3A_1289, %dma_start3A_1428, %dma_start3A_1429] : memref<16x8x128xi32, #tpu.memory_space<vmem_shared>> -> memref<1x8x128xi32, #tpu.memory_space<vmem_shared>>
      %dma_start3A_1431 = tpu.memref_squeeze %dma_start3A_1430 : memref<1x8x128xi32, #tpu.memory_space<vmem_shared>> -> memref<8x128xi32, #tpu.memory_space<vmem_shared>>
      tpu.enqueue_dma source(%dma_start3A_1431 : memref<8x128xi32, #tpu.memory_space<vmem_shared>>) target(%arg13 : memref<8x128xi32, #tpu.memory_space<vmem>>) target_semaphore(%run_scoped3A : memref<!tpu.dma_semaphore, #tpu.memory_space<semaphore_mem>>)
      %dma_wait3A_1432 = arith.constant 0 : i32
      %dma_wait3A_1433 = arith.constant 0 : i32
      %dma_wait3A_1434 = tpu.memref_slice %arg15[%add3A_1289, %dma_wait3A_1432, %dma_wait3A_1433] : memref<16x8x128xi32, #tpu.memory_space<vmem_shared>> -> memref<1x8x128xi32, #tpu.memory_space<vmem_shared>>
      %dma_wait3A_1435 = tpu.memref_squeeze %dma_wait3A_1434 : memref<1x8x128xi32, #tpu.memory_space<vmem_shared>> -> memref<8x128xi32, #tpu.memory_space<vmem_shared>>
      %dma_wait3A_1436 = arith.constant 0 : i32
      %dma_wait3A_1437 = arith.constant 0 : i32
      %dma_wait3A_1438 = tpu.memref_slice %arg15[%add3A_1289, %dma_wait3A_1436, %dma_wait3A_1437] : memref<16x8x128xi32, #tpu.memory_space<vmem_shared>> -> memref<1x8x128xi32, #tpu.memory_space<vmem_shared>>
      %dma_wait3A_1439 = tpu.memref_squeeze %dma_wait3A_1438 : memref<1x8x128xi32, #tpu.memory_space<vmem_shared>> -> memref<8x128xi32, #tpu.memory_space<vmem_shared>>
      tpu.wait_dma2 semaphore(%run_scoped3A : memref<!tpu.dma_semaphore, #tpu.memory_space<semaphore_mem>>) src(%dma_wait3A_1439 : memref<8x128xi32, #tpu.memory_space<vmem_shared>>) dst(%arg13 : memref<8x128xi32, #tpu.memory_space<vmem>>)
      tpu.yield
    }) : () -> ()
    %get3A_1290 = arith.index_cast %rem3A_1219 : i32 to index
    %get3A_1291 = arith.constant 0 : index
    %get3A_1292 = tpu.vector_load %arg12[%get3A_1290, %get3A_1291] {strides = array<i32>} : memref<8x128xf32, #tpu.memory_space<vmem>>, vector<1x16xf32>,
    %get3A_1293 = vector.shape_cast %get3A_1292 : vector<1x16xf32> to vector<16xf32>
    %get3A_1294 = arith.index_cast %rem3A_1219 : i32 to index
    %get3A_1295 = arith.constant 0 : index
    %get3A_1296 = tpu.vector_load %arg13[%get3A_1294, %get3A_1295] {strides = array<i32>} : memref<8x128xi32, #tpu.memory_space<vmem>>, vector<1x16xi32>,
    %get3A_1297 = vector.shape_cast %get3A_1296 : vector<1x16xi32> to vector<16xi32>
    %gt3A_1298 = arith.cmpf ogt, %get3A_1293, %select_n3A_1280 : vector<16xf32>
    %eq3A_1299 = arith.cmpf oeq, %get3A_1293, %select_n3A_1280 : vector<16xf32>
    %lt3A_1300 = arith.cmpi slt, %get3A_1297, %select_n3A_1281 : vector<16xi32>
    %and3A_1301 = arith.andi %eq3A_1299, %lt3A_1300 : vector<16xi1>
    %or3A_1302 = arith.ori %gt3A_1298, %and3A_1301 : vector<16xi1>
    %select_n3A_1303 = arith.select %or3A_1302, %get3A_1293, %select_n3A_1280 : vector<16xi1>, vector<16xf32>
    %select_n3A_1304 = arith.select %or3A_1302, %get3A_1297, %select_n3A_1281 : vector<16xi1>, vector<16xi32>
    %swap3A_1305 = arith.constant 0 : index
    %swap3A_1306 = tpu.vector_load %arg10[%swap3A_1305] {strides = array<i32>} : memref<16xi32, #tpu.memory_space<vmem>>, vector<16xi32>,
    %swap3A_1307 = vector.shape_cast %swap3A_1306 : vector<16xi32> to vector<16xi32>
    %swap3A_1308 = vector.shape_cast %select_n3A_1304 : vector<16xi32> to vector<16xi32>
    tpu.vector_store %arg10[%swap3A_1305], %swap3A_1308 {strides = array<i32>} : memref<16xi32, #tpu.memory_space<vmem>>, vector<16xi32>,
    %swap3A_1309 = arith.constant 0 : index
    %swap3A_1310 = tpu.vector_load %arg11[%swap3A_1309] {strides = array<i32>} : memref<16xf32, #tpu.memory_space<vmem>>, vector<16xf32>,
    %swap3A_1311 = vector.shape_cast %swap3A_1310 : vector<16xf32> to vector<16xf32>
    %swap3A_1312 = vector.shape_cast %select_n3A_1303 : vector<16xf32> to vector<16xf32>
    tpu.vector_store %arg11[%swap3A_1309], %swap3A_1312 {strides = array<i32>} : memref<16xf32, #tpu.memory_space<vmem>>, vector<16xf32>,
    %mul3A_1313 = arith.constant 32 : i32
    %mul3A_1314 = arith.muli %arg0, %mul3A_1313 : i32
    %add3A_1315 = arith.addi %mul3A_1314, %add3A_1215 : i32
    %mul3A_1316 = arith.constant 16 : i32
    %mul3A_1317 = arith.muli %add3A_1315, %mul3A_1316 : i32
    "tpu.region"() ({
      %run_scoped3A = tpu.sem_alloc : memref<!tpu.dma_semaphore, #tpu.memory_space<semaphore_mem>>
      %dma_start3A_1424 = tpu.memref_slice %arg3[%mul3A_1317] : memref<1024xi32, #tpu.memory_space<hbm>> -> memref<16xi32, #tpu.memory_space<hbm>>
      %dma_start3A_1425 = tpu.memref_slice %arg3[%mul3A_1317] : memref<1024xi32, #tpu.memory_space<hbm>> -> memref<16xi32, #tpu.memory_space<hbm>>
      tpu.enqueue_dma source(%arg10 : memref<16xi32, #tpu.memory_space<vmem>>) target(%dma_start3A_1425 : memref<16xi32, #tpu.memory_space<hbm>>) target_semaphore(%run_scoped3A : memref<!tpu.dma_semaphore, #tpu.memory_space<semaphore_mem>>)
      %dma_wait3A_1426 = tpu.memref_slice %arg3[%mul3A_1317] : memref<1024xi32, #tpu.memory_space<hbm>> -> memref<16xi32, #tpu.memory_space<hbm>>
      %dma_wait3A_1427 = tpu.memref_slice %arg3[%mul3A_1317] : memref<1024xi32, #tpu.memory_space<hbm>> -> memref<16xi32, #tpu.memory_space<hbm>>
      tpu.wait_dma2 semaphore(%run_scoped3A : memref<!tpu.dma_semaphore, #tpu.memory_space<semaphore_mem>>) src(%arg10 : memref<16xi32, #tpu.memory_space<vmem>>) dst(%dma_wait3A_1427 : memref<16xi32, #tpu.memory_space<hbm>>)
      tpu.yield
    }) : () -> ()
    "tpu.region"() ({
      %run_scoped3A = tpu.sem_alloc : memref<!tpu.dma_semaphore, #tpu.memory_space<semaphore_mem>>
      %dma_start3A_1424 = tpu.memref_slice %arg4[%mul3A_1317] : memref<1024xf32, #tpu.memory_space<hbm>> -> memref<16xf32, #tpu.memory_space<hbm>>
      %dma_start3A_1425 = tpu.memref_slice %arg4[%mul3A_1317] : memref<1024xf32, #tpu.memory_space<hbm>> -> memref<16xf32, #tpu.memory_space<hbm>>
      tpu.enqueue_dma source(%arg11 : memref<16xf32, #tpu.memory_space<vmem>>) target(%dma_start3A_1425 : memref<16xf32, #tpu.memory_space<hbm>>) target_semaphore(%run_scoped3A : memref<!tpu.dma_semaphore, #tpu.memory_space<semaphore_mem>>)
      %dma_wait3A_1426 = tpu.memref_slice %arg4[%mul3A_1317] : memref<1024xf32, #tpu.memory_space<hbm>> -> memref<16xf32, #tpu.memory_space<hbm>>
      %dma_wait3A_1427 = tpu.memref_slice %arg4[%mul3A_1317] : memref<1024xf32, #tpu.memory_space<hbm>> -> memref<16xf32, #tpu.memory_space<hbm>>
      tpu.wait_dma2 semaphore(%run_scoped3A : memref<!tpu.dma_semaphore, #tpu.memory_space<semaphore_mem>>) src(%arg11 : memref<16xf32, #tpu.memory_space<vmem>>) dst(%dma_wait3A_1427 : memref<16xf32, #tpu.memory_space<hbm>>)
      tpu.yield
    }) : () -> ()
    %mul3A_1318 = arith.constant 2 : i32
    %mul3A_1319 = arith.muli %arg1, %mul3A_1318 : i32
    %add3A_1320 = arith.constant 1 : i32
    %add3A_1321 = arith.addi %mul3A_1319, %add3A_1320 : i32
    %div3A_1322 = arith.constant 8 : i32
    %div3A_1323 = arith.divsi %add3A_1321, %div3A_1322 : i32
    %rem3A_1324 = arith.constant 8 : i32
    %rem3A_1325 = arith.remsi %add3A_1321, %rem3A_1324 : i32
    %mul3A_1326 = arith.constant 4 : i32
    %mul3A_1327 = arith.muli %div3A_1323, %mul3A_1326 : i32
    %add3A_1328 = arith.constant 0 : i32
    %add3A_1329 = arith.addi %mul3A_1327, %add3A_1328 : i32
    "tpu.region"() ({
      %run_scoped3A = tpu.sem_alloc : memref<!tpu.dma_semaphore, #tpu.memory_space<semaphore_mem>>
      %dma_start3A_1424 = arith.constant 0 : i32
      %dma_start3A_1425 = arith.constant 0 : i32
      %dma_start3A_1426 = tpu.memref_slice %arg14[%add3A_1329, %dma_start3A_1424, %dma_start3A_1425] : memref<16x8x128xf32, #tpu.memory_space<vmem_shared>> -> memref<1x8x128xf32, #tpu.memory_space<vmem_shared>>
      %dma_start3A_1427 = tpu.memref_squeeze %dma_start3A_1426 : memref<1x8x128xf32, #tpu.memory_space<vmem_shared>> -> memref<8x128xf32, #tpu.memory_space<vmem_shared>>
      %dma_start3A_1428 = arith.constant 0 : i32
      %dma_start3A_1429 = arith.constant 0 : i32
      %dma_start3A_1430 = tpu.memref_slice %arg14[%add3A_1329, %dma_start3A_1428, %dma_start3A_1429] : memref<16x8x128xf32, #tpu.memory_space<vmem_shared>> -> memref<1x8x128xf32, #tpu.memory_space<vmem_shared>>
      %dma_start3A_1431 = tpu.memref_squeeze %dma_start3A_1430 : memref<1x8x128xf32, #tpu.memory_space<vmem_shared>> -> memref<8x128xf32, #tpu.memory_space<vmem_shared>>
      tpu.enqueue_dma source(%dma_start3A_1431 : memref<8x128xf32, #tpu.memory_space<vmem_shared>>) target(%arg12 : memref<8x128xf32, #tpu.memory_space<vmem>>) target_semaphore(%run_scoped3A : memref<!tpu.dma_semaphore, #tpu.memory_space<semaphore_mem>>)
      %dma_wait3A_1432 = arith.constant 0 : i32
      %dma_wait3A_1433 = arith.constant 0 : i32
      %dma_wait3A_1434 = tpu.memref_slice %arg14[%add3A_1329, %dma_wait3A_1432, %dma_wait3A_1433] : memref<16x8x128xf32, #tpu.memory_space<vmem_shared>> -> memref<1x8x128xf32, #tpu.memory_space<vmem_shared>>
      %dma_wait3A_1435 = tpu.memref_squeeze %dma_wait3A_1434 : memref<1x8x128xf32, #tpu.memory_space<vmem_shared>> -> memref<8x128xf32, #tpu.memory_space<vmem_shared>>
      %dma_wait3A_1436 = arith.constant 0 : i32
      %dma_wait3A_1437 = arith.constant 0 : i32
      %dma_wait3A_1438 = tpu.memref_slice %arg14[%add3A_1329, %dma_wait3A_1436, %dma_wait3A_1437] : memref<16x8x128xf32, #tpu.memory_space<vmem_shared>> -> memref<1x8x128xf32, #tpu.memory_space<vmem_shared>>
      %dma_wait3A_1439 = tpu.memref_squeeze %dma_wait3A_1438 : memref<1x8x128xf32, #tpu.memory_space<vmem_shared>> -> memref<8x128xf32, #tpu.memory_space<vmem_shared>>
      tpu.wait_dma2 semaphore(%run_scoped3A : memref<!tpu.dma_semaphore, #tpu.memory_space<semaphore_mem>>) src(%dma_wait3A_1439 : memref<8x128xf32, #tpu.memory_space<vmem_shared>>) dst(%arg12 : memref<8x128xf32, #tpu.memory_space<vmem>>)
      tpu.yield
    }) : () -> ()
    %mul3A_1330 = arith.constant 4 : i32
    %mul3A_1331 = arith.muli %div3A_1323, %mul3A_1330 : i32
    %add3A_1332 = arith.constant 0 : i32
    %add3A_1333 = arith.addi %mul3A_1331, %add3A_1332 : i32
    "tpu.region"() ({
      %run_scoped3A = tpu.sem_alloc : memref<!tpu.dma_semaphore, #tpu.memory_space<semaphore_mem>>
      %dma_start3A_1424 = arith.constant 0 : i32
      %dma_start3A_1425 = arith.constant 0 : i32
      %dma_start3A_1426 = tpu.memref_slice %arg15[%add3A_1333, %dma_start3A_1424, %dma_start3A_1425] : memref<16x8x128xi32, #tpu.memory_space<vmem_shared>> -> memref<1x8x128xi32, #tpu.memory_space<vmem_shared>>
      %dma_start3A_1427 = tpu.memref_squeeze %dma_start3A_1426 : memref<1x8x128xi32, #tpu.memory_space<vmem_shared>> -> memref<8x128xi32, #tpu.memory_space<vmem_shared>>
      %dma_start3A_1428 = arith.constant 0 : i32
      %dma_start3A_1429 = arith.constant 0 : i32
      %dma_start3A_1430 = tpu.memref_slice %arg15[%add3A_1333, %dma_start3A_1428, %dma_start3A_1429] : memref<16x8x128xi32, #tpu.memory_space<vmem_shared>> -> memref<1x8x128xi32, #tpu.memory_space<vmem_shared>>
      %dma_start3A_1431 = tpu.memref_squeeze %dma_start3A_1430 : memref<1x8x128xi32, #tpu.memory_space<vmem_shared>> -> memref<8x128xi32, #tpu.memory_space<vmem_shared>>
      tpu.enqueue_dma source(%dma_start3A_1431 : memref<8x128xi32, #tpu.memory_space<vmem_shared>>) target(%arg13 : memref<8x128xi32, #tpu.memory_space<vmem>>) target_semaphore(%run_scoped3A : memref<!tpu.dma_semaphore, #tpu.memory_space<semaphore_mem>>)
      %dma_wait3A_1432 = arith.constant 0 : i32
      %dma_wait3A_1433 = arith.constant 0 : i32
      %dma_wait3A_1434 = tpu.memref_slice %arg15[%add3A_1333, %dma_wait3A_1432, %dma_wait3A_1433] : memref<16x8x128xi32, #tpu.memory_space<vmem_shared>> -> memref<1x8x128xi32, #tpu.memory_space<vmem_shared>>
      %dma_wait3A_1435 = tpu.memref_squeeze %dma_wait3A_1434 : memref<1x8x128xi32, #tpu.memory_space<vmem_shared>> -> memref<8x128xi32, #tpu.memory_space<vmem_shared>>
      %dma_wait3A_1436 = arith.constant 0 : i32
      %dma_wait3A_1437 = arith.constant 0 : i32
      %dma_wait3A_1438 = tpu.memref_slice %arg15[%add3A_1333, %dma_wait3A_1436, %dma_wait3A_1437] : memref<16x8x128xi32, #tpu.memory_space<vmem_shared>> -> memref<1x8x128xi32, #tpu.memory_space<vmem_shared>>
      %dma_wait3A_1439 = tpu.memref_squeeze %dma_wait3A_1438 : memref<1x8x128xi32, #tpu.memory_space<vmem_shared>> -> memref<8x128xi32, #tpu.memory_space<vmem_shared>>
      tpu.wait_dma2 semaphore(%run_scoped3A : memref<!tpu.dma_semaphore, #tpu.memory_space<semaphore_mem>>) src(%dma_wait3A_1439 : memref<8x128xi32, #tpu.memory_space<vmem_shared>>) dst(%arg13 : memref<8x128xi32, #tpu.memory_space<vmem>>)
      tpu.yield
    }) : () -> ()
    %get3A_1334 = arith.index_cast %rem3A_1325 : i32 to index
    %get3A_1335 = arith.constant 0 : index
    %get3A_1336 = tpu.vector_load %arg12[%get3A_1334, %get3A_1335] {strides = array<i32>} : memref<8x128xf32, #tpu.memory_space<vmem>>, vector<1x16xf32>,
    %get3A_1337 = vector.shape_cast %get3A_1336 : vector<1x16xf32> to vector<16xf32>
    %get3A_1338 = arith.index_cast %rem3A_1325 : i32 to index
    %get3A_1339 = arith.constant 0 : index
    %get3A_1340 = tpu.vector_load %arg13[%get3A_1338, %get3A_1339] {strides = array<i32>} : memref<8x128xi32, #tpu.memory_space<vmem>>, vector<1x16xi32>,
    %get3A_1341 = vector.shape_cast %get3A_1340 : vector<1x16xi32> to vector<16xi32>
    %mul3A_1342 = arith.constant 4 : i32
    %mul3A_1343 = arith.muli %div3A_1323, %mul3A_1342 : i32
    %add3A_1344 = arith.constant 1 : i32
    %add3A_1345 = arith.addi %mul3A_1343, %add3A_1344 : i32
    "tpu.region"() ({
      %run_scoped3A = tpu.sem_alloc : memref<!tpu.dma_semaphore, #tpu.memory_space<semaphore_mem>>
      %dma_start3A_1424 = arith.constant 0 : i32
      %dma_start3A_1425 = arith.constant 0 : i32
      %dma_start3A_1426 = tpu.memref_slice %arg14[%add3A_1345, %dma_start3A_1424, %dma_start3A_1425] : memref<16x8x128xf32, #tpu.memory_space<vmem_shared>> -> memref<1x8x128xf32, #tpu.memory_space<vmem_shared>>
      %dma_start3A_1427 = tpu.memref_squeeze %dma_start3A_1426 : memref<1x8x128xf32, #tpu.memory_space<vmem_shared>> -> memref<8x128xf32, #tpu.memory_space<vmem_shared>>
      %dma_start3A_1428 = arith.constant 0 : i32
      %dma_start3A_1429 = arith.constant 0 : i32
      %dma_start3A_1430 = tpu.memref_slice %arg14[%add3A_1345, %dma_start3A_1428, %dma_start3A_1429] : memref<16x8x128xf32, #tpu.memory_space<vmem_shared>> -> memref<1x8x128xf32, #tpu.memory_space<vmem_shared>>
      %dma_start3A_1431 = tpu.memref_squeeze %dma_start3A_1430 : memref<1x8x128xf32, #tpu.memory_space<vmem_shared>> -> memref<8x128xf32, #tpu.memory_space<vmem_shared>>
      tpu.enqueue_dma source(%dma_start3A_1431 : memref<8x128xf32, #tpu.memory_space<vmem_shared>>) target(%arg12 : memref<8x128xf32, #tpu.memory_space<vmem>>) target_semaphore(%run_scoped3A : memref<!tpu.dma_semaphore, #tpu.memory_space<semaphore_mem>>)
      %dma_wait3A_1432 = arith.constant 0 : i32
      %dma_wait3A_1433 = arith.constant 0 : i32
      %dma_wait3A_1434 = tpu.memref_slice %arg14[%add3A_1345, %dma_wait3A_1432, %dma_wait3A_1433] : memref<16x8x128xf32, #tpu.memory_space<vmem_shared>> -> memref<1x8x128xf32, #tpu.memory_space<vmem_shared>>
      %dma_wait3A_1435 = tpu.memref_squeeze %dma_wait3A_1434 : memref<1x8x128xf32, #tpu.memory_space<vmem_shared>> -> memref<8x128xf32, #tpu.memory_space<vmem_shared>>
      %dma_wait3A_1436 = arith.constant 0 : i32
      %dma_wait3A_1437 = arith.constant 0 : i32
      %dma_wait3A_1438 = tpu.memref_slice %arg14[%add3A_1345, %dma_wait3A_1436, %dma_wait3A_1437] : memref<16x8x128xf32, #tpu.memory_space<vmem_shared>> -> memref<1x8x128xf32, #tpu.memory_space<vmem_shared>>
      %dma_wait3A_1439 = tpu.memref_squeeze %dma_wait3A_1438 : memref<1x8x128xf32, #tpu.memory_space<vmem_shared>> -> memref<8x128xf32, #tpu.memory_space<vmem_shared>>
      tpu.wait_dma2 semaphore(%run_scoped3A : memref<!tpu.dma_semaphore, #tpu.memory_space<semaphore_mem>>) src(%dma_wait3A_1439 : memref<8x128xf32, #tpu.memory_space<vmem_shared>>) dst(%arg12 : memref<8x128xf32, #tpu.memory_space<vmem>>)
      tpu.yield
    }) : () -> ()
    %mul3A_1346 = arith.constant 4 : i32
    %mul3A_1347 = arith.muli %div3A_1323, %mul3A_1346 : i32
    %add3A_1348 = arith.constant 1 : i32
    %add3A_1349 = arith.addi %mul3A_1347, %add3A_1348 : i32
    "tpu.region"() ({
      %run_scoped3A = tpu.sem_alloc : memref<!tpu.dma_semaphore, #tpu.memory_space<semaphore_mem>>
      %dma_start3A_1424 = arith.constant 0 : i32
      %dma_start3A_1425 = arith.constant 0 : i32
      %dma_start3A_1426 = tpu.memref_slice %arg15[%add3A_1349, %dma_start3A_1424, %dma_start3A_1425] : memref<16x8x128xi32, #tpu.memory_space<vmem_shared>> -> memref<1x8x128xi32, #tpu.memory_space<vmem_shared>>
      %dma_start3A_1427 = tpu.memref_squeeze %dma_start3A_1426 : memref<1x8x128xi32, #tpu.memory_space<vmem_shared>> -> memref<8x128xi32, #tpu.memory_space<vmem_shared>>
      %dma_start3A_1428 = arith.constant 0 : i32
      %dma_start3A_1429 = arith.constant 0 : i32
      %dma_start3A_1430 = tpu.memref_slice %arg15[%add3A_1349, %dma_start3A_1428, %dma_start3A_1429] : memref<16x8x128xi32, #tpu.memory_space<vmem_shared>> -> memref<1x8x128xi32, #tpu.memory_space<vmem_shared>>
      %dma_start3A_1431 = tpu.memref_squeeze %dma_start3A_1430 : memref<1x8x128xi32, #tpu.memory_space<vmem_shared>> -> memref<8x128xi32, #tpu.memory_space<vmem_shared>>
      tpu.enqueue_dma source(%dma_start3A_1431 : memref<8x128xi32, #tpu.memory_space<vmem_shared>>) target(%arg13 : memref<8x128xi32, #tpu.memory_space<vmem>>) target_semaphore(%run_scoped3A : memref<!tpu.dma_semaphore, #tpu.memory_space<semaphore_mem>>)
      %dma_wait3A_1432 = arith.constant 0 : i32
      %dma_wait3A_1433 = arith.constant 0 : i32
      %dma_wait3A_1434 = tpu.memref_slice %arg15[%add3A_1349, %dma_wait3A_1432, %dma_wait3A_1433] : memref<16x8x128xi32, #tpu.memory_space<vmem_shared>> -> memref<1x8x128xi32, #tpu.memory_space<vmem_shared>>
      %dma_wait3A_1435 = tpu.memref_squeeze %dma_wait3A_1434 : memref<1x8x128xi32, #tpu.memory_space<vmem_shared>> -> memref<8x128xi32, #tpu.memory_space<vmem_shared>>
      %dma_wait3A_1436 = arith.constant 0 : i32
      %dma_wait3A_1437 = arith.constant 0 : i32
      %dma_wait3A_1438 = tpu.memref_slice %arg15[%add3A_1349, %dma_wait3A_1436, %dma_wait3A_1437] : memref<16x8x128xi32, #tpu.memory_space<vmem_shared>> -> memref<1x8x128xi32, #tpu.memory_space<vmem_shared>>
      %dma_wait3A_1439 = tpu.memref_squeeze %dma_wait3A_1438 : memref<1x8x128xi32, #tpu.memory_space<vmem_shared>> -> memref<8x128xi32, #tpu.memory_space<vmem_shared>>
      tpu.wait_dma2 semaphore(%run_scoped3A : memref<!tpu.dma_semaphore, #tpu.memory_space<semaphore_mem>>) src(%dma_wait3A_1439 : memref<8x128xi32, #tpu.memory_space<vmem_shared>>) dst(%arg13 : memref<8x128xi32, #tpu.memory_space<vmem>>)
      tpu.yield
    }) : () -> ()
    %get3A_1350 = arith.index_cast %rem3A_1325 : i32 to index
    %get3A_1351 = arith.constant 0 : index
    %get3A_1352 = tpu.vector_load %arg12[%get3A_1350, %get3A_1351] {strides = array<i32>} : memref<8x128xf32, #tpu.memory_space<vmem>>, vector<1x16xf32>,
    %get3A_1353 = vector.shape_cast %get3A_1352 : vector<1x16xf32> to vector<16xf32>
    %get3A_1354 = arith.index_cast %rem3A_1325 : i32 to index
    %get3A_1355 = arith.constant 0 : index
    %get3A_1356 = tpu.vector_load %arg13[%get3A_1354, %get3A_1355] {strides = array<i32>} : memref<8x128xi32, #tpu.memory_space<vmem>>, vector<1x16xi32>,
    %get3A_1357 = vector.shape_cast %get3A_1356 : vector<1x16xi32> to vector<16xi32>
    %gt3A_1358 = arith.cmpf ogt, %get3A_1353, %get3A_1337 : vector<16xf32>
    %eq3A_1359 = arith.cmpf oeq, %get3A_1353, %get3A_1337 : vector<16xf32>
    %lt3A_1360 = arith.cmpi slt, %get3A_1357, %get3A_1341 : vector<16xi32>
    %and3A_1361 = arith.andi %eq3A_1359, %lt3A_1360 : vector<16xi1>
    %or3A_1362 = arith.ori %gt3A_1358, %and3A_1361 : vector<16xi1>
    %select_n3A_1363 = arith.select %or3A_1362, %get3A_1353, %get3A_1337 : vector<16xi1>, vector<16xf32>
    %select_n3A_1364 = arith.select %or3A_1362, %get3A_1357, %get3A_1341 : vector<16xi1>, vector<16xi32>
    %mul3A_1365 = arith.constant 4 : i32
    %mul3A_1366 = arith.muli %div3A_1323, %mul3A_1365 : i32
    %add3A_1367 = arith.constant 2 : i32
    %add3A_1368 = arith.addi %mul3A_1366, %add3A_1367 : i32
    "tpu.region"() ({
      %run_scoped3A = tpu.sem_alloc : memref<!tpu.dma_semaphore, #tpu.memory_space<semaphore_mem>>
      %dma_start3A_1424 = arith.constant 0 : i32
      %dma_start3A_1425 = arith.constant 0 : i32
      %dma_start3A_1426 = tpu.memref_slice %arg14[%add3A_1368, %dma_start3A_1424, %dma_start3A_1425] : memref<16x8x128xf32, #tpu.memory_space<vmem_shared>> -> memref<1x8x128xf32, #tpu.memory_space<vmem_shared>>
      %dma_start3A_1427 = tpu.memref_squeeze %dma_start3A_1426 : memref<1x8x128xf32, #tpu.memory_space<vmem_shared>> -> memref<8x128xf32, #tpu.memory_space<vmem_shared>>
      %dma_start3A_1428 = arith.constant 0 : i32
      %dma_start3A_1429 = arith.constant 0 : i32
      %dma_start3A_1430 = tpu.memref_slice %arg14[%add3A_1368, %dma_start3A_1428, %dma_start3A_1429] : memref<16x8x128xf32, #tpu.memory_space<vmem_shared>> -> memref<1x8x128xf32, #tpu.memory_space<vmem_shared>>
      %dma_start3A_1431 = tpu.memref_squeeze %dma_start3A_1430 : memref<1x8x128xf32, #tpu.memory_space<vmem_shared>> -> memref<8x128xf32, #tpu.memory_space<vmem_shared>>
      tpu.enqueue_dma source(%dma_start3A_1431 : memref<8x128xf32, #tpu.memory_space<vmem_shared>>) target(%arg12 : memref<8x128xf32, #tpu.memory_space<vmem>>) target_semaphore(%run_scoped3A : memref<!tpu.dma_semaphore, #tpu.memory_space<semaphore_mem>>)
      %dma_wait3A_1432 = arith.constant 0 : i32
      %dma_wait3A_1433 = arith.constant 0 : i32
      %dma_wait3A_1434 = tpu.memref_slice %arg14[%add3A_1368, %dma_wait3A_1432, %dma_wait3A_1433] : memref<16x8x128xf32, #tpu.memory_space<vmem_shared>> -> memref<1x8x128xf32, #tpu.memory_space<vmem_shared>>
      %dma_wait3A_1435 = tpu.memref_squeeze %dma_wait3A_1434 : memref<1x8x128xf32, #tpu.memory_space<vmem_shared>> -> memref<8x128xf32, #tpu.memory_space<vmem_shared>>
      %dma_wait3A_1436 = arith.constant 0 : i32
      %dma_wait3A_1437 = arith.constant 0 : i32
      %dma_wait3A_1438 = tpu.memref_slice %arg14[%add3A_1368, %dma_wait3A_1436, %dma_wait3A_1437] : memref<16x8x128xf32, #tpu.memory_space<vmem_shared>> -> memref<1x8x128xf32, #tpu.memory_space<vmem_shared>>
      %dma_wait3A_1439 = tpu.memref_squeeze %dma_wait3A_1438 : memref<1x8x128xf32, #tpu.memory_space<vmem_shared>> -> memref<8x128xf32, #tpu.memory_space<vmem_shared>>
      tpu.wait_dma2 semaphore(%run_scoped3A : memref<!tpu.dma_semaphore, #tpu.memory_space<semaphore_mem>>) src(%dma_wait3A_1439 : memref<8x128xf32, #tpu.memory_space<vmem_shared>>) dst(%arg12 : memref<8x128xf32, #tpu.memory_space<vmem>>)
      tpu.yield
    }) : () -> ()
    %mul3A_1369 = arith.constant 4 : i32
    %mul3A_1370 = arith.muli %div3A_1323, %mul3A_1369 : i32
    %add3A_1371 = arith.constant 2 : i32
    %add3A_1372 = arith.addi %mul3A_1370, %add3A_1371 : i32
    "tpu.region"() ({
      %run_scoped3A = tpu.sem_alloc : memref<!tpu.dma_semaphore, #tpu.memory_space<semaphore_mem>>
      %dma_start3A_1424 = arith.constant 0 : i32
      %dma_start3A_1425 = arith.constant 0 : i32
      %dma_start3A_1426 = tpu.memref_slice %arg15[%add3A_1372, %dma_start3A_1424, %dma_start3A_1425] : memref<16x8x128xi32, #tpu.memory_space<vmem_shared>> -> memref<1x8x128xi32, #tpu.memory_space<vmem_shared>>
      %dma_start3A_1427 = tpu.memref_squeeze %dma_start3A_1426 : memref<1x8x128xi32, #tpu.memory_space<vmem_shared>> -> memref<8x128xi32, #tpu.memory_space<vmem_shared>>
      %dma_start3A_1428 = arith.constant 0 : i32
      %dma_start3A_1429 = arith.constant 0 : i32
      %dma_start3A_1430 = tpu.memref_slice %arg15[%add3A_1372, %dma_start3A_1428, %dma_start3A_1429] : memref<16x8x128xi32, #tpu.memory_space<vmem_shared>> -> memref<1x8x128xi32, #tpu.memory_space<vmem_shared>>
      %dma_start3A_1431 = tpu.memref_squeeze %dma_start3A_1430 : memref<1x8x128xi32, #tpu.memory_space<vmem_shared>> -> memref<8x128xi32, #tpu.memory_space<vmem_shared>>
      tpu.enqueue_dma source(%dma_start3A_1431 : memref<8x128xi32, #tpu.memory_space<vmem_shared>>) target(%arg13 : memref<8x128xi32, #tpu.memory_space<vmem>>) target_semaphore(%run_scoped3A : memref<!tpu.dma_semaphore, #tpu.memory_space<semaphore_mem>>)
      %dma_wait3A_1432 = arith.constant 0 : i32
      %dma_wait3A_1433 = arith.constant 0 : i32
      %dma_wait3A_1434 = tpu.memref_slice %arg15[%add3A_1372, %dma_wait3A_1432, %dma_wait3A_1433] : memref<16x8x128xi32, #tpu.memory_space<vmem_shared>> -> memref<1x8x128xi32, #tpu.memory_space<vmem_shared>>
      %dma_wait3A_1435 = tpu.memref_squeeze %dma_wait3A_1434 : memref<1x8x128xi32, #tpu.memory_space<vmem_shared>> -> memref<8x128xi32, #tpu.memory_space<vmem_shared>>
      %dma_wait3A_1436 = arith.constant 0 : i32
      %dma_wait3A_1437 = arith.constant 0 : i32
      %dma_wait3A_1438 = tpu.memref_slice %arg15[%add3A_1372, %dma_wait3A_1436, %dma_wait3A_1437] : memref<16x8x128xi32, #tpu.memory_space<vmem_shared>> -> memref<1x8x128xi32, #tpu.memory_space<vmem_shared>>
      %dma_wait3A_1439 = tpu.memref_squeeze %dma_wait3A_1438 : memref<1x8x128xi32, #tpu.memory_space<vmem_shared>> -> memref<8x128xi32, #tpu.memory_space<vmem_shared>>
      tpu.wait_dma2 semaphore(%run_scoped3A : memref<!tpu.dma_semaphore, #tpu.memory_space<semaphore_mem>>) src(%dma_wait3A_1439 : memref<8x128xi32, #tpu.memory_space<vmem_shared>>) dst(%arg13 : memref<8x128xi32, #tpu.memory_space<vmem>>)
      tpu.yield
    }) : () -> ()
    %get3A_1373 = arith.index_cast %rem3A_1325 : i32 to index
    %get3A_1374 = arith.constant 0 : index
    %get3A_1375 = tpu.vector_load %arg12[%get3A_1373, %get3A_1374] {strides = array<i32>} : memref<8x128xf32, #tpu.memory_space<vmem>>, vector<1x16xf32>,
    %get3A_1376 = vector.shape_cast %get3A_1375 : vector<1x16xf32> to vector<16xf32>
    %get3A_1377 = arith.index_cast %rem3A_1325 : i32 to index
    %get3A_1378 = arith.constant 0 : index
    %get3A_1379 = tpu.vector_load %arg13[%get3A_1377, %get3A_1378] {strides = array<i32>} : memref<8x128xi32, #tpu.memory_space<vmem>>, vector<1x16xi32>,
    %get3A_1380 = vector.shape_cast %get3A_1379 : vector<1x16xi32> to vector<16xi32>
    %gt3A_1381 = arith.cmpf ogt, %get3A_1376, %select_n3A_1363 : vector<16xf32>
    %eq3A_1382 = arith.cmpf oeq, %get3A_1376, %select_n3A_1363 : vector<16xf32>
    %lt3A_1383 = arith.cmpi slt, %get3A_1380, %select_n3A_1364 : vector<16xi32>
    %and3A_1384 = arith.andi %eq3A_1382, %lt3A_1383 : vector<16xi1>
    %or3A_1385 = arith.ori %gt3A_1381, %and3A_1384 : vector<16xi1>
    %select_n3A_1386 = arith.select %or3A_1385, %get3A_1376, %select_n3A_1363 : vector<16xi1>, vector<16xf32>
    %select_n3A_1387 = arith.select %or3A_1385, %get3A_1380, %select_n3A_1364 : vector<16xi1>, vector<16xi32>
    %mul3A_1388 = arith.constant 4 : i32
    %mul3A_1389 = arith.muli %div3A_1323, %mul3A_1388 : i32
    %add3A_1390 = arith.constant 3 : i32
    %add3A_1391 = arith.addi %mul3A_1389, %add3A_1390 : i32
    "tpu.region"() ({
      %run_scoped3A = tpu.sem_alloc : memref<!tpu.dma_semaphore, #tpu.memory_space<semaphore_mem>>
      %dma_start3A_1424 = arith.constant 0 : i32
      %dma_start3A_1425 = arith.constant 0 : i32
      %dma_start3A_1426 = tpu.memref_slice %arg14[%add3A_1391, %dma_start3A_1424, %dma_start3A_1425] : memref<16x8x128xf32, #tpu.memory_space<vmem_shared>> -> memref<1x8x128xf32, #tpu.memory_space<vmem_shared>>
      %dma_start3A_1427 = tpu.memref_squeeze %dma_start3A_1426 : memref<1x8x128xf32, #tpu.memory_space<vmem_shared>> -> memref<8x128xf32, #tpu.memory_space<vmem_shared>>
      %dma_start3A_1428 = arith.constant 0 : i32
      %dma_start3A_1429 = arith.constant 0 : i32
      %dma_start3A_1430 = tpu.memref_slice %arg14[%add3A_1391, %dma_start3A_1428, %dma_start3A_1429] : memref<16x8x128xf32, #tpu.memory_space<vmem_shared>> -> memref<1x8x128xf32, #tpu.memory_space<vmem_shared>>
      %dma_start3A_1431 = tpu.memref_squeeze %dma_start3A_1430 : memref<1x8x128xf32, #tpu.memory_space<vmem_shared>> -> memref<8x128xf32, #tpu.memory_space<vmem_shared>>
      tpu.enqueue_dma source(%dma_start3A_1431 : memref<8x128xf32, #tpu.memory_space<vmem_shared>>) target(%arg12 : memref<8x128xf32, #tpu.memory_space<vmem>>) target_semaphore(%run_scoped3A : memref<!tpu.dma_semaphore, #tpu.memory_space<semaphore_mem>>)
      %dma_wait3A_1432 = arith.constant 0 : i32
      %dma_wait3A_1433 = arith.constant 0 : i32
      %dma_wait3A_1434 = tpu.memref_slice %arg14[%add3A_1391, %dma_wait3A_1432, %dma_wait3A_1433] : memref<16x8x128xf32, #tpu.memory_space<vmem_shared>> -> memref<1x8x128xf32, #tpu.memory_space<vmem_shared>>
      %dma_wait3A_1435 = tpu.memref_squeeze %dma_wait3A_1434 : memref<1x8x128xf32, #tpu.memory_space<vmem_shared>> -> memref<8x128xf32, #tpu.memory_space<vmem_shared>>
      %dma_wait3A_1436 = arith.constant 0 : i32
      %dma_wait3A_1437 = arith.constant 0 : i32
      %dma_wait3A_1438 = tpu.memref_slice %arg14[%add3A_1391, %dma_wait3A_1436, %dma_wait3A_1437] : memref<16x8x128xf32, #tpu.memory_space<vmem_shared>> -> memref<1x8x128xf32, #tpu.memory_space<vmem_shared>>
      %dma_wait3A_1439 = tpu.memref_squeeze %dma_wait3A_1438 : memref<1x8x128xf32, #tpu.memory_space<vmem_shared>> -> memref<8x128xf32, #tpu.memory_space<vmem_shared>>
      tpu.wait_dma2 semaphore(%run_scoped3A : memref<!tpu.dma_semaphore, #tpu.memory_space<semaphore_mem>>) src(%dma_wait3A_1439 : memref<8x128xf32, #tpu.memory_space<vmem_shared>>) dst(%arg12 : memref<8x128xf32, #tpu.memory_space<vmem>>)
      tpu.yield
    }) : () -> ()
    %mul3A_1392 = arith.constant 4 : i32
    %mul3A_1393 = arith.muli %div3A_1323, %mul3A_1392 : i32
    %add3A_1394 = arith.constant 3 : i32
    %add3A_1395 = arith.addi %mul3A_1393, %add3A_1394 : i32
    "tpu.region"() ({
      %run_scoped3A = tpu.sem_alloc : memref<!tpu.dma_semaphore, #tpu.memory_space<semaphore_mem>>
      %dma_start3A_1424 = arith.constant 0 : i32
      %dma_start3A_1425 = arith.constant 0 : i32
      %dma_start3A_1426 = tpu.memref_slice %arg15[%add3A_1395, %dma_start3A_1424, %dma_start3A_1425] : memref<16x8x128xi32, #tpu.memory_space<vmem_shared>> -> memref<1x8x128xi32, #tpu.memory_space<vmem_shared>>
      %dma_start3A_1427 = tpu.memref_squeeze %dma_start3A_1426 : memref<1x8x128xi32, #tpu.memory_space<vmem_shared>> -> memref<8x128xi32, #tpu.memory_space<vmem_shared>>
      %dma_start3A_1428 = arith.constant 0 : i32
      %dma_start3A_1429 = arith.constant 0 : i32
      %dma_start3A_1430 = tpu.memref_slice %arg15[%add3A_1395, %dma_start3A_1428, %dma_start3A_1429] : memref<16x8x128xi32, #tpu.memory_space<vmem_shared>> -> memref<1x8x128xi32, #tpu.memory_space<vmem_shared>>
      %dma_start3A_1431 = tpu.memref_squeeze %dma_start3A_1430 : memref<1x8x128xi32, #tpu.memory_space<vmem_shared>> -> memref<8x128xi32, #tpu.memory_space<vmem_shared>>
      tpu.enqueue_dma source(%dma_start3A_1431 : memref<8x128xi32, #tpu.memory_space<vmem_shared>>) target(%arg13 : memref<8x128xi32, #tpu.memory_space<vmem>>) target_semaphore(%run_scoped3A : memref<!tpu.dma_semaphore, #tpu.memory_space<semaphore_mem>>)
      %dma_wait3A_1432 = arith.constant 0 : i32
      %dma_wait3A_1433 = arith.constant 0 : i32
      %dma_wait3A_1434 = tpu.memref_slice %arg15[%add3A_1395, %dma_wait3A_1432, %dma_wait3A_1433] : memref<16x8x128xi32, #tpu.memory_space<vmem_shared>> -> memref<1x8x128xi32, #tpu.memory_space<vmem_shared>>
      %dma_wait3A_1435 = tpu.memref_squeeze %dma_wait3A_1434 : memref<1x8x128xi32, #tpu.memory_space<vmem_shared>> -> memref<8x128xi32, #tpu.memory_space<vmem_shared>>
      %dma_wait3A_1436 = arith.constant 0 : i32
      %dma_wait3A_1437 = arith.constant 0 : i32
      %dma_wait3A_1438 = tpu.memref_slice %arg15[%add3A_1395, %dma_wait3A_1436, %dma_wait3A_1437] : memref<16x8x128xi32, #tpu.memory_space<vmem_shared>> -> memref<1x8x128xi32, #tpu.memory_space<vmem_shared>>
      %dma_wait3A_1439 = tpu.memref_squeeze %dma_wait3A_1438 : memref<1x8x128xi32, #tpu.memory_space<vmem_shared>> -> memref<8x128xi32, #tpu.memory_space<vmem_shared>>
      tpu.wait_dma2 semaphore(%run_scoped3A : memref<!tpu.dma_semaphore, #tpu.memory_space<semaphore_mem>>) src(%dma_wait3A_1439 : memref<8x128xi32, #tpu.memory_space<vmem_shared>>) dst(%arg13 : memref<8x128xi32, #tpu.memory_space<vmem>>)
      tpu.yield
    }) : () -> ()
    %get3A_1396 = arith.index_cast %rem3A_1325 : i32 to index
    %get3A_1397 = arith.constant 0 : index
    %get3A_1398 = tpu.vector_load %arg12[%get3A_1396, %get3A_1397] {strides = array<i32>} : memref<8x128xf32, #tpu.memory_space<vmem>>, vector<1x16xf32>,
    %get3A_1399 = vector.shape_cast %get3A_1398 : vector<1x16xf32> to vector<16xf32>
    %get3A_1400 = arith.index_cast %rem3A_1325 : i32 to index
    %get3A_1401 = arith.constant 0 : index
    %get3A_1402 = tpu.vector_load %arg13[%get3A_1400, %get3A_1401] {strides = array<i32>} : memref<8x128xi32, #tpu.memory_space<vmem>>, vector<1x16xi32>,
    %get3A_1403 = vector.shape_cast %get3A_1402 : vector<1x16xi32> to vector<16xi32>
    %gt3A_1404 = arith.cmpf ogt, %get3A_1399, %select_n3A_1386 : vector<16xf32>
    %eq3A_1405 = arith.cmpf oeq, %get3A_1399, %select_n3A_1386 : vector<16xf32>
    %lt3A_1406 = arith.cmpi slt, %get3A_1403, %select_n3A_1387 : vector<16xi32>
    %and3A_1407 = arith.andi %eq3A_1405, %lt3A_1406 : vector<16xi1>
    %or3A_1408 = arith.ori %gt3A_1404, %and3A_1407 : vector<16xi1>
    %select_n3A_1409 = arith.select %or3A_1408, %get3A_1399, %select_n3A_1386 : vector<16xi1>, vector<16xf32>
    %select_n3A_1410 = arith.select %or3A_1408, %get3A_1403, %select_n3A_1387 : vector<16xi1>, vector<16xi32>
    %swap3A_1411 = arith.constant 0 : index
    %swap3A_1412 = tpu.vector_load %arg10[%swap3A_1411] {strides = array<i32>} : memref<16xi32, #tpu.memory_space<vmem>>, vector<16xi32>,
    %swap3A_1413 = vector.shape_cast %swap3A_1412 : vector<16xi32> to vector<16xi32>
    %swap3A_1414 = vector.shape_cast %select_n3A_1410 : vector<16xi32> to vector<16xi32>
    tpu.vector_store %arg10[%swap3A_1411], %swap3A_1414 {strides = array<i32>} : memref<16xi32, #tpu.memory_space<vmem>>, vector<16xi32>,
    %swap3A_1415 = arith.constant 0 : index
    %swap3A_1416 = tpu.vector_load %arg11[%swap3A_1415] {strides = array<i32>} : memref<16xf32, #tpu.memory_space<vmem>>, vector<16xf32>,
    %swap3A_1417 = vector.shape_cast %swap3A_1416 : vector<16xf32> to vector<16xf32>
    %swap3A_1418 = vector.shape_cast %select_n3A_1409 : vector<16xf32> to vector<16xf32>
    tpu.vector_store %arg11[%swap3A_1415], %swap3A_1418 {strides = array<i32>} : memref<16xf32, #tpu.memory_space<vmem>>, vector<16xf32>,
    %mul3A_1419 = arith.constant 32 : i32
    %mul3A_1420 = arith.muli %arg0, %mul3A_1419 : i32
    %add3A_1421 = arith.addi %mul3A_1420, %add3A_1321 : i32
    %mul3A_1422 = arith.constant 16 : i32
    %mul3A_1423 = arith.muli %add3A_1421, %mul3A_1422 : i32
    "tpu.region"() ({
      %run_scoped3A = tpu.sem_alloc : memref<!tpu.dma_semaphore, #tpu.memory_space<semaphore_mem>>
      %dma_start3A_1424 = tpu.memref_slice %arg3[%mul3A_1423] : memref<1024xi32, #tpu.memory_space<hbm>> -> memref<16xi32, #tpu.memory_space<hbm>>
      %dma_start3A_1425 = tpu.memref_slice %arg3[%mul3A_1423] : memref<1024xi32, #tpu.memory_space<hbm>> -> memref<16xi32, #tpu.memory_space<hbm>>
      tpu.enqueue_dma source(%arg10 : memref<16xi32, #tpu.memory_space<vmem>>) target(%dma_start3A_1425 : memref<16xi32, #tpu.memory_space<hbm>>) target_semaphore(%run_scoped3A : memref<!tpu.dma_semaphore, #tpu.memory_space<semaphore_mem>>)
      %dma_wait3A_1426 = tpu.memref_slice %arg3[%mul3A_1423] : memref<1024xi32, #tpu.memory_space<hbm>> -> memref<16xi32, #tpu.memory_space<hbm>>
      %dma_wait3A_1427 = tpu.memref_slice %arg3[%mul3A_1423] : memref<1024xi32, #tpu.memory_space<hbm>> -> memref<16xi32, #tpu.memory_space<hbm>>
      tpu.wait_dma2 semaphore(%run_scoped3A : memref<!tpu.dma_semaphore, #tpu.memory_space<semaphore_mem>>) src(%arg10 : memref<16xi32, #tpu.memory_space<vmem>>) dst(%dma_wait3A_1427 : memref<16xi32, #tpu.memory_space<hbm>>)
      tpu.yield
    }) : () -> ()
    "tpu.region"() ({
      %run_scoped3A = tpu.sem_alloc : memref<!tpu.dma_semaphore, #tpu.memory_space<semaphore_mem>>
      %dma_start3A_1424 = tpu.memref_slice %arg4[%mul3A_1423] : memref<1024xf32, #tpu.memory_space<hbm>> -> memref<16xf32, #tpu.memory_space<hbm>>
      %dma_start3A_1425 = tpu.memref_slice %arg4[%mul3A_1423] : memref<1024xf32, #tpu.memory_space<hbm>> -> memref<16xf32, #tpu.memory_space<hbm>>
      tpu.enqueue_dma source(%arg11 : memref<16xf32, #tpu.memory_space<vmem>>) target(%dma_start3A_1425 : memref<16xf32, #tpu.memory_space<hbm>>) target_semaphore(%run_scoped3A : memref<!tpu.dma_semaphore, #tpu.memory_space<semaphore_mem>>)
      %dma_wait3A_1426 = tpu.memref_slice %arg4[%mul3A_1423] : memref<1024xf32, #tpu.memory_space<hbm>> -> memref<16xf32, #tpu.memory_space<hbm>>
      %dma_wait3A_1427 = tpu.memref_slice %arg4[%mul3A_1423] : memref<1024xf32, #tpu.memory_space<hbm>> -> memref<16xf32, #tpu.memory_space<hbm>>
      tpu.wait_dma2 semaphore(%run_scoped3A : memref<!tpu.dma_semaphore, #tpu.memory_space<semaphore_mem>>) src(%arg11 : memref<16xf32, #tpu.memory_space<vmem>>) dst(%dma_wait3A_1427 : memref<16xf32, #tpu.memory_space<hbm>>)
      tpu.yield
    }) : () -> ()
    return
  }
}

module attributes {stable_mosaic.version = 14 : i64} {
  func.func @_tc_body(%arg0: i32, %arg1: memref<64x8192xf32, #tpu.memory_space<vmem>>, %arg2: memref<64xf32, #tpu.memory_space<vmem>>, %arg3: memref<64xi32, #tpu.memory_space<vmem>>) attributes {dimension_semantics = [#tpu.dimension_semantics<arbitrary>], iteration_bounds = array<i64: 65>, scalar_prefetch = 0 : i64, scratch_operands = 0 : i64, tpu.core_type = #tpu.core_type<tc>, window_params = [{transform_indices = @transform_0, window_bounds = array<i64: 64, 8192>}, {pipeline_mode = #tpu.pipeline_mode<synchronous>, transform_indices = @transform_1, window_bounds = array<i64: 64>}, {pipeline_mode = #tpu.pipeline_mode<synchronous>, transform_indices = @transform_2, window_bounds = array<i64: 64>}]} {
    %eq3A = arith.constant 0 : i32
    %eq3A_0 = arith.cmpi eq, %arg0, %eq3A : i32
    %convert_element_type3A = arith.extui %eq3A_0 : i1 to i32
    %cond3A = arith.constant 0 : i32
    %cond3A_1 = arith.cmpi ne, %convert_element_type3A, %cond3A : i32
    scf.if %cond3A_1 {
      %broadcast_in_dim3A = arith.constant 0xFF800000 : f32
      %broadcast_in_dim3A_17 = vector.broadcast %broadcast_in_dim3A : f32 to vector<64xf32>
      %swap3A_18 = arith.constant 0 : index
      %swap3A_19 = vector.load %arg2[%swap3A_18] : memref<64xf32, #tpu.memory_space<vmem>>, vector<64xf32>
      tpu.vector_store %arg2[%swap3A_18], %broadcast_in_dim3A_17 {strides = array<i32>} : memref<64xf32, #tpu.memory_space<vmem>>, vector<64xf32>,
      %broadcast_in_dim3A_20 = arith.constant 0 : i32
      %broadcast_in_dim3A_21 = vector.broadcast %broadcast_in_dim3A_20 : i32 to vector<64xi32>
      %swap3A_22 = arith.constant 0 : index
      %swap3A_23 = vector.load %arg3[%swap3A_22] : memref<64xi32, #tpu.memory_space<vmem>>, vector<64xi32>
      tpu.vector_store %arg3[%swap3A_22], %broadcast_in_dim3A_21 {strides = array<i32>} : memref<64xi32, #tpu.memory_space<vmem>>, vector<64xi32>,
    } else {
    }
    %get3A = arith.constant 0 : index
    %get3A_2 = arith.constant 0 : index
    %get3A_3 = vector.load %arg1[%get3A, %get3A_2] : memref<64x8192xf32, #tpu.memory_space<vmem>>, vector<64x8192xf32>
    %reduce_max3A = arith.constant dense<0xFF800000> : vector<64xf32>
    %reduce_max3A_4 = vector.multi_reduction <maximumf>, %get3A_3, %reduce_max3A [1] : vector<64x8192xf32> to vector<64xf32>
    %add3A = arith.constant 57 : i32
    %add3A_5 = arith.addi %arg0, %add3A : i32
    %mul3A = arith.constant 8192 : i32
    %mul3A_6 = arith.muli %add3A_5, %mul3A : i32
    %argmax3A = tpu.reduce_index %get3A_3 {axis = 1 : i32, kind = #tpu.reduction_kind<arg_max>} : vector<64x8192xf32> -> vector<64xi32>
    %add3A_7 = vector.broadcast %mul3A_6 : i32 to vector<64xi32>
    %add3A_8 = arith.addi %add3A_7, %argmax3A : vector<64xi32>
    %get3A_9 = arith.constant 0 : index
    %get3A_10 = vector.load %arg2[%get3A_9] : memref<64xf32, #tpu.memory_space<vmem>>, vector<64xf32>
    %get3A_11 = arith.constant 0 : index
    %get3A_12 = vector.load %arg3[%get3A_11] : memref<64xi32, #tpu.memory_space<vmem>>, vector<64xi32>
    %gt3A = arith.cmpf ogt, %reduce_max3A_4, %get3A_10 : vector<64xf32>
    %select_n3A = arith.select %gt3A, %reduce_max3A_4, %get3A_10 : vector<64xi1>, vector<64xf32>
    %swap3A = arith.constant 0 : index
    %swap3A_13 = vector.load %arg2[%swap3A] : memref<64xf32, #tpu.memory_space<vmem>>, vector<64xf32>
    tpu.vector_store %arg2[%swap3A], %select_n3A {strides = array<i32>} : memref<64xf32, #tpu.memory_space<vmem>>, vector<64xf32>,
    %select_n3A_14 = arith.select %gt3A, %add3A_8, %get3A_12 : vector<64xi1>, vector<64xi32>
    %swap3A_15 = arith.constant 0 : index
    %swap3A_16 = vector.load %arg3[%swap3A_15] : memref<64xi32, #tpu.memory_space<vmem>>, vector<64xi32>
    tpu.vector_store %arg3[%swap3A_15], %select_n3A_14 {strides = array<i32>} : memref<64xi32, #tpu.memory_space<vmem>>, vector<64xi32>,
    return
  }
  func.func @transform_0(%arg0: i32) -> (i32, i32) {
    %add3A = arith.constant 57 : i32
    %add3A_0 = arith.addi %arg0, %add3A : i32
    %c0_i32 = arith.constant 0 : i32
    %c0_i32_1 = arith.constant 0 : i32
    return %c0_i32, %add3A_0 : i32, i32
  }
  func.func @transform_1(%arg0: i32) -> i32 {
    %c0_i32 = arith.constant 0 : i32
    %c0_i32_0 = arith.constant 0 : i32
    return %c0_i32 : i32
  }
  func.func @transform_2(%arg0: i32) -> i32 {
    %c0_i32 = arith.constant 0 : i32
    %c0_i32_0 = arith.constant 0 : i32
    return %c0_i32 : i32
  }
}

</mosaic_0001>

<sc_bundles>
// kernel: _argmax_split.4.cloned.1.call-start
scs
__scs_entry_jumppad:
0x0: {  	(pc) =	sbr.rel $0x88, $3  }
0x1: {  	(tag) =	ssettag $0x0;
	lr =	simm.s32 $0x1  }
0x2: {  	[smem:$0x3FA0] =	sst lr;
	_ =	strace $0xD0000000  }
0x3: {  	_ = 	snop  }
0x4: {  	_ = 	snop  }
0x5: {  	_ = 	snop  }
0x6: {  	_ = 	snop  }
0x7: {  	_ = 	snop  }
__scs_overlays_trampoline_lowered:
0x8: {  	[smem:$0x3FAF] =	sst s0  }
0x9: {  	[smem:$0x3FB0] =	sst s1  }
0xa: {  	[smem:$0x3FB1] =	sst s2  }
0xb: {  	[smem:$0x3FB2] =	sst s3  }
0xc: {  	[smem:$0x3FB3] =	sst s4  }
0xd: {  	[smem:$0x3FB4] =	sst s5  }
0xe: {  	[smem:$0x3FB5] =	sst s6  }
0xf: {  	[smem:$0x3FB6] =	sst s7  }
0x10: {  	[smem:$0x3FB7] =	sst s8  }
0x11: {  	[smem:$0x3FB8] =	sst s9;
	s0 =	simm.s32 @!p0 $0x0  }
0x12: {  	s1 =	sld [smem:$0x3F9E];
	s0 =	simm.s32 @p0 $0x1  }
0x13: {  	[smem:$0x3FB9] =	sst s0;
	s0 =	simm.s32 @!p1 $0x0  }
0x14: {  	s2 =	sld [smem:$0x3F9D];
	s0 =	simm.s32 @p1 $0x1  }
0x15: {  	[smem:$0x3FBA] =	sst s0;
	s0 =	simm.s32 @!p2 $0x0  }
0x16: {  	s3 =	sld [smem:$0x3FDB];
	s0 =	simm.s32 @p2 $0x1  }
0x17: {  	s4 =	simm.s32 $0x1BF5;
	[smem:$0x3FBC] =	sst s0  }
0x18: {  	s0 =	sld [smem:$0x3F9F];
	_ =	swait.ge [sflag:s4], $0x0  }
0x19: {  	s7 =	sld [smem:$0x3FA0]  }
0x1a: {  	s8 =	sadd.s32 $0xFFFFE003, lr  }
0x1b: {  	s9 =	sadd.s32 $0xFFFFFEF7, lr;
	s5 =	simm.s32 $0xFFFFFFFF;
	p2 =	slt.u32 s8, $0xFFFFF086  }
0x1c: {  	p1 =	slt.u32 s9, $0xF7A;
	s5 =	simm.s32 @!p2 $0x0  }
0x1d: {  	s5 =	simm.s32 @p1 $0x1;
	p0 =	seq.s32 s7, s2  }
0x1e: {  	s7 =	smul.u32 @!p0 $0xF7A, s2;
	p2 =	seq.s32 @!p0 s5, $0x0  }
0x1f: {  	s9 =	smul.u32 $0xF7A, s1;
	s8 =	simm.s32 @!p0 $0x1BF5;
	p2 =	por !p2, p0  }
0x20: {  	[sflag:s8] =	ssyncset.s32 @!p0 $0xFFFFF086;
	s6 =	sadd.s32 @!p0 s3, s7;
	s7 =	simm.s32 @!p0 $0x108  }
0x21: {  	s3 =	sadd.s32 s3, s9;
	s6 =	sadd.s32 @!p0 $0x88, s6;
	s7 =	simm.s32 @p2 $0x1082  }
0x22: {  	[simem:s7], [sflag:s8] =	dma.local @!p0 [hbm:s6], $0xF7A  }
0x23: {  	s9 =	sor.u32 $0xD0000000, s2;
	s6 =	simm.s32 $0x108;
	_ =	swait.ge @!p0 [sflag:s8], $0x0  }
0x24: {  	s3 =	sadd.s32 $0x88, s3;
	s6 =	simm.s32 @!p1 $0x1082;
	[sflag:s4] =	ssyncset.s32 $0xFFFFF086  }
0x25: {  	[simem:s6], [sflag:s4] =	dma.local [hbm:s3], $0xF7A  }
0x26: {  	[smem:$0x3FA0] =	sst s1;
	(tag) =	ssettag s2;
	_ =	strace s9  }
0x27: {  	s1 =	sld [smem:$0x3FB0]  }
0x28: {  	s2 =	sld [smem:$0x3FB1]  }
0x29: {  	s4 =	sld [smem:$0x3FB3]  }
0x2a: {  	p0 =	seq.s32 s5, $0x0;
	s5 =	sld [smem:$0x3FB4]  }
0x2b: {  	s6 =	sld [smem:$0x3FB5]  }
0x2c: {  	s7 =	sld [smem:$0x3FB6]  }
0x2d: {  	s3 =	simm.s32 $0x108;
	s8 =	sld [smem:$0x3FB7]  }
0x2e: {  	s3 =	simm.s32 @!p0 $0x1082;
	s9 =	sld [smem:$0x3FB8]  }
0x2f: {  	lr =	sadd.s32 s0, s3;
	s0 =	sld [smem:$0x3FAF]  }
0x30: {  	s3 =	sld [smem:$0x3FB2]  }
0x31: {  	[smem:$0x3FBB] =	sst s10  }
0x32: {  	s10 =	sld [smem:$0x3FB9];
	_ =	sdelay $0x3  }
0x33: {  	p0 =	seq.s32 s10, $0x1;
	s10 =	sld [smem:$0x3FBB];
	_ =	sdelay $0x3  }
0x34: {  	[smem:$0x3FBB] =	sst s10  }
0x35: {  	s10 =	sld [smem:$0x3FBA];
	_ =	sdelay $0x3  }
0x36: {  	p1 =	seq.s32 s10, $0x1;
	s10 =	sld [smem:$0x3FBB];
	_ =	sdelay $0x3  }
0x37: {  	[smem:$0x3FBB] =	sst s10  }
0x38: {  	s10 =	sld [smem:$0x3FBC]  }
0x39: {  	_ = 	snop;
	(pc) =	sbr.ind lr, $3  }
0x3a: {  	_ = 	snop  }
0x3b: {  	_ = 	snop  }
0x3c: {  	p2 =	seq.s32 s10, $0x1;
	s10 =	sld [smem:$0x3FBB]  }
0x3d: {  	_ =	shalt  }
0x3e: {  	_ =	shalt  }
0x3f: {  	_ =	shalt  }
0x40: {  	_ =	shalt  }
0x41: {  	_ =	shalt  }
0x42: {  	_ =	shalt  }
0x43: {  	_ =	shalt  }
0x44: {  	_ =	shalt  }
0x45: {  	_ =	shalt  }
0x46: {  	_ =	shalt  }
0x47: {  	_ =	shalt  }
0x48: {  	_ =	shalt  }
0x49: {  	_ =	shalt  }
0x4a: {  	_ =	shalt  }
0x4b: {  	_ =	shalt  }
0x4c: {  	_ =	shalt  }
0x4d: {  	_ =	shalt  }
0x4e: {  	_ =	shalt  }
0x4f: {  	_ =	shalt  }
0x50: {  	_ =	shalt  }
0x51: {  	_ =	shalt  }
0x52: {  	_ =	shalt  }
0x53: {  	_ =	shalt  }
0x54: {  	_ =	shalt  }
0x55: {  	_ =	shalt  }
0x56: {  	_ =	shalt  }
0x57: {  	_ =	shalt  }
0x58: {  	_ =	shalt  }
0x59: {  	_ =	shalt  }
0x5a: {  	_ =	shalt  }
0x5b: {  	_ =	shalt  }
0x5c: {  	_ =	shalt  }
0x5d: {  	_ =	shalt  }
0x5e: {  	_ =	shalt  }
0x5f: {  	_ =	shalt  }
0x60: {  	_ =	shalt  }
0x61: {  	_ =	shalt  }
0x62: {  	_ =	shalt  }
0x63: {  	_ =	shalt  }
0x64: {  	_ =	shalt  }
0x65: {  	_ =	shalt  }
0x66: {  	_ =	shalt  }
0x67: {  	_ =	shalt  }
0x68: {  	_ =	shalt  }
0x69: {  	_ =	shalt  }
0x6a: {  	_ =	shalt  }
0x6b: {  	_ =	shalt  }
0x6c: {  	_ =	shalt  }
0x6d: {  	_ =	shalt  }
0x6e: {  	_ =	shalt  }
0x6f: {  	_ =	shalt  }
0x70: {  	_ =	shalt  }
0x71: {  	_ =	shalt  }
0x72: {  	_ =	shalt  }
0x73: {  	_ =	shalt  }
0x74: {  	_ =	shalt  }
0x75: {  	_ =	shalt  }
0x76: {  	_ =	shalt  }
0x77: {  	_ =	shalt  }
0x78: {  	_ =	shalt  }
0x79: {  	_ =	shalt  }
0x7a: {  	_ =	shalt  }
0x7b: {  	_ =	shalt  }
0x7c: {  	_ =	shalt  }
0x7d: {  	_ =	shalt  }
0x7e: {  	_ =	shalt  }
0x7f: {  	_ =	shalt  }
0x80: {  	_ =	shalt  }
0x81: {  	_ =	shalt  }
0x82: {  	_ =	shalt  }
0x83: {  	_ =	shalt  }
0x84: {  	_ =	shalt  }
0x85: {  	_ =	shalt  }
0x86: {  	_ =	shalt  }
0x87: {  	_ =	shalt  }
.Lfunc_end0:
.L_simem_size_0:
called_computation_lowered:
.L_overlay_start_0:
0x88: {  	s2 =	sld [smem:$0x3FD9]  }
0x89: {  	s3 =	sld [smem:$0x3FFE];
	_ =	sdelay $0x1  }
0x8a: {  	s1 =	srdreg.scid  }
0x8b: {  	s0 =	sand.u32 $0x1, s1  }
0x8c: {  	s17 =	sshll.u32 s0, $0xA;
	s2 =	sadd.s32 s3, s2  }
0x8d: {  	s2 =	sadd.s32 s2, s17  }
0x8e: {  	[smem:$0x3FC7] =	sst s2  }
0x8f: {  	_ = 	snop  }
0x90: {  	s2 =	sld [smem:$0x3FC9];
	(tm) =	ssettm $0x1  }
0x91: {  	s18 =	sld [smem:$0x3FFB];
	_ =	sdelay $0x3  }
0x92: {  	_ =	strace s18  }
0x93: {  	s3 =	sld [smem:$0x3FFC];
	_ =	sdelay $0x3  }
0x94: {  	_ =	strace s3  }
0x95: {  	s3 =	sld [smem:$0x3FFD];
	_ =	sdelay $0x3  }
0x96: {  	_ =	strace s3  }
0x97: {  	_ =	strace $0x8FFFFFFF  }
0x98: {  	s19 =	sld [smem:$0x3FDB];
	_ =	sdelay $0x1  }
0x99: {  	s4 =	simm.s32 $_scs_section_size  }
0x9a: {  	s5 =	simm.s32 $_size__tile_overlayer_lowered;
	s6 =	simm.s32 $_tile_overlayer_lowered  }
0x9b: {  	s22 =	simm.s32 $0x1BFF;
	s21 =	sshll.u32 s6, $0x1;
	s3 =	sadd.s32 s4, s19  }
0x9c: {  	s7 =	simm.s32 $0x0;
	s20 =	sshll.u32 s5, $0x1;
	s5 =	sadd.s32 s21, s3  }
0x9d: {  	[timem:s7], [sflag:s22] =	dma.local [hbm:s5], s20  }
0x9e: {  	_ =	swait.ge [sflag:s22], s20  }
0x9f: {  	s4 =	ssub.s32 $0x0, s20;
	[sflag:s22] =	ssyncset.done $0x0  }
0xa0: {  	[sflag:s22] =	ssyncadd.s32 s4;
	_ =	sdelay $0x1  }
0xa1: {  	s23 =	simm.s32 $0x1B8B  }
0xa2: {  	_ =	swait.ge [sflag:s23], $0x1  }
0xa3: {  	[sflag:s23] =	ssyncset.done $0x0  }
0xa4: {  	s25 =	simm.s32 $0x1B8E;
	s24 =	sld [smem:$0x3FFE];
	[sflag:s23] =	ssyncadd.s32 $0xFFFFFFFF  }
0xa5: {  	s26 =	simm.s32 $execute0_lowered;
	[smem:$0x3FD2] =	sst s25  }
0xa6: {  	s5 =	sshll.u32 s26, $0x1;
	_ =	strace $0x80000046;
	[dreg:$0x1] =	wrdreg $0xFFFFFFFF  }
0xa7: {  	s28 =	simm.s32 $_size_execute0_lowered;
	s3 =	sadd.s32 s3, s5;
	[dreg:$0x0] =	wrdreg $0x0  }
0xa8: {  	s5 =	sshll.u32 s28, $0x1;
	[dreg:$0x2] =	wrdreg s3  }
0xa9: {  	[dreg:$0x3] =	wrdreg s5  }
0xaa: {  	[dreg:$0x4] =	wrdreg $0xC0  }
0xab: {  	_ =	task [dreg:s7], $0x5FFFF  }
0xac: {  	[dreg:$0x1] =	wrdreg $0xFFFFFFFF  }
0xad: {  	[dreg:$0x0] =	wrdreg $0x60  }
0xae: {  	[dreg:$0x2] =	wrdreg s2  }
0xaf: {  	[dreg:$0x3] =	wrdreg s24  }
0xb0: {  	[dreg:$0x4] =	wrdreg $0x1A5000  }
0xb1: {  	[dreg:$0x5] =	wrdreg $0x1A9000  }
0xb2: {  	[dreg:$0x6] =	wrdreg $0x9  }
0xb3: {  	_ =	task.clear_ibuf [dreg:s7], $0x7FFFF;
	_ =	strace $0x90000046  }
0xb4: {  	s29 =	simm.s32 $0x9;
	_ =	strace $0x80000048  }
0xb5: {  	_ =	swait.ge [sflag:s29], $0x1  }
0xb6: {  	[sflag:s29] =	ssyncadd.s32 $0xFFFFFFFF  }
0xb7: {  	_ =	strace $0x90000048  }
0xb8: {  	_ =	sfence  }
0xb9: {  	s30 =	sld [smem:$0x0];
	_ =	sdelay $0x2  }
0xba: {  	s31 =	sshll.u32 s1, $0xD;
	s1 =	sshrl.u32 s1, $0x2  }
0xbb: {  	s3 =	sand.u32 $0x4000, s31;
	s1 =	sadd.s32 s1, s30  }
0xbc: {  	s0 =	sor.u32 s3, s0;
	s1 =	sshll.u32 s1, $0x11  }
0xbd: {  	s0 =	sor.u32 s1, s0  }
0xbe: {  	s0 =	sadd.s32 $0x8F2B, s0  }
0xbf: {  	[sflag:s0] =	ssyncadd.remote.s32 $0x1  }
0xc0: {  	_ =	sfence.sel $0xFFFF  }
0xc1: {  	[dreg:$0x0] =	wrdreg $0xFFFFFFFF;
	(pc) =	sbr.abs _section_cstart, $3  }
0xc2: {  	[dreg:$0x1] =	wrdreg $0xFFFFFFFF  }
0xc3: {  	_ =	task.clear_ibuf [dreg:s7], $0x2FFFF;
	_ =	strace $0x9FFFFFFF  }
0xc4: {  	(tm) =	ssettm $0x7FFFFFFF  }
0xc5: {  	_ =	shalt  }
tec
execute0_lowered:
.L_overlay_start_1:
0x0: {  	(tag) =	ssettag $0x1  }
0x1: {  	s0 =	srdreg.scid  }
0x2: {  	s1 =	sand.u32 $0x1, s0  }
0x3: {  	s23 =	stileid.u32;
	s0 =	sshll.u32 s1, $0x4  }
0x4: {  	s31 =	simm.s32 $0x0;
	s4 =	sand.u32 $0x3, s23;
	s0 =	sor.u32 s23, s0  }
0x5: {  	[smem:$0x7FF] =	sst s31;
	p1 =	sne.s32 s4, $0x0;
	p0 =	seq.s32 s0, $0x0  }
0x6: {  	s2 =	simm.s32 $0x1;
	[dreg:$0x1d] =	wrdreg s1;
	p0 =	por !p1, !p0  }
0x7: {  	s6 =	ssub.s32 $0x2, s1;
	s3 =	smul.u32 $0x1C800, s4;
	p0 =	por !p0, !p0  }
0x8: {  	s7 =	sshrl.u32 s6, $0x1;
	s0 =	sshrl.u32 s0, $0x2;
	s2 =	simm.s32 @!p0 $0x0  }
0x9: {  	s5 =	smul.u32 $0xE4000, s4;
	s6 =	ssub.s32 s6, s7;
	s0 =	ssub.s32 s0, s2  }
0xa: {  	s10 =	sadd.s32 $0x4800, s3;
	s2 =	smul.u32 $0x7A1400, s0;
	s0 =	rddreg [dreg:$0x0]  }
0xb: {  	s6 =	smax.u32 s6, $0x1;
	p0 =	sne.s32 s4, $0x3;
	s14 =	sadd.s32 s0, s10  }
0xc: {  	s5 =	sadd.s32 s5, s2;
	s8 =	sshrl.u32 s2, $0x3;
	s2 =	sadd.s32 $0x7A0000, s2  }
0xd: {  	s11 =	sshrl.u32 s5, $0x3;
	s5 =	sadd.s32 $0x3000, s3;
	s15 =	sadd.s32 s8, s14  }
0xe: {  	s14 =	sadd.s32 $0xC000, s3;
	s2 =	sshrl.u32 s2, $0x3;
	s9 =	sadd.s32 s0, s5  }
0xf: {  	v0 =	vlaneseq.u32;
	s12 =	sadd.s32 s0, s11;
	[dreg:$0x7] =	wrdreg s15;
	s11 =	sadd.s32 $0x7800, s3  }
0x10: {  	s15 =	sadd.s32 s0, s14;
	v9 =	vor.u32 s14, v0;
	s14 =	stileid.u32;
	[dreg:$0x5] =	wrdreg s12  }
0x11: {  	s13 =	sadd.s32 s8, s9;
	s9 =	sadd.s32 $0x6000, s3;
	s12 =	sadd.s32 s0, s11  }
0x12: {  	v3 =	vor.u32 s5, v0;
	s24 =	sadd.s32 s8, s15;
	s15 =	sadd.s32 $0xF000, s3;
	s5 =	sshllo.u32 s14, $0x1  }
0x13: {  	[dreg:$0x6] =	wrdreg s13;
	s16 =	sadd.s32 s0, s9;
	s13 =	sadd.s32 $0x9000, s3  }
0x14: {  	s18 =	sadd.s32 s8, s12;
	s12 =	sadd.s32 $0xA800, s3;
	[dreg:$0xc] =	wrdreg s24  }
0x15: {  	s1 =	sadd.s32 s0, s15;
	v11 =	vor.u32 s15, v0;
	s15 =	sshll.u32 s14, $0x1;
	[dreg:$0x9] =	wrdreg s18  }
0x16: {  	s14 =	simm.s32 $0x19C80;
	s21 =	sadd.s32 s0, s12;
	v8 =	vor.u32 s12, v0;
	s12 =	rddreg [dreg:$0x1d]  }
0x17: {  	s17 =	sadd.s32 s8, s16;
	s19 =	sadd.s32 s0, s13;
	v7 =	vor.u32 s13, v0;
	s13 =	rddreg [dreg:$0x1]  }
0x18: {  	s16 =	sadd.s32 $0xD800, s3;
	s7 =	sadd.s32 s8, s1;
	[dreg:$0x8] =	wrdreg s17  }
0x19: {  	s1 =	sadd.s32 $0x19800, s3;
	s20 =	sadd.s32 s8, s19;
	[dreg:$0xe] =	wrdreg s7  }
0x1a: {  	s22 =	sadd.s32 s8, s21;
	s25 =	sadd.s32 s0, s16;
	[dreg:$0xa] =	wrdreg s20  }
0x1b: {  	s17 =	sadd.s32 $0x10800, s3;
	s19 =	sadd.s32 $0x12000, s3;
	[dreg:$0xb] =	wrdreg s22  }
0x1c: {  	s26 =	sadd.s32 s8, s25;
	s18 =	sadd.s32 s0, s17;
	s21 =	sadd.s32 s0, s19  }
0x1d: {  	s25 =	sadd.s32 $0x16800, s3;
	[dreg:$0xd] =	wrdreg s26;
	s20 =	sadd.s32 s8, s18  }
0x1e: {  	s22 =	sadd.s32 s8, s21;
	s18 =	sadd.s32 $0x13800, s3;
	[dreg:$0xf] =	wrdreg s20  }
0x1f: {  	v12 =	vor.u32 s17, v0;
	s17 =	sadd.s32 $0xA00, s13;
	[dreg:$0x10] =	wrdreg s22;
	s24 =	sadd.s32 s0, s18  }
0x20: {  	s20 =	sadd.s32 $0x15000, s3;
	v14 =	vor.u32 s18, v0;
	s18 =	sadd.s32 $0xC00, s13;
	s26 =	sadd.s32 s8, s24  }
0x21: {  	s13 =	simm.s32 $0x19C00;
	s21 =	sadd.s32 s0, s20;
	[dreg:$0x11] =	wrdreg s26  }
0x22: {  	v19 =	vimm.s32 $0x76543210;
	s7 =	sadd.s32 s8, s21;
	s21 =	sadd.s32 s0, s25;
	s26 =	sadd.s32 $0x18000, s3  }
0x23: {  	v21 =	vunpack.c.l.s4.s8 v19;
	v19 =	vimm.s32 $0x3210FEDC;
	[dreg:$0x12] =	wrdreg s7;
	s22 =	sadd.s32 s8, s21;
	s24 =	sadd.s32 s0, s26  }
0x24: {  	v19 =	vunpack.c.l.s4.s8 v19;
	[dreg:$0x13] =	wrdreg s22;
	s22 =	sadd.s32 s0, s1;
	s21 =	sadd.s32 s8, s24  }
0x25: {  	s7 =	sadd.s32 $0x1B000, s3;
	[dreg:$0x14] =	wrdreg s21;
	s24 =	sadd.s32 s8, s22  }
0x26: {  	v27 =	vunpack.c.0.s8.s32 v19;
	v19 =	vor.u32 s7, v0;
	s22 =	sadd.s32 s0, s7;
	s7 =	simm.s32 $0x1;
	[dreg:$0x15] =	wrdreg s24  }
0x27: {  	v1 =	vor.u32 s3, v0;
	s21 =	sadd.s32 s8, s22;
	s24 =	sadd.s32 $0x1800, s3;
	s3 =	rddreg [dreg:$0x2]  }
0x28: {  	s8 =	sadd.s32 s0, s8;
	s0 =	sadd.s32 s0, s2;
	[dreg:$0x16] =	wrdreg s21  }
0x29: {  	s2 =	sshll.u32 s12, $0x5;
	s8 =	sadd.s32 s24, s8;
	[dreg:$0x18] =	wrdreg s0  }
0x2a: {  	v18 =	vimm.s32 $0xFEDCBA98;
	s12 =	simm.s32 $0x1A100;
	[dreg:$0x17] =	wrdreg s8;
	s8 =	sshll.u32 s23, $0xA  }
0x2b: {  	v22 =	vimm.s32 $0xBA987654;
	v23 =	vimm.s32 $0x10FEDCBA;
	v5 =	vor.u32 s9, v0;
	s0 =	rddreg [dreg:$0x3];
	s28 =	sand.u32 $0x3000, s8;
	s9 =	sadd.s32 s8, s3  }
0x2c: {  	v24 =	vimm.s32 $0x98765432;
	v4 =	vor.u32 s10, v0;
	v6 =	vor.u32 s11, v0;
	s11 =	sor.u32 $0xC00, s8;
	s10 =	sor.u32 $0x400, s28;
	s23 =	sadd.s32 s28, s3  }
0x2d: {  	v25 =	vimm.s32 $0xFEDCBA9;
	v10 =	vor.u32 s16, v0;
	v2 =	vor.u32 s24, v0;
	s24 =	sadd.s32 s28, s0;
	s16 =	sor.u32 $0x800, s28;
	[dreg:$0x19] =	wrdreg s9  }
0x2e: {  	v26 =	vimm.s32 $0x87654321;
	v20 =	vunpack.c.l.s4.s8 v18;
	v23 =	vunpack.c.l.s4.s8 v23;
	s30 =	sadd.s32 s11, s3;
	s9 =	simm.s32 $0x2;
	s21 =	sadd.s32 s10, s3  }
0x2f: {  	v24 =	vunpack.c.l.s4.s8 v24;
	v25 =	vunpack.c.l.s4.s8 v25;
	v26 =	vunpack.c.l.s4.s8 v26;
	s22 =	sadd.s32 s10, s0;
	s10 =	sadd.s32 s8, s0;
	s28 =	sadd.s32 s16, s3  }
0x30: {  	v22 =	vunpack.c.l.s4.s8 v22;
	v20 =	vunpack.c.0.s8.s32 v20;
	v23 =	vunpack.c.0.s8.s32 v23;
	s29 =	sadd.s32 s16, s0;
	s0 =	sadd.s32 s11, s0;
	s16 =	stileid.u32  }
0x31: {  	v24 =	vunpack.c.0.s8.s32 v24;
	v25 =	vunpack.c.0.s8.s32 v25;
	v26 =	vunpack.c.0.s8.s32 v26;
	s3 =	sor.u32 s15, s2;
	s2 =	sor.u32 s2, s5;
	s5 =	sshll.u32 s5, $0x7  }
0x32: {  	v22 =	vunpack.c.0.s8.s32 v22;
	v28 =	vand.u32 $0xF, v20;
	s8 =	simm.s32 $0xC000;
	s11 =	simm.s32 $0x19D00;
	s15 =	simm.s32 $0x0  }
.Ltmp0:
0x33: {  	v24 =	vcombine.low v24, v23;
	v25 =	vcombine.low v26, v25;
	v13 =	vor.u32 s19, v0;
	[dreg:$0x1a] =	wrdreg s10;
	s19 =	sshll.u32 s3, $0x1;
	(pc) =	sbr.rel .LBB2_1-.Ltmp0, $4  }
0x34: {  	v16 =	vor.u32 s25, v0;
	v15 =	vor.u32 s20, v0;
	v17 =	vor.u32 s26, v0;
	s20 =	sshll.u32 s2, $0x1;
	s26 =	sshll.u32 s16, $0x8;
	s25 =	sadd.s32 s17, s19  }
0x35: {  	v27 =	vcombine.low v22, v27;
	v22 =	vunpack.c.0.s8.s32 v21;
	v18 =	vor.u32 s1, v0;
	s5 =	sand.u32 $0x380, s5;
	s1 =	sadd.s32 s18, s19;
	[dreg:$0x1b] =	wrdreg s25  }
0x36: {  	v20 =	vimm.f32 $-Inf;
	v21 =	vimm.s32 $0x0;
	v24 =	vand.u32 $0xF, v24;
	s10 =	simm.s32 $0x3;
	s2 =	sadd.s32 s17, s20;
	[dreg:$0x1c] =	wrdreg s1  }
0x37: {  	v25 =	vand.u32 $0xF, v25;
	v22 =	vcombine.low v28, v22;
	v23 =	vand.u32 $0xF, v27;
	s3 =	sadd.s32 s18, s20;
	s4 =	sand.u32 $0x300, s26;
	_ =	strace $0x80000047  }
.LBB2_6:
0x38: {  	v26 =	vld [tilespmem:$0x19400]  }
0x39: {  	v27 =	vld [tilespmem:$0x19800];
	_ =	sdelay $0x4  }
0x3a: {  	v28 =	vperm.xlane v26, v22;
	v29 =	vperm.xlane v27, v22  }
0x3b: {  	v30 =	vld [tilespmem:$0x19480]  }
0x3c: {  	v31 =	vld [tilespmem:$0x19880];
	vm0 =	veq.f32 v28, v26;
	vm1 =	vlt.s32 v29, v27  }
0x3d: {  	v34 =	vld [tilespmem:$0x19500];
	vm2 =	vgt.f32 v28, v26;
	vm0 =	vmand vm0, vm1  }
0x3e: {  	v53 =	vld [tilespmem:$0x19900];
	vm0 =	vmor vm2, vm0  }
0x3f: {  	v38 =	vld [tilespmem:$0x19580];
	v26 =	vsel vm0, v28, v26;
	v27 =	vsel vm0, v29, v27  }
0x40: {  	v58 =	vld [tilespmem:$0x19980];
	v28 =	vperm.xlane v26, v23;
	v29 =	vperm.xlane v27, v23  }
0x41: {  	v62 =	vld [tilespmem:$0x19600];
	v32 =	vperm.xlane v30, v22  }
0x42: {  	v42 =	vld [tilespmem:$0x19A00];
	v33 =	vperm.xlane v31, v22;
	vm4 =	veq.f32 v28, v26;
	vm5 =	vlt.s32 v29, v27  }
0x43: {  	v36 =	vperm.xlane v34, v22;
	vm6 =	vgt.f32 v28, v26;
	vm0 =	vmand vm4, vm5  }
0x44: {  	v37 =	vperm.xlane v53, v22;
	v60 =	vperm.xlane v38, v22;
	vm0 =	vmor vm6, vm0  }
0x45: {  	v39 =	vperm.xlane v58, v22;
	v26 =	vsel vm0, v28, v26;
	v27 =	vsel vm0, v29, v27  }
0x46: {  	v28 =	vperm.xlane v26, v24;
	v29 =	vperm.xlane v27, v24  }
0x47: {  	v46 =	vperm.xlane v62, v22;
	v47 =	vperm.xlane v42, v22;
	vm10 =	veq.f32 v32, v30  }
0x48: {  	vm3 =	vlt.s32 v33, v31;
	vm8 =	veq.f32 v28, v26;
	vm9 =	vlt.s32 v29, v27  }
0x49: {  	vm11 =	vgt.f32 v32, v30;
	vm7 =	vgt.f32 v28, v26;
	vm1 =	vmand vm8, vm9  }
0x4a: {  	vm2 =	vmand vm10, vm3;
	vm5 =	vgt.f32 v36, v34;
	vm0 =	vmor vm7, vm1  }
0x4b: {  	vm8 =	veq.f32 v36, v34;
	vm1 =	vmor vm11, vm2;
	v26 =	vsel vm0, v28, v26  }
0x4c: {  	v30 =	vsel vm1, v32, v30;
	v31 =	vsel vm1, v33, v31;
	v54 =	vperm.xlane v26, v25  }
0x4d: {  	v27 =	vsel vm0, v29, v27;
	v56 =	vperm.xlane v30, v23;
	v35 =	vperm.xlane v31, v23  }
0x4e: {  	vm9 =	vlt.s32 v37, v53;
	v55 =	vperm.xlane v27, v25;
	vm12 =	vgt.f32 v54, v26  }
0x4f: {  	vm13 =	veq.f32 v54, v26;
	vm15 =	veq.f32 v56, v30;
	vm4 =	vlt.s32 v35, v31  }
0x50: {  	vm14 =	vlt.s32 v55, v27;
	vm7 =	vgt.f32 v56, v30;
	vm3 =	vmand vm15, vm4  }
0x51: {  	vm1 =	vmand vm13, vm14;
	vm2 =	vmor vm7, vm3;
	vm3 =	vmand vm8, vm9  }
0x52: {  	vm0 =	vmor vm12, vm1;
	v30 =	vsel vm2, v56, v30;
	v31 =	vsel vm2, v35, v31  }
0x53: {  	vm10 =	vmor vm5, vm3;
	v26 =	vsel vm0, v54, v26;
	v33 =	vperm.xlane v30, v24  }
0x54: {  	v56 =	vld [tilespmem:$0x19A80];
	v35 =	vperm.xlane v31, v24;
	v34 =	vsel vm10, v36, v34;
	v28 =	vsel vm10, v37, v53  }
0x55: {  	v27 =	vsel vm0, v55, v27;
	v36 =	vperm.xlane v34, v23;
	v37 =	vperm.xlane v28, v23  }
0x56: {  	vm11 =	vgt.f32 v33, v30;
	vm12 =	veq.f32 v33, v30;
	vm13 =	vlt.s32 v35, v31  }
0x57: {  	vm2 =	vmand vm12, vm13;
	vm14 =	veq.f32 v36, v34;
	vm15 =	vlt.s32 v37, v28  }
0x58: {  	vm8 =	vgt.f32 v36, v34;
	vm1 =	vmor vm11, vm2;
	vm3 =	vmand vm14, vm15  }
0x59: {  	vm14 =	veq.f32 v60, v38;
	v43 =	vperm.xlane v56, v22;
	v57 =	vsel vm1, v33, v30  }
0x5a: {  	vm2 =	vmor vm8, vm3;
	v31 =	vsel vm1, v35, v31;
	v33 =	vperm.xlane v57, v25  }
0x5b: {  	v34 =	vsel vm2, v36, v34;
	v35 =	vperm.xlane v31, v25;
	v28 =	vsel vm2, v37, v28  }
0x5c: {  	vm15 =	vlt.s32 v39, v58;
	v36 =	vperm.xlane v34, v24;
	v59 =	vperm.xlane v28, v24  }
0x5d: {  	vm8 =	vgt.f32 v60, v38;
	vm0 =	vgt.f32 v33, v57;
	vm9 =	veq.f32 v33, v57  }
0x5e: {  	vm10 =	vlt.s32 v35, v31;
	vm11 =	veq.f32 v36, v34;
	vm12 =	vlt.s32 v59, v28  }
0x5f: {  	vm1 =	vmand vm9, vm10;
	vm13 =	vgt.f32 v36, v34;
	vm3 =	vmand vm11, vm12  }
0x60: {  	v55 =	vld [tilespmem:$0x19680];
	vm0 =	vmor vm0, vm1;
	vm2 =	vmor vm13, vm3;
	vm3 =	vmand vm14, vm15  }
0x61: {  	v29 =	vsel vm0, v35, v31;
	v34 =	vsel vm2, v36, v34;
	v32 =	vsel vm2, v59, v28  }
0x62: {  	vm9 =	vmor vm8, vm3;
	v28 =	vsel vm0, v33, v57;
	v36 =	vperm.xlane v34, v25  }
0x63: {  	v40 =	vperm.xlane v32, v25;
	v37 =	vsel vm9, v60, v38;
	v61 =	vsel vm9, v39, v58  }
0x64: {  	vm9 =	veq.f32 v46, v62;
	v63 =	vperm.xlane v37, v23;
	v41 =	vperm.xlane v61, v23  }
0x65: {  	v58 =	vperm.xlane v55, v22;
	vm10 =	vgt.f32 v36, v34;
	vm11 =	veq.f32 v36, v34  }
0x66: {  	vm12 =	vlt.s32 v40, v32;
	vm13 =	veq.f32 v63, v37;
	vm14 =	vlt.s32 v41, v61  }
0x67: {  	vm2 =	vmand vm11, vm12;
	vm15 =	vgt.f32 v63, v37;
	vm12 =	vgt.f32 v46, v62  }
0x68: {  	vm4 =	vmand vm13, vm14;
	vm0 =	vmor vm10, vm2;
	vm10 =	vlt.s32 v47, v42  }
0x69: {  	v44 =	vld [tilespmem:$0x19700];
	vm8 =	vmor vm15, vm4;
	v30 =	vsel vm0, v36, v34;
	vm1 =	vmand vm9, vm10  }
0x6a: {  	v45 =	vsel vm8, v63, v37;
	v48 =	vsel vm8, v41, v61;
	vm1 =	vmor vm12, vm1  }
0x6b: {  	v60 =	vld [tilespmem:$0x19B00];
	v49 =	vperm.xlane v45, v24;
	v50 =	vperm.xlane v48, v24;
	v51 =	vsel vm1, v46, v62  }
0x6c: {  	v31 =	vsel vm0, v40, v32;
	v35 =	vsel vm1, v47, v42;
	v46 =	vld [tilespmem:$0x19780];
	v39 =	vperm.xlane v51, v23  }
0x6d: {  	v47 =	vld [tilespmem:$0x19B80];
	v52 =	vperm.xlane v35, v23;
	vm13 =	veq.f32 v49, v45;
	vm14 =	vlt.s32 v50, v48  }
0x6e: {  	v62 =	vperm.xlane v44, v22;
	vm11 =	vgt.f32 v49, v45;
	vm2 =	vmand vm13, vm14  }
0x6f: {  	vm4 =	veq.f32 v39, v51;
	vm5 =	vlt.s32 v52, v35;
	vm6 =	vgt.f32 v39, v51  }
0x70: {  	vm14 =	veq.f32 v58, v55;
	vm15 =	vmor vm11, vm2;
	vm0 =	vmand vm4, vm5  }
0x71: {  	v53 =	vsel vm15, v49, v45;
	v54 =	vsel vm15, v50, v48;
	v45 =	vperm.xlane v60, v22  }
0x72: {  	vm0 =	vmor vm6, vm0;
	v48 =	vperm.xlane v46, v22;
	v49 =	vperm.xlane v47, v22  }
0x73: {  	vm15 =	vlt.s32 v43, v56;
	v36 =	vperm.xlane v53, v25;
	v57 =	vperm.xlane v54, v25  }
0x74: {  	v38 =	vsel vm0, v39, v51;
	v35 =	vsel vm0, v52, v35;
	vm3 =	vmand vm14, vm15  }
0x75: {  	vm14 =	veq.f32 v62, v44;
	v39 =	vperm.xlane v38, v24;
	v41 =	vperm.xlane v35, v24  }
0x76: {  	vm15 =	vlt.s32 v45, v60;
	vm7 =	vgt.f32 v36, v53;
	vm8 =	veq.f32 v36, v53  }
0x77: {  	vm9 =	vlt.s32 v57, v54;
	vm12 =	veq.f32 v39, v38;
	vm13 =	vlt.s32 v41, v35  }
0x78: {  	vm10 =	vmand vm8, vm9;
	vm11 =	vgt.f32 v39, v38;
	vm2 =	vmand vm12, vm13  }
0x79: {  	vm8 =	vgt.f32 v58, v55;
	vm0 =	vmor vm7, vm10;
	vm1 =	vmor vm11, vm2  }
0x7a: {  	v32 =	vsel vm0, v36, v53;
	vm2 =	vmor vm8, vm3;
	v59 =	vsel vm1, v39, v38  }
0x7b: {  	v34 =	vsel vm2, v58, v55;
	v37 =	vsel vm2, v43, v56;
	v39 =	vperm.xlane v59, v25  }
0x7c: {  	v35 =	vsel vm1, v41, v35;
	v42 =	vperm.xlane v34, v23;
	v61 =	vperm.xlane v37, v23  }
0x7d: {  	v33 =	vsel vm0, v57, v54;
	vm8 =	vgt.f32 v62, v44;
	v41 =	vperm.xlane v35, v25  }
0x7e: {  	vm9 =	veq.f32 v39, v59;
	vm11 =	veq.f32 v42, v34;
	vm12 =	vlt.s32 v61, v37  }
0x7f: {  	vm10 =	vlt.s32 v41, v35;
	vm13 =	vgt.f32 v42, v34;
	vm3 =	vmand vm11, vm12  }
0x80: {  	vm0 =	vgt.f32 v39, v59;
	vm1 =	vmand vm9, vm10;
	vm2 =	vmor vm13, vm3  }
0x81: {  	vm3 =	vmand vm14, vm15;
	vm0 =	vmor vm0, vm1;
	vm14 =	veq.f32 v48, v46  }
0x82: {  	vm15 =	vlt.s32 v49, v47;
	v34 =	vsel vm2, v42, v34;
	v37 =	vsel vm2, v61, v37  }
0x83: {  	vm9 =	vmor vm8, vm3;
	vm4 =	vmand vm14, vm15;
	v63 =	vperm.xlane v34, v24  }
0x84: {  	v52 =	vperm.xlane v37, v24;
	v43 =	vsel vm9, v62, v44;
	v38 =	vsel vm9, v45, v60  }
0x85: {  	vm8 =	vgt.f32 v48, v46;
	v44 =	vperm.xlane v43, v23;
	v45 =	vperm.xlane v38, v23  }
0x86: {  	v36 =	vsel vm0, v39, v59;
	v35 =	vsel vm0, v41, v35;
	vm10 =	veq.f32 v63, v34  }
0x87: {  	vm11 =	vlt.s32 v52, v37;
	vm12 =	veq.f32 v44, v43;
	vm13 =	vlt.s32 v45, v38  }
0x88: {  	vm6 =	vgt.f32 v44, v43;
	vm1 =	vmand vm10, vm11;
	vm10 =	vmor vm8, vm4  }
0x89: {  	vm11 =	vgt.f32 v63, v34;
	vm3 =	vmand vm12, vm13;
	v53 =	vsel vm10, v48, v46  }
0x8a: {  	v54 =	vsel vm10, v49, v47;
	vm12 =	vmor vm11, vm1;
	vm9 =	vmor vm6, vm3  }
0x8b: {  	v55 =	vperm.xlane v53, v23;
	v56 =	vperm.xlane v54, v23;
	v34 =	vsel vm12, v63, v34  }
0x8c: {  	v37 =	vsel vm12, v52, v37;
	v57 =	vsel vm9, v44, v43;
	v38 =	vsel vm9, v45, v38  }
0x8d: {  	v60 =	vperm.xlane v34, v25;
	v61 =	vperm.xlane v37, v25;
	vm13 =	veq.f32 v55, v53  }
0x8e: {  	vm14 =	vlt.s32 v56, v54;
	vm15 =	vgt.f32 v55, v53;
	v58 =	vperm.xlane v57, v24  }
0x8f: {  	v59 =	vperm.xlane v38, v24;
	vm1 =	vmand vm13, vm14;
	vm7 =	veq.f32 v60, v34  }
0x90: {  	vm8 =	vlt.s32 v61, v37;
	vm10 =	vgt.f32 v60, v34;
	vm1 =	vmor vm15, vm1  }
0x91: {  	[tilespmem:$0x19400] =	vst v26;
	vm4 =	veq.f32 v58, v57;
	vm5 =	vlt.s32 v59, v38;
	vm6 =	vgt.f32 v58, v57  }
0x92: {  	[tilespmem:$0x19800] =	vst v27;
	v39 =	vsel vm1, v55, v53;
	v26 =	vsel vm1, v56, v54;
	vm0 =	vmand vm4, vm5  }
0x93: {  	[tilespmem:$0x19880] =	vst v29;
	vm0 =	vmor vm6, vm0;
	v62 =	vperm.xlane v39, v24;
	v63 =	vperm.xlane v26, v24  }
0x94: {  	[tilespmem:$0x19480] =	vst v28;
	vm9 =	vmand vm7, vm8;
	v27 =	vsel vm0, v58, v57;
	v45 =	vsel vm0, v59, v38  }
0x95: {  	[tilespmem:$0x19500] =	vst v30;
	vm0 =	vmor vm10, vm9;
	vm11 =	veq.f32 v62, v39;
	vm12 =	vlt.s32 v63, v26  }
0x96: {  	[tilespmem:$0x19900] =	vst v31;
	v46 =	vperm.xlane v27, v25;
	vm13 =	vgt.f32 v62, v39;
	vm1 =	vmand vm11, vm12  }
0x97: {  	[tilespmem:$0x19580] =	vst v32;
	v47 =	vsel vm0, v60, v34;
	v48 =	vperm.xlane v45, v25;
	vm1 =	vmor vm13, vm1  }
0x98: {  	[tilespmem:$0x19980] =	vst v33;
	vm14 =	veq.f32 v46, v27;
	v28 =	vsel vm1, v62, v39;
	v26 =	vsel vm1, v63, v26  }
0x99: {  	[tilespmem:$0x19600] =	vst v36;
	vm15 =	vlt.s32 v48, v45;
	v49 =	vperm.xlane v28, v25;
	v50 =	vperm.xlane v26, v25  }
0x9a: {  	[tilespmem:$0x19A00] =	vst v35;
	v51 =	vsel vm0, v61, v37;
	vm5 =	vgt.f32 v46, v27;
	vm4 =	vmand vm14, vm15  }
0x9b: {  	[tilespmem:$0x19680] =	vst v47;
	vm0 =	vmor vm5, vm4;
	vm6 =	veq.f32 v49, v28;
	vm7 =	vlt.s32 v50, v26  }
0x9c: {  	[tilespmem:$0x19A80] =	vst v51;
	v27 =	vsel vm0, v46, v27;
	vm8 =	vgt.f32 v49, v28;
	vm1 =	vmand vm6, vm7  }
0x9d: {  	v29 =	vsel vm0, v48, v45;
	[tilespmem:$0x19700] =	vst v27;
	vm9 =	vmor vm8, vm1  }
0x9e: {  	[tilespmem:$0x19B00] =	vst v29;
	v27 =	vsel vm9, v49, v28  }
0x9f: {  	v26 =	vsel vm9, v50, v26;
	[tilespmem:$0x19780] =	vst v27  }
0xa0: {  	s1 =	rddreg [dreg:$0x19];
	s16 =	simm.s32 $0x19400;
	[tilespmem:$0x19B80] =	vst v26  }
0xa1: {  	[spmem:s1] =	stream.linear.scatter [tilespmem:s16], [sflag:$0x3], $0x400, $0x38;
	[tilespmem:$0x1AD00] =	vst v63  }
0xa2: {  	_ =	swait.ge [sflag:s10], $0x400  }
0xa3: {  	[sflag:s10] =	ssyncset.done $0x0  }
0xa4: {  	s20 =	simm.s32 $0x19800;
	s19 =	rddreg [dreg:$0x1a];
	[sflag:s10] =	ssyncadd.s32 $0xFFFFFC00  }
0xa5: {  	[spmem:s19] =	stream.linear.scatter [tilespmem:s20], [sflag:$0x3], $0x400, $0x38;
	[tilespmem:$0x1AD00] =	vst v63  }
0xa6: {  	_ =	swait.ge [sflag:s10], $0x400  }
0xa7: {  	[sflag:s10] =	ssyncset.done $0x0  }
0xa8: {  	[sflag:s10] =	ssyncadd.s32 $0xFFFFFC00  }
0xa9: {  	[bflag:$0x0] =	sbarrier.arrive $0xFFFF  }
0xaa: {  	[tilespmem:s11], [sflag:$0x3] =	stream.linear.gather [spmem:s23], $0x400, $0x38;
	[tilespmem:$0x1AD00] =	vst v63  }
0xab: {  	_ =	swait.ge [sflag:s10], $0x400  }
0xac: {  	[sflag:s10] =	ssyncset.done $0x0  }
0xad: {  	[sflag:s10] =	ssyncadd.s32 $0xFFFFFC00  }
0xae: {  	[tilespmem:s12], [sflag:$0x3] =	stream.linear.gather [spmem:s24], $0x400, $0x38;
	[tilespmem:$0x1AD00] =	vst v63  }
0xaf: {  	_ =	swait.ge [sflag:s10], $0x400  }
0xb0: {  	[sflag:s10] =	ssyncset.done $0x0  }
0xb1: {  	[sflag:s10] =	ssyncadd.s32 $0xFFFFFC00  }
0xb2: {  	v26 =	vld [tilespmem:s4+$0x19D00]  }
0xb3: {  	v27 =	vld [tilespmem:s4+$0x1A100];
	[tilespmem:s11], [sflag:$0x3] =	stream.linear.gather [spmem:s21], $0x400, $0x38  }
0xb4: {  	_ =	swait.ge [sflag:s10], $0x400  }
0xb5: {  	[sflag:s10] =	ssyncset.done $0x0  }
0xb6: {  	[sflag:s10] =	ssyncadd.s32 $0xFFFFFC00  }
0xb7: {  	[tilespmem:s12], [sflag:$0x3] =	stream.linear.gather [spmem:s22], $0x400, $0x38;
	[tilespmem:$0x1AD00] =	vst v63  }
0xb8: {  	_ =	swait.ge [sflag:s10], $0x400  }
0xb9: {  	[sflag:s10] =	ssyncset.done $0x0  }
0xba: {  	[sflag:s10] =	ssyncadd.s32 $0xFFFFFC00  }
0xbb: {  	v52 =	vld [tilespmem:s4+$0x19D00]  }
0xbc: {  	v53 =	vld [tilespmem:s4+$0x1A100];
	[tilespmem:s11], [sflag:$0x3] =	stream.linear.gather [spmem:s28], $0x400, $0x38  }
0xbd: {  	_ =	swait.ge [sflag:s10], $0x400  }
0xbe: {  	[sflag:s10] =	ssyncset.done $0x0  }
0xbf: {  	[sflag:s10] =	ssyncadd.s32 $0xFFFFFC00  }
0xc0: {  	[tilespmem:s12], [sflag:$0x3] =	stream.linear.gather [spmem:s29], $0x400, $0x38;
	[tilespmem:$0x1AD00] =	vst v63  }
0xc1: {  	_ =	swait.ge [sflag:s10], $0x400  }
0xc2: {  	[sflag:s10] =	ssyncset.done $0x0  }
0xc3: {  	[sflag:s10] =	ssyncadd.s32 $0xFFFFFC00  }
0xc4: {  	v54 =	vld [tilespmem:s4+$0x19D00]  }
0xc5: {  	v55 =	vld [tilespmem:s4+$0x1A100];
	[tilespmem:s11], [sflag:$0x3] =	stream.linear.gather [spmem:s30], $0x400, $0x38  }
0xc6: {  	_ =	swait.ge [sflag:s10], $0x400  }
0xc7: {  	[sflag:s10] =	ssyncset.done $0x0  }
0xc8: {  	[sflag:s10] =	ssyncadd.s32 $0xFFFFFC00  }
0xc9: {  	[tilespmem:s12], [sflag:$0x3] =	stream.linear.gather [spmem:s0], $0x400, $0x38;
	[tilespmem:$0x1AD00] =	vst v63  }
0xca: {  	_ =	swait.ge [sflag:s10], $0x400  }
0xcb: {  	vm10 =	veq.f32 v52, v26;
	vm11 =	vlt.s32 v53, v27;
	[sflag:s10] =	ssyncset.done $0x0  }
0xcc: {  	vm12 =	vgt.f32 v52, v26;
	vm0 =	vmand vm10, vm11;
	[sflag:s10] =	ssyncadd.s32 $0xFFFFFC00  }
0xcd: {  	vm0 =	vmor vm12, vm0;
	v56 =	vld [tilespmem:s4+$0x19D00]  }
0xce: {  	v26 =	vsel vm0, v52, v26;
	v27 =	vsel vm0, v53, v27;
	v57 =	vld [tilespmem:s4+$0x1A100]  }
0xcf: {  	vm13 =	veq.f32 v54, v26;
	vm14 =	vlt.s32 v55, v27  }
0xd0: {  	vm15 =	vgt.f32 v54, v26;
	vm0 =	vmand vm13, vm14  }
0xd1: {  	vm0 =	vmor vm15, vm0  }
0xd2: {  	v26 =	vsel vm0, v54, v26;
	v27 =	vsel vm0, v55, v27  }
0xd3: {  	vm4 =	veq.f32 v56, v26;
	vm5 =	vlt.s32 v57, v27  }
0xd4: {  	vm6 =	vgt.f32 v56, v26;
	vm0 =	vmand vm4, vm5  }
0xd5: {  	vm0 =	vmor vm6, vm0  }
0xd6: {  	v27 =	vsel vm0, v57, v27  }
0xd7: {  	v26 =	vsel vm0, v56, v26;
	[tilespmem:$0x19C00] =	vst v27  }
0xd8: {  	s25 =	rddreg [dreg:$0x1b];
	[tilespmem:$0x19C80] =	vst v26  }
0xd9: {  	[hbm4b:s25+s31] =	stream.linear.scatter [tilespmem:s13], [sflag:$0x3], $0x10, $0x38;
	[tilespmem:$0x1AD00] =	vst v63  }
0xda: {  	_ =	swait.ge [sflag:s10], $0x10  }
0xdb: {  	[sflag:s10] =	ssyncset.done $0x0  }
0xdc: {  	s26 =	rddreg [dreg:$0x1c];
	[sflag:s10] =	ssyncadd.s32 $0xFFFFFFF0  }
0xdd: {  	[hbm4b:s26+s31] =	stream.linear.scatter [tilespmem:s14], [sflag:$0x3], $0x10, $0x38;
	[tilespmem:$0x1AD00] =	vst v63  }
0xde: {  	_ =	swait.ge [sflag:s10], $0x10  }
0xdf: {  	[sflag:s10] =	ssyncset.done $0x0  }
0xe0: {  	[sflag:s10] =	ssyncadd.s32 $0xFFFFFFF0  }
0xe1: {  	[tilespmem:s11], [sflag:$0x3] =	stream.linear.gather [spmem:s23], $0x400, $0x38;
	[tilespmem:$0x1AD00] =	vst v63  }
0xe2: {  	_ =	swait.ge [sflag:s10], $0x400  }
0xe3: {  	[sflag:s10] =	ssyncset.done $0x0  }
0xe4: {  	[sflag:s10] =	ssyncadd.s32 $0xFFFFFC00  }
0xe5: {  	[tilespmem:s12], [sflag:$0x3] =	stream.linear.gather [spmem:s24], $0x400, $0x38;
	[tilespmem:$0x1AD00] =	vst v63  }
0xe6: {  	_ =	swait.ge [sflag:s10], $0x400  }
0xe7: {  	[sflag:s10] =	ssyncset.done $0x0  }
0xe8: {  	[sflag:s10] =	ssyncadd.s32 $0xFFFFFC00  }
0xe9: {  	v26 =	vld [tilespmem:s5+$0x19D00]  }
0xea: {  	v27 =	vld [tilespmem:s5+$0x1A100];
	[tilespmem:s11], [sflag:$0x3] =	stream.linear.gather [spmem:s21], $0x400, $0x38  }
0xeb: {  	_ =	swait.ge [sflag:s10], $0x400  }
0xec: {  	[sflag:s10] =	ssyncset.done $0x0  }
0xed: {  	[sflag:s10] =	ssyncadd.s32 $0xFFFFFC00  }
0xee: {  	[tilespmem:s12], [sflag:$0x3] =	stream.linear.gather [spmem:s22], $0x400, $0x38;
	[tilespmem:$0x1AD00] =	vst v63  }
0xef: {  	_ =	swait.ge [sflag:s10], $0x400  }
0xf0: {  	[sflag:s10] =	ssyncset.done $0x0  }
0xf1: {  	[sflag:s10] =	ssyncadd.s32 $0xFFFFFC00  }
0xf2: {  	v58 =	vld [tilespmem:s5+$0x19D00]  }
0xf3: {  	v59 =	vld [tilespmem:s5+$0x1A100];
	[tilespmem:s11], [sflag:$0x3] =	stream.linear.gather [spmem:s28], $0x400, $0x38  }
0xf4: {  	_ =	swait.ge [sflag:s10], $0x400  }
0xf5: {  	[sflag:s10] =	ssyncset.done $0x0  }
0xf6: {  	[sflag:s10] =	ssyncadd.s32 $0xFFFFFC00  }
0xf7: {  	[tilespmem:s12], [sflag:$0x3] =	stream.linear.gather [spmem:s29], $0x400, $0x38;
	[tilespmem:$0x1AD00] =	vst v63  }
0xf8: {  	_ =	swait.ge [sflag:s10], $0x400  }
0xf9: {  	[sflag:s10] =	ssyncset.done $0x0  }
0xfa: {  	[sflag:s10] =	ssyncadd.s32 $0xFFFFFC00  }
0xfb: {  	v60 =	vld [tilespmem:s5+$0x19D00]  }
0xfc: {  	v61 =	vld [tilespmem:s5+$0x1A100];
	[tilespmem:s11], [sflag:$0x3] =	stream.linear.gather [spmem:s30], $0x400, $0x38  }
0xfd: {  	_ =	swait.ge [sflag:s10], $0x400  }
0xfe: {  	[sflag:s10] =	ssyncset.done $0x0  }
0xff: {  	[sflag:s10] =	ssyncadd.s32 $0xFFFFFC00  }
0x100: {  	[tilespmem:s12], [sflag:$0x3] =	stream.linear.gather [spmem:s0], $0x400, $0x38;
	[tilespmem:$0x1AD00] =	vst v63  }
0x101: {  	_ =	swait.ge [sflag:s10], $0x400  }
0x102: {  	vm7 =	veq.f32 v58, v26;
	vm8 =	vlt.s32 v59, v27;
	[sflag:s10] =	ssyncset.done $0x0  }
0x103: {  	vm9 =	vgt.f32 v58, v26;
	vm0 =	vmand vm7, vm8;
	[sflag:s10] =	ssyncadd.s32 $0xFFFFFC00  }
0x104: {  	vm0 =	vmor vm9, vm0;
	v62 =	vld [tilespmem:s5+$0x19D00]  }
0x105: {  	v26 =	vsel vm0, v58, v26;
	v27 =	vsel vm0, v59, v27;
	v63 =	vld [tilespmem:s5+$0x1A100]  }
0x106: {  	vm10 =	veq.f32 v60, v26;
	vm11 =	vlt.s32 v61, v27  }
0x107: {  	vm12 =	vgt.f32 v60, v26;
	vm0 =	vmand vm10, vm11  }
0x108: {  	vm0 =	vmor vm12, vm0  }
0x109: {  	v26 =	vsel vm0, v60, v26;
	v27 =	vsel vm0, v61, v27  }
0x10a: {  	vm13 =	veq.f32 v62, v26;
	vm14 =	vlt.s32 v63, v27  }
0x10b: {  	vm15 =	vgt.f32 v62, v26;
	vm0 =	vmand vm13, vm14  }
0x10c: {  	vm0 =	vmor vm15, vm0  }
0x10d: {  	v27 =	vsel vm0, v63, v27  }
0x10e: {  	v26 =	vsel vm0, v62, v26;
	[tilespmem:$0x19C00] =	vst v27  }
0x10f: {  	[tilespmem:$0x19C80] =	vst v26  }
0x110: {  	[hbm4b:s2+s31] =	stream.linear.scatter [tilespmem:s13], [sflag:$0x3], $0x10, $0x38;
	[tilespmem:$0x1AD00] =	vst v63  }
0x111: {  	s15 =	sadd.s32 $0x1, s15;
	_ =	swait.ge [sflag:s10], $0x10  }
0x112: {  	p1 =	sne.s32 s15, s6;
	[sflag:s10] =	ssyncset.done $0x0  }
.Ltmp1:
0x113: {  	[sflag:s10] =	ssyncadd.s32 $0xFFFFFFF0;
	(pc) =	sbr.rel @!p1 .LBB2_7-.Ltmp1, $4  }
0x114: {  	[hbm4b:s3+s31] =	stream.linear.scatter [tilespmem:s14], [sflag:$0x3], $0x10, $0x38;
	[tilespmem:$0x1AD00] =	vst v63  }
0x115: {  	_ =	swait.ge [sflag:s10], $0x10  }
0x116: {  	[sflag:s10] =	ssyncset.done $0x0  }
0x117: {  	[sflag:s10] =	ssyncadd.s32 $0xFFFFFFF0  }
.LBB2_1:
0x118: {  	[tilespmem:$0x19400] =	vst v20  }
0x119: {  	[tilespmem:$0x19800] =	vst v21  }
0x11a: {  	[tilespmem:$0x19480] =	vst v20  }
0x11b: {  	[tilespmem:$0x19880] =	vst v21  }
0x11c: {  	[tilespmem:$0x19500] =	vst v20  }
0x11d: {  	[tilespmem:$0x19900] =	vst v21  }
0x11e: {  	[tilespmem:$0x19580] =	vst v20  }
0x11f: {  	[tilespmem:$0x19980] =	vst v21  }
0x120: {  	[tilespmem:$0x19600] =	vst v20  }
0x121: {  	[tilespmem:$0x19A00] =	vst v21  }
0x122: {  	[tilespmem:$0x19680] =	vst v20  }
0x123: {  	[tilespmem:$0x19A80] =	vst v21  }
0x124: {  	[tilespmem:$0x19700] =	vst v20  }
0x125: {  	[tilespmem:$0x19B00] =	vst v21  }
0x126: {  	[tilespmem:$0x19780] =	vst v20  }
0x127: {  	[tilespmem:$0x19B80] =	vst v21;
	s1 =	rddreg [dreg:$0x5]  }
0x128: {  	[tilespmem:s31], [sflag:$0x1] =	stream.linear.gather [hbm4b:s1+s31], $0xC000, $0x38;
	[tilespmem:$0x1AD00] =	vst v63  }
0x129: {  	s19 =	rddreg [dreg:$0x17]  }
0x12a: {  	[tilespmem:s8], [sflag:$0x2] =	stream.linear.gather [hbm4b:s19+s31], $0xC000, $0x38;
	[tilespmem:$0x1AD00] =	vst v63  }
0x12b: {  	_ =	swait.ge [sflag:s7], $0xC000  }
0x12c: {  	[sflag:s7] =	ssyncset.done $0x0  }
0x12d: {  	[sflag:s7] =	ssyncadd.s32 $0xFFFF4000  }
0x12e: {  	v26 =	vld [tilespmem:$0x19400]  }
0x12f: {  	v27 =	vld [tilespmem:$0x19800]  }
0x130: {  	v28 =	vld [tilespmem:$0x0]  }
0x131: {  	v29 =	vld [tilespmem:$0x19480]  }
0x132: {  	v30 =	vld [tilespmem:$0x19880]  }
0x133: {  	v31 =	vld [tilespmem:$0x80]  }
0x134: {  	v32 =	vld [tilespmem:$0x19500]  }
0x135: {  	v33 =	vld [tilespmem:$0x19900]  }
0x136: {  	v34 =	vld [tilespmem:$0x100]  }
0x137: {  	v35 =	vld [tilespmem:$0x19580]  }
0x138: {  	v36 =	vld [tilespmem:$0x19980]  }
0x139: {  	v37 =	vld [tilespmem:$0x180]  }
0x13a: {  	v38 =	vld [tilespmem:$0x19600]  }
0x13b: {  	v39 =	vld [tilespmem:$0x19A00];
	vm0 =	vgt.f32 v28, v26  }
0x13c: {  	v56 =	vld [tilespmem:$0x200];
	v26 =	vsel vm0, v28, v26  }
0x13d: {  	v59 =	vld [tilespmem:$0x19700];
	vm9 =	vgt.f32 v31, v29;
	v27 =	vsel vm0, v1, v27;
	[tilespmem:$0x19400] =	vst v26  }
0x13e: {  	v63 =	vld [tilespmem:$0x300];
	v30 =	vsel vm9, v1, v30;
	[tilespmem:$0x19800] =	vst v27  }
0x13f: {  	vm10 =	vgt.f32 v34, v32;
	v26 =	vld [tilespmem:$0x19680];
	v27 =	vsel vm9, v31, v29;
	[tilespmem:$0x19880] =	vst v30  }
0x140: {  	v58 =	vsel vm10, v34, v32;
	[tilespmem:$0x19480] =	vst v27;
	v27 =	vld [tilespmem:$0x280]  }
0x141: {  	v61 =	vld [tilespmem:$0x19B00];
	vm11 =	vgt.f32 v37, v35;
	v60 =	vsel vm10, v1, v33;
	[tilespmem:$0x19500] =	vst v58  }
0x142: {  	v57 =	vld [tilespmem:$0x19A80];
	v62 =	vsel vm11, v37, v35;
	[tilespmem:$0x19900] =	vst v60  }
0x143: {  	v40 =	vld [tilespmem:$0x380];
	vm12 =	vgt.f32 v56, v38;
	v36 =	vsel vm11, v1, v36;
	[tilespmem:$0x19580] =	vst v62  }
0x144: {  	v37 =	vld [tilespmem:$0x19780];
	v28 =	vsel vm12, v56, v38;
	[tilespmem:$0x19980] =	vst v36  }
0x145: {  	vm14 =	vgt.f32 v63, v59;
	v41 =	vsel vm12, v1, v39;
	[tilespmem:$0x19600] =	vst v28;
	vm13 =	vgt.f32 v27, v26  }
0x146: {  	v43 =	vsel vm14, v1, v61;
	[tilespmem:$0x19A00] =	vst v41;
	v26 =	vsel vm13, v27, v26;
	v27 =	vld [tilespmem:$0x19B80]  }
0x147: {  	[tilespmem:$0x19B00] =	vst v43  }
0x148: {  	v42 =	vsel vm13, v1, v57;
	[tilespmem:$0x19680] =	vst v26  }
0x149: {  	vm15 =	vgt.f32 v40, v37;
	[tilespmem:$0x19A80] =	vst v42;
	v26 =	vsel vm14, v63, v59  }
0x14a: {  	[tilespmem:$0x19700] =	vst v26;
	v26 =	vsel vm15, v40, v37  }
0x14b: {  	[tilespmem:$0x19780] =	vst v26;
	v27 =	vsel vm15, v1, v27  }
0x14c: {  	s20 =	rddreg [dreg:$0x6];
	[tilespmem:$0x19B80] =	vst v27  }
0x14d: {  	[tilespmem:s31], [sflag:$0x1] =	stream.linear.gather [hbm4b:s20+s31], $0xC000, $0x38;
	[tilespmem:$0x1AD00] =	vst v63  }
0x14e: {  	_ =	swait.ge [sflag:s9], $0xC000  }
0x14f: {  	[sflag:s9] =	ssyncset.done $0x0  }
0x150: {  	[sflag:s9] =	ssyncadd.s32 $0xFFFF4000  }
0x151: {  	v26 =	vld [tilespmem:$0x19400]  }
0x152: {  	v27 =	vld [tilespmem:$0x19800]  }
0x153: {  	v44 =	vld [tilespmem:$0xC000]  }
0x154: {  	v45 =	vld [tilespmem:$0x19480]  }
0x155: {  	v46 =	vld [tilespmem:$0x19880]  }
0x156: {  	v47 =	vld [tilespmem:$0xC080]  }
0x157: {  	v48 =	vld [tilespmem:$0x19500]  }
0x158: {  	v49 =	vld [tilespmem:$0x19900]  }
0x159: {  	v50 =	vld [tilespmem:$0xC100]  }
0x15a: {  	v51 =	vld [tilespmem:$0x19580]  }
0x15b: {  	v52 =	vld [tilespmem:$0x19980]  }
0x15c: {  	v53 =	vld [tilespmem:$0xC180]  }
0x15d: {  	v54 =	vld [tilespmem:$0x19600]  }
0x15e: {  	v55 =	vld [tilespmem:$0x19A00];
	vm4 =	vgt.f32 v44, v26  }
0x15f: {  	v56 =	vld [tilespmem:$0xC200];
	v26 =	vsel vm4, v44, v26  }
0x160: {  	v59 =	vld [tilespmem:$0x19700];
	vm5 =	vgt.f32 v47, v45;
	v27 =	vsel vm4, v2, v27;
	[tilespmem:$0x19400] =	vst v26  }
0x161: {  	v63 =	vld [tilespmem:$0xC300];
	v30 =	vsel vm5, v2, v46;
	[tilespmem:$0x19800] =	vst v27  }
0x162: {  	vm6 =	vgt.f32 v50, v48;
	v26 =	vld [tilespmem:$0x19680];
	v27 =	vsel vm5, v47, v45;
	[tilespmem:$0x19880] =	vst v30  }
0x163: {  	v58 =	vsel vm6, v50, v48;
	[tilespmem:$0x19480] =	vst v27;
	v27 =	vld [tilespmem:$0xC280]  }
0x164: {  	v61 =	vld [tilespmem:$0x19B00];
	vm7 =	vgt.f32 v53, v51;
	v60 =	vsel vm6, v2, v49;
	[tilespmem:$0x19500] =	vst v58  }
0x165: {  	v57 =	vld [tilespmem:$0x19A80];
	v62 =	vsel vm7, v53, v51;
	[tilespmem:$0x19900] =	vst v60  }
0x166: {  	v37 =	vld [tilespmem:$0x19780];
	vm8 =	vgt.f32 v56, v54;
	v36 =	vsel vm7, v2, v52;
	[tilespmem:$0x19580] =	vst v62  }
0x167: {  	v40 =	vld [tilespmem:$0xC380];
	v28 =	vsel vm8, v56, v54;
	[tilespmem:$0x19980] =	vst v36  }
0x168: {  	vm10 =	vgt.f32 v63, v59;
	v41 =	vsel vm8, v2, v55;
	[tilespmem:$0x19600] =	vst v28;
	vm9 =	vgt.f32 v27, v26  }
0x169: {  	v43 =	vsel vm10, v2, v61;
	[tilespmem:$0x19A00] =	vst v41;
	v26 =	vsel vm9, v27, v26;
	v27 =	vld [tilespmem:$0x19B80]  }
0x16a: {  	[tilespmem:$0x19B00] =	vst v43  }
0x16b: {  	v42 =	vsel vm9, v2, v57;
	[tilespmem:$0x19680] =	vst v26  }
0x16c: {  	vm11 =	vgt.f32 v40, v37;
	[tilespmem:$0x19A80] =	vst v42;
	v26 =	vsel vm10, v63, v59  }
0x16d: {  	[tilespmem:$0x19700] =	vst v26;
	v26 =	vsel vm11, v40, v37  }
0x16e: {  	[tilespmem:$0x19780] =	vst v26;
	v27 =	vsel vm11, v2, v27  }
0x16f: {  	s25 =	rddreg [dreg:$0x7];
	[tilespmem:$0x19B80] =	vst v27  }
0x170: {  	[tilespmem:s8], [sflag:$0x2] =	stream.linear.gather [hbm4b:s25+s31], $0xC000, $0x38;
	[tilespmem:$0x1AD00] =	vst v63  }
0x171: {  	_ =	swait.ge [sflag:s7], $0xC000  }
0x172: {  	[sflag:s7] =	ssyncset.done $0x0  }
0x173: {  	[sflag:s7] =	ssyncadd.s32 $0xFFFF4000  }
0x174: {  	v26 =	vld [tilespmem:$0x19400]  }
0x175: {  	v27 =	vld [tilespmem:$0x19800]  }
0x176: {  	v44 =	vld [tilespmem:$0x0]  }
0x177: {  	v45 =	vld [tilespmem:$0x19480]  }
0x178: {  	v46 =	vld [tilespmem:$0x19880]  }
0x179: {  	v47 =	vld [tilespmem:$0x80]  }
0x17a: {  	v48 =	vld [tilespmem:$0x19500]  }
0x17b: {  	v49 =	vld [tilespmem:$0x19900]  }
0x17c: {  	v50 =	vld [tilespmem:$0x100]  }
0x17d: {  	v51 =	vld [tilespmem:$0x19580]  }
0x17e: {  	v52 =	vld [tilespmem:$0x19980]  }
0x17f: {  	v53 =	vld [tilespmem:$0x180]  }
0x180: {  	v54 =	vld [tilespmem:$0x19600]  }
0x181: {  	v55 =	vld [tilespmem:$0x19A00];
	vm12 =	vgt.f32 v44, v26  }
0x182: {  	v56 =	vld [tilespmem:$0x200];
	v26 =	vsel vm12, v44, v26  }
0x183: {  	v59 =	vld [tilespmem:$0x19700];
	vm13 =	vgt.f32 v47, v45;
	v27 =	vsel vm12, v3, v27;
	[tilespmem:$0x19400] =	vst v26  }
0x184: {  	v63 =	vld [tilespmem:$0x300];
	v30 =	vsel vm13, v3, v46;
	[tilespmem:$0x19800] =	vst v27  }
0x185: {  	vm14 =	vgt.f32 v50, v48;
	v26 =	vld [tilespmem:$0x19680];
	v27 =	vsel vm13, v47, v45;
	[tilespmem:$0x19880] =	vst v30  }
0x186: {  	v58 =	vsel vm14, v50, v48;
	[tilespmem:$0x19480] =	vst v27;
	v27 =	vld [tilespmem:$0x280]  }
0x187: {  	v61 =	vld [tilespmem:$0x19B00];
	vm15 =	vgt.f32 v53, v51;
	v60 =	vsel vm14, v3, v49;
	[tilespmem:$0x19500] =	vst v58  }
0x188: {  	v57 =	vld [tilespmem:$0x19A80];
	v62 =	vsel vm15, v53, v51;
	[tilespmem:$0x19900] =	vst v60  }
0x189: {  	v37 =	vld [tilespmem:$0x19780];
	vm4 =	vgt.f32 v56, v54;
	v36 =	vsel vm15, v3, v52;
	[tilespmem:$0x19580] =	vst v62  }
0x18a: {  	v40 =	vld [tilespmem:$0x380];
	v28 =	vsel vm4, v56, v54;
	[tilespmem:$0x19980] =	vst v36  }
0x18b: {  	vm6 =	vgt.f32 v63, v59;
	v41 =	vsel vm4, v3, v55;
	[tilespmem:$0x19600] =	vst v28;
	vm5 =	vgt.f32 v27, v26  }
0x18c: {  	v43 =	vsel vm6, v3, v61;
	[tilespmem:$0x19A00] =	vst v41;
	v26 =	vsel vm5, v27, v26;
	v27 =	vld [tilespmem:$0x19B80]  }
0x18d: {  	[tilespmem:$0x19B00] =	vst v43  }
0x18e: {  	v42 =	vsel vm5, v3, v57;
	[tilespmem:$0x19680] =	vst v26  }
0x18f: {  	vm7 =	vgt.f32 v40, v37;
	[tilespmem:$0x19A80] =	vst v42;
	v26 =	vsel vm6, v63, v59  }
0x190: {  	[tilespmem:$0x19700] =	vst v26;
	v26 =	vsel vm7, v40, v37  }
0x191: {  	[tilespmem:$0x19780] =	vst v26;
	v27 =	vsel vm7, v3, v27  }
0x192: {  	s26 =	rddreg [dreg:$0x8];
	[tilespmem:$0x19B80] =	vst v27  }
0x193: {  	[tilespmem:s31], [sflag:$0x1] =	stream.linear.gather [hbm4b:s26+s31], $0xC000, $0x38;
	[tilespmem:$0x1AD00] =	vst v63  }
0x194: {  	_ =	swait.ge [sflag:s9], $0xC000  }
0x195: {  	[sflag:s9] =	ssyncset.done $0x0  }
0x196: {  	[sflag:s9] =	ssyncadd.s32 $0xFFFF4000  }
0x197: {  	v26 =	vld [tilespmem:$0x19400]  }
0x198: {  	v27 =	vld [tilespmem:$0x19800]  }
0x199: {  	v44 =	vld [tilespmem:$0xC000]  }
0x19a: {  	v45 =	vld [tilespmem:$0x19480]  }
0x19b: {  	v46 =	vld [tilespmem:$0x19880]  }
0x19c: {  	v47 =	vld [tilespmem:$0xC080]  }
0x19d: {  	v48 =	vld [tilespmem:$0x19500]  }
0x19e: {  	v49 =	vld [tilespmem:$0x19900]  }
0x19f: {  	v50 =	vld [tilespmem:$0xC100]  }
0x1a0: {  	v51 =	vld [tilespmem:$0x19580]  }
0x1a1: {  	v52 =	vld [tilespmem:$0x19980]  }
0x1a2: {  	v53 =	vld [tilespmem:$0xC180]  }
0x1a3: {  	v54 =	vld [tilespmem:$0x19600]  }
0x1a4: {  	v55 =	vld [tilespmem:$0x19A00];
	vm8 =	vgt.f32 v44, v26  }
0x1a5: {  	v56 =	vld [tilespmem:$0xC200];
	v26 =	vsel vm8, v44, v26  }
0x1a6: {  	v59 =	vld [tilespmem:$0x19700];
	vm9 =	vgt.f32 v47, v45;
	v27 =	vsel vm8, v4, v27;
	[tilespmem:$0x19400] =	vst v26  }
0x1a7: {  	v63 =	vld [tilespmem:$0xC300];
	v30 =	vsel vm9, v4, v46;
	[tilespmem:$0x19800] =	vst v27  }
0x1a8: {  	vm10 =	vgt.f32 v50, v48;
	v26 =	vld [tilespmem:$0x19680];
	v27 =	vsel vm9, v47, v45;
	[tilespmem:$0x19880] =	vst v30  }
0x1a9: {  	v58 =	vsel vm10, v50, v48;
	[tilespmem:$0x19480] =	vst v27;
	v27 =	vld [tilespmem:$0xC280]  }
0x1aa: {  	v61 =	vld [tilespmem:$0x19B00];
	vm11 =	vgt.f32 v53, v51;
	v60 =	vsel vm10, v4, v49;
	[tilespmem:$0x19500] =	vst v58  }
0x1ab: {  	v57 =	vld [tilespmem:$0x19A80];
	v62 =	vsel vm11, v53, v51;
	[tilespmem:$0x19900] =	vst v60  }
0x1ac: {  	v37 =	vld [tilespmem:$0x19780];
	vm12 =	vgt.f32 v56, v54;
	v36 =	vsel vm11, v4, v52;
	[tilespmem:$0x19580] =	vst v62  }
0x1ad: {  	v40 =	vld [tilespmem:$0xC380];
	v28 =	vsel vm12, v56, v54;
	[tilespmem:$0x19980] =	vst v36  }
0x1ae: {  	vm14 =	vgt.f32 v63, v59;
	v41 =	vsel vm12, v4, v55;
	[tilespmem:$0x19600] =	vst v28;
	vm13 =	vgt.f32 v27, v26  }
0x1af: {  	v43 =	vsel vm14, v4, v61;
	[tilespmem:$0x19A00] =	vst v41;
	v26 =	vsel vm13, v27, v26;
	v27 =	vld [tilespmem:$0x19B80]  }
0x1b0: {  	[tilespmem:$0x19B00] =	vst v43  }
0x1b1: {  	v42 =	vsel vm13, v4, v57;
	[tilespmem:$0x19680] =	vst v26  }
0x1b2: {  	vm15 =	vgt.f32 v40, v37;
	[tilespmem:$0x19A80] =	vst v42;
	v26 =	vsel vm14, v63, v59  }
0x1b3: {  	[tilespmem:$0x19700] =	vst v26;
	v26 =	vsel vm15, v40, v37  }
0x1b4: {  	[tilespmem:$0x19780] =	vst v26;
	v27 =	vsel vm15, v4, v27  }
0x1b5: {  	s16 =	rddreg [dreg:$0x9];
	[tilespmem:$0x19B80] =	vst v27  }
0x1b6: {  	[tilespmem:s8], [sflag:$0x2] =	stream.linear.gather [hbm4b:s16+s31], $0xC000, $0x38;
	[tilespmem:$0x1AD00] =	vst v63  }
0x1b7: {  	_ =	swait.ge [sflag:s7], $0xC000  }
0x1b8: {  	[sflag:s7] =	ssyncset.done $0x0  }
0x1b9: {  	[sflag:s7] =	ssyncadd.s32 $0xFFFF4000  }
0x1ba: {  	v26 =	vld [tilespmem:$0x19400]  }
0x1bb: {  	v27 =	vld [tilespmem:$0x19800]  }
0x1bc: {  	v44 =	vld [tilespmem:$0x0]  }
0x1bd: {  	v45 =	vld [tilespmem:$0x19480]  }
0x1be: {  	v46 =	vld [tilespmem:$0x19880]  }
0x1bf: {  	v47 =	vld [tilespmem:$0x80]  }
0x1c0: {  	v48 =	vld [tilespmem:$0x19500]  }
0x1c1: {  	v49 =	vld [tilespmem:$0x19900]  }
0x1c2: {  	v50 =	vld [tilespmem:$0x100]  }
0x1c3: {  	v51 =	vld [tilespmem:$0x19580]  }
0x1c4: {  	v52 =	vld [tilespmem:$0x19980]  }
0x1c5: {  	v53 =	vld [tilespmem:$0x180]  }
0x1c6: {  	v54 =	vld [tilespmem:$0x19600]  }
0x1c7: {  	v55 =	vld [tilespmem:$0x19A00];
	vm4 =	vgt.f32 v44, v26  }
0x1c8: {  	v56 =	vld [tilespmem:$0x200];
	v26 =	vsel vm4, v44, v26  }
0x1c9: {  	v59 =	vld [tilespmem:$0x19700];
	vm5 =	vgt.f32 v47, v45;
	v27 =	vsel vm4, v5, v27;
	[tilespmem:$0x19400] =	vst v26  }
0x1ca: {  	v63 =	vld [tilespmem:$0x300];
	v30 =	vsel vm5, v5, v46;
	[tilespmem:$0x19800] =	vst v27  }
0x1cb: {  	vm6 =	vgt.f32 v50, v48;
	v26 =	vld [tilespmem:$0x19680];
	v27 =	vsel vm5, v47, v45;
	[tilespmem:$0x19880] =	vst v30  }
0x1cc: {  	v58 =	vsel vm6, v50, v48;
	[tilespmem:$0x19480] =	vst v27;
	v27 =	vld [tilespmem:$0x280]  }
0x1cd: {  	v61 =	vld [tilespmem:$0x19B00];
	vm7 =	vgt.f32 v53, v51;
	v60 =	vsel vm6, v5, v49;
	[tilespmem:$0x19500] =	vst v58  }
0x1ce: {  	v57 =	vld [tilespmem:$0x19A80];
	v62 =	vsel vm7, v53, v51;
	[tilespmem:$0x19900] =	vst v60  }
0x1cf: {  	v40 =	vld [tilespmem:$0x19780];
	vm8 =	vgt.f32 v56, v54;
	v37 =	vsel vm7, v5, v52;
	[tilespmem:$0x19580] =	vst v62  }
0x1d0: {  	v41 =	vld [tilespmem:$0x380];
	v28 =	vsel vm8, v56, v54;
	[tilespmem:$0x19980] =	vst v37  }
0x1d1: {  	vm10 =	vgt.f32 v63, v59;
	v42 =	vsel vm8, v5, v55;
	[tilespmem:$0x19600] =	vst v28;
	vm9 =	vgt.f32 v27, v26  }
0x1d2: {  	v44 =	vsel vm10, v5, v61;
	[tilespmem:$0x19A00] =	vst v42;
	v26 =	vsel vm9, v27, v26;
	v27 =	vld [tilespmem:$0x19B80]  }
0x1d3: {  	[tilespmem:$0x19B00] =	vst v44  }
0x1d4: {  	v43 =	vsel vm9, v5, v57;
	[tilespmem:$0x19680] =	vst v26  }
0x1d5: {  	vm11 =	vgt.f32 v41, v40;
	[tilespmem:$0x19A80] =	vst v43;
	v26 =	vsel vm10, v63, v59  }
0x1d6: {  	[tilespmem:$0x19700] =	vst v26;
	v26 =	vsel vm11, v41, v40  }
0x1d7: {  	[tilespmem:$0x19780] =	vst v26;
	v27 =	vsel vm11, v5, v27  }
0x1d8: {  	s17 =	rddreg [dreg:$0xa];
	[tilespmem:$0x19B80] =	vst v27  }
0x1d9: {  	[tilespmem:s31], [sflag:$0x1] =	stream.linear.gather [hbm4b:s17+s31], $0xC000, $0x38;
	[tilespmem:$0x1AD00] =	vst v63  }
0x1da: {  	_ =	swait.ge [sflag:s9], $0xC000  }
0x1db: {  	[sflag:s9] =	ssyncset.done $0x0  }
0x1dc: {  	[sflag:s9] =	ssyncadd.s32 $0xFFFF4000  }
0x1dd: {  	v26 =	vld [tilespmem:$0x19400]  }
0x1de: {  	v27 =	vld [tilespmem:$0x19800]  }
0x1df: {  	v45 =	vld [tilespmem:$0xC000]  }
0x1e0: {  	v46 =	vld [tilespmem:$0x19480]  }
0x1e1: {  	v47 =	vld [tilespmem:$0x19880]  }
0x1e2: {  	v48 =	vld [tilespmem:$0xC080]  }
0x1e3: {  	v49 =	vld [tilespmem:$0x19500]  }
0x1e4: {  	v50 =	vld [tilespmem:$0x19900]  }
0x1e5: {  	v51 =	vld [tilespmem:$0xC100]  }
0x1e6: {  	v52 =	vld [tilespmem:$0x19580]  }
0x1e7: {  	v53 =	vld [tilespmem:$0x19980]  }
0x1e8: {  	v54 =	vld [tilespmem:$0xC180]  }
0x1e9: {  	v55 =	vld [tilespmem:$0x19600]  }
0x1ea: {  	v56 =	vld [tilespmem:$0x19A00];
	vm12 =	vgt.f32 v45, v26  }
0x1eb: {  	v57 =	vld [tilespmem:$0xC200];
	v26 =	vsel vm12, v45, v26  }
0x1ec: {  	v60 =	vld [tilespmem:$0x19700];
	vm13 =	vgt.f32 v48, v46;
	v27 =	vsel vm12, v6, v27;
	[tilespmem:$0x19400] =	vst v26  }
0x1ed: {  	v37 =	vld [tilespmem:$0xC300];
	v30 =	vsel vm13, v6, v47;
	[tilespmem:$0x19800] =	vst v27  }
0x1ee: {  	vm14 =	vgt.f32 v51, v49;
	v26 =	vld [tilespmem:$0x19680];
	v27 =	vsel vm13, v48, v46;
	[tilespmem:$0x19880] =	vst v30  }
0x1ef: {  	v59 =	vsel vm14, v51, v49;
	[tilespmem:$0x19480] =	vst v27;
	v27 =	vld [tilespmem:$0xC280]  }
0x1f0: {  	v62 =	vld [tilespmem:$0x19B00];
	vm15 =	vgt.f32 v54, v52;
	v61 =	vsel vm14, v6, v50;
	[tilespmem:$0x19500] =	vst v59  }
0x1f1: {  	v58 =	vld [tilespmem:$0x19A80];
	v63 =	vsel vm15, v54, v52;
	[tilespmem:$0x19900] =	vst v61  }
0x1f2: {  	v41 =	vld [tilespmem:$0x19780];
	vm4 =	vgt.f32 v57, v55;
	v40 =	vsel vm15, v6, v53;
	[tilespmem:$0x19580] =	vst v63  }
0x1f3: {  	v42 =	vld [tilespmem:$0xC380];
	v28 =	vsel vm4, v57, v55;
	[tilespmem:$0x19980] =	vst v40  }
0x1f4: {  	vm6 =	vgt.f32 v37, v60;
	v43 =	vsel vm4, v6, v56;
	[tilespmem:$0x19600] =	vst v28;
	vm5 =	vgt.f32 v27, v26  }
0x1f5: {  	v45 =	vsel vm6, v6, v62;
	[tilespmem:$0x19A00] =	vst v43;
	v26 =	vsel vm5, v27, v26;
	v27 =	vld [tilespmem:$0x19B80]  }
0x1f6: {  	[tilespmem:$0x19B00] =	vst v45  }
0x1f7: {  	v44 =	vsel vm5, v6, v58;
	[tilespmem:$0x19680] =	vst v26  }
0x1f8: {  	vm7 =	vgt.f32 v42, v41;
	[tilespmem:$0x19A80] =	vst v44;
	v26 =	vsel vm6, v37, v60  }
0x1f9: {  	[tilespmem:$0x19700] =	vst v26;
	v26 =	vsel vm7, v42, v41  }
0x1fa: {  	[tilespmem:$0x19780] =	vst v26;
	v27 =	vsel vm7, v6, v27  }
0x1fb: {  	s18 =	rddreg [dreg:$0xb];
	[tilespmem:$0x19B80] =	vst v27  }
0x1fc: {  	[tilespmem:s8], [sflag:$0x2] =	stream.linear.gather [hbm4b:s18+s31], $0xC000, $0x38;
	[tilespmem:$0x1AD00] =	vst v63  }
0x1fd: {  	_ =	swait.ge [sflag:s7], $0xC000  }
0x1fe: {  	[sflag:s7] =	ssyncset.done $0x0  }
0x1ff: {  	[sflag:s7] =	ssyncadd.s32 $0xFFFF4000  }
0x200: {  	v26 =	vld [tilespmem:$0x19400]  }
0x201: {  	v27 =	vld [tilespmem:$0x19800]  }
0x202: {  	v46 =	vld [tilespmem:$0x0]  }
0x203: {  	v47 =	vld [tilespmem:$0x19480]  }
0x204: {  	v48 =	vld [tilespmem:$0x19880]  }
0x205: {  	v49 =	vld [tilespmem:$0x80]  }
0x206: {  	v50 =	vld [tilespmem:$0x19500]  }
0x207: {  	v51 =	vld [tilespmem:$0x19900]  }
0x208: {  	v52 =	vld [tilespmem:$0x100]  }
0x209: {  	v53 =	vld [tilespmem:$0x19580]  }
0x20a: {  	v54 =	vld [tilespmem:$0x19980]  }
0x20b: {  	v55 =	vld [tilespmem:$0x180]  }
0x20c: {  	v56 =	vld [tilespmem:$0x19600]  }
0x20d: {  	v57 =	vld [tilespmem:$0x19A00];
	vm8 =	vgt.f32 v46, v26  }
0x20e: {  	v58 =	vld [tilespmem:$0x200];
	v26 =	vsel vm8, v46, v26  }
0x20f: {  	v61 =	vld [tilespmem:$0x19700];
	vm9 =	vgt.f32 v49, v47;
	v27 =	vsel vm8, v7, v27;
	[tilespmem:$0x19400] =	vst v26  }
0x210: {  	v41 =	vld [tilespmem:$0x300];
	v30 =	vsel vm9, v7, v48;
	[tilespmem:$0x19800] =	vst v27  }
0x211: {  	vm10 =	vgt.f32 v52, v50;
	v26 =	vld [tilespmem:$0x19680];
	v27 =	vsel vm9, v49, v47;
	[tilespmem:$0x19880] =	vst v30  }
0x212: {  	v60 =	vsel vm10, v52, v50;
	[tilespmem:$0x19480] =	vst v27;
	v27 =	vld [tilespmem:$0x280]  }
0x213: {  	v63 =	vld [tilespmem:$0x19B00];
	vm11 =	vgt.f32 v55, v53;
	v62 =	vsel vm10, v7, v51;
	[tilespmem:$0x19500] =	vst v60  }
0x214: {  	v59 =	vld [tilespmem:$0x19A80];
	v40 =	vsel vm11, v55, v53;
	[tilespmem:$0x19900] =	vst v62  }
0x215: {  	v43 =	vld [tilespmem:$0x19780];
	vm12 =	vgt.f32 v58, v56;
	v42 =	vsel vm11, v7, v54;
	[tilespmem:$0x19580] =	vst v40  }
0x216: {  	v44 =	vld [tilespmem:$0x380];
	v28 =	vsel vm12, v58, v56;
	[tilespmem:$0x19980] =	vst v42  }
0x217: {  	vm14 =	vgt.f32 v41, v61;
	v45 =	vsel vm12, v7, v57;
	[tilespmem:$0x19600] =	vst v28;
	vm13 =	vgt.f32 v27, v26  }
0x218: {  	[tilespmem:$0x19A00] =	vst v45;
	v47 =	vsel vm14, v7, v63;
	v26 =	vsel vm13, v27, v26;
	v27 =	vld [tilespmem:$0x19B80]  }
0x219: {  	[tilespmem:$0x19B00] =	vst v47  }
0x21a: {  	v46 =	vsel vm13, v7, v59;
	[tilespmem:$0x19680] =	vst v26  }
0x21b: {  	vm15 =	vgt.f32 v44, v43;
	[tilespmem:$0x19A80] =	vst v46;
	v26 =	vsel vm14, v41, v61  }
0x21c: {  	[tilespmem:$0x19700] =	vst v26;
	v26 =	vsel vm15, v44, v43  }
0x21d: {  	[tilespmem:$0x19780] =	vst v26;
	v27 =	vsel vm15, v7, v27  }
0x21e: {  	s19 =	rddreg [dreg:$0xc];
	[tilespmem:$0x19B80] =	vst v27  }
0x21f: {  	[tilespmem:s31], [sflag:$0x1] =	stream.linear.gather [hbm4b:s19+s31], $0xC000, $0x38;
	[tilespmem:$0x1AD00] =	vst v63  }
0x220: {  	_ =	swait.ge [sflag:s9], $0xC000  }
0x221: {  	[sflag:s9] =	ssyncset.done $0x0  }
0x222: {  	[sflag:s9] =	ssyncadd.s32 $0xFFFF4000  }
0x223: {  	v26 =	vld [tilespmem:$0x19400]  }
0x224: {  	v27 =	vld [tilespmem:$0x19800]  }
0x225: {  	v48 =	vld [tilespmem:$0xC000]  }
0x226: {  	v49 =	vld [tilespmem:$0x19480]  }
0x227: {  	v50 =	vld [tilespmem:$0xC080]  }
0x228: {  	v51 =	vld [tilespmem:$0x19880]  }
0x229: {  	v52 =	vld [tilespmem:$0xC100]  }
0x22a: {  	v53 =	vld [tilespmem:$0x19580]  }
0x22b: {  	v54 =	vld [tilespmem:$0x19980]  }
0x22c: {  	v55 =	vld [tilespmem:$0xC180]  }
0x22d: {  	v56 =	vld [tilespmem:$0x19600];
	vm4 =	vgt.f32 v48, v26  }
0x22e: {  	v57 =	vld [tilespmem:$0x19A00];
	vm5 =	vgt.f32 v50, v49;
	v26 =	vsel vm4, v48, v26  }
0x22f: {  	v58 =	vld [tilespmem:$0xC200];
	[tilespmem:$0x19400] =	vst v26;
	v26 =	vsel vm5, v50, v49  }
0x230: {  	v27 =	vsel vm4, v8, v27;
	[tilespmem:$0x19480] =	vst v26;
	v26 =	vld [tilespmem:$0x19500]  }
0x231: {  	v59 =	vld [tilespmem:$0x19680];
	[tilespmem:$0x19800] =	vst v27;
	v27 =	vsel vm5, v8, v51  }
0x232: {  	[tilespmem:$0x19880] =	vst v27;
	v27 =	vld [tilespmem:$0x19900]  }
0x233: {  	v60 =	vld [tilespmem:$0x19A80]  }
0x234: {  	v61 =	vld [tilespmem:$0xC280];
	vm7 =	vgt.f32 v55, v53  }
0x235: {  	v30 =	vsel vm7, v8, v54;
	v62 =	vld [tilespmem:$0x19700];
	vm6 =	vgt.f32 v52, v26  }
0x236: {  	v63 =	vld [tilespmem:$0xC300];
	[tilespmem:$0x19980] =	vst v30;
	v26 =	vsel vm6, v52, v26  }
0x237: {  	v39 =	vld [tilespmem:$0xC380];
	v27 =	vsel vm6, v8, v27;
	[tilespmem:$0x19500] =	vst v26  }
0x238: {  	vm8 =	vgt.f32 v58, v56;
	v26 =	vld [tilespmem:$0x19B00];
	[tilespmem:$0x19900] =	vst v27;
	v27 =	vsel vm7, v55, v53  }
0x239: {  	v38 =	vsel vm8, v58, v56;
	[tilespmem:$0x19580] =	vst v27;
	v27 =	vld [tilespmem:$0x19780]  }
0x23a: {  	vm9 =	vgt.f32 v61, v59;
	v40 =	vsel vm8, v8, v57;
	[tilespmem:$0x19600] =	vst v38  }
0x23b: {  	v41 =	vsel vm9, v61, v59;
	[tilespmem:$0x19A00] =	vst v40;
	v42 =	vld [tilespmem:$0x19B80]  }
0x23c: {  	v43 =	vsel vm9, v8, v60;
	[tilespmem:$0x19680] =	vst v41;
	vm10 =	vgt.f32 v63, v62  }
0x23d: {  	[tilespmem:$0x19A80] =	vst v43;
	v28 =	vsel vm10, v63, v62  }
0x23e: {  	[tilespmem:$0x19700] =	vst v28;
	v26 =	vsel vm10, v8, v26;
	vm11 =	vgt.f32 v39, v27  }
0x23f: {  	[tilespmem:$0x19B00] =	vst v26;
	v26 =	vsel vm11, v39, v27  }
0x240: {  	v27 =	vsel vm11, v8, v42;
	[tilespmem:$0x19780] =	vst v26  }
0x241: {  	s20 =	rddreg [dreg:$0xd];
	[tilespmem:$0x19B80] =	vst v27  }
0x242: {  	[tilespmem:s8], [sflag:$0x2] =	stream.linear.gather [hbm4b:s20+s31], $0xC000, $0x38;
	[tilespmem:$0x1AD00] =	vst v63  }
0x243: {  	_ =	swait.ge [sflag:s7], $0xC000  }
0x244: {  	[sflag:s7] =	ssyncset.done $0x0  }
0x245: {  	[sflag:s7] =	ssyncadd.s32 $0xFFFF4000  }
0x246: {  	v26 =	vld [tilespmem:$0x19400]  }
0x247: {  	v27 =	vld [tilespmem:$0x19800]  }
0x248: {  	v44 =	vld [tilespmem:$0x0]  }
0x249: {  	v45 =	vld [tilespmem:$0x19480]  }
0x24a: {  	v46 =	vld [tilespmem:$0x19880]  }
0x24b: {  	v47 =	vld [tilespmem:$0x80]  }
0x24c: {  	v48 =	vld [tilespmem:$0x19500]  }
0x24d: {  	v49 =	vld [tilespmem:$0x19900]  }
0x24e: {  	v50 =	vld [tilespmem:$0x100]  }
0x24f: {  	v51 =	vld [tilespmem:$0x19580]  }
0x250: {  	v52 =	vld [tilespmem:$0x19980]  }
0x251: {  	v53 =	vld [tilespmem:$0x180]  }
0x252: {  	v54 =	vld [tilespmem:$0x19600]  }
0x253: {  	v55 =	vld [tilespmem:$0x19A00];
	vm12 =	vgt.f32 v44, v26  }
0x254: {  	v56 =	vld [tilespmem:$0x200];
	v26 =	vsel vm12, v44, v26  }
0x255: {  	v59 =	vld [tilespmem:$0x19700];
	vm13 =	vgt.f32 v47, v45;
	v27 =	vsel vm12, v9, v27;
	[tilespmem:$0x19400] =	vst v26  }
0x256: {  	v63 =	vld [tilespmem:$0x300];
	v30 =	vsel vm13, v9, v46;
	[tilespmem:$0x19800] =	vst v27  }
0x257: {  	vm14 =	vgt.f32 v50, v48;
	v26 =	vld [tilespmem:$0x19680];
	v27 =	vsel vm13, v47, v45;
	[tilespmem:$0x19880] =	vst v30  }
0x258: {  	v58 =	vsel vm14, v50, v48;
	[tilespmem:$0x19480] =	vst v27;
	v27 =	vld [tilespmem:$0x280]  }
0x259: {  	v61 =	vld [tilespmem:$0x19B00];
	vm15 =	vgt.f32 v53, v51;
	v60 =	vsel vm14, v9, v49;
	[tilespmem:$0x19500] =	vst v58  }
0x25a: {  	v57 =	vld [tilespmem:$0x19A80];
	v62 =	vsel vm15, v53, v51;
	[tilespmem:$0x19900] =	vst v60  }
0x25b: {  	v37 =	vld [tilespmem:$0x19780];
	vm4 =	vgt.f32 v56, v54;
	v36 =	vsel vm15, v9, v52;
	[tilespmem:$0x19580] =	vst v62  }
0x25c: {  	v40 =	vld [tilespmem:$0x380];
	v28 =	vsel vm4, v56, v54;
	[tilespmem:$0x19980] =	vst v36  }
0x25d: {  	vm6 =	vgt.f32 v63, v59;
	v41 =	vsel vm4, v9, v55;
	[tilespmem:$0x19600] =	vst v28;
	vm5 =	vgt.f32 v27, v26  }
0x25e: {  	v43 =	vsel vm6, v9, v61;
	[tilespmem:$0x19A00] =	vst v41;
	v26 =	vsel vm5, v27, v26;
	v27 =	vld [tilespmem:$0x19B80]  }
0x25f: {  	[tilespmem:$0x19B00] =	vst v43  }
0x260: {  	v42 =	vsel vm5, v9, v57;
	[tilespmem:$0x19680] =	vst v26  }
0x261: {  	vm7 =	vgt.f32 v40, v37;
	[tilespmem:$0x19A80] =	vst v42;
	v26 =	vsel vm6, v63, v59  }
0x262: {  	[tilespmem:$0x19700] =	vst v26;
	v26 =	vsel vm7, v40, v37  }
0x263: {  	[tilespmem:$0x19780] =	vst v26;
	v27 =	vsel vm7, v9, v27  }
0x264: {  	s25 =	rddreg [dreg:$0xe];
	[tilespmem:$0x19B80] =	vst v27  }
0x265: {  	[tilespmem:s31], [sflag:$0x1] =	stream.linear.gather [hbm4b:s25+s31], $0xC000, $0x38;
	[tilespmem:$0x1AD00] =	vst v63  }
0x266: {  	_ =	swait.ge [sflag:s9], $0xC000  }
0x267: {  	[sflag:s9] =	ssyncset.done $0x0  }
0x268: {  	[sflag:s9] =	ssyncadd.s32 $0xFFFF4000  }
0x269: {  	v26 =	vld [tilespmem:$0x19400]  }
0x26a: {  	v27 =	vld [tilespmem:$0x19800]  }
0x26b: {  	v44 =	vld [tilespmem:$0xC000]  }
0x26c: {  	v45 =	vld [tilespmem:$0x19480]  }
0x26d: {  	v46 =	vld [tilespmem:$0x19880]  }
0x26e: {  	v47 =	vld [tilespmem:$0xC080]  }
0x26f: {  	v48 =	vld [tilespmem:$0x19500]  }
0x270: {  	v49 =	vld [tilespmem:$0x19900]  }
0x271: {  	v50 =	vld [tilespmem:$0xC100]  }
0x272: {  	v51 =	vld [tilespmem:$0x19580]  }
0x273: {  	v52 =	vld [tilespmem:$0x19980]  }
0x274: {  	v53 =	vld [tilespmem:$0xC180]  }
0x275: {  	v54 =	vld [tilespmem:$0x19600]  }
0x276: {  	v55 =	vld [tilespmem:$0x19A00];
	vm8 =	vgt.f32 v44, v26  }
0x277: {  	v56 =	vld [tilespmem:$0xC200];
	v26 =	vsel vm8, v44, v26  }
0x278: {  	v59 =	vld [tilespmem:$0x19700];
	vm9 =	vgt.f32 v47, v45;
	v27 =	vsel vm8, v10, v27;
	[tilespmem:$0x19400] =	vst v26  }
0x279: {  	v63 =	vld [tilespmem:$0xC300];
	v30 =	vsel vm9, v10, v46;
	[tilespmem:$0x19800] =	vst v27  }
0x27a: {  	vm10 =	vgt.f32 v50, v48;
	v26 =	vld [tilespmem:$0x19680];
	v27 =	vsel vm9, v47, v45;
	[tilespmem:$0x19880] =	vst v30  }
0x27b: {  	v58 =	vsel vm10, v50, v48;
	[tilespmem:$0x19480] =	vst v27;
	v27 =	vld [tilespmem:$0xC280]  }
0x27c: {  	v61 =	vld [tilespmem:$0x19B00];
	vm11 =	vgt.f32 v53, v51;
	v60 =	vsel vm10, v10, v49;
	[tilespmem:$0x19500] =	vst v58  }
0x27d: {  	v57 =	vld [tilespmem:$0x19A80];
	v62 =	vsel vm11, v53, v51;
	[tilespmem:$0x19900] =	vst v60  }
0x27e: {  	v37 =	vld [tilespmem:$0x19780];
	vm12 =	vgt.f32 v56, v54;
	v36 =	vsel vm11, v10, v52;
	[tilespmem:$0x19580] =	vst v62  }
0x27f: {  	v40 =	vld [tilespmem:$0xC380];
	v28 =	vsel vm12, v56, v54;
	[tilespmem:$0x19980] =	vst v36  }
0x280: {  	vm14 =	vgt.f32 v63, v59;
	v41 =	vsel vm12, v10, v55;
	[tilespmem:$0x19600] =	vst v28;
	vm13 =	vgt.f32 v27, v26  }
0x281: {  	v43 =	vsel vm14, v10, v61;
	[tilespmem:$0x19A00] =	vst v41;
	v26 =	vsel vm13, v27, v26;
	v27 =	vld [tilespmem:$0x19B80]  }
0x282: {  	[tilespmem:$0x19B00] =	vst v43  }
0x283: {  	v42 =	vsel vm13, v10, v57;
	[tilespmem:$0x19680] =	vst v26  }
0x284: {  	vm15 =	vgt.f32 v40, v37;
	[tilespmem:$0x19A80] =	vst v42;
	v26 =	vsel vm14, v63, v59  }
0x285: {  	[tilespmem:$0x19700] =	vst v26;
	v26 =	vsel vm15, v40, v37  }
0x286: {  	[tilespmem:$0x19780] =	vst v26;
	v27 =	vsel vm15, v10, v27  }
0x287: {  	s26 =	rddreg [dreg:$0xf];
	[tilespmem:$0x19B80] =	vst v27  }
0x288: {  	[tilespmem:s8], [sflag:$0x2] =	stream.linear.gather [hbm4b:s26+s31], $0xC000, $0x38;
	[tilespmem:$0x1AD00] =	vst v63  }
0x289: {  	_ =	swait.ge [sflag:s7], $0xC000  }
0x28a: {  	[sflag:s7] =	ssyncset.done $0x0  }
0x28b: {  	[sflag:s7] =	ssyncadd.s32 $0xFFFF4000  }
0x28c: {  	v26 =	vld [tilespmem:$0x19400]  }
0x28d: {  	v27 =	vld [tilespmem:$0x19800]  }
0x28e: {  	v44 =	vld [tilespmem:$0x0]  }
0x28f: {  	v45 =	vld [tilespmem:$0x19480]  }
0x290: {  	v46 =	vld [tilespmem:$0x19880]  }
0x291: {  	v47 =	vld [tilespmem:$0x80]  }
0x292: {  	v48 =	vld [tilespmem:$0x19500]  }
0x293: {  	v49 =	vld [tilespmem:$0x19900]  }
0x294: {  	v50 =	vld [tilespmem:$0x100]  }
0x295: {  	v51 =	vld [tilespmem:$0x19580]  }
0x296: {  	v52 =	vld [tilespmem:$0x19980]  }
0x297: {  	v53 =	vld [tilespmem:$0x180]  }
0x298: {  	v54 =	vld [tilespmem:$0x19600]  }
0x299: {  	v55 =	vld [tilespmem:$0x19A00];
	vm4 =	vgt.f32 v44, v26  }
0x29a: {  	v56 =	vld [tilespmem:$0x200];
	v26 =	vsel vm4, v44, v26  }
0x29b: {  	v59 =	vld [tilespmem:$0x19700];
	vm5 =	vgt.f32 v47, v45;
	v27 =	vsel vm4, v11, v27;
	[tilespmem:$0x19400] =	vst v26  }
0x29c: {  	v63 =	vld [tilespmem:$0x300];
	v30 =	vsel vm5, v11, v46;
	[tilespmem:$0x19800] =	vst v27  }
0x29d: {  	vm6 =	vgt.f32 v50, v48;
	v26 =	vld [tilespmem:$0x19680];
	v27 =	vsel vm5, v47, v45;
	[tilespmem:$0x19880] =	vst v30  }
0x29e: {  	v58 =	vsel vm6, v50, v48;
	[tilespmem:$0x19480] =	vst v27;
	v27 =	vld [tilespmem:$0x280]  }
0x29f: {  	v61 =	vld [tilespmem:$0x19B00];
	vm7 =	vgt.f32 v53, v51;
	v60 =	vsel vm6, v11, v49;
	[tilespmem:$0x19500] =	vst v58  }
0x2a0: {  	v57 =	vld [tilespmem:$0x19A80];
	v62 =	vsel vm7, v53, v51;
	[tilespmem:$0x19900] =	vst v60  }
0x2a1: {  	v40 =	vld [tilespmem:$0x19780];
	vm8 =	vgt.f32 v56, v54;
	v37 =	vsel vm7, v11, v52;
	[tilespmem:$0x19580] =	vst v62  }
0x2a2: {  	v41 =	vld [tilespmem:$0x380];
	v28 =	vsel vm8, v56, v54;
	[tilespmem:$0x19980] =	vst v37  }
0x2a3: {  	vm10 =	vgt.f32 v63, v59;
	v42 =	vsel vm8, v11, v55;
	[tilespmem:$0x19600] =	vst v28;
	vm9 =	vgt.f32 v27, v26  }
0x2a4: {  	v44 =	vsel vm10, v11, v61;
	[tilespmem:$0x19A00] =	vst v42;
	v26 =	vsel vm9, v27, v26;
	v27 =	vld [tilespmem:$0x19B80]  }
0x2a5: {  	[tilespmem:$0x19B00] =	vst v44  }
0x2a6: {  	v43 =	vsel vm9, v11, v57;
	[tilespmem:$0x19680] =	vst v26  }
0x2a7: {  	vm11 =	vgt.f32 v41, v40;
	[tilespmem:$0x19A80] =	vst v43;
	v26 =	vsel vm10, v63, v59  }
0x2a8: {  	[tilespmem:$0x19700] =	vst v26;
	v26 =	vsel vm11, v41, v40  }
0x2a9: {  	[tilespmem:$0x19780] =	vst v26;
	v27 =	vsel vm11, v11, v27  }
0x2aa: {  	s16 =	rddreg [dreg:$0x10];
	[tilespmem:$0x19B80] =	vst v27  }
0x2ab: {  	[tilespmem:s31], [sflag:$0x1] =	stream.linear.gather [hbm4b:s16+s31], $0xC000, $0x38;
	[tilespmem:$0x1AD00] =	vst v63  }
0x2ac: {  	_ =	swait.ge [sflag:s9], $0xC000  }
0x2ad: {  	[sflag:s9] =	ssyncset.done $0x0  }
0x2ae: {  	[sflag:s9] =	ssyncadd.s32 $0xFFFF4000  }
0x2af: {  	v26 =	vld [tilespmem:$0x19400]  }
0x2b0: {  	v27 =	vld [tilespmem:$0x19800]  }
0x2b1: {  	v45 =	vld [tilespmem:$0xC000]  }
0x2b2: {  	v46 =	vld [tilespmem:$0x19480]  }
0x2b3: {  	v47 =	vld [tilespmem:$0x19880]  }
0x2b4: {  	v48 =	vld [tilespmem:$0xC080]  }
0x2b5: {  	v49 =	vld [tilespmem:$0x19500]  }
0x2b6: {  	v50 =	vld [tilespmem:$0x19900]  }
0x2b7: {  	v51 =	vld [tilespmem:$0xC100]  }
0x2b8: {  	v52 =	vld [tilespmem:$0x19580]  }
0x2b9: {  	v53 =	vld [tilespmem:$0x19980]  }
0x2ba: {  	v54 =	vld [tilespmem:$0xC180]  }
0x2bb: {  	v55 =	vld [tilespmem:$0x19600]  }
0x2bc: {  	v56 =	vld [tilespmem:$0x19A00];
	vm12 =	vgt.f32 v45, v26  }
0x2bd: {  	v57 =	vld [tilespmem:$0xC200];
	v26 =	vsel vm12, v45, v26  }
0x2be: {  	v60 =	vld [tilespmem:$0x19700];
	vm13 =	vgt.f32 v48, v46;
	v27 =	vsel vm12, v12, v27;
	[tilespmem:$0x19400] =	vst v26  }
0x2bf: {  	v37 =	vld [tilespmem:$0xC300];
	v30 =	vsel vm13, v12, v47;
	[tilespmem:$0x19800] =	vst v27  }
0x2c0: {  	vm14 =	vgt.f32 v51, v49;
	v26 =	vld [tilespmem:$0x19680];
	v27 =	vsel vm13, v48, v46;
	[tilespmem:$0x19880] =	vst v30  }
0x2c1: {  	v59 =	vsel vm14, v51, v49;
	[tilespmem:$0x19480] =	vst v27;
	v27 =	vld [tilespmem:$0xC280]  }
0x2c2: {  	v62 =	vld [tilespmem:$0x19B00];
	vm15 =	vgt.f32 v54, v52;
	v61 =	vsel vm14, v12, v50;
	[tilespmem:$0x19500] =	vst v59  }
0x2c3: {  	v58 =	vld [tilespmem:$0x19A80];
	v63 =	vsel vm15, v54, v52;
	[tilespmem:$0x19900] =	vst v61  }
0x2c4: {  	v41 =	vld [tilespmem:$0x19780];
	vm4 =	vgt.f32 v57, v55;
	v40 =	vsel vm15, v12, v53;
	[tilespmem:$0x19580] =	vst v63  }
0x2c5: {  	v42 =	vld [tilespmem:$0xC380];
	v28 =	vsel vm4, v57, v55;
	[tilespmem:$0x19980] =	vst v40  }
0x2c6: {  	vm6 =	vgt.f32 v37, v60;
	v43 =	vsel vm4, v12, v56;
	[tilespmem:$0x19600] =	vst v28;
	vm5 =	vgt.f32 v27, v26  }
0x2c7: {  	v45 =	vsel vm6, v12, v62;
	[tilespmem:$0x19A00] =	vst v43;
	v26 =	vsel vm5, v27, v26;
	v27 =	vld [tilespmem:$0x19B80]  }
0x2c8: {  	[tilespmem:$0x19B00] =	vst v45  }
0x2c9: {  	v44 =	vsel vm5, v12, v58;
	[tilespmem:$0x19680] =	vst v26  }
0x2ca: {  	vm7 =	vgt.f32 v42, v41;
	[tilespmem:$0x19A80] =	vst v44;
	v26 =	vsel vm6, v37, v60  }
0x2cb: {  	[tilespmem:$0x19700] =	vst v26;
	v26 =	vsel vm7, v42, v41  }
0x2cc: {  	[tilespmem:$0x19780] =	vst v26;
	v27 =	vsel vm7, v12, v27  }
0x2cd: {  	s17 =	rddreg [dreg:$0x11];
	[tilespmem:$0x19B80] =	vst v27  }
0x2ce: {  	[tilespmem:s8], [sflag:$0x2] =	stream.linear.gather [hbm4b:s17+s31], $0xC000, $0x38;
	[tilespmem:$0x1AD00] =	vst v63  }
0x2cf: {  	_ =	swait.ge [sflag:s7], $0xC000  }
0x2d0: {  	[sflag:s7] =	ssyncset.done $0x0  }
0x2d1: {  	[sflag:s7] =	ssyncadd.s32 $0xFFFF4000  }
0x2d2: {  	v26 =	vld [tilespmem:$0x19400]  }
0x2d3: {  	v27 =	vld [tilespmem:$0x19800]  }
0x2d4: {  	v46 =	vld [tilespmem:$0x0]  }
0x2d5: {  	v47 =	vld [tilespmem:$0x19480]  }
0x2d6: {  	v48 =	vld [tilespmem:$0x19880]  }
0x2d7: {  	v49 =	vld [tilespmem:$0x80]  }
0x2d8: {  	v50 =	vld [tilespmem:$0x19500]  }
0x2d9: {  	v51 =	vld [tilespmem:$0x19900]  }
0x2da: {  	v52 =	vld [tilespmem:$0x100]  }
0x2db: {  	v53 =	vld [tilespmem:$0x19580]  }
0x2dc: {  	v54 =	vld [tilespmem:$0x19980]  }
0x2dd: {  	v55 =	vld [tilespmem:$0x180]  }
0x2de: {  	v56 =	vld [tilespmem:$0x19600]  }
0x2df: {  	v57 =	vld [tilespmem:$0x19A00];
	vm8 =	vgt.f32 v46, v26  }
0x2e0: {  	v58 =	vld [tilespmem:$0x200];
	v26 =	vsel vm8, v46, v26  }
0x2e1: {  	v61 =	vld [tilespmem:$0x19700];
	vm9 =	vgt.f32 v49, v47;
	v27 =	vsel vm8, v13, v27;
	[tilespmem:$0x19400] =	vst v26  }
0x2e2: {  	v41 =	vld [tilespmem:$0x300];
	v30 =	vsel vm9, v13, v48;
	[tilespmem:$0x19800] =	vst v27  }
0x2e3: {  	vm10 =	vgt.f32 v52, v50;
	v26 =	vld [tilespmem:$0x19680];
	v27 =	vsel vm9, v49, v47;
	[tilespmem:$0x19880] =	vst v30  }
0x2e4: {  	v60 =	vsel vm10, v52, v50;
	[tilespmem:$0x19480] =	vst v27;
	v27 =	vld [tilespmem:$0x280]  }
0x2e5: {  	v63 =	vld [tilespmem:$0x19B00];
	vm11 =	vgt.f32 v55, v53;
	v62 =	vsel vm10, v13, v51;
	[tilespmem:$0x19500] =	vst v60  }
0x2e6: {  	v59 =	vld [tilespmem:$0x19A80];
	v40 =	vsel vm11, v55, v53;
	[tilespmem:$0x19900] =	vst v62  }
0x2e7: {  	v43 =	vld [tilespmem:$0x19780];
	vm12 =	vgt.f32 v58, v56;
	v42 =	vsel vm11, v13, v54;
	[tilespmem:$0x19580] =	vst v40  }
0x2e8: {  	v44 =	vld [tilespmem:$0x380];
	v28 =	vsel vm12, v58, v56;
	[tilespmem:$0x19980] =	vst v42  }
0x2e9: {  	vm14 =	vgt.f32 v41, v61;
	v45 =	vsel vm12, v13, v57;
	[tilespmem:$0x19600] =	vst v28;
	vm13 =	vgt.f32 v27, v26  }
0x2ea: {  	[tilespmem:$0x19A00] =	vst v45;
	v47 =	vsel vm14, v13, v63;
	v26 =	vsel vm13, v27, v26;
	v27 =	vld [tilespmem:$0x19B80]  }
0x2eb: {  	[tilespmem:$0x19B00] =	vst v47  }
0x2ec: {  	v46 =	vsel vm13, v13, v59;
	[tilespmem:$0x19680] =	vst v26  }
0x2ed: {  	vm15 =	vgt.f32 v44, v43;
	[tilespmem:$0x19A80] =	vst v46;
	v26 =	vsel vm14, v41, v61  }
0x2ee: {  	[tilespmem:$0x19700] =	vst v26;
	v26 =	vsel vm15, v44, v43  }
0x2ef: {  	[tilespmem:$0x19780] =	vst v26;
	v27 =	vsel vm15, v13, v27  }
0x2f0: {  	s18 =	rddreg [dreg:$0x12];
	[tilespmem:$0x19B80] =	vst v27  }
0x2f1: {  	[tilespmem:s31], [sflag:$0x1] =	stream.linear.gather [hbm4b:s18+s31], $0xC000, $0x38;
	[tilespmem:$0x1AD00] =	vst v63  }
0x2f2: {  	_ =	swait.ge [sflag:s9], $0xC000  }
0x2f3: {  	[sflag:s9] =	ssyncset.done $0x0  }
0x2f4: {  	[sflag:s9] =	ssyncadd.s32 $0xFFFF4000  }
0x2f5: {  	v26 =	vld [tilespmem:$0x19400]  }
0x2f6: {  	v27 =	vld [tilespmem:$0x19800]  }
0x2f7: {  	v48 =	vld [tilespmem:$0xC000]  }
0x2f8: {  	v49 =	vld [tilespmem:$0x19480]  }
0x2f9: {  	v50 =	vld [tilespmem:$0x19880]  }
0x2fa: {  	v51 =	vld [tilespmem:$0xC080]  }
0x2fb: {  	v52 =	vld [tilespmem:$0x19500]  }
0x2fc: {  	v53 =	vld [tilespmem:$0x19900]  }
0x2fd: {  	v54 =	vld [tilespmem:$0xC100]  }
0x2fe: {  	v55 =	vld [tilespmem:$0x19580]  }
0x2ff: {  	v56 =	vld [tilespmem:$0x19980]  }
0x300: {  	v57 =	vld [tilespmem:$0xC180]  }
0x301: {  	v58 =	vld [tilespmem:$0x19600]  }
0x302: {  	v59 =	vld [tilespmem:$0x19A00];
	vm4 =	vgt.f32 v48, v26  }
0x303: {  	v60 =	vld [tilespmem:$0xC200];
	v26 =	vsel vm4, v48, v26  }
0x304: {  	v63 =	vld [tilespmem:$0x19700];
	vm5 =	vgt.f32 v51, v49;
	v27 =	vsel vm4, v14, v27;
	[tilespmem:$0x19400] =	vst v26  }
0x305: {  	v43 =	vld [tilespmem:$0xC300];
	v30 =	vsel vm5, v14, v50;
	[tilespmem:$0x19800] =	vst v27  }
0x306: {  	vm6 =	vgt.f32 v54, v52;
	v26 =	vld [tilespmem:$0x19680];
	v27 =	vsel vm5, v51, v49;
	[tilespmem:$0x19880] =	vst v30  }
0x307: {  	v62 =	vsel vm6, v54, v52;
	[tilespmem:$0x19480] =	vst v27;
	v27 =	vld [tilespmem:$0xC280]  }
0x308: {  	v41 =	vld [tilespmem:$0x19B00];
	vm7 =	vgt.f32 v57, v55;
	v40 =	vsel vm6, v14, v53;
	[tilespmem:$0x19500] =	vst v62  }
0x309: {  	v61 =	vld [tilespmem:$0x19A80];
	v42 =	vsel vm7, v57, v55;
	[tilespmem:$0x19900] =	vst v40  }
0x30a: {  	v45 =	vld [tilespmem:$0x19780];
	vm8 =	vgt.f32 v60, v58;
	v44 =	vsel vm7, v14, v56;
	[tilespmem:$0x19580] =	vst v42  }
0x30b: {  	v46 =	vld [tilespmem:$0xC380];
	v28 =	vsel vm8, v60, v58;
	[tilespmem:$0x19980] =	vst v44  }
0x30c: {  	vm10 =	vgt.f32 v43, v63;
	v47 =	vsel vm8, v14, v59;
	[tilespmem:$0x19600] =	vst v28;
	vm9 =	vgt.f32 v27, v26  }
0x30d: {  	[tilespmem:$0x19A00] =	vst v47;
	v49 =	vsel vm10, v14, v41;
	v26 =	vsel vm9, v27, v26;
	v27 =	vld [tilespmem:$0x19B80]  }
0x30e: {  	[tilespmem:$0x19B00] =	vst v49  }
0x30f: {  	v48 =	vsel vm9, v14, v61;
	[tilespmem:$0x19680] =	vst v26  }
0x310: {  	vm11 =	vgt.f32 v46, v45;
	[tilespmem:$0x19A80] =	vst v48;
	v26 =	vsel vm10, v43, v63  }
0x311: {  	[tilespmem:$0x19700] =	vst v26;
	v26 =	vsel vm11, v46, v45  }
0x312: {  	[tilespmem:$0x19780] =	vst v26;
	v27 =	vsel vm11, v14, v27  }
0x313: {  	s19 =	rddreg [dreg:$0x13];
	[tilespmem:$0x19B80] =	vst v27  }
0x314: {  	[tilespmem:s8], [sflag:$0x2] =	stream.linear.gather [hbm4b:s19+s31], $0xC000, $0x38;
	[tilespmem:$0x1AD00] =	vst v63  }
0x315: {  	_ =	swait.ge [sflag:s7], $0xC000  }
0x316: {  	[sflag:s7] =	ssyncset.done $0x0  }
0x317: {  	[sflag:s7] =	ssyncadd.s32 $0xFFFF4000  }
0x318: {  	v26 =	vld [tilespmem:$0x19400]  }
0x319: {  	v27 =	vld [tilespmem:$0x19800]  }
0x31a: {  	v50 =	vld [tilespmem:$0x0]  }
0x31b: {  	v51 =	vld [tilespmem:$0x19480]  }
0x31c: {  	v52 =	vld [tilespmem:$0x19880]  }
0x31d: {  	v53 =	vld [tilespmem:$0x80]  }
0x31e: {  	v54 =	vld [tilespmem:$0x19500]  }
0x31f: {  	v55 =	vld [tilespmem:$0x19900]  }
0x320: {  	v56 =	vld [tilespmem:$0x100]  }
0x321: {  	v57 =	vld [tilespmem:$0x19580]  }
0x322: {  	v58 =	vld [tilespmem:$0x19980]  }
0x323: {  	v59 =	vld [tilespmem:$0x180]  }
0x324: {  	v60 =	vld [tilespmem:$0x19600]  }
0x325: {  	v61 =	vld [tilespmem:$0x19A00];
	vm12 =	vgt.f32 v50, v26  }
0x326: {  	v62 =	vld [tilespmem:$0x200];
	v26 =	vsel vm12, v50, v26  }
0x327: {  	v41 =	vld [tilespmem:$0x19700];
	vm13 =	vgt.f32 v53, v51;
	v27 =	vsel vm12, v15, v27;
	[tilespmem:$0x19400] =	vst v26  }
0x328: {  	v45 =	vld [tilespmem:$0x300];
	v30 =	vsel vm13, v15, v52;
	[tilespmem:$0x19800] =	vst v27  }
0x329: {  	vm14 =	vgt.f32 v56, v54;
	v26 =	vld [tilespmem:$0x19680];
	v27 =	vsel vm13, v53, v51;
	[tilespmem:$0x19880] =	vst v30  }
0x32a: {  	v40 =	vsel vm14, v56, v54;
	[tilespmem:$0x19480] =	vst v27;
	v27 =	vld [tilespmem:$0x280]  }
0x32b: {  	v43 =	vld [tilespmem:$0x19B00];
	vm15 =	vgt.f32 v59, v57;
	v42 =	vsel vm14, v15, v55;
	[tilespmem:$0x19500] =	vst v40  }
0x32c: {  	v63 =	vld [tilespmem:$0x19A80];
	v44 =	vsel vm15, v59, v57;
	[tilespmem:$0x19900] =	vst v42  }
0x32d: {  	v47 =	vld [tilespmem:$0x19780];
	vm4 =	vgt.f32 v62, v60;
	v46 =	vsel vm15, v15, v58;
	[tilespmem:$0x19580] =	vst v44  }
0x32e: {  	v48 =	vld [tilespmem:$0x380];
	v28 =	vsel vm4, v62, v60;
	[tilespmem:$0x19980] =	vst v46  }
0x32f: {  	vm6 =	vgt.f32 v45, v41;
	v49 =	vsel vm4, v15, v61;
	[tilespmem:$0x19600] =	vst v28;
	vm5 =	vgt.f32 v27, v26  }
0x330: {  	[tilespmem:$0x19A00] =	vst v49;
	v51 =	vsel vm6, v15, v43;
	v26 =	vsel vm5, v27, v26;
	v27 =	vld [tilespmem:$0x19B80]  }
0x331: {  	[tilespmem:$0x19B00] =	vst v51  }
0x332: {  	v50 =	vsel vm5, v15, v63;
	[tilespmem:$0x19680] =	vst v26  }
0x333: {  	vm7 =	vgt.f32 v48, v47;
	[tilespmem:$0x19A80] =	vst v50;
	v26 =	vsel vm6, v45, v41  }
0x334: {  	[tilespmem:$0x19700] =	vst v26;
	v26 =	vsel vm7, v48, v47  }
0x335: {  	[tilespmem:$0x19780] =	vst v26;
	v27 =	vsel vm7, v15, v27  }
0x336: {  	s20 =	rddreg [dreg:$0x14];
	[tilespmem:$0x19B80] =	vst v27  }
0x337: {  	[tilespmem:s31], [sflag:$0x1] =	stream.linear.gather [hbm4b:s20+s31], $0xC000, $0x38;
	[tilespmem:$0x1AD00] =	vst v63  }
0x338: {  	_ =	swait.ge [sflag:s9], $0xC000  }
0x339: {  	[sflag:s9] =	ssyncset.done $0x0  }
0x33a: {  	[sflag:s9] =	ssyncadd.s32 $0xFFFF4000  }
0x33b: {  	v26 =	vld [tilespmem:$0x19400]  }
0x33c: {  	v27 =	vld [tilespmem:$0x19800]  }
0x33d: {  	v52 =	vld [tilespmem:$0xC000]  }
0x33e: {  	v53 =	vld [tilespmem:$0x19480]  }
0x33f: {  	v54 =	vld [tilespmem:$0x19880]  }
0x340: {  	v55 =	vld [tilespmem:$0xC080]  }
0x341: {  	v56 =	vld [tilespmem:$0x19500]  }
0x342: {  	v57 =	vld [tilespmem:$0x19900]  }
0x343: {  	v58 =	vld [tilespmem:$0xC100]  }
0x344: {  	v59 =	vld [tilespmem:$0x19580]  }
0x345: {  	v60 =	vld [tilespmem:$0x19980]  }
0x346: {  	v61 =	vld [tilespmem:$0xC180]  }
0x347: {  	v62 =	vld [tilespmem:$0x19600]  }
0x348: {  	v63 =	vld [tilespmem:$0x19A00];
	vm8 =	vgt.f32 v52, v26  }
0x349: {  	v40 =	vld [tilespmem:$0xC200];
	v26 =	vsel vm8, v52, v26  }
0x34a: {  	v43 =	vld [tilespmem:$0x19700];
	vm9 =	vgt.f32 v55, v53;
	v27 =	vsel vm8, v16, v27;
	[tilespmem:$0x19400] =	vst v26  }
0x34b: {  	v47 =	vld [tilespmem:$0xC300];
	v30 =	vsel vm9, v16, v54;
	[tilespmem:$0x19800] =	vst v27  }
0x34c: {  	vm10 =	vgt.f32 v58, v56;
	v26 =	vld [tilespmem:$0x19680];
	v27 =	vsel vm9, v55, v53;
	[tilespmem:$0x19880] =	vst v30  }
0x34d: {  	v42 =	vsel vm10, v58, v56;
	[tilespmem:$0x19480] =	vst v27;
	v27 =	vld [tilespmem:$0xC280]  }
0x34e: {  	v45 =	vld [tilespmem:$0x19B00];
	vm11 =	vgt.f32 v61, v59;
	v44 =	vsel vm10, v16, v57;
	[tilespmem:$0x19500] =	vst v42  }
0x34f: {  	v41 =	vld [tilespmem:$0x19A80];
	v46 =	vsel vm11, v61, v59;
	[tilespmem:$0x19900] =	vst v44  }
0x350: {  	v49 =	vld [tilespmem:$0x19780];
	vm12 =	vgt.f32 v40, v62;
	v48 =	vsel vm11, v16, v60;
	[tilespmem:$0x19580] =	vst v46  }
0x351: {  	v50 =	vld [tilespmem:$0xC380];
	v28 =	vsel vm12, v40, v62;
	[tilespmem:$0x19980] =	vst v48  }
0x352: {  	vm14 =	vgt.f32 v47, v43;
	v51 =	vsel vm12, v16, v63;
	[tilespmem:$0x19600] =	vst v28;
	vm13 =	vgt.f32 v27, v26  }
0x353: {  	[tilespmem:$0x19A00] =	vst v51;
	v53 =	vsel vm14, v16, v45;
	v26 =	vsel vm13, v27, v26;
	v27 =	vld [tilespmem:$0x19B80]  }
0x354: {  	[tilespmem:$0x19B00] =	vst v53  }
0x355: {  	v52 =	vsel vm13, v16, v41;
	[tilespmem:$0x19680] =	vst v26  }
0x356: {  	vm15 =	vgt.f32 v50, v49;
	[tilespmem:$0x19A80] =	vst v52;
	v26 =	vsel vm14, v47, v43  }
0x357: {  	[tilespmem:$0x19700] =	vst v26;
	v26 =	vsel vm15, v50, v49  }
0x358: {  	[tilespmem:$0x19780] =	vst v26;
	v27 =	vsel vm15, v16, v27  }
0x359: {  	s25 =	rddreg [dreg:$0x15];
	[tilespmem:$0x19B80] =	vst v27  }
0x35a: {  	[tilespmem:s8], [sflag:$0x2] =	stream.linear.gather [hbm4b:s25+s31], $0xC000, $0x38;
	[tilespmem:$0x1AD00] =	vst v63  }
0x35b: {  	_ =	swait.ge [sflag:s7], $0xC000  }
0x35c: {  	[sflag:s7] =	ssyncset.done $0x0  }
0x35d: {  	[sflag:s7] =	ssyncadd.s32 $0xFFFF4000  }
0x35e: {  	v26 =	vld [tilespmem:$0x19400]  }
0x35f: {  	v27 =	vld [tilespmem:$0x19800]  }
0x360: {  	v54 =	vld [tilespmem:$0x0]  }
0x361: {  	v55 =	vld [tilespmem:$0x19480]  }
0x362: {  	v56 =	vld [tilespmem:$0x19880]  }
0x363: {  	v57 =	vld [tilespmem:$0x80]  }
0x364: {  	v58 =	vld [tilespmem:$0x19500]  }
0x365: {  	v59 =	vld [tilespmem:$0x19900]  }
0x366: {  	v60 =	vld [tilespmem:$0x100]  }
0x367: {  	v61 =	vld [tilespmem:$0x19580]  }
0x368: {  	v62 =	vld [tilespmem:$0x19980]  }
0x369: {  	v63 =	vld [tilespmem:$0x180]  }
0x36a: {  	v42 =	vld [tilespmem:$0x19600]  }
0x36b: {  	v43 =	vld [tilespmem:$0x19A00];
	vm4 =	vgt.f32 v54, v26  }
0x36c: {  	v44 =	vld [tilespmem:$0x200];
	v26 =	vsel vm4, v54, v26  }
0x36d: {  	v47 =	vld [tilespmem:$0x19700];
	vm5 =	vgt.f32 v57, v55;
	v27 =	vsel vm4, v17, v27;
	[tilespmem:$0x19400] =	vst v26  }
0x36e: {  	v51 =	vld [tilespmem:$0x300];
	v30 =	vsel vm5, v17, v56;
	[tilespmem:$0x19800] =	vst v27  }
0x36f: {  	vm6 =	vgt.f32 v60, v58;
	v26 =	vld [tilespmem:$0x19680];
	v27 =	vsel vm5, v57, v55;
	[tilespmem:$0x19880] =	vst v30  }
0x370: {  	v46 =	vsel vm6, v60, v58;
	[tilespmem:$0x19480] =	vst v27;
	v27 =	vld [tilespmem:$0x280]  }
0x371: {  	v49 =	vld [tilespmem:$0x19B00];
	vm7 =	vgt.f32 v63, v61;
	v48 =	vsel vm6, v17, v59;
	[tilespmem:$0x19500] =	vst v46  }
0x372: {  	v45 =	vld [tilespmem:$0x19A80];
	v50 =	vsel vm7, v63, v61;
	[tilespmem:$0x19900] =	vst v48  }
0x373: {  	v53 =	vld [tilespmem:$0x19780];
	vm8 =	vgt.f32 v44, v42;
	v52 =	vsel vm7, v17, v62;
	[tilespmem:$0x19580] =	vst v50  }
0x374: {  	v28 =	vsel vm8, v44, v42;
	v54 =	vld [tilespmem:$0x380];
	[tilespmem:$0x19980] =	vst v52  }
0x375: {  	vm10 =	vgt.f32 v51, v47;
	v55 =	vsel vm8, v17, v43;
	[tilespmem:$0x19600] =	vst v28;
	vm9 =	vgt.f32 v27, v26  }
0x376: {  	v57 =	vsel vm10, v17, v49;
	[tilespmem:$0x19A00] =	vst v55;
	v26 =	vsel vm9, v27, v26;
	v27 =	vld [tilespmem:$0x19B80]  }
0x377: {  	[tilespmem:$0x19B00] =	vst v57  }
0x378: {  	v56 =	vsel vm9, v17, v45;
	[tilespmem:$0x19680] =	vst v26  }
0x379: {  	vm11 =	vgt.f32 v54, v53;
	[tilespmem:$0x19A80] =	vst v56;
	v26 =	vsel vm10, v51, v47  }
0x37a: {  	[tilespmem:$0x19700] =	vst v26;
	v26 =	vsel vm11, v54, v53  }
0x37b: {  	[tilespmem:$0x19780] =	vst v26;
	v27 =	vsel vm11, v17, v27  }
0x37c: {  	s26 =	rddreg [dreg:$0x16];
	[tilespmem:$0x19B80] =	vst v27  }
0x37d: {  	[tilespmem:s31], [sflag:$0x1] =	stream.linear.gather [hbm4b:s26+s31], $0xC000, $0x38;
	[tilespmem:$0x1AD00] =	vst v63  }
0x37e: {  	_ =	swait.ge [sflag:s9], $0xC000  }
0x37f: {  	[sflag:s9] =	ssyncset.done $0x0  }
0x380: {  	[sflag:s9] =	ssyncadd.s32 $0xFFFF4000  }
0x381: {  	v26 =	vld [tilespmem:$0x19400]  }
0x382: {  	v27 =	vld [tilespmem:$0x19800]  }
0x383: {  	v58 =	vld [tilespmem:$0xC000]  }
0x384: {  	v59 =	vld [tilespmem:$0x19480]  }
0x385: {  	v60 =	vld [tilespmem:$0x19880]  }
0x386: {  	v61 =	vld [tilespmem:$0xC080]  }
0x387: {  	v62 =	vld [tilespmem:$0x19500]  }
0x388: {  	v63 =	vld [tilespmem:$0x19900]  }
0x389: {  	v42 =	vld [tilespmem:$0xC100]  }
0x38a: {  	v43 =	vld [tilespmem:$0x19580]  }
0x38b: {  	v44 =	vld [tilespmem:$0x19980]  }
0x38c: {  	v45 =	vld [tilespmem:$0xC180]  }
0x38d: {  	v46 =	vld [tilespmem:$0x19600]  }
0x38e: {  	v47 =	vld [tilespmem:$0x19A00];
	vm12 =	vgt.f32 v58, v26  }
0x38f: {  	v48 =	vld [tilespmem:$0xC200];
	v26 =	vsel vm12, v58, v26  }
0x390: {  	v51 =	vld [tilespmem:$0x19700];
	vm13 =	vgt.f32 v61, v59;
	v27 =	vsel vm12, v18, v27;
	[tilespmem:$0x19400] =	vst v26  }
0x391: {  	v55 =	vld [tilespmem:$0xC300];
	v30 =	vsel vm13, v18, v60;
	[tilespmem:$0x19800] =	vst v27  }
0x392: {  	vm14 =	vgt.f32 v42, v62;
	v26 =	vld [tilespmem:$0x19680];
	v27 =	vsel vm13, v61, v59;
	[tilespmem:$0x19880] =	vst v30  }
0x393: {  	v50 =	vsel vm14, v42, v62;
	[tilespmem:$0x19480] =	vst v27;
	v27 =	vld [tilespmem:$0xC280]  }
0x394: {  	v53 =	vld [tilespmem:$0x19B00];
	vm15 =	vgt.f32 v45, v43;
	v52 =	vsel vm14, v18, v63;
	[tilespmem:$0x19500] =	vst v50  }
0x395: {  	v49 =	vld [tilespmem:$0x19A80];
	v54 =	vsel vm15, v45, v43;
	[tilespmem:$0x19900] =	vst v52  }
0x396: {  	v57 =	vld [tilespmem:$0x19780];
	vm4 =	vgt.f32 v48, v46;
	v56 =	vsel vm15, v18, v44;
	[tilespmem:$0x19580] =	vst v54  }
0x397: {  	v28 =	vsel vm4, v48, v46;
	v58 =	vld [tilespmem:$0xC380];
	[tilespmem:$0x19980] =	vst v56  }
0x398: {  	vm6 =	vgt.f32 v55, v51;
	v59 =	vsel vm4, v18, v47;
	[tilespmem:$0x19600] =	vst v28;
	vm5 =	vgt.f32 v27, v26  }
0x399: {  	v61 =	vsel vm6, v18, v53;
	[tilespmem:$0x19A00] =	vst v59;
	v26 =	vsel vm5, v27, v26;
	v27 =	vld [tilespmem:$0x19B80]  }
0x39a: {  	[tilespmem:$0x19B00] =	vst v61  }
0x39b: {  	v60 =	vsel vm5, v18, v49;
	[tilespmem:$0x19680] =	vst v26  }
0x39c: {  	vm7 =	vgt.f32 v58, v57;
	[tilespmem:$0x19A80] =	vst v60;
	v26 =	vsel vm6, v55, v51  }
0x39d: {  	[tilespmem:$0x19700] =	vst v26;
	v26 =	vsel vm7, v58, v57  }
0x39e: {  	[tilespmem:$0x19780] =	vst v26;
	v27 =	vsel vm7, v18, v27  }
0x39f: {  	[tilespmem:$0x19B80] =	vst v27  }
0x3a0: {  	_ =	swait.ge [sflag:s7], $0xC000  }
0x3a1: {  	[sflag:s7] =	ssyncset.done $0x0  }
0x3a2: {  	[sflag:s7] =	ssyncadd.s32 $0xFFFF4000  }
0x3a3: {  	v26 =	vld [tilespmem:$0x19400]  }
0x3a4: {  	v27 =	vld [tilespmem:$0x19800]  }
0x3a5: {  	v62 =	vld [tilespmem:$0x0]  }
0x3a6: {  	v63 =	vld [tilespmem:$0x19480]  }
0x3a7: {  	v42 =	vld [tilespmem:$0x19880]  }
0x3a8: {  	v43 =	vld [tilespmem:$0x80]  }
0x3a9: {  	v44 =	vld [tilespmem:$0x19500]  }
0x3aa: {  	v45 =	vld [tilespmem:$0x19900]  }
0x3ab: {  	v46 =	vld [tilespmem:$0x100]  }
0x3ac: {  	v47 =	vld [tilespmem:$0x19580]  }
0x3ad: {  	v48 =	vld [tilespmem:$0x19980]  }
0x3ae: {  	v49 =	vld [tilespmem:$0x180]  }
0x3af: {  	v50 =	vld [tilespmem:$0x19600]  }
0x3b0: {  	v51 =	vld [tilespmem:$0x19A00];
	vm8 =	vgt.f32 v62, v26  }
0x3b1: {  	v52 =	vld [tilespmem:$0x200];
	v26 =	vsel vm8, v62, v26  }
0x3b2: {  	v53 =	vld [tilespmem:$0x19A80];
	vm9 =	vgt.f32 v43, v63;
	v27 =	vsel vm8, v19, v27;
	[tilespmem:$0x19400] =	vst v26  }
0x3b3: {  	v55 =	vld [tilespmem:$0x19700];
	v30 =	vsel vm9, v19, v42;
	[tilespmem:$0x19800] =	vst v27  }
0x3b4: {  	vm10 =	vgt.f32 v46, v44;
	v26 =	vld [tilespmem:$0x19680];
	v27 =	vsel vm9, v43, v63;
	[tilespmem:$0x19880] =	vst v30  }
0x3b5: {  	v54 =	vsel vm10, v46, v44;
	[tilespmem:$0x19480] =	vst v27;
	v27 =	vld [tilespmem:$0x280]  }
0x3b6: {  	v57 =	vld [tilespmem:$0x19B00];
	vm11 =	vgt.f32 v49, v47;
	v56 =	vsel vm10, v19, v45;
	[tilespmem:$0x19500] =	vst v54  }
0x3b7: {  	v59 =	vld [tilespmem:$0x300];
	v58 =	vsel vm11, v49, v47;
	[tilespmem:$0x19900] =	vst v56  }
0x3b8: {  	v61 =	vld [tilespmem:$0x19780];
	vm12 =	vgt.f32 v52, v50;
	v60 =	vsel vm11, v19, v48;
	[tilespmem:$0x19580] =	vst v58  }
0x3b9: {  	v28 =	vsel vm12, v52, v50;
	v62 =	vld [tilespmem:$0x380];
	[tilespmem:$0x19980] =	vst v60  }
0x3ba: {  	[tilespmem:$0x19600] =	vst v28;
	v63 =	vsel vm12, v19, v51;
	vm13 =	vgt.f32 v27, v26  }
0x3bb: {  	[tilespmem:$0x19A00] =	vst v63;
	v26 =	vsel vm13, v27, v26;
	v27 =	vld [tilespmem:$0x19B80]  }
0x3bc: {  	vm14 =	vgt.f32 v59, v55;
	[tilespmem:$0x19680] =	vst v26;
	v26 =	vsel vm13, v19, v53  }
.Ltmp2:
0x3bd: {  	[tilespmem:$0x19A80] =	vst v26;
	v26 =	vsel vm14, v59, v55;
	(pc) =	sbr.rel @p0 .LBB2_6-.Ltmp2, $4  }
0x3be: {  	vm15 =	vgt.f32 v62, v61;
	[tilespmem:$0x19700] =	vst v26;
	v26 =	vsel vm14, v19, v57  }
0x3bf: {  	[tilespmem:$0x19B00] =	vst v26;
	v26 =	vsel vm15, v62, v61  }
0x3c0: {  	v27 =	vsel vm15, v19, v27;
	[tilespmem:$0x19780] =	vst v26  }
0x3c1: {  	[tilespmem:$0x19B80] =	vst v27  }
0x3c2: {  	s16 =	simm.s32 $0x0;
	s1 =	rddreg [dreg:$0x18];
	s17 =	simm.s32 $0x18000  }
0x3c3: {  	[tilespmem:s17], [sflag:$0x3] =	stream.linear.gather [hbm4b:s1+s16], $0x1400, $0x38;
	[tilespmem:$0x1AD00] =	vst v63  }
0x3c4: {  	_ =	swait.ge [sflag:s10], $0x1400  }
0x3c5: {  	[sflag:s10] =	ssyncset.done $0x0  }
0x3c6: {  	s17 =	simm.s32 $0x0;
	[sflag:s10] =	ssyncadd.s32 $0xFFFFEC00  }
.LBB2_3:
0x3c7: {  	s18 =	sshll.u32 s17, $0x7  }
0x3c8: {  	s19 =	sand.u32 $0x3FFFFF80, s18  }
0x3c9: {  	s25 =	sand.u32 $0x1C00, s16;
	s19 =	sadd.s32 $0x18000, s19  }
0x3ca: {  	s26 =	sand.u32 $0x70, s16;
	s25 =	sadd.s32 s25, s19  }
0x3cb: {  	v27 =	vld [tilespmem:s18+$0x19400];
	s25 =	sadd.s32 s26, s25  }
0x3cc: {  	v29 =	vld [tilespmem:s25+$0x0]  }
0x3cd: {  	s1 =	simm.s32 $0x80;
	v30 =	vld [tilespmem:s18+$0x19800]  }
0x3ce: {  	s20 =	simm.s32 $0x10;
	s25 =	sand.u32 $0x1C00, s1  }
0x3cf: {  	s26 =	sand.u32 $0x70, s20;
	s25 =	sadd.s32 s25, s19  }
0x3d0: {  	s26 =	sadd.s32 s26, s25  }
0x3d1: {  	v26 =	vor.u32 $0xF4000, v0;
	v28 =	vld [tilespmem:s26+$0x0];
	vm0 =	vgt.f32 v29, v27  }
0x3d2: {  	s25 =	simm.s32 $0x20;
	s26 =	simm.s32 $0x100;
	v29 =	vsel vm0, v29, v27;
	v27 =	vsel vm0, v26, v30  }
.LBB2_4:
0x3d3: {  	s20 =	sand.u32 $0x1C00, s26  }
0x3d4: {  	p1 =	sne.s32 s25, $0x230;
	s1 =	smov.u32 s25;
	s25 =	sadd.s32 $0x10, s25  }
.Ltmp3:
0x3d5: {  	s1 =	sand.u32 $0x70, s1;
	s20 =	sadd.s32 s20, s19;
	(pc) =	sbr.rel @p1 .LBB2_4-.Ltmp3, $3  }
0x3d6: {  	v26 =	vadd.s32 $0x10, v26;
	s1 =	sadd.s32 s1, s20;
	vm0 =	vgt.f32 v28, v29  }
0x3d7: {  	v29 =	vsel vm0, v28, v29;
	v28 =	vld [tilespmem:s1+$0x0];
	v27 =	vsel vm0, v26, v27;
	_ =	sdelay $0x1  }
0x3d8: {  	s26 =	sadd.s32 $0x80, s26  }
0x3d9: {  	s17 =	sadd.s32 $0x1, s17  }
0x3da: {  	p1 =	sne.s32 s17, $0x8  }
.Ltmp4:
0x3db: {  	_ = 	snop;
	(pc) =	sbr.rel @p1 .LBB2_3-.Ltmp4, $4  }
.Ltmp5:
0x3dc: {  	vm0 =	vgt.f32 v28, v29;
	(pc) =	sbr.rel @!p1 .LBB2_6-.Ltmp5, $4  }
0x3dd: {  	v26 =	vadd.s32 $0x10, v26;
	v28 =	vsel vm0, v28, v29  }
0x3de: {  	v26 =	vsel vm0, v26, v27;
	[tilespmem:s18+$0x19400] =	vst v28  }
0x3df: {  	[tilespmem:s18+$0x19800] =	vst v26  }
0x3e0: {  	_ = 	snop  }
.LBB2_7:
0x3e1: {  	_ =	sfence.sel $0x180000  }
0x3e2: {  	[bflag:$0x0] =	sbarrier.arrive $0xFFFF  }
0x3e3: {  	_ =	strace $0x90000047  }
0x3e4: {  	s0 =	stileid.u32;
	[bflag:$0x2] =	sbarrier.arrive $0xFFFF  }
0x3e5: {  	p0 =	sne.s32 s0, $0x0;
	s0 =	rddreg [dreg:$0x4]  }
0x3e6: {  	s0 =	sadd.s32 @!p0 $0x100000, s0  }
0x3e7: {  	[sflag:s0] =	ssyncadd.tile.s32 @!p0 $0x1;
	_ =	shalt  }
.Lfunc_end2:
_tile_overlayer_lowered:
.L_overlay_start_2:
0x3e8: {  	(tag) =	ssettag $0x2  }
0x3e9: {  	s0 =	rddreg [dreg:$0x0];
	s2 =	stileid.u32  }
0x3ea: {  	s1 =	rddreg [dreg:$0x1];
	p0 =	sne.s32 s2, $0x0  }
0x3eb: {  	s3 =	rddreg [dreg:$0x2];
	[bflag:$0x3] =	sbarrier.arrive $0xFFFF;
	s2 =	simm.s32 @!p0 $0x1C03  }
0x3ec: {  	[timem:s3], [sflag:s2] =	dma.local @!p0 [hbm:s0], s1  }
0x3ed: {  	s0 =	simm.s32 @!p0 $0x3  }
0x3ee: {  	_ =	swait.ge @!p0 [sflag:s0], s1  }
0x3ef: {  	s1 =	ssub.s32 @!p0 $0x0, s1;
	[sflag:s0] =	ssyncset.done @!p0 $0x0  }
0x3f0: {  	[sflag:s0] =	ssyncadd.s32 @!p0 s1  }
0x3f1: {  	[bflag:$0x3] =	sbarrier.arrive $0xFFFF  }
0x3f2: {  	_ =	shalt  }

</sc_bundles>
